<compile_context>
chip_gen: v7x
topology: tpu7x:2x2x1
jax: 0.10.2.dev20260603
libtpu: 0.0.44.dev20260713+nightly
codegen_flags: <defaults>
</compile_context>

<pallas_src>
import functools

import jax
import jax.numpy as jnp
from jax import lax
from jax.experimental import pallas as pl
from jax.experimental.pallas import tpu as pltpu
from jax.experimental.pallas import tpu_sc as plsc

TOTAL = 32768
NSEG = 16
L = 16
NC = 2
NS = 16
NW = NC * NS
TOK_W = TOTAL // NW
NV = TOK_W // L


def _body(fidx_hbm, sidx_hbm, seg_hbm, ftab_hbm, stab_hbm, part_hbm,
          fidx_v, sidx_v, seg_v, fval_v, sval_v,
          acc_a, acc_w, pad_v, sem, *gsems):
    cid = lax.axis_index("c")
    sid = lax.axis_index("s")
    wid = cid * NS + sid
    base = pl.multiple_of(wid * TOK_W, TOK_W)

    cp1 = pltpu.async_copy(fidx_hbm.at[pl.ds(base, TOK_W)], fidx_v, sem)
    cp2 = pltpu.async_copy(sidx_hbm.at[pl.ds(base, TOK_W)], sidx_v, sem)
    cp3 = pltpu.async_copy(seg_hbm.at[pl.ds(base, TOK_W)], seg_v, sem)

    NSPL = 4
    H = TOK_W // NSPL
    parts = [pl.ds(q * H, H) for q in range(NSPL)]
    cp1.wait()
    gfs = [pltpu.async_copy(ftab_hbm.at[fidx_v.at[p]], fval_v.at[p], gsems[2 * q])
           for q, p in enumerate(parts)]
    cp2.wait()
    gss = [pltpu.async_copy(stab_hbm.at[sidx_v.at[p]], sval_v.at[p], gsems[2 * q + 1])
           for q, p in enumerate(parts)]

    acc_a[...] = jnp.zeros((L,), jnp.float32)
    acc_w[...] = jnp.zeros((L,), jnp.float32)
    cp3.wait()
    lane = lax.iota(jnp.int32, L)
    per_q = NV // NSPL
    for c in range(NV):
        if c % per_q == 0:
            q = c // per_q
            gfs[q].wait()
            gss[q].wait()
        sl = pl.ds(c * L, L)
        attn = jnp.exp(fval_v[sl])
        w = attn * sval_v[sl]
        seg = seg_v[sl]
        seg0 = seg[0]
        uniform = seg0 == seg[L - 1]

        @pl.when(uniform)
        def _():
            sa = jnp.sum(attn)
            sw = jnp.sum(w)
            hot = lane == seg0
            acc_a[...] = acc_a[...] + jnp.where(hot, sa, jnp.float32(0))
            acc_w[...] = acc_w[...] + jnp.where(hot, sw, jnp.float32(0))

        @pl.when(jnp.logical_not(uniform))
        def _():
            plsc.addupdate_scatter(acc_a, [seg], attn)
            plsc.addupdate_scatter(acc_w, [seg], w)

    pad_v[pl.ds(0, L)] = acc_a[...]
    pad_v[pl.ds(L, L)] = acc_w[...]
    pltpu.sync_copy(pad_v, part_hbm.at[wid])


@functools.lru_cache(maxsize=1)
def _make_fragnet():
    return functools.partial(
        pl.kernel,
        mesh=plsc.VectorSubcoreMesh(core_axis_name="c", subcore_axis_name="s",
                                    num_cores=NC),
        out_type=jax.ShapeDtypeStruct((NW, 128), jnp.float32),
        compiler_params=pltpu.CompilerParams(
            needs_layout_passes=False,
            skip_device_barrier=True,
            disable_bounds_checks=True,
            disable_semaphore_checks=True,
        ),
        scratch_types=[
            pltpu.VMEM((TOK_W,), jnp.int32),
            pltpu.VMEM((TOK_W,), jnp.int32),
            pltpu.VMEM((TOK_W,), jnp.int32),
            pltpu.VMEM((TOK_W,), jnp.float32),
            pltpu.VMEM((TOK_W,), jnp.float32),
            pltpu.VMEM((L,), jnp.float32),
            pltpu.VMEM((L,), jnp.float32),
            pltpu.VMEM((128,), jnp.float32),
        ] + [pltpu.SemaphoreType.DMA] * 9,
    )(_body)


def _combine_body(part_ref, bias_ref, out_ref):
    pa = jnp.sum(part_ref[:, :L], axis=0)
    pw = jnp.sum(part_ref[:, L:2 * L], axis=0)
    out_ref[...] = pw / (pa + jnp.float32(0.001)) + bias_ref[0]


def _combine(partials, bias):
    return pl.pallas_call(
        _combine_body,
        out_shape=jax.ShapeDtypeStruct((NSEG,), jnp.float32),
    )(partials, bias)


def kernel(vectors, segment_ids, frag_table, site_table, bias):
    fidx = vectors[:, 1]
    sidx = vectors[:, 0]
    ftab = jnp.reshape(frag_table, (-1,))
    stab = jnp.reshape(site_table, (-1,))
    partials = _make_fragnet()(fidx, sidx, segment_ids, ftab, stab)
    return _combine(partials, bias)

# --- scband reference (transcript-rebuilt; emitter-appended) ---
"""Pipeline reference for scband-fragment-network-13194139533478 (READ-ONLY COPY).

The authoritative reference and input builder live on the scoring server;
editing this copy changes nothing except your own understanding.
"""

import jax, jax.numpy as jnp
import numpy as np

FRAG_VOCAB = 100000
SITE_VOCAB = 100000
TOTAL_TOK = 32768
BATCH = 16


def setup_inputs(seed: int = 0) -> dict:
    key = jax.random.key(seed)
    k1, k2, k3, k4, k5 = jax.random.split(key, 5)
    vectors = jax.random.randint(k1, (TOTAL_TOK, 2), 0, min(FRAG_VOCAB, SITE_VOCAB), dtype=jnp.int64 if jax.config.jax_enable_x64 else jnp.int32).astype(jnp.int32)
    segment_ids = jnp.sort(jax.random.randint(k2, (TOTAL_TOK,), 0, BATCH, dtype=jnp.int32))
    frag_table = jax.random.normal(k3, (FRAG_VOCAB, 1), dtype=jnp.float32) * 0.05
    site_table = jax.random.normal(k4, (SITE_VOCAB, 1), dtype=jnp.float32) * 0.05
    bias = jnp.zeros((1,), dtype=jnp.float32)
    return {"vectors": vectors, "segment_ids": segment_ids, "frag_table": frag_table, "site_table": site_table, "bias": bias}


def reference(vectors, segment_ids, frag_table, site_table, bias):
    # Ragged tensor represented as flat tokens [total_tok, 2] + segment_ids [total_tok].
    frag_idx = vectors[:, 1]
    site_idx = vectors[:, 0]
    # Embedding lookups (dim=1), squeeze last dim as in [..., 0]
    frag = jnp.take(frag_table, frag_idx, axis=0)[:, 0]
    site = jnp.take(site_table, site_idx, axis=0)[:, 0]
    attn = jnp.exp(frag)
    # dropout is identity at inference
    sum_attn = jax.ops.segment_sum(attn, segment_ids, num_segments=BATCH) + 0.001
    sum_logit_attnw = jax.ops.segment_sum(attn * site, segment_ids, num_segments=BATCH)
    return sum_logit_attnw / sum_attn + bias

if __name__ == "__main__":
    import jax
    _d = setup_inputs()
    print(jax.jit(kernel)(*tuple(_d.values())))

</pallas_src>

<mosaic_0001>
#map = affine_map<(d0, d1) -> (0)>
#map1 = affine_map<(d0, d1) -> (0, 0)>
module attributes {stable_mosaic.version = 14 : i64} {
  func.func @_body(%arg0: i32, %arg1: i32, %arg2: memref<32768xi32, #tpu.memory_space<hbm>>, %arg3: memref<32768xi32, #tpu.memory_space<hbm>>, %arg4: memref<32768xi32, #tpu.memory_space<hbm>>, %arg5: memref<100000xf32, #tpu.memory_space<hbm>>, %arg6: memref<100000xf32, #tpu.memory_space<hbm>>, %arg7: memref<32x128xf32, #tpu.memory_space<hbm>>, %arg8: memref<1024xi32, #tpu.memory_space<vmem>>, %arg9: memref<1024xi32, #tpu.memory_space<vmem>>, %arg10: memref<1024xi32, #tpu.memory_space<vmem>>, %arg11: memref<1024xf32, #tpu.memory_space<vmem>>, %arg12: memref<1024xf32, #tpu.memory_space<vmem>>, %arg13: memref<16xf32, #tpu.memory_space<vmem>>, %arg14: memref<16xf32, #tpu.memory_space<vmem>>, %arg15: memref<128xf32, #tpu.memory_space<vmem>>, %arg16: memref<!tpu.dma_semaphore, #tpu.memory_space<semaphore_mem>>, %arg17: memref<!tpu.dma_semaphore, #tpu.memory_space<semaphore_mem>>, %arg18: memref<!tpu.dma_semaphore, #tpu.memory_space<semaphore_mem>>, %arg19: memref<!tpu.dma_semaphore, #tpu.memory_space<semaphore_mem>>, %arg20: memref<!tpu.dma_semaphore, #tpu.memory_space<semaphore_mem>>, %arg21: memref<!tpu.dma_semaphore, #tpu.memory_space<semaphore_mem>>, %arg22: memref<!tpu.dma_semaphore, #tpu.memory_space<semaphore_mem>>, %arg23: memref<!tpu.dma_semaphore, #tpu.memory_space<semaphore_mem>>, %arg24: memref<!tpu.dma_semaphore, #tpu.memory_space<semaphore_mem>>) attributes {dimension_semantics = [#tpu.dimension_semantics<core_parallel>, #tpu.dimension_semantics<subcore_parallel>], iteration_bounds = array<i64: 2, 16>, scalar_prefetch = 0 : i64, scratch_operands = 17 : i64, tpu.core_type = #tpu.core_type<sc_vector_subcore>, window_params = [{transform_indices = #map}, {transform_indices = #map}, {transform_indices = #map}, {transform_indices = #map}, {transform_indices = #map}, {transform_indices = #map1}]} {
    %mul3A = arith.constant 16 : i32
    %mul3A_0 = arith.muli %arg0, %mul3A : i32
    %add3A = arith.addi %mul3A_0, %arg1 : i32
    %mul3A_1 = arith.constant 1024 : i32
    %mul3A_2 = arith.muli %add3A, %mul3A_1 : i32
    %multiple_of3A = tpu.assume_multiple %mul3A_2, 1024 : i32
    %dma_start3A = tpu.memref_slice %arg2[%multiple_of3A] : memref<32768xi32, #tpu.memory_space<hbm>> -> memref<1024xi32, #tpu.memory_space<hbm>>
    %dma_start3A_3 = tpu.memref_slice %arg2[%multiple_of3A] : memref<32768xi32, #tpu.memory_space<hbm>> -> memref<1024xi32, #tpu.memory_space<hbm>>
    tpu.enqueue_dma source(%dma_start3A_3 : memref<1024xi32, #tpu.memory_space<hbm>>) target(%arg8 : memref<1024xi32, #tpu.memory_space<vmem>>) target_semaphore(%arg16 : memref<!tpu.dma_semaphore, #tpu.memory_space<semaphore_mem>>)
    %dma_start3A_4 = tpu.memref_slice %arg3[%multiple_of3A] : memref<32768xi32, #tpu.memory_space<hbm>> -> memref<1024xi32, #tpu.memory_space<hbm>>
    %dma_start3A_5 = tpu.memref_slice %arg3[%multiple_of3A] : memref<32768xi32, #tpu.memory_space<hbm>> -> memref<1024xi32, #tpu.memory_space<hbm>>
    tpu.enqueue_dma source(%dma_start3A_5 : memref<1024xi32, #tpu.memory_space<hbm>>) target(%arg9 : memref<1024xi32, #tpu.memory_space<vmem>>) target_semaphore(%arg16 : memref<!tpu.dma_semaphore, #tpu.memory_space<semaphore_mem>>)
    %dma_start3A_6 = tpu.memref_slice %arg4[%multiple_of3A] : memref<32768xi32, #tpu.memory_space<hbm>> -> memref<1024xi32, #tpu.memory_space<hbm>>
    %dma_start3A_7 = tpu.memref_slice %arg4[%multiple_of3A] : memref<32768xi32, #tpu.memory_space<hbm>> -> memref<1024xi32, #tpu.memory_space<hbm>>
    tpu.enqueue_dma source(%dma_start3A_7 : memref<1024xi32, #tpu.memory_space<hbm>>) target(%arg10 : memref<1024xi32, #tpu.memory_space<vmem>>) target_semaphore(%arg16 : memref<!tpu.dma_semaphore, #tpu.memory_space<semaphore_mem>>)
    %dma_wait3A = tpu.memref_slice %arg2[%multiple_of3A] : memref<32768xi32, #tpu.memory_space<hbm>> -> memref<1024xi32, #tpu.memory_space<hbm>>
    %dma_wait3A_8 = tpu.memref_slice %arg2[%multiple_of3A] : memref<32768xi32, #tpu.memory_space<hbm>> -> memref<1024xi32, #tpu.memory_space<hbm>>
    tpu.wait_dma2 semaphore(%arg16 : memref<!tpu.dma_semaphore, #tpu.memory_space<semaphore_mem>>) src(%dma_wait3A_8 : memref<1024xi32, #tpu.memory_space<hbm>>) dst(%arg8 : memref<1024xi32, #tpu.memory_space<vmem>>)
    %dma_start3A_9 = arith.constant 0 : i32
    %dma_start3A_10 = tpu.memref_slice %arg11[%dma_start3A_9] : memref<1024xf32, #tpu.memory_space<vmem>> -> memref<256xf32, #tpu.memory_space<vmem>>
    %dma_start3A_11 = arith.constant 0 : i32
    %dma_start3A_12 = tpu.memref_slice %arg8[%dma_start3A_11] : memref<1024xi32, #tpu.memory_space<vmem>> -> memref<256xi32, #tpu.memory_space<vmem>>
    %dma_start3A_13 = arith.constant 0 : i32
    %dma_start3A_14 = tpu.memref_slice %arg5[%dma_start3A_13] : memref<100000xf32, #tpu.memory_space<hbm>> -> memref<100000xf32, #tpu.memory_space<hbm>>
    tpu.enqueue_indirect_dma source(%dma_start3A_14 : memref<100000xf32, #tpu.memory_space<hbm>>) target(%dma_start3A_10 : memref<256xf32, #tpu.memory_space<vmem>>) offsets(%dma_start3A_12 : memref<256xi32, #tpu.memory_space<vmem>>) semaphore(%arg17 : memref<!tpu.dma_semaphore, #tpu.memory_space<semaphore_mem>>)
    %dma_start3A_15 = arith.constant 256 : i32
    %dma_start3A_16 = tpu.memref_slice %arg11[%dma_start3A_15] : memref<1024xf32, #tpu.memory_space<vmem>> -> memref<256xf32, #tpu.memory_space<vmem>>
    %dma_start3A_17 = arith.constant 256 : i32
    %dma_start3A_18 = tpu.memref_slice %arg8[%dma_start3A_17] : memref<1024xi32, #tpu.memory_space<vmem>> -> memref<256xi32, #tpu.memory_space<vmem>>
    %dma_start3A_19 = arith.constant 0 : i32
    %dma_start3A_20 = tpu.memref_slice %arg5[%dma_start3A_19] : memref<100000xf32, #tpu.memory_space<hbm>> -> memref<100000xf32, #tpu.memory_space<hbm>>
    tpu.enqueue_indirect_dma source(%dma_start3A_20 : memref<100000xf32, #tpu.memory_space<hbm>>) target(%dma_start3A_16 : memref<256xf32, #tpu.memory_space<vmem>>) offsets(%dma_start3A_18 : memref<256xi32, #tpu.memory_space<vmem>>) semaphore(%arg19 : memref<!tpu.dma_semaphore, #tpu.memory_space<semaphore_mem>>)
    %dma_start3A_21 = arith.constant 512 : i32
    %dma_start3A_22 = tpu.memref_slice %arg11[%dma_start3A_21] : memref<1024xf32, #tpu.memory_space<vmem>> -> memref<256xf32, #tpu.memory_space<vmem>>
    %dma_start3A_23 = arith.constant 512 : i32
    %dma_start3A_24 = tpu.memref_slice %arg8[%dma_start3A_23] : memref<1024xi32, #tpu.memory_space<vmem>> -> memref<256xi32, #tpu.memory_space<vmem>>
    %dma_start3A_25 = arith.constant 0 : i32
    %dma_start3A_26 = tpu.memref_slice %arg5[%dma_start3A_25] : memref<100000xf32, #tpu.memory_space<hbm>> -> memref<100000xf32, #tpu.memory_space<hbm>>
    tpu.enqueue_indirect_dma source(%dma_start3A_26 : memref<100000xf32, #tpu.memory_space<hbm>>) target(%dma_start3A_22 : memref<256xf32, #tpu.memory_space<vmem>>) offsets(%dma_start3A_24 : memref<256xi32, #tpu.memory_space<vmem>>) semaphore(%arg21 : memref<!tpu.dma_semaphore, #tpu.memory_space<semaphore_mem>>)
    %dma_start3A_27 = arith.constant 768 : i32
    %dma_start3A_28 = tpu.memref_slice %arg11[%dma_start3A_27] : memref<1024xf32, #tpu.memory_space<vmem>> -> memref<256xf32, #tpu.memory_space<vmem>>
    %dma_start3A_29 = arith.constant 768 : i32
    %dma_start3A_30 = tpu.memref_slice %arg8[%dma_start3A_29] : memref<1024xi32, #tpu.memory_space<vmem>> -> memref<256xi32, #tpu.memory_space<vmem>>
    %dma_start3A_31 = arith.constant 0 : i32
    %dma_start3A_32 = tpu.memref_slice %arg5[%dma_start3A_31] : memref<100000xf32, #tpu.memory_space<hbm>> -> memref<100000xf32, #tpu.memory_space<hbm>>
    tpu.enqueue_indirect_dma source(%dma_start3A_32 : memref<100000xf32, #tpu.memory_space<hbm>>) target(%dma_start3A_28 : memref<256xf32, #tpu.memory_space<vmem>>) offsets(%dma_start3A_30 : memref<256xi32, #tpu.memory_space<vmem>>) semaphore(%arg23 : memref<!tpu.dma_semaphore, #tpu.memory_space<semaphore_mem>>)
    %dma_wait3A_33 = tpu.memref_slice %arg3[%multiple_of3A] : memref<32768xi32, #tpu.memory_space<hbm>> -> memref<1024xi32, #tpu.memory_space<hbm>>
    %dma_wait3A_34 = tpu.memref_slice %arg3[%multiple_of3A] : memref<32768xi32, #tpu.memory_space<hbm>> -> memref<1024xi32, #tpu.memory_space<hbm>>
    tpu.wait_dma2 semaphore(%arg16 : memref<!tpu.dma_semaphore, #tpu.memory_space<semaphore_mem>>) src(%dma_wait3A_34 : memref<1024xi32, #tpu.memory_space<hbm>>) dst(%arg9 : memref<1024xi32, #tpu.memory_space<vmem>>)
    %dma_start3A_35 = arith.constant 0 : i32
    %dma_start3A_36 = tpu.memref_slice %arg12[%dma_start3A_35] : memref<1024xf32, #tpu.memory_space<vmem>> -> memref<256xf32, #tpu.memory_space<vmem>>
    %dma_start3A_37 = arith.constant 0 : i32
    %dma_start3A_38 = tpu.memref_slice %arg9[%dma_start3A_37] : memref<1024xi32, #tpu.memory_space<vmem>> -> memref<256xi32, #tpu.memory_space<vmem>>
    %dma_start3A_39 = arith.constant 0 : i32
    %dma_start3A_40 = tpu.memref_slice %arg6[%dma_start3A_39] : memref<100000xf32, #tpu.memory_space<hbm>> -> memref<100000xf32, #tpu.memory_space<hbm>>
    tpu.enqueue_indirect_dma source(%dma_start3A_40 : memref<100000xf32, #tpu.memory_space<hbm>>) target(%dma_start3A_36 : memref<256xf32, #tpu.memory_space<vmem>>) offsets(%dma_start3A_38 : memref<256xi32, #tpu.memory_space<vmem>>) semaphore(%arg18 : memref<!tpu.dma_semaphore, #tpu.memory_space<semaphore_mem>>)
    %dma_start3A_41 = arith.constant 256 : i32
    %dma_start3A_42 = tpu.memref_slice %arg12[%dma_start3A_41] : memref<1024xf32, #tpu.memory_space<vmem>> -> memref<256xf32, #tpu.memory_space<vmem>>
    %dma_start3A_43 = arith.constant 256 : i32
    %dma_start3A_44 = tpu.memref_slice %arg9[%dma_start3A_43] : memref<1024xi32, #tpu.memory_space<vmem>> -> memref<256xi32, #tpu.memory_space<vmem>>
    %dma_start3A_45 = arith.constant 0 : i32
    %dma_start3A_46 = tpu.memref_slice %arg6[%dma_start3A_45] : memref<100000xf32, #tpu.memory_space<hbm>> -> memref<100000xf32, #tpu.memory_space<hbm>>
    tpu.enqueue_indirect_dma source(%dma_start3A_46 : memref<100000xf32, #tpu.memory_space<hbm>>) target(%dma_start3A_42 : memref<256xf32, #tpu.memory_space<vmem>>) offsets(%dma_start3A_44 : memref<256xi32, #tpu.memory_space<vmem>>) semaphore(%arg20 : memref<!tpu.dma_semaphore, #tpu.memory_space<semaphore_mem>>)
    %dma_start3A_47 = arith.constant 512 : i32
    %dma_start3A_48 = tpu.memref_slice %arg12[%dma_start3A_47] : memref<1024xf32, #tpu.memory_space<vmem>> -> memref<256xf32, #tpu.memory_space<vmem>>
    %dma_start3A_49 = arith.constant 512 : i32
    %dma_start3A_50 = tpu.memref_slice %arg9[%dma_start3A_49] : memref<1024xi32, #tpu.memory_space<vmem>> -> memref<256xi32, #tpu.memory_space<vmem>>
    %dma_start3A_51 = arith.constant 0 : i32
    %dma_start3A_52 = tpu.memref_slice %arg6[%dma_start3A_51] : memref<100000xf32, #tpu.memory_space<hbm>> -> memref<100000xf32, #tpu.memory_space<hbm>>
    tpu.enqueue_indirect_dma source(%dma_start3A_52 : memref<100000xf32, #tpu.memory_space<hbm>>) target(%dma_start3A_48 : memref<256xf32, #tpu.memory_space<vmem>>) offsets(%dma_start3A_50 : memref<256xi32, #tpu.memory_space<vmem>>) semaphore(%arg22 : memref<!tpu.dma_semaphore, #tpu.memory_space<semaphore_mem>>)
    %dma_start3A_53 = arith.constant 768 : i32
    %dma_start3A_54 = tpu.memref_slice %arg12[%dma_start3A_53] : memref<1024xf32, #tpu.memory_space<vmem>> -> memref<256xf32, #tpu.memory_space<vmem>>
    %dma_start3A_55 = arith.constant 768 : i32
    %dma_start3A_56 = tpu.memref_slice %arg9[%dma_start3A_55] : memref<1024xi32, #tpu.memory_space<vmem>> -> memref<256xi32, #tpu.memory_space<vmem>>
    %dma_start3A_57 = arith.constant 0 : i32
    %dma_start3A_58 = tpu.memref_slice %arg6[%dma_start3A_57] : memref<100000xf32, #tpu.memory_space<hbm>> -> memref<100000xf32, #tpu.memory_space<hbm>>
    tpu.enqueue_indirect_dma source(%dma_start3A_58 : memref<100000xf32, #tpu.memory_space<hbm>>) target(%dma_start3A_54 : memref<256xf32, #tpu.memory_space<vmem>>) offsets(%dma_start3A_56 : memref<256xi32, #tpu.memory_space<vmem>>) semaphore(%arg24 : memref<!tpu.dma_semaphore, #tpu.memory_space<semaphore_mem>>)
    %broadcast_in_dim3A = arith.constant 0.000000e+00 : f32
    %broadcast_in_dim3A_59 = vector.broadcast %broadcast_in_dim3A : f32 to vector<16xf32>
    %swap3A = arith.constant 0 : index
    %swap3A_60 = tpu.vector_load %arg13[%swap3A] {strides = array<i32>} : memref<16xf32, #tpu.memory_space<vmem>>, vector<16xf32>,
    tpu.vector_store %arg13[%swap3A], %broadcast_in_dim3A_59 {strides = array<i32>} : memref<16xf32, #tpu.memory_space<vmem>>, vector<16xf32>,
    %broadcast_in_dim3A_61 = arith.constant 0.000000e+00 : f32
    %broadcast_in_dim3A_62 = vector.broadcast %broadcast_in_dim3A_61 : f32 to vector<16xf32>
    %swap3A_63 = arith.constant 0 : index
    %swap3A_64 = tpu.vector_load %arg14[%swap3A_63] {strides = array<i32>} : memref<16xf32, #tpu.memory_space<vmem>>, vector<16xf32>,
    tpu.vector_store %arg14[%swap3A_63], %broadcast_in_dim3A_62 {strides = array<i32>} : memref<16xf32, #tpu.memory_space<vmem>>, vector<16xf32>,
    %dma_wait3A_65 = tpu.memref_slice %arg4[%multiple_of3A] : memref<32768xi32, #tpu.memory_space<hbm>> -> memref<1024xi32, #tpu.memory_space<hbm>>
    %dma_wait3A_66 = tpu.memref_slice %arg4[%multiple_of3A] : memref<32768xi32, #tpu.memory_space<hbm>> -> memref<1024xi32, #tpu.memory_space<hbm>>
    tpu.wait_dma2 semaphore(%arg16 : memref<!tpu.dma_semaphore, #tpu.memory_space<semaphore_mem>>) src(%dma_wait3A_66 : memref<1024xi32, #tpu.memory_space<hbm>>) dst(%arg10 : memref<1024xi32, #tpu.memory_space<vmem>>)
    %iota3A = tpu.iota {dimensions = array<i32: 0>} : vector<16xi32>
    %dma_wait3A_67 = arith.constant 0 : i32
    %dma_wait3A_68 = tpu.memref_slice %arg11[%dma_wait3A_67] : memref<1024xf32, #tpu.memory_space<vmem>> -> memref<256xf32, #tpu.memory_space<vmem>>
    %dma_wait3A_69 = arith.constant 0 : i32
    %dma_wait3A_70 = tpu.memref_slice %arg8[%dma_wait3A_69] : memref<1024xi32, #tpu.memory_space<vmem>> -> memref<256xi32, #tpu.memory_space<vmem>>
    %dma_wait3A_71 = arith.constant 0 : i32
    %dma_wait3A_72 = tpu.memref_slice %arg5[%dma_wait3A_71] : memref<100000xf32, #tpu.memory_space<hbm>> -> memref<100000xf32, #tpu.memory_space<hbm>>
    tpu.wait_indirect_dma semaphore(%arg17 : memref<!tpu.dma_semaphore, #tpu.memory_space<semaphore_mem>>) src(%dma_wait3A_72 : memref<100000xf32, #tpu.memory_space<hbm>>) dst(%dma_wait3A_68 : memref<256xf32, #tpu.memory_space<vmem>>)
    %dma_wait3A_73 = arith.constant 0 : i32
    %dma_wait3A_74 = tpu.memref_slice %arg12[%dma_wait3A_73] : memref<1024xf32, #tpu.memory_space<vmem>> -> memref<256xf32, #tpu.memory_space<vmem>>
    %dma_wait3A_75 = arith.constant 0 : i32
    %dma_wait3A_76 = tpu.memref_slice %arg9[%dma_wait3A_75] : memref<1024xi32, #tpu.memory_space<vmem>> -> memref<256xi32, #tpu.memory_space<vmem>>
    %dma_wait3A_77 = arith.constant 0 : i32
    %dma_wait3A_78 = tpu.memref_slice %arg6[%dma_wait3A_77] : memref<100000xf32, #tpu.memory_space<hbm>> -> memref<100000xf32, #tpu.memory_space<hbm>>
    tpu.wait_indirect_dma semaphore(%arg18 : memref<!tpu.dma_semaphore, #tpu.memory_space<semaphore_mem>>) src(%dma_wait3A_78 : memref<100000xf32, #tpu.memory_space<hbm>>) dst(%dma_wait3A_74 : memref<256xf32, #tpu.memory_space<vmem>>)
    %get3A = arith.constant 0 : index
    %get3A_79 = tpu.vector_load %arg11[%get3A] {strides = array<i32>} : memref<1024xf32, #tpu.memory_space<vmem>>, vector<16xf32>,
    %exp3A = math.exp %get3A_79 : vector<16xf32>
    %get3A_80 = arith.constant 0 : index
    %get3A_81 = tpu.vector_load %arg12[%get3A_80] {strides = array<i32>} : memref<1024xf32, #tpu.memory_space<vmem>>, vector<16xf32>,
    %mul3A_82 = arith.mulf %exp3A, %get3A_81 : vector<16xf32>
    %get3A_83 = arith.constant 0 : index
    %get3A_84 = tpu.vector_load %arg10[%get3A_83] {strides = array<i32>} : memref<1024xi32, #tpu.memory_space<vmem>>, vector<16xi32>,
    %slice3A = vector.extract_strided_slice %get3A_84 {offsets = [0], sizes = [1], strides = [1]} : vector<16xi32> to vector<1xi32>
    %squeeze3A = vector.extract %slice3A[0] : i32 from vector<1xi32>
    %slice3A_85 = vector.extract_strided_slice %get3A_84 {offsets = [15], sizes = [1], strides = [1]} : vector<16xi32> to vector<1xi32>
    %squeeze3A_86 = vector.extract %slice3A_85[0] : i32 from vector<1xi32>
    %eq3A = arith.cmpi eq, %squeeze3A, %squeeze3A_86 : i32
    %convert_element_type3A = arith.extui %eq3A : i1 to i32
    %cond3A = arith.constant 0 : i32
    %cond3A_87 = arith.cmpi ne, %convert_element_type3A, %cond3A : i32
    scf.if %cond3A_87 {
      %reduce_sum3A = arith.constant true
      %reduce_sum3A_1459 = vector.broadcast %reduce_sum3A : i1 to vector<16xi1>
      %reduce_sum3A_1460 = tpu.scan <sum>, %exp3A masked %reduce_sum3A_1459 : vector<16xf32>, vector<16xi1> -> vector<16xf32>
      %reduce_sum3A_1461 = vector.extract %reduce_sum3A_1460[15] : f32 from vector<16xf32>
      %reduce_sum3A_1462 = arith.constant true
      %reduce_sum3A_1463 = vector.broadcast %reduce_sum3A_1462 : i1 to vector<16xi1>
      %reduce_sum3A_1464 = tpu.scan <sum>, %mul3A_82 masked %reduce_sum3A_1463 : vector<16xf32>, vector<16xi1> -> vector<16xf32>
      %reduce_sum3A_1465 = vector.extract %reduce_sum3A_1464[15] : f32 from vector<16xf32>
      %eq3A_1466 = vector.broadcast %squeeze3A : i32 to vector<16xi32>
      %eq3A_1467 = arith.cmpi eq, %iota3A, %eq3A_1466 : vector<16xi32>
      %get3A_1468 = arith.constant 0 : index
      %get3A_1469 = tpu.vector_load %arg13[%get3A_1468] {strides = array<i32>} : memref<16xf32, #tpu.memory_space<vmem>>, vector<16xf32>,
      %jit3A = arith.constant 0.000000e+00 : f32
      %broadcast_in_dim3A_1470 = vector.broadcast %reduce_sum3A_1461 : f32 to vector<16xf32>
      %broadcast_in_dim3A_1471 = vector.broadcast %jit3A : f32 to vector<16xf32>
      %select_n3A = arith.select %eq3A_1467, %broadcast_in_dim3A_1470, %broadcast_in_dim3A_1471 : vector<16xi1>, vector<16xf32>
      %add3A_1472 = arith.addf %get3A_1469, %select_n3A : vector<16xf32>
      %swap3A_1473 = arith.constant 0 : index
      %swap3A_1474 = tpu.vector_load %arg13[%swap3A_1473] {strides = array<i32>} : memref<16xf32, #tpu.memory_space<vmem>>, vector<16xf32>,
      tpu.vector_store %arg13[%swap3A_1473], %add3A_1472 {strides = array<i32>} : memref<16xf32, #tpu.memory_space<vmem>>, vector<16xf32>,
      %get3A_1475 = arith.constant 0 : index
      %get3A_1476 = tpu.vector_load %arg14[%get3A_1475] {strides = array<i32>} : memref<16xf32, #tpu.memory_space<vmem>>, vector<16xf32>,
      %jit3A_1477 = arith.constant 0.000000e+00 : f32
      %broadcast_in_dim3A_1478 = vector.broadcast %reduce_sum3A_1465 : f32 to vector<16xf32>
      %broadcast_in_dim3A_1479 = vector.broadcast %jit3A_1477 : f32 to vector<16xf32>
      %select_n3A_1480 = arith.select %eq3A_1467, %broadcast_in_dim3A_1478, %broadcast_in_dim3A_1479 : vector<16xi1>, vector<16xf32>
      %add3A_1481 = arith.addf %get3A_1476, %select_n3A_1480 : vector<16xf32>
      %swap3A_1482 = arith.constant 0 : index
      %swap3A_1483 = tpu.vector_load %arg14[%swap3A_1482] {strides = array<i32>} : memref<16xf32, #tpu.memory_space<vmem>>, vector<16xf32>,
      tpu.vector_store %arg14[%swap3A_1482], %add3A_1481 {strides = array<i32>} : memref<16xf32, #tpu.memory_space<vmem>>, vector<16xf32>,
    } else {
    }
    %not3A = arith.constant true
    %not3A_88 = arith.xori %eq3A, %not3A : i1
    %convert_element_type3A_89 = arith.extui %not3A_88 : i1 to i32
    %cond3A_90 = arith.constant 0 : i32
    %cond3A_91 = arith.cmpi ne, %convert_element_type3A_89, %cond3A_90 : i32
    scf.if %cond3A_91 {
      tpu.vector_store_idx %arg13[%get3A_84], %exp3A {add = true} : memref<16xf32, #tpu.memory_space<vmem>>[vector<16xi32>], vector<16xf32>,
      tpu.vector_store_idx %arg14[%get3A_84], %mul3A_82 {add = true} : memref<16xf32, #tpu.memory_space<vmem>>[vector<16xi32>], vector<16xf32>,
    } else {
    }
    %get3A_92 = arith.constant 16 : index
    %get3A_93 = tpu.vector_load %arg11[%get3A_92] {strides = array<i32>} : memref<1024xf32, #tpu.memory_space<vmem>>, vector<16xf32>,
    %exp3A_94 = math.exp %get3A_93 : vector<16xf32>
    %get3A_95 = arith.constant 16 : index
    %get3A_96 = tpu.vector_load %arg12[%get3A_95] {strides = array<i32>} : memref<1024xf32, #tpu.memory_space<vmem>>, vector<16xf32>,
    %mul3A_97 = arith.mulf %exp3A_94, %get3A_96 : vector<16xf32>
    %get3A_98 = arith.constant 16 : index
    %get3A_99 = tpu.vector_load %arg10[%get3A_98] {strides = array<i32>} : memref<1024xi32, #tpu.memory_space<vmem>>, vector<16xi32>,
    %slice3A_100 = vector.extract_strided_slice %get3A_99 {offsets = [0], sizes = [1], strides = [1]} : vector<16xi32> to vector<1xi32>
    %squeeze3A_101 = vector.extract %slice3A_100[0] : i32 from vector<1xi32>
    %slice3A_102 = vector.extract_strided_slice %get3A_99 {offsets = [15], sizes = [1], strides = [1]} : vector<16xi32> to vector<1xi32>
    %squeeze3A_103 = vector.extract %slice3A_102[0] : i32 from vector<1xi32>
    %eq3A_104 = arith.cmpi eq, %squeeze3A_101, %squeeze3A_103 : i32
    %convert_element_type3A_105 = arith.extui %eq3A_104 : i1 to i32
    %cond3A_106 = arith.constant 0 : i32
    %cond3A_107 = arith.cmpi ne, %convert_element_type3A_105, %cond3A_106 : i32
    scf.if %cond3A_107 {
      %reduce_sum3A = arith.constant true
      %reduce_sum3A_1459 = vector.broadcast %reduce_sum3A : i1 to vector<16xi1>
      %reduce_sum3A_1460 = tpu.scan <sum>, %exp3A_94 masked %reduce_sum3A_1459 : vector<16xf32>, vector<16xi1> -> vector<16xf32>
      %reduce_sum3A_1461 = vector.extract %reduce_sum3A_1460[15] : f32 from vector<16xf32>
      %reduce_sum3A_1462 = arith.constant true
      %reduce_sum3A_1463 = vector.broadcast %reduce_sum3A_1462 : i1 to vector<16xi1>
      %reduce_sum3A_1464 = tpu.scan <sum>, %mul3A_97 masked %reduce_sum3A_1463 : vector<16xf32>, vector<16xi1> -> vector<16xf32>
      %reduce_sum3A_1465 = vector.extract %reduce_sum3A_1464[15] : f32 from vector<16xf32>
      %eq3A_1466 = vector.broadcast %squeeze3A_101 : i32 to vector<16xi32>
      %eq3A_1467 = arith.cmpi eq, %iota3A, %eq3A_1466 : vector<16xi32>
      %get3A_1468 = arith.constant 0 : index
      %get3A_1469 = tpu.vector_load %arg13[%get3A_1468] {strides = array<i32>} : memref<16xf32, #tpu.memory_space<vmem>>, vector<16xf32>,
      %jit3A = arith.constant 0.000000e+00 : f32
      %broadcast_in_dim3A_1470 = vector.broadcast %reduce_sum3A_1461 : f32 to vector<16xf32>
      %broadcast_in_dim3A_1471 = vector.broadcast %jit3A : f32 to vector<16xf32>
      %select_n3A = arith.select %eq3A_1467, %broadcast_in_dim3A_1470, %broadcast_in_dim3A_1471 : vector<16xi1>, vector<16xf32>
      %add3A_1472 = arith.addf %get3A_1469, %select_n3A : vector<16xf32>
      %swap3A_1473 = arith.constant 0 : index
      %swap3A_1474 = tpu.vector_load %arg13[%swap3A_1473] {strides = array<i32>} : memref<16xf32, #tpu.memory_space<vmem>>, vector<16xf32>,
      tpu.vector_store %arg13[%swap3A_1473], %add3A_1472 {strides = array<i32>} : memref<16xf32, #tpu.memory_space<vmem>>, vector<16xf32>,
      %get3A_1475 = arith.constant 0 : index
      %get3A_1476 = tpu.vector_load %arg14[%get3A_1475] {strides = array<i32>} : memref<16xf32, #tpu.memory_space<vmem>>, vector<16xf32>,
      %jit3A_1477 = arith.constant 0.000000e+00 : f32
      %broadcast_in_dim3A_1478 = vector.broadcast %reduce_sum3A_1465 : f32 to vector<16xf32>
      %broadcast_in_dim3A_1479 = vector.broadcast %jit3A_1477 : f32 to vector<16xf32>
      %select_n3A_1480 = arith.select %eq3A_1467, %broadcast_in_dim3A_1478, %broadcast_in_dim3A_1479 : vector<16xi1>, vector<16xf32>
      %add3A_1481 = arith.addf %get3A_1476, %select_n3A_1480 : vector<16xf32>
      %swap3A_1482 = arith.constant 0 : index
      %swap3A_1483 = tpu.vector_load %arg14[%swap3A_1482] {strides = array<i32>} : memref<16xf32, #tpu.memory_space<vmem>>, vector<16xf32>,
      tpu.vector_store %arg14[%swap3A_1482], %add3A_1481 {strides = array<i32>} : memref<16xf32, #tpu.memory_space<vmem>>, vector<16xf32>,
    } else {
    }
    %not3A_108 = arith.constant true
    %not3A_109 = arith.xori %eq3A_104, %not3A_108 : i1
    %convert_element_type3A_110 = arith.extui %not3A_109 : i1 to i32
    %cond3A_111 = arith.constant 0 : i32
    %cond3A_112 = arith.cmpi ne, %convert_element_type3A_110, %cond3A_111 : i32
    scf.if %cond3A_112 {
      tpu.vector_store_idx %arg13[%get3A_99], %exp3A_94 {add = true} : memref<16xf32, #tpu.memory_space<vmem>>[vector<16xi32>], vector<16xf32>,
      tpu.vector_store_idx %arg14[%get3A_99], %mul3A_97 {add = true} : memref<16xf32, #tpu.memory_space<vmem>>[vector<16xi32>], vector<16xf32>,
    } else {
    }
    %get3A_113 = arith.constant 32 : index
    %get3A_114 = tpu.vector_load %arg11[%get3A_113] {strides = array<i32>} : memref<1024xf32, #tpu.memory_space<vmem>>, vector<16xf32>,
    %exp3A_115 = math.exp %get3A_114 : vector<16xf32>
    %get3A_116 = arith.constant 32 : index
    %get3A_117 = tpu.vector_load %arg12[%get3A_116] {strides = array<i32>} : memref<1024xf32, #tpu.memory_space<vmem>>, vector<16xf32>,
    %mul3A_118 = arith.mulf %exp3A_115, %get3A_117 : vector<16xf32>
    %get3A_119 = arith.constant 32 : index
    %get3A_120 = tpu.vector_load %arg10[%get3A_119] {strides = array<i32>} : memref<1024xi32, #tpu.memory_space<vmem>>, vector<16xi32>,
    %slice3A_121 = vector.extract_strided_slice %get3A_120 {offsets = [0], sizes = [1], strides = [1]} : vector<16xi32> to vector<1xi32>
    %squeeze3A_122 = vector.extract %slice3A_121[0] : i32 from vector<1xi32>
    %slice3A_123 = vector.extract_strided_slice %get3A_120 {offsets = [15], sizes = [1], strides = [1]} : vector<16xi32> to vector<1xi32>
    %squeeze3A_124 = vector.extract %slice3A_123[0] : i32 from vector<1xi32>
    %eq3A_125 = arith.cmpi eq, %squeeze3A_122, %squeeze3A_124 : i32
    %convert_element_type3A_126 = arith.extui %eq3A_125 : i1 to i32
    %cond3A_127 = arith.constant 0 : i32
    %cond3A_128 = arith.cmpi ne, %convert_element_type3A_126, %cond3A_127 : i32
    scf.if %cond3A_128 {
      %reduce_sum3A = arith.constant true
      %reduce_sum3A_1459 = vector.broadcast %reduce_sum3A : i1 to vector<16xi1>
      %reduce_sum3A_1460 = tpu.scan <sum>, %exp3A_115 masked %reduce_sum3A_1459 : vector<16xf32>, vector<16xi1> -> vector<16xf32>
      %reduce_sum3A_1461 = vector.extract %reduce_sum3A_1460[15] : f32 from vector<16xf32>
      %reduce_sum3A_1462 = arith.constant true
      %reduce_sum3A_1463 = vector.broadcast %reduce_sum3A_1462 : i1 to vector<16xi1>
      %reduce_sum3A_1464 = tpu.scan <sum>, %mul3A_118 masked %reduce_sum3A_1463 : vector<16xf32>, vector<16xi1> -> vector<16xf32>
      %reduce_sum3A_1465 = vector.extract %reduce_sum3A_1464[15] : f32 from vector<16xf32>
      %eq3A_1466 = vector.broadcast %squeeze3A_122 : i32 to vector<16xi32>
      %eq3A_1467 = arith.cmpi eq, %iota3A, %eq3A_1466 : vector<16xi32>
      %get3A_1468 = arith.constant 0 : index
      %get3A_1469 = tpu.vector_load %arg13[%get3A_1468] {strides = array<i32>} : memref<16xf32, #tpu.memory_space<vmem>>, vector<16xf32>,
      %jit3A = arith.constant 0.000000e+00 : f32
      %broadcast_in_dim3A_1470 = vector.broadcast %reduce_sum3A_1461 : f32 to vector<16xf32>
      %broadcast_in_dim3A_1471 = vector.broadcast %jit3A : f32 to vector<16xf32>
      %select_n3A = arith.select %eq3A_1467, %broadcast_in_dim3A_1470, %broadcast_in_dim3A_1471 : vector<16xi1>, vector<16xf32>
      %add3A_1472 = arith.addf %get3A_1469, %select_n3A : vector<16xf32>
      %swap3A_1473 = arith.constant 0 : index
      %swap3A_1474 = tpu.vector_load %arg13[%swap3A_1473] {strides = array<i32>} : memref<16xf32, #tpu.memory_space<vmem>>, vector<16xf32>,
      tpu.vector_store %arg13[%swap3A_1473], %add3A_1472 {strides = array<i32>} : memref<16xf32, #tpu.memory_space<vmem>>, vector<16xf32>,
      %get3A_1475 = arith.constant 0 : index
      %get3A_1476 = tpu.vector_load %arg14[%get3A_1475] {strides = array<i32>} : memref<16xf32, #tpu.memory_space<vmem>>, vector<16xf32>,
      %jit3A_1477 = arith.constant 0.000000e+00 : f32
      %broadcast_in_dim3A_1478 = vector.broadcast %reduce_sum3A_1465 : f32 to vector<16xf32>
      %broadcast_in_dim3A_1479 = vector.broadcast %jit3A_1477 : f32 to vector<16xf32>
      %select_n3A_1480 = arith.select %eq3A_1467, %broadcast_in_dim3A_1478, %broadcast_in_dim3A_1479 : vector<16xi1>, vector<16xf32>
      %add3A_1481 = arith.addf %get3A_1476, %select_n3A_1480 : vector<16xf32>
      %swap3A_1482 = arith.constant 0 : index
      %swap3A_1483 = tpu.vector_load %arg14[%swap3A_1482] {strides = array<i32>} : memref<16xf32, #tpu.memory_space<vmem>>, vector<16xf32>,
      tpu.vector_store %arg14[%swap3A_1482], %add3A_1481 {strides = array<i32>} : memref<16xf32, #tpu.memory_space<vmem>>, vector<16xf32>,
    } else {
    }
    %not3A_129 = arith.constant true
    %not3A_130 = arith.xori %eq3A_125, %not3A_129 : i1
    %convert_element_type3A_131 = arith.extui %not3A_130 : i1 to i32
    %cond3A_132 = arith.constant 0 : i32
    %cond3A_133 = arith.cmpi ne, %convert_element_type3A_131, %cond3A_132 : i32
    scf.if %cond3A_133 {
      tpu.vector_store_idx %arg13[%get3A_120], %exp3A_115 {add = true} : memref<16xf32, #tpu.memory_space<vmem>>[vector<16xi32>], vector<16xf32>,
      tpu.vector_store_idx %arg14[%get3A_120], %mul3A_118 {add = true} : memref<16xf32, #tpu.memory_space<vmem>>[vector<16xi32>], vector<16xf32>,
    } else {
    }
    %get3A_134 = arith.constant 48 : index
    %get3A_135 = tpu.vector_load %arg11[%get3A_134] {strides = array<i32>} : memref<1024xf32, #tpu.memory_space<vmem>>, vector<16xf32>,
    %exp3A_136 = math.exp %get3A_135 : vector<16xf32>
    %get3A_137 = arith.constant 48 : index
    %get3A_138 = tpu.vector_load %arg12[%get3A_137] {strides = array<i32>} : memref<1024xf32, #tpu.memory_space<vmem>>, vector<16xf32>,
    %mul3A_139 = arith.mulf %exp3A_136, %get3A_138 : vector<16xf32>
    %get3A_140 = arith.constant 48 : index
    %get3A_141 = tpu.vector_load %arg10[%get3A_140] {strides = array<i32>} : memref<1024xi32, #tpu.memory_space<vmem>>, vector<16xi32>,
    %slice3A_142 = vector.extract_strided_slice %get3A_141 {offsets = [0], sizes = [1], strides = [1]} : vector<16xi32> to vector<1xi32>
    %squeeze3A_143 = vector.extract %slice3A_142[0] : i32 from vector<1xi32>
    %slice3A_144 = vector.extract_strided_slice %get3A_141 {offsets = [15], sizes = [1], strides = [1]} : vector<16xi32> to vector<1xi32>
    %squeeze3A_145 = vector.extract %slice3A_144[0] : i32 from vector<1xi32>
    %eq3A_146 = arith.cmpi eq, %squeeze3A_143, %squeeze3A_145 : i32
    %convert_element_type3A_147 = arith.extui %eq3A_146 : i1 to i32
    %cond3A_148 = arith.constant 0 : i32
    %cond3A_149 = arith.cmpi ne, %convert_element_type3A_147, %cond3A_148 : i32
    scf.if %cond3A_149 {
      %reduce_sum3A = arith.constant true
      %reduce_sum3A_1459 = vector.broadcast %reduce_sum3A : i1 to vector<16xi1>
      %reduce_sum3A_1460 = tpu.scan <sum>, %exp3A_136 masked %reduce_sum3A_1459 : vector<16xf32>, vector<16xi1> -> vector<16xf32>
      %reduce_sum3A_1461 = vector.extract %reduce_sum3A_1460[15] : f32 from vector<16xf32>
      %reduce_sum3A_1462 = arith.constant true
      %reduce_sum3A_1463 = vector.broadcast %reduce_sum3A_1462 : i1 to vector<16xi1>
      %reduce_sum3A_1464 = tpu.scan <sum>, %mul3A_139 masked %reduce_sum3A_1463 : vector<16xf32>, vector<16xi1> -> vector<16xf32>
      %reduce_sum3A_1465 = vector.extract %reduce_sum3A_1464[15] : f32 from vector<16xf32>
      %eq3A_1466 = vector.broadcast %squeeze3A_143 : i32 to vector<16xi32>
      %eq3A_1467 = arith.cmpi eq, %iota3A, %eq3A_1466 : vector<16xi32>
      %get3A_1468 = arith.constant 0 : index
      %get3A_1469 = tpu.vector_load %arg13[%get3A_1468] {strides = array<i32>} : memref<16xf32, #tpu.memory_space<vmem>>, vector<16xf32>,
      %jit3A = arith.constant 0.000000e+00 : f32
      %broadcast_in_dim3A_1470 = vector.broadcast %reduce_sum3A_1461 : f32 to vector<16xf32>
      %broadcast_in_dim3A_1471 = vector.broadcast %jit3A : f32 to vector<16xf32>
      %select_n3A = arith.select %eq3A_1467, %broadcast_in_dim3A_1470, %broadcast_in_dim3A_1471 : vector<16xi1>, vector<16xf32>
      %add3A_1472 = arith.addf %get3A_1469, %select_n3A : vector<16xf32>
      %swap3A_1473 = arith.constant 0 : index
      %swap3A_1474 = tpu.vector_load %arg13[%swap3A_1473] {strides = array<i32>} : memref<16xf32, #tpu.memory_space<vmem>>, vector<16xf32>,
      tpu.vector_store %arg13[%swap3A_1473], %add3A_1472 {strides = array<i32>} : memref<16xf32, #tpu.memory_space<vmem>>, vector<16xf32>,
      %get3A_1475 = arith.constant 0 : index
      %get3A_1476 = tpu.vector_load %arg14[%get3A_1475] {strides = array<i32>} : memref<16xf32, #tpu.memory_space<vmem>>, vector<16xf32>,
      %jit3A_1477 = arith.constant 0.000000e+00 : f32
      %broadcast_in_dim3A_1478 = vector.broadcast %reduce_sum3A_1465 : f32 to vector<16xf32>
      %broadcast_in_dim3A_1479 = vector.broadcast %jit3A_1477 : f32 to vector<16xf32>
      %select_n3A_1480 = arith.select %eq3A_1467, %broadcast_in_dim3A_1478, %broadcast_in_dim3A_1479 : vector<16xi1>, vector<16xf32>
      %add3A_1481 = arith.addf %get3A_1476, %select_n3A_1480 : vector<16xf32>
      %swap3A_1482 = arith.constant 0 : index
      %swap3A_1483 = tpu.vector_load %arg14[%swap3A_1482] {strides = array<i32>} : memref<16xf32, #tpu.memory_space<vmem>>, vector<16xf32>,
      tpu.vector_store %arg14[%swap3A_1482], %add3A_1481 {strides = array<i32>} : memref<16xf32, #tpu.memory_space<vmem>>, vector<16xf32>,
    } else {
    }
    %not3A_150 = arith.constant true
    %not3A_151 = arith.xori %eq3A_146, %not3A_150 : i1
    %convert_element_type3A_152 = arith.extui %not3A_151 : i1 to i32
    %cond3A_153 = arith.constant 0 : i32
    %cond3A_154 = arith.cmpi ne, %convert_element_type3A_152, %cond3A_153 : i32
    scf.if %cond3A_154 {
      tpu.vector_store_idx %arg13[%get3A_141], %exp3A_136 {add = true} : memref<16xf32, #tpu.memory_space<vmem>>[vector<16xi32>], vector<16xf32>,
      tpu.vector_store_idx %arg14[%get3A_141], %mul3A_139 {add = true} : memref<16xf32, #tpu.memory_space<vmem>>[vector<16xi32>], vector<16xf32>,
    } else {
    }
    %get3A_155 = arith.constant 64 : index
    %get3A_156 = tpu.vector_load %arg11[%get3A_155] {strides = array<i32>} : memref<1024xf32, #tpu.memory_space<vmem>>, vector<16xf32>,
    %exp3A_157 = math.exp %get3A_156 : vector<16xf32>
    %get3A_158 = arith.constant 64 : index
    %get3A_159 = tpu.vector_load %arg12[%get3A_158] {strides = array<i32>} : memref<1024xf32, #tpu.memory_space<vmem>>, vector<16xf32>,
    %mul3A_160 = arith.mulf %exp3A_157, %get3A_159 : vector<16xf32>
    %get3A_161 = arith.constant 64 : index
    %get3A_162 = tpu.vector_load %arg10[%get3A_161] {strides = array<i32>} : memref<1024xi32, #tpu.memory_space<vmem>>, vector<16xi32>,
    %slice3A_163 = vector.extract_strided_slice %get3A_162 {offsets = [0], sizes = [1], strides = [1]} : vector<16xi32> to vector<1xi32>
    %squeeze3A_164 = vector.extract %slice3A_163[0] : i32 from vector<1xi32>
    %slice3A_165 = vector.extract_strided_slice %get3A_162 {offsets = [15], sizes = [1], strides = [1]} : vector<16xi32> to vector<1xi32>
    %squeeze3A_166 = vector.extract %slice3A_165[0] : i32 from vector<1xi32>
    %eq3A_167 = arith.cmpi eq, %squeeze3A_164, %squeeze3A_166 : i32
    %convert_element_type3A_168 = arith.extui %eq3A_167 : i1 to i32
    %cond3A_169 = arith.constant 0 : i32
    %cond3A_170 = arith.cmpi ne, %convert_element_type3A_168, %cond3A_169 : i32
    scf.if %cond3A_170 {
      %reduce_sum3A = arith.constant true
      %reduce_sum3A_1459 = vector.broadcast %reduce_sum3A : i1 to vector<16xi1>
      %reduce_sum3A_1460 = tpu.scan <sum>, %exp3A_157 masked %reduce_sum3A_1459 : vector<16xf32>, vector<16xi1> -> vector<16xf32>
      %reduce_sum3A_1461 = vector.extract %reduce_sum3A_1460[15] : f32 from vector<16xf32>
      %reduce_sum3A_1462 = arith.constant true
      %reduce_sum3A_1463 = vector.broadcast %reduce_sum3A_1462 : i1 to vector<16xi1>
      %reduce_sum3A_1464 = tpu.scan <sum>, %mul3A_160 masked %reduce_sum3A_1463 : vector<16xf32>, vector<16xi1> -> vector<16xf32>
      %reduce_sum3A_1465 = vector.extract %reduce_sum3A_1464[15] : f32 from vector<16xf32>
      %eq3A_1466 = vector.broadcast %squeeze3A_164 : i32 to vector<16xi32>
      %eq3A_1467 = arith.cmpi eq, %iota3A, %eq3A_1466 : vector<16xi32>
      %get3A_1468 = arith.constant 0 : index
      %get3A_1469 = tpu.vector_load %arg13[%get3A_1468] {strides = array<i32>} : memref<16xf32, #tpu.memory_space<vmem>>, vector<16xf32>,
      %jit3A = arith.constant 0.000000e+00 : f32
      %broadcast_in_dim3A_1470 = vector.broadcast %reduce_sum3A_1461 : f32 to vector<16xf32>
      %broadcast_in_dim3A_1471 = vector.broadcast %jit3A : f32 to vector<16xf32>
      %select_n3A = arith.select %eq3A_1467, %broadcast_in_dim3A_1470, %broadcast_in_dim3A_1471 : vector<16xi1>, vector<16xf32>
      %add3A_1472 = arith.addf %get3A_1469, %select_n3A : vector<16xf32>
      %swap3A_1473 = arith.constant 0 : index
      %swap3A_1474 = tpu.vector_load %arg13[%swap3A_1473] {strides = array<i32>} : memref<16xf32, #tpu.memory_space<vmem>>, vector<16xf32>,
      tpu.vector_store %arg13[%swap3A_1473], %add3A_1472 {strides = array<i32>} : memref<16xf32, #tpu.memory_space<vmem>>, vector<16xf32>,
      %get3A_1475 = arith.constant 0 : index
      %get3A_1476 = tpu.vector_load %arg14[%get3A_1475] {strides = array<i32>} : memref<16xf32, #tpu.memory_space<vmem>>, vector<16xf32>,
      %jit3A_1477 = arith.constant 0.000000e+00 : f32
      %broadcast_in_dim3A_1478 = vector.broadcast %reduce_sum3A_1465 : f32 to vector<16xf32>
      %broadcast_in_dim3A_1479 = vector.broadcast %jit3A_1477 : f32 to vector<16xf32>
      %select_n3A_1480 = arith.select %eq3A_1467, %broadcast_in_dim3A_1478, %broadcast_in_dim3A_1479 : vector<16xi1>, vector<16xf32>
      %add3A_1481 = arith.addf %get3A_1476, %select_n3A_1480 : vector<16xf32>
      %swap3A_1482 = arith.constant 0 : index
      %swap3A_1483 = tpu.vector_load %arg14[%swap3A_1482] {strides = array<i32>} : memref<16xf32, #tpu.memory_space<vmem>>, vector<16xf32>,
      tpu.vector_store %arg14[%swap3A_1482], %add3A_1481 {strides = array<i32>} : memref<16xf32, #tpu.memory_space<vmem>>, vector<16xf32>,
    } else {
    }
    %not3A_171 = arith.constant true
    %not3A_172 = arith.xori %eq3A_167, %not3A_171 : i1
    %convert_element_type3A_173 = arith.extui %not3A_172 : i1 to i32
    %cond3A_174 = arith.constant 0 : i32
    %cond3A_175 = arith.cmpi ne, %convert_element_type3A_173, %cond3A_174 : i32
    scf.if %cond3A_175 {
      tpu.vector_store_idx %arg13[%get3A_162], %exp3A_157 {add = true} : memref<16xf32, #tpu.memory_space<vmem>>[vector<16xi32>], vector<16xf32>,
      tpu.vector_store_idx %arg14[%get3A_162], %mul3A_160 {add = true} : memref<16xf32, #tpu.memory_space<vmem>>[vector<16xi32>], vector<16xf32>,
    } else {
    }
    %get3A_176 = arith.constant 80 : index
    %get3A_177 = tpu.vector_load %arg11[%get3A_176] {strides = array<i32>} : memref<1024xf32, #tpu.memory_space<vmem>>, vector<16xf32>,
    %exp3A_178 = math.exp %get3A_177 : vector<16xf32>
    %get3A_179 = arith.constant 80 : index
    %get3A_180 = tpu.vector_load %arg12[%get3A_179] {strides = array<i32>} : memref<1024xf32, #tpu.memory_space<vmem>>, vector<16xf32>,
    %mul3A_181 = arith.mulf %exp3A_178, %get3A_180 : vector<16xf32>
    %get3A_182 = arith.constant 80 : index
    %get3A_183 = tpu.vector_load %arg10[%get3A_182] {strides = array<i32>} : memref<1024xi32, #tpu.memory_space<vmem>>, vector<16xi32>,
    %slice3A_184 = vector.extract_strided_slice %get3A_183 {offsets = [0], sizes = [1], strides = [1]} : vector<16xi32> to vector<1xi32>
    %squeeze3A_185 = vector.extract %slice3A_184[0] : i32 from vector<1xi32>
    %slice3A_186 = vector.extract_strided_slice %get3A_183 {offsets = [15], sizes = [1], strides = [1]} : vector<16xi32> to vector<1xi32>
    %squeeze3A_187 = vector.extract %slice3A_186[0] : i32 from vector<1xi32>
    %eq3A_188 = arith.cmpi eq, %squeeze3A_185, %squeeze3A_187 : i32
    %convert_element_type3A_189 = arith.extui %eq3A_188 : i1 to i32
    %cond3A_190 = arith.constant 0 : i32
    %cond3A_191 = arith.cmpi ne, %convert_element_type3A_189, %cond3A_190 : i32
    scf.if %cond3A_191 {
      %reduce_sum3A = arith.constant true
      %reduce_sum3A_1459 = vector.broadcast %reduce_sum3A : i1 to vector<16xi1>
      %reduce_sum3A_1460 = tpu.scan <sum>, %exp3A_178 masked %reduce_sum3A_1459 : vector<16xf32>, vector<16xi1> -> vector<16xf32>
      %reduce_sum3A_1461 = vector.extract %reduce_sum3A_1460[15] : f32 from vector<16xf32>
      %reduce_sum3A_1462 = arith.constant true
      %reduce_sum3A_1463 = vector.broadcast %reduce_sum3A_1462 : i1 to vector<16xi1>
      %reduce_sum3A_1464 = tpu.scan <sum>, %mul3A_181 masked %reduce_sum3A_1463 : vector<16xf32>, vector<16xi1> -> vector<16xf32>
      %reduce_sum3A_1465 = vector.extract %reduce_sum3A_1464[15] : f32 from vector<16xf32>
      %eq3A_1466 = vector.broadcast %squeeze3A_185 : i32 to vector<16xi32>
      %eq3A_1467 = arith.cmpi eq, %iota3A, %eq3A_1466 : vector<16xi32>
      %get3A_1468 = arith.constant 0 : index
      %get3A_1469 = tpu.vector_load %arg13[%get3A_1468] {strides = array<i32>} : memref<16xf32, #tpu.memory_space<vmem>>, vector<16xf32>,
      %jit3A = arith.constant 0.000000e+00 : f32
      %broadcast_in_dim3A_1470 = vector.broadcast %reduce_sum3A_1461 : f32 to vector<16xf32>
      %broadcast_in_dim3A_1471 = vector.broadcast %jit3A : f32 to vector<16xf32>
      %select_n3A = arith.select %eq3A_1467, %broadcast_in_dim3A_1470, %broadcast_in_dim3A_1471 : vector<16xi1>, vector<16xf32>
      %add3A_1472 = arith.addf %get3A_1469, %select_n3A : vector<16xf32>
      %swap3A_1473 = arith.constant 0 : index
      %swap3A_1474 = tpu.vector_load %arg13[%swap3A_1473] {strides = array<i32>} : memref<16xf32, #tpu.memory_space<vmem>>, vector<16xf32>,
      tpu.vector_store %arg13[%swap3A_1473], %add3A_1472 {strides = array<i32>} : memref<16xf32, #tpu.memory_space<vmem>>, vector<16xf32>,
      %get3A_1475 = arith.constant 0 : index
      %get3A_1476 = tpu.vector_load %arg14[%get3A_1475] {strides = array<i32>} : memref<16xf32, #tpu.memory_space<vmem>>, vector<16xf32>,
      %jit3A_1477 = arith.constant 0.000000e+00 : f32
      %broadcast_in_dim3A_1478 = vector.broadcast %reduce_sum3A_1465 : f32 to vector<16xf32>
      %broadcast_in_dim3A_1479 = vector.broadcast %jit3A_1477 : f32 to vector<16xf32>
      %select_n3A_1480 = arith.select %eq3A_1467, %broadcast_in_dim3A_1478, %broadcast_in_dim3A_1479 : vector<16xi1>, vector<16xf32>
      %add3A_1481 = arith.addf %get3A_1476, %select_n3A_1480 : vector<16xf32>
      %swap3A_1482 = arith.constant 0 : index
      %swap3A_1483 = tpu.vector_load %arg14[%swap3A_1482] {strides = array<i32>} : memref<16xf32, #tpu.memory_space<vmem>>, vector<16xf32>,
      tpu.vector_store %arg14[%swap3A_1482], %add3A_1481 {strides = array<i32>} : memref<16xf32, #tpu.memory_space<vmem>>, vector<16xf32>,
    } else {
    }
    %not3A_192 = arith.constant true
    %not3A_193 = arith.xori %eq3A_188, %not3A_192 : i1
    %convert_element_type3A_194 = arith.extui %not3A_193 : i1 to i32
    %cond3A_195 = arith.constant 0 : i32
    %cond3A_196 = arith.cmpi ne, %convert_element_type3A_194, %cond3A_195 : i32
    scf.if %cond3A_196 {
      tpu.vector_store_idx %arg13[%get3A_183], %exp3A_178 {add = true} : memref<16xf32, #tpu.memory_space<vmem>>[vector<16xi32>], vector<16xf32>,
      tpu.vector_store_idx %arg14[%get3A_183], %mul3A_181 {add = true} : memref<16xf32, #tpu.memory_space<vmem>>[vector<16xi32>], vector<16xf32>,
    } else {
    }
    %get3A_197 = arith.constant 96 : index
    %get3A_198 = tpu.vector_load %arg11[%get3A_197] {strides = array<i32>} : memref<1024xf32, #tpu.memory_space<vmem>>, vector<16xf32>,
    %exp3A_199 = math.exp %get3A_198 : vector<16xf32>
    %get3A_200 = arith.constant 96 : index
    %get3A_201 = tpu.vector_load %arg12[%get3A_200] {strides = array<i32>} : memref<1024xf32, #tpu.memory_space<vmem>>, vector<16xf32>,
    %mul3A_202 = arith.mulf %exp3A_199, %get3A_201 : vector<16xf32>
    %get3A_203 = arith.constant 96 : index
    %get3A_204 = tpu.vector_load %arg10[%get3A_203] {strides = array<i32>} : memref<1024xi32, #tpu.memory_space<vmem>>, vector<16xi32>,
    %slice3A_205 = vector.extract_strided_slice %get3A_204 {offsets = [0], sizes = [1], strides = [1]} : vector<16xi32> to vector<1xi32>
    %squeeze3A_206 = vector.extract %slice3A_205[0] : i32 from vector<1xi32>
    %slice3A_207 = vector.extract_strided_slice %get3A_204 {offsets = [15], sizes = [1], strides = [1]} : vector<16xi32> to vector<1xi32>
    %squeeze3A_208 = vector.extract %slice3A_207[0] : i32 from vector<1xi32>
    %eq3A_209 = arith.cmpi eq, %squeeze3A_206, %squeeze3A_208 : i32
    %convert_element_type3A_210 = arith.extui %eq3A_209 : i1 to i32
    %cond3A_211 = arith.constant 0 : i32
    %cond3A_212 = arith.cmpi ne, %convert_element_type3A_210, %cond3A_211 : i32
    scf.if %cond3A_212 {
      %reduce_sum3A = arith.constant true
      %reduce_sum3A_1459 = vector.broadcast %reduce_sum3A : i1 to vector<16xi1>
      %reduce_sum3A_1460 = tpu.scan <sum>, %exp3A_199 masked %reduce_sum3A_1459 : vector<16xf32>, vector<16xi1> -> vector<16xf32>
      %reduce_sum3A_1461 = vector.extract %reduce_sum3A_1460[15] : f32 from vector<16xf32>
      %reduce_sum3A_1462 = arith.constant true
      %reduce_sum3A_1463 = vector.broadcast %reduce_sum3A_1462 : i1 to vector<16xi1>
      %reduce_sum3A_1464 = tpu.scan <sum>, %mul3A_202 masked %reduce_sum3A_1463 : vector<16xf32>, vector<16xi1> -> vector<16xf32>
      %reduce_sum3A_1465 = vector.extract %reduce_sum3A_1464[15] : f32 from vector<16xf32>
      %eq3A_1466 = vector.broadcast %squeeze3A_206 : i32 to vector<16xi32>
      %eq3A_1467 = arith.cmpi eq, %iota3A, %eq3A_1466 : vector<16xi32>
      %get3A_1468 = arith.constant 0 : index
      %get3A_1469 = tpu.vector_load %arg13[%get3A_1468] {strides = array<i32>} : memref<16xf32, #tpu.memory_space<vmem>>, vector<16xf32>,
      %jit3A = arith.constant 0.000000e+00 : f32
      %broadcast_in_dim3A_1470 = vector.broadcast %reduce_sum3A_1461 : f32 to vector<16xf32>
      %broadcast_in_dim3A_1471 = vector.broadcast %jit3A : f32 to vector<16xf32>
      %select_n3A = arith.select %eq3A_1467, %broadcast_in_dim3A_1470, %broadcast_in_dim3A_1471 : vector<16xi1>, vector<16xf32>
      %add3A_1472 = arith.addf %get3A_1469, %select_n3A : vector<16xf32>
      %swap3A_1473 = arith.constant 0 : index
      %swap3A_1474 = tpu.vector_load %arg13[%swap3A_1473] {strides = array<i32>} : memref<16xf32, #tpu.memory_space<vmem>>, vector<16xf32>,
      tpu.vector_store %arg13[%swap3A_1473], %add3A_1472 {strides = array<i32>} : memref<16xf32, #tpu.memory_space<vmem>>, vector<16xf32>,
      %get3A_1475 = arith.constant 0 : index
      %get3A_1476 = tpu.vector_load %arg14[%get3A_1475] {strides = array<i32>} : memref<16xf32, #tpu.memory_space<vmem>>, vector<16xf32>,
      %jit3A_1477 = arith.constant 0.000000e+00 : f32
      %broadcast_in_dim3A_1478 = vector.broadcast %reduce_sum3A_1465 : f32 to vector<16xf32>
      %broadcast_in_dim3A_1479 = vector.broadcast %jit3A_1477 : f32 to vector<16xf32>
      %select_n3A_1480 = arith.select %eq3A_1467, %broadcast_in_dim3A_1478, %broadcast_in_dim3A_1479 : vector<16xi1>, vector<16xf32>
      %add3A_1481 = arith.addf %get3A_1476, %select_n3A_1480 : vector<16xf32>
      %swap3A_1482 = arith.constant 0 : index
      %swap3A_1483 = tpu.vector_load %arg14[%swap3A_1482] {strides = array<i32>} : memref<16xf32, #tpu.memory_space<vmem>>, vector<16xf32>,
      tpu.vector_store %arg14[%swap3A_1482], %add3A_1481 {strides = array<i32>} : memref<16xf32, #tpu.memory_space<vmem>>, vector<16xf32>,
    } else {
    }
    %not3A_213 = arith.constant true
    %not3A_214 = arith.xori %eq3A_209, %not3A_213 : i1
    %convert_element_type3A_215 = arith.extui %not3A_214 : i1 to i32
    %cond3A_216 = arith.constant 0 : i32
    %cond3A_217 = arith.cmpi ne, %convert_element_type3A_215, %cond3A_216 : i32
    scf.if %cond3A_217 {
      tpu.vector_store_idx %arg13[%get3A_204], %exp3A_199 {add = true} : memref<16xf32, #tpu.memory_space<vmem>>[vector<16xi32>], vector<16xf32>,
      tpu.vector_store_idx %arg14[%get3A_204], %mul3A_202 {add = true} : memref<16xf32, #tpu.memory_space<vmem>>[vector<16xi32>], vector<16xf32>,
    } else {
    }
    %get3A_218 = arith.constant 112 : index
    %get3A_219 = tpu.vector_load %arg11[%get3A_218] {strides = array<i32>} : memref<1024xf32, #tpu.memory_space<vmem>>, vector<16xf32>,
    %exp3A_220 = math.exp %get3A_219 : vector<16xf32>
    %get3A_221 = arith.constant 112 : index
    %get3A_222 = tpu.vector_load %arg12[%get3A_221] {strides = array<i32>} : memref<1024xf32, #tpu.memory_space<vmem>>, vector<16xf32>,
    %mul3A_223 = arith.mulf %exp3A_220, %get3A_222 : vector<16xf32>
    %get3A_224 = arith.constant 112 : index
    %get3A_225 = tpu.vector_load %arg10[%get3A_224] {strides = array<i32>} : memref<1024xi32, #tpu.memory_space<vmem>>, vector<16xi32>,
    %slice3A_226 = vector.extract_strided_slice %get3A_225 {offsets = [0], sizes = [1], strides = [1]} : vector<16xi32> to vector<1xi32>
    %squeeze3A_227 = vector.extract %slice3A_226[0] : i32 from vector<1xi32>
    %slice3A_228 = vector.extract_strided_slice %get3A_225 {offsets = [15], sizes = [1], strides = [1]} : vector<16xi32> to vector<1xi32>
    %squeeze3A_229 = vector.extract %slice3A_228[0] : i32 from vector<1xi32>
    %eq3A_230 = arith.cmpi eq, %squeeze3A_227, %squeeze3A_229 : i32
    %convert_element_type3A_231 = arith.extui %eq3A_230 : i1 to i32
    %cond3A_232 = arith.constant 0 : i32
    %cond3A_233 = arith.cmpi ne, %convert_element_type3A_231, %cond3A_232 : i32
    scf.if %cond3A_233 {
      %reduce_sum3A = arith.constant true
      %reduce_sum3A_1459 = vector.broadcast %reduce_sum3A : i1 to vector<16xi1>
      %reduce_sum3A_1460 = tpu.scan <sum>, %exp3A_220 masked %reduce_sum3A_1459 : vector<16xf32>, vector<16xi1> -> vector<16xf32>
      %reduce_sum3A_1461 = vector.extract %reduce_sum3A_1460[15] : f32 from vector<16xf32>
      %reduce_sum3A_1462 = arith.constant true
      %reduce_sum3A_1463 = vector.broadcast %reduce_sum3A_1462 : i1 to vector<16xi1>
      %reduce_sum3A_1464 = tpu.scan <sum>, %mul3A_223 masked %reduce_sum3A_1463 : vector<16xf32>, vector<16xi1> -> vector<16xf32>
      %reduce_sum3A_1465 = vector.extract %reduce_sum3A_1464[15] : f32 from vector<16xf32>
      %eq3A_1466 = vector.broadcast %squeeze3A_227 : i32 to vector<16xi32>
      %eq3A_1467 = arith.cmpi eq, %iota3A, %eq3A_1466 : vector<16xi32>
      %get3A_1468 = arith.constant 0 : index
      %get3A_1469 = tpu.vector_load %arg13[%get3A_1468] {strides = array<i32>} : memref<16xf32, #tpu.memory_space<vmem>>, vector<16xf32>,
      %jit3A = arith.constant 0.000000e+00 : f32
      %broadcast_in_dim3A_1470 = vector.broadcast %reduce_sum3A_1461 : f32 to vector<16xf32>
      %broadcast_in_dim3A_1471 = vector.broadcast %jit3A : f32 to vector<16xf32>
      %select_n3A = arith.select %eq3A_1467, %broadcast_in_dim3A_1470, %broadcast_in_dim3A_1471 : vector<16xi1>, vector<16xf32>
      %add3A_1472 = arith.addf %get3A_1469, %select_n3A : vector<16xf32>
      %swap3A_1473 = arith.constant 0 : index
      %swap3A_1474 = tpu.vector_load %arg13[%swap3A_1473] {strides = array<i32>} : memref<16xf32, #tpu.memory_space<vmem>>, vector<16xf32>,
      tpu.vector_store %arg13[%swap3A_1473], %add3A_1472 {strides = array<i32>} : memref<16xf32, #tpu.memory_space<vmem>>, vector<16xf32>,
      %get3A_1475 = arith.constant 0 : index
      %get3A_1476 = tpu.vector_load %arg14[%get3A_1475] {strides = array<i32>} : memref<16xf32, #tpu.memory_space<vmem>>, vector<16xf32>,
      %jit3A_1477 = arith.constant 0.000000e+00 : f32
      %broadcast_in_dim3A_1478 = vector.broadcast %reduce_sum3A_1465 : f32 to vector<16xf32>
      %broadcast_in_dim3A_1479 = vector.broadcast %jit3A_1477 : f32 to vector<16xf32>
      %select_n3A_1480 = arith.select %eq3A_1467, %broadcast_in_dim3A_1478, %broadcast_in_dim3A_1479 : vector<16xi1>, vector<16xf32>
      %add3A_1481 = arith.addf %get3A_1476, %select_n3A_1480 : vector<16xf32>
      %swap3A_1482 = arith.constant 0 : index
      %swap3A_1483 = tpu.vector_load %arg14[%swap3A_1482] {strides = array<i32>} : memref<16xf32, #tpu.memory_space<vmem>>, vector<16xf32>,
      tpu.vector_store %arg14[%swap3A_1482], %add3A_1481 {strides = array<i32>} : memref<16xf32, #tpu.memory_space<vmem>>, vector<16xf32>,
    } else {
    }
    %not3A_234 = arith.constant true
    %not3A_235 = arith.xori %eq3A_230, %not3A_234 : i1
    %convert_element_type3A_236 = arith.extui %not3A_235 : i1 to i32
    %cond3A_237 = arith.constant 0 : i32
    %cond3A_238 = arith.cmpi ne, %convert_element_type3A_236, %cond3A_237 : i32
    scf.if %cond3A_238 {
      tpu.vector_store_idx %arg13[%get3A_225], %exp3A_220 {add = true} : memref<16xf32, #tpu.memory_space<vmem>>[vector<16xi32>], vector<16xf32>,
      tpu.vector_store_idx %arg14[%get3A_225], %mul3A_223 {add = true} : memref<16xf32, #tpu.memory_space<vmem>>[vector<16xi32>], vector<16xf32>,
    } else {
    }
    %get3A_239 = arith.constant 128 : index
    %get3A_240 = tpu.vector_load %arg11[%get3A_239] {strides = array<i32>} : memref<1024xf32, #tpu.memory_space<vmem>>, vector<16xf32>,
    %exp3A_241 = math.exp %get3A_240 : vector<16xf32>
    %get3A_242 = arith.constant 128 : index
    %get3A_243 = tpu.vector_load %arg12[%get3A_242] {strides = array<i32>} : memref<1024xf32, #tpu.memory_space<vmem>>, vector<16xf32>,
    %mul3A_244 = arith.mulf %exp3A_241, %get3A_243 : vector<16xf32>
    %get3A_245 = arith.constant 128 : index
    %get3A_246 = tpu.vector_load %arg10[%get3A_245] {strides = array<i32>} : memref<1024xi32, #tpu.memory_space<vmem>>, vector<16xi32>,
    %slice3A_247 = vector.extract_strided_slice %get3A_246 {offsets = [0], sizes = [1], strides = [1]} : vector<16xi32> to vector<1xi32>
    %squeeze3A_248 = vector.extract %slice3A_247[0] : i32 from vector<1xi32>
    %slice3A_249 = vector.extract_strided_slice %get3A_246 {offsets = [15], sizes = [1], strides = [1]} : vector<16xi32> to vector<1xi32>
    %squeeze3A_250 = vector.extract %slice3A_249[0] : i32 from vector<1xi32>
    %eq3A_251 = arith.cmpi eq, %squeeze3A_248, %squeeze3A_250 : i32
    %convert_element_type3A_252 = arith.extui %eq3A_251 : i1 to i32
    %cond3A_253 = arith.constant 0 : i32
    %cond3A_254 = arith.cmpi ne, %convert_element_type3A_252, %cond3A_253 : i32
    scf.if %cond3A_254 {
      %reduce_sum3A = arith.constant true
      %reduce_sum3A_1459 = vector.broadcast %reduce_sum3A : i1 to vector<16xi1>
      %reduce_sum3A_1460 = tpu.scan <sum>, %exp3A_241 masked %reduce_sum3A_1459 : vector<16xf32>, vector<16xi1> -> vector<16xf32>
      %reduce_sum3A_1461 = vector.extract %reduce_sum3A_1460[15] : f32 from vector<16xf32>
      %reduce_sum3A_1462 = arith.constant true
      %reduce_sum3A_1463 = vector.broadcast %reduce_sum3A_1462 : i1 to vector<16xi1>
      %reduce_sum3A_1464 = tpu.scan <sum>, %mul3A_244 masked %reduce_sum3A_1463 : vector<16xf32>, vector<16xi1> -> vector<16xf32>
      %reduce_sum3A_1465 = vector.extract %reduce_sum3A_1464[15] : f32 from vector<16xf32>
      %eq3A_1466 = vector.broadcast %squeeze3A_248 : i32 to vector<16xi32>
      %eq3A_1467 = arith.cmpi eq, %iota3A, %eq3A_1466 : vector<16xi32>
      %get3A_1468 = arith.constant 0 : index
      %get3A_1469 = tpu.vector_load %arg13[%get3A_1468] {strides = array<i32>} : memref<16xf32, #tpu.memory_space<vmem>>, vector<16xf32>,
      %jit3A = arith.constant 0.000000e+00 : f32
      %broadcast_in_dim3A_1470 = vector.broadcast %reduce_sum3A_1461 : f32 to vector<16xf32>
      %broadcast_in_dim3A_1471 = vector.broadcast %jit3A : f32 to vector<16xf32>
      %select_n3A = arith.select %eq3A_1467, %broadcast_in_dim3A_1470, %broadcast_in_dim3A_1471 : vector<16xi1>, vector<16xf32>
      %add3A_1472 = arith.addf %get3A_1469, %select_n3A : vector<16xf32>
      %swap3A_1473 = arith.constant 0 : index
      %swap3A_1474 = tpu.vector_load %arg13[%swap3A_1473] {strides = array<i32>} : memref<16xf32, #tpu.memory_space<vmem>>, vector<16xf32>,
      tpu.vector_store %arg13[%swap3A_1473], %add3A_1472 {strides = array<i32>} : memref<16xf32, #tpu.memory_space<vmem>>, vector<16xf32>,
      %get3A_1475 = arith.constant 0 : index
      %get3A_1476 = tpu.vector_load %arg14[%get3A_1475] {strides = array<i32>} : memref<16xf32, #tpu.memory_space<vmem>>, vector<16xf32>,
      %jit3A_1477 = arith.constant 0.000000e+00 : f32
      %broadcast_in_dim3A_1478 = vector.broadcast %reduce_sum3A_1465 : f32 to vector<16xf32>
      %broadcast_in_dim3A_1479 = vector.broadcast %jit3A_1477 : f32 to vector<16xf32>
      %select_n3A_1480 = arith.select %eq3A_1467, %broadcast_in_dim3A_1478, %broadcast_in_dim3A_1479 : vector<16xi1>, vector<16xf32>
      %add3A_1481 = arith.addf %get3A_1476, %select_n3A_1480 : vector<16xf32>
      %swap3A_1482 = arith.constant 0 : index
      %swap3A_1483 = tpu.vector_load %arg14[%swap3A_1482] {strides = array<i32>} : memref<16xf32, #tpu.memory_space<vmem>>, vector<16xf32>,
      tpu.vector_store %arg14[%swap3A_1482], %add3A_1481 {strides = array<i32>} : memref<16xf32, #tpu.memory_space<vmem>>, vector<16xf32>,
    } else {
    }
    %not3A_255 = arith.constant true
    %not3A_256 = arith.xori %eq3A_251, %not3A_255 : i1
    %convert_element_type3A_257 = arith.extui %not3A_256 : i1 to i32
    %cond3A_258 = arith.constant 0 : i32
    %cond3A_259 = arith.cmpi ne, %convert_element_type3A_257, %cond3A_258 : i32
    scf.if %cond3A_259 {
      tpu.vector_store_idx %arg13[%get3A_246], %exp3A_241 {add = true} : memref<16xf32, #tpu.memory_space<vmem>>[vector<16xi32>], vector<16xf32>,
      tpu.vector_store_idx %arg14[%get3A_246], %mul3A_244 {add = true} : memref<16xf32, #tpu.memory_space<vmem>>[vector<16xi32>], vector<16xf32>,
    } else {
    }
    %get3A_260 = arith.constant 144 : index
    %get3A_261 = tpu.vector_load %arg11[%get3A_260] {strides = array<i32>} : memref<1024xf32, #tpu.memory_space<vmem>>, vector<16xf32>,
    %exp3A_262 = math.exp %get3A_261 : vector<16xf32>
    %get3A_263 = arith.constant 144 : index
    %get3A_264 = tpu.vector_load %arg12[%get3A_263] {strides = array<i32>} : memref<1024xf32, #tpu.memory_space<vmem>>, vector<16xf32>,
    %mul3A_265 = arith.mulf %exp3A_262, %get3A_264 : vector<16xf32>
    %get3A_266 = arith.constant 144 : index
    %get3A_267 = tpu.vector_load %arg10[%get3A_266] {strides = array<i32>} : memref<1024xi32, #tpu.memory_space<vmem>>, vector<16xi32>,
    %slice3A_268 = vector.extract_strided_slice %get3A_267 {offsets = [0], sizes = [1], strides = [1]} : vector<16xi32> to vector<1xi32>
    %squeeze3A_269 = vector.extract %slice3A_268[0] : i32 from vector<1xi32>
    %slice3A_270 = vector.extract_strided_slice %get3A_267 {offsets = [15], sizes = [1], strides = [1]} : vector<16xi32> to vector<1xi32>
    %squeeze3A_271 = vector.extract %slice3A_270[0] : i32 from vector<1xi32>
    %eq3A_272 = arith.cmpi eq, %squeeze3A_269, %squeeze3A_271 : i32
    %convert_element_type3A_273 = arith.extui %eq3A_272 : i1 to i32
    %cond3A_274 = arith.constant 0 : i32
    %cond3A_275 = arith.cmpi ne, %convert_element_type3A_273, %cond3A_274 : i32
    scf.if %cond3A_275 {
      %reduce_sum3A = arith.constant true
      %reduce_sum3A_1459 = vector.broadcast %reduce_sum3A : i1 to vector<16xi1>
      %reduce_sum3A_1460 = tpu.scan <sum>, %exp3A_262 masked %reduce_sum3A_1459 : vector<16xf32>, vector<16xi1> -> vector<16xf32>
      %reduce_sum3A_1461 = vector.extract %reduce_sum3A_1460[15] : f32 from vector<16xf32>
      %reduce_sum3A_1462 = arith.constant true
      %reduce_sum3A_1463 = vector.broadcast %reduce_sum3A_1462 : i1 to vector<16xi1>
      %reduce_sum3A_1464 = tpu.scan <sum>, %mul3A_265 masked %reduce_sum3A_1463 : vector<16xf32>, vector<16xi1> -> vector<16xf32>
      %reduce_sum3A_1465 = vector.extract %reduce_sum3A_1464[15] : f32 from vector<16xf32>
      %eq3A_1466 = vector.broadcast %squeeze3A_269 : i32 to vector<16xi32>
      %eq3A_1467 = arith.cmpi eq, %iota3A, %eq3A_1466 : vector<16xi32>
      %get3A_1468 = arith.constant 0 : index
      %get3A_1469 = tpu.vector_load %arg13[%get3A_1468] {strides = array<i32>} : memref<16xf32, #tpu.memory_space<vmem>>, vector<16xf32>,
      %jit3A = arith.constant 0.000000e+00 : f32
      %broadcast_in_dim3A_1470 = vector.broadcast %reduce_sum3A_1461 : f32 to vector<16xf32>
      %broadcast_in_dim3A_1471 = vector.broadcast %jit3A : f32 to vector<16xf32>
      %select_n3A = arith.select %eq3A_1467, %broadcast_in_dim3A_1470, %broadcast_in_dim3A_1471 : vector<16xi1>, vector<16xf32>
      %add3A_1472 = arith.addf %get3A_1469, %select_n3A : vector<16xf32>
      %swap3A_1473 = arith.constant 0 : index
      %swap3A_1474 = tpu.vector_load %arg13[%swap3A_1473] {strides = array<i32>} : memref<16xf32, #tpu.memory_space<vmem>>, vector<16xf32>,
      tpu.vector_store %arg13[%swap3A_1473], %add3A_1472 {strides = array<i32>} : memref<16xf32, #tpu.memory_space<vmem>>, vector<16xf32>,
      %get3A_1475 = arith.constant 0 : index
      %get3A_1476 = tpu.vector_load %arg14[%get3A_1475] {strides = array<i32>} : memref<16xf32, #tpu.memory_space<vmem>>, vector<16xf32>,
      %jit3A_1477 = arith.constant 0.000000e+00 : f32
      %broadcast_in_dim3A_1478 = vector.broadcast %reduce_sum3A_1465 : f32 to vector<16xf32>
      %broadcast_in_dim3A_1479 = vector.broadcast %jit3A_1477 : f32 to vector<16xf32>
      %select_n3A_1480 = arith.select %eq3A_1467, %broadcast_in_dim3A_1478, %broadcast_in_dim3A_1479 : vector<16xi1>, vector<16xf32>
      %add3A_1481 = arith.addf %get3A_1476, %select_n3A_1480 : vector<16xf32>
      %swap3A_1482 = arith.constant 0 : index
      %swap3A_1483 = tpu.vector_load %arg14[%swap3A_1482] {strides = array<i32>} : memref<16xf32, #tpu.memory_space<vmem>>, vector<16xf32>,
      tpu.vector_store %arg14[%swap3A_1482], %add3A_1481 {strides = array<i32>} : memref<16xf32, #tpu.memory_space<vmem>>, vector<16xf32>,
    } else {
    }
    %not3A_276 = arith.constant true
    %not3A_277 = arith.xori %eq3A_272, %not3A_276 : i1
    %convert_element_type3A_278 = arith.extui %not3A_277 : i1 to i32
    %cond3A_279 = arith.constant 0 : i32
    %cond3A_280 = arith.cmpi ne, %convert_element_type3A_278, %cond3A_279 : i32
    scf.if %cond3A_280 {
      tpu.vector_store_idx %arg13[%get3A_267], %exp3A_262 {add = true} : memref<16xf32, #tpu.memory_space<vmem>>[vector<16xi32>], vector<16xf32>,
      tpu.vector_store_idx %arg14[%get3A_267], %mul3A_265 {add = true} : memref<16xf32, #tpu.memory_space<vmem>>[vector<16xi32>], vector<16xf32>,
    } else {
    }
    %get3A_281 = arith.constant 160 : index
    %get3A_282 = tpu.vector_load %arg11[%get3A_281] {strides = array<i32>} : memref<1024xf32, #tpu.memory_space<vmem>>, vector<16xf32>,
    %exp3A_283 = math.exp %get3A_282 : vector<16xf32>
    %get3A_284 = arith.constant 160 : index
    %get3A_285 = tpu.vector_load %arg12[%get3A_284] {strides = array<i32>} : memref<1024xf32, #tpu.memory_space<vmem>>, vector<16xf32>,
    %mul3A_286 = arith.mulf %exp3A_283, %get3A_285 : vector<16xf32>
    %get3A_287 = arith.constant 160 : index
    %get3A_288 = tpu.vector_load %arg10[%get3A_287] {strides = array<i32>} : memref<1024xi32, #tpu.memory_space<vmem>>, vector<16xi32>,
    %slice3A_289 = vector.extract_strided_slice %get3A_288 {offsets = [0], sizes = [1], strides = [1]} : vector<16xi32> to vector<1xi32>
    %squeeze3A_290 = vector.extract %slice3A_289[0] : i32 from vector<1xi32>
    %slice3A_291 = vector.extract_strided_slice %get3A_288 {offsets = [15], sizes = [1], strides = [1]} : vector<16xi32> to vector<1xi32>
    %squeeze3A_292 = vector.extract %slice3A_291[0] : i32 from vector<1xi32>
    %eq3A_293 = arith.cmpi eq, %squeeze3A_290, %squeeze3A_292 : i32
    %convert_element_type3A_294 = arith.extui %eq3A_293 : i1 to i32
    %cond3A_295 = arith.constant 0 : i32
    %cond3A_296 = arith.cmpi ne, %convert_element_type3A_294, %cond3A_295 : i32
    scf.if %cond3A_296 {
      %reduce_sum3A = arith.constant true
      %reduce_sum3A_1459 = vector.broadcast %reduce_sum3A : i1 to vector<16xi1>
      %reduce_sum3A_1460 = tpu.scan <sum>, %exp3A_283 masked %reduce_sum3A_1459 : vector<16xf32>, vector<16xi1> -> vector<16xf32>
      %reduce_sum3A_1461 = vector.extract %reduce_sum3A_1460[15] : f32 from vector<16xf32>
      %reduce_sum3A_1462 = arith.constant true
      %reduce_sum3A_1463 = vector.broadcast %reduce_sum3A_1462 : i1 to vector<16xi1>
      %reduce_sum3A_1464 = tpu.scan <sum>, %mul3A_286 masked %reduce_sum3A_1463 : vector<16xf32>, vector<16xi1> -> vector<16xf32>
      %reduce_sum3A_1465 = vector.extract %reduce_sum3A_1464[15] : f32 from vector<16xf32>
      %eq3A_1466 = vector.broadcast %squeeze3A_290 : i32 to vector<16xi32>
      %eq3A_1467 = arith.cmpi eq, %iota3A, %eq3A_1466 : vector<16xi32>
      %get3A_1468 = arith.constant 0 : index
      %get3A_1469 = tpu.vector_load %arg13[%get3A_1468] {strides = array<i32>} : memref<16xf32, #tpu.memory_space<vmem>>, vector<16xf32>,
      %jit3A = arith.constant 0.000000e+00 : f32
      %broadcast_in_dim3A_1470 = vector.broadcast %reduce_sum3A_1461 : f32 to vector<16xf32>
      %broadcast_in_dim3A_1471 = vector.broadcast %jit3A : f32 to vector<16xf32>
      %select_n3A = arith.select %eq3A_1467, %broadcast_in_dim3A_1470, %broadcast_in_dim3A_1471 : vector<16xi1>, vector<16xf32>
      %add3A_1472 = arith.addf %get3A_1469, %select_n3A : vector<16xf32>
      %swap3A_1473 = arith.constant 0 : index
      %swap3A_1474 = tpu.vector_load %arg13[%swap3A_1473] {strides = array<i32>} : memref<16xf32, #tpu.memory_space<vmem>>, vector<16xf32>,
      tpu.vector_store %arg13[%swap3A_1473], %add3A_1472 {strides = array<i32>} : memref<16xf32, #tpu.memory_space<vmem>>, vector<16xf32>,
      %get3A_1475 = arith.constant 0 : index
      %get3A_1476 = tpu.vector_load %arg14[%get3A_1475] {strides = array<i32>} : memref<16xf32, #tpu.memory_space<vmem>>, vector<16xf32>,
      %jit3A_1477 = arith.constant 0.000000e+00 : f32
      %broadcast_in_dim3A_1478 = vector.broadcast %reduce_sum3A_1465 : f32 to vector<16xf32>
      %broadcast_in_dim3A_1479 = vector.broadcast %jit3A_1477 : f32 to vector<16xf32>
      %select_n3A_1480 = arith.select %eq3A_1467, %broadcast_in_dim3A_1478, %broadcast_in_dim3A_1479 : vector<16xi1>, vector<16xf32>
      %add3A_1481 = arith.addf %get3A_1476, %select_n3A_1480 : vector<16xf32>
      %swap3A_1482 = arith.constant 0 : index
      %swap3A_1483 = tpu.vector_load %arg14[%swap3A_1482] {strides = array<i32>} : memref<16xf32, #tpu.memory_space<vmem>>, vector<16xf32>,
      tpu.vector_store %arg14[%swap3A_1482], %add3A_1481 {strides = array<i32>} : memref<16xf32, #tpu.memory_space<vmem>>, vector<16xf32>,
    } else {
    }
    %not3A_297 = arith.constant true
    %not3A_298 = arith.xori %eq3A_293, %not3A_297 : i1
    %convert_element_type3A_299 = arith.extui %not3A_298 : i1 to i32
    %cond3A_300 = arith.constant 0 : i32
    %cond3A_301 = arith.cmpi ne, %convert_element_type3A_299, %cond3A_300 : i32
    scf.if %cond3A_301 {
      tpu.vector_store_idx %arg13[%get3A_288], %exp3A_283 {add = true} : memref<16xf32, #tpu.memory_space<vmem>>[vector<16xi32>], vector<16xf32>,
      tpu.vector_store_idx %arg14[%get3A_288], %mul3A_286 {add = true} : memref<16xf32, #tpu.memory_space<vmem>>[vector<16xi32>], vector<16xf32>,
    } else {
    }
    %get3A_302 = arith.constant 176 : index
    %get3A_303 = tpu.vector_load %arg11[%get3A_302] {strides = array<i32>} : memref<1024xf32, #tpu.memory_space<vmem>>, vector<16xf32>,
    %exp3A_304 = math.exp %get3A_303 : vector<16xf32>
    %get3A_305 = arith.constant 176 : index
    %get3A_306 = tpu.vector_load %arg12[%get3A_305] {strides = array<i32>} : memref<1024xf32, #tpu.memory_space<vmem>>, vector<16xf32>,
    %mul3A_307 = arith.mulf %exp3A_304, %get3A_306 : vector<16xf32>
    %get3A_308 = arith.constant 176 : index
    %get3A_309 = tpu.vector_load %arg10[%get3A_308] {strides = array<i32>} : memref<1024xi32, #tpu.memory_space<vmem>>, vector<16xi32>,
    %slice3A_310 = vector.extract_strided_slice %get3A_309 {offsets = [0], sizes = [1], strides = [1]} : vector<16xi32> to vector<1xi32>
    %squeeze3A_311 = vector.extract %slice3A_310[0] : i32 from vector<1xi32>
    %slice3A_312 = vector.extract_strided_slice %get3A_309 {offsets = [15], sizes = [1], strides = [1]} : vector<16xi32> to vector<1xi32>
    %squeeze3A_313 = vector.extract %slice3A_312[0] : i32 from vector<1xi32>
    %eq3A_314 = arith.cmpi eq, %squeeze3A_311, %squeeze3A_313 : i32
    %convert_element_type3A_315 = arith.extui %eq3A_314 : i1 to i32
    %cond3A_316 = arith.constant 0 : i32
    %cond3A_317 = arith.cmpi ne, %convert_element_type3A_315, %cond3A_316 : i32
    scf.if %cond3A_317 {
      %reduce_sum3A = arith.constant true
      %reduce_sum3A_1459 = vector.broadcast %reduce_sum3A : i1 to vector<16xi1>
      %reduce_sum3A_1460 = tpu.scan <sum>, %exp3A_304 masked %reduce_sum3A_1459 : vector<16xf32>, vector<16xi1> -> vector<16xf32>
      %reduce_sum3A_1461 = vector.extract %reduce_sum3A_1460[15] : f32 from vector<16xf32>
      %reduce_sum3A_1462 = arith.constant true
      %reduce_sum3A_1463 = vector.broadcast %reduce_sum3A_1462 : i1 to vector<16xi1>
      %reduce_sum3A_1464 = tpu.scan <sum>, %mul3A_307 masked %reduce_sum3A_1463 : vector<16xf32>, vector<16xi1> -> vector<16xf32>
      %reduce_sum3A_1465 = vector.extract %reduce_sum3A_1464[15] : f32 from vector<16xf32>
      %eq3A_1466 = vector.broadcast %squeeze3A_311 : i32 to vector<16xi32>
      %eq3A_1467 = arith.cmpi eq, %iota3A, %eq3A_1466 : vector<16xi32>
      %get3A_1468 = arith.constant 0 : index
      %get3A_1469 = tpu.vector_load %arg13[%get3A_1468] {strides = array<i32>} : memref<16xf32, #tpu.memory_space<vmem>>, vector<16xf32>,
      %jit3A = arith.constant 0.000000e+00 : f32
      %broadcast_in_dim3A_1470 = vector.broadcast %reduce_sum3A_1461 : f32 to vector<16xf32>
      %broadcast_in_dim3A_1471 = vector.broadcast %jit3A : f32 to vector<16xf32>
      %select_n3A = arith.select %eq3A_1467, %broadcast_in_dim3A_1470, %broadcast_in_dim3A_1471 : vector<16xi1>, vector<16xf32>
      %add3A_1472 = arith.addf %get3A_1469, %select_n3A : vector<16xf32>
      %swap3A_1473 = arith.constant 0 : index
      %swap3A_1474 = tpu.vector_load %arg13[%swap3A_1473] {strides = array<i32>} : memref<16xf32, #tpu.memory_space<vmem>>, vector<16xf32>,
      tpu.vector_store %arg13[%swap3A_1473], %add3A_1472 {strides = array<i32>} : memref<16xf32, #tpu.memory_space<vmem>>, vector<16xf32>,
      %get3A_1475 = arith.constant 0 : index
      %get3A_1476 = tpu.vector_load %arg14[%get3A_1475] {strides = array<i32>} : memref<16xf32, #tpu.memory_space<vmem>>, vector<16xf32>,
      %jit3A_1477 = arith.constant 0.000000e+00 : f32
      %broadcast_in_dim3A_1478 = vector.broadcast %reduce_sum3A_1465 : f32 to vector<16xf32>
      %broadcast_in_dim3A_1479 = vector.broadcast %jit3A_1477 : f32 to vector<16xf32>
      %select_n3A_1480 = arith.select %eq3A_1467, %broadcast_in_dim3A_1478, %broadcast_in_dim3A_1479 : vector<16xi1>, vector<16xf32>
      %add3A_1481 = arith.addf %get3A_1476, %select_n3A_1480 : vector<16xf32>
      %swap3A_1482 = arith.constant 0 : index
      %swap3A_1483 = tpu.vector_load %arg14[%swap3A_1482] {strides = array<i32>} : memref<16xf32, #tpu.memory_space<vmem>>, vector<16xf32>,
      tpu.vector_store %arg14[%swap3A_1482], %add3A_1481 {strides = array<i32>} : memref<16xf32, #tpu.memory_space<vmem>>, vector<16xf32>,
    } else {
    }
    %not3A_318 = arith.constant true
    %not3A_319 = arith.xori %eq3A_314, %not3A_318 : i1
    %convert_element_type3A_320 = arith.extui %not3A_319 : i1 to i32
    %cond3A_321 = arith.constant 0 : i32
    %cond3A_322 = arith.cmpi ne, %convert_element_type3A_320, %cond3A_321 : i32
    scf.if %cond3A_322 {
      tpu.vector_store_idx %arg13[%get3A_309], %exp3A_304 {add = true} : memref<16xf32, #tpu.memory_space<vmem>>[vector<16xi32>], vector<16xf32>,
      tpu.vector_store_idx %arg14[%get3A_309], %mul3A_307 {add = true} : memref<16xf32, #tpu.memory_space<vmem>>[vector<16xi32>], vector<16xf32>,
    } else {
    }
    %get3A_323 = arith.constant 192 : index
    %get3A_324 = tpu.vector_load %arg11[%get3A_323] {strides = array<i32>} : memref<1024xf32, #tpu.memory_space<vmem>>, vector<16xf32>,
    %exp3A_325 = math.exp %get3A_324 : vector<16xf32>
    %get3A_326 = arith.constant 192 : index
    %get3A_327 = tpu.vector_load %arg12[%get3A_326] {strides = array<i32>} : memref<1024xf32, #tpu.memory_space<vmem>>, vector<16xf32>,
    %mul3A_328 = arith.mulf %exp3A_325, %get3A_327 : vector<16xf32>
    %get3A_329 = arith.constant 192 : index
    %get3A_330 = tpu.vector_load %arg10[%get3A_329] {strides = array<i32>} : memref<1024xi32, #tpu.memory_space<vmem>>, vector<16xi32>,
    %slice3A_331 = vector.extract_strided_slice %get3A_330 {offsets = [0], sizes = [1], strides = [1]} : vector<16xi32> to vector<1xi32>
    %squeeze3A_332 = vector.extract %slice3A_331[0] : i32 from vector<1xi32>
    %slice3A_333 = vector.extract_strided_slice %get3A_330 {offsets = [15], sizes = [1], strides = [1]} : vector<16xi32> to vector<1xi32>
    %squeeze3A_334 = vector.extract %slice3A_333[0] : i32 from vector<1xi32>
    %eq3A_335 = arith.cmpi eq, %squeeze3A_332, %squeeze3A_334 : i32
    %convert_element_type3A_336 = arith.extui %eq3A_335 : i1 to i32
    %cond3A_337 = arith.constant 0 : i32
    %cond3A_338 = arith.cmpi ne, %convert_element_type3A_336, %cond3A_337 : i32
    scf.if %cond3A_338 {
      %reduce_sum3A = arith.constant true
      %reduce_sum3A_1459 = vector.broadcast %reduce_sum3A : i1 to vector<16xi1>
      %reduce_sum3A_1460 = tpu.scan <sum>, %exp3A_325 masked %reduce_sum3A_1459 : vector<16xf32>, vector<16xi1> -> vector<16xf32>
      %reduce_sum3A_1461 = vector.extract %reduce_sum3A_1460[15] : f32 from vector<16xf32>
      %reduce_sum3A_1462 = arith.constant true
      %reduce_sum3A_1463 = vector.broadcast %reduce_sum3A_1462 : i1 to vector<16xi1>
      %reduce_sum3A_1464 = tpu.scan <sum>, %mul3A_328 masked %reduce_sum3A_1463 : vector<16xf32>, vector<16xi1> -> vector<16xf32>
      %reduce_sum3A_1465 = vector.extract %reduce_sum3A_1464[15] : f32 from vector<16xf32>
      %eq3A_1466 = vector.broadcast %squeeze3A_332 : i32 to vector<16xi32>
      %eq3A_1467 = arith.cmpi eq, %iota3A, %eq3A_1466 : vector<16xi32>
      %get3A_1468 = arith.constant 0 : index
      %get3A_1469 = tpu.vector_load %arg13[%get3A_1468] {strides = array<i32>} : memref<16xf32, #tpu.memory_space<vmem>>, vector<16xf32>,
      %jit3A = arith.constant 0.000000e+00 : f32
      %broadcast_in_dim3A_1470 = vector.broadcast %reduce_sum3A_1461 : f32 to vector<16xf32>
      %broadcast_in_dim3A_1471 = vector.broadcast %jit3A : f32 to vector<16xf32>
      %select_n3A = arith.select %eq3A_1467, %broadcast_in_dim3A_1470, %broadcast_in_dim3A_1471 : vector<16xi1>, vector<16xf32>
      %add3A_1472 = arith.addf %get3A_1469, %select_n3A : vector<16xf32>
      %swap3A_1473 = arith.constant 0 : index
      %swap3A_1474 = tpu.vector_load %arg13[%swap3A_1473] {strides = array<i32>} : memref<16xf32, #tpu.memory_space<vmem>>, vector<16xf32>,
      tpu.vector_store %arg13[%swap3A_1473], %add3A_1472 {strides = array<i32>} : memref<16xf32, #tpu.memory_space<vmem>>, vector<16xf32>,
      %get3A_1475 = arith.constant 0 : index
      %get3A_1476 = tpu.vector_load %arg14[%get3A_1475] {strides = array<i32>} : memref<16xf32, #tpu.memory_space<vmem>>, vector<16xf32>,
      %jit3A_1477 = arith.constant 0.000000e+00 : f32
      %broadcast_in_dim3A_1478 = vector.broadcast %reduce_sum3A_1465 : f32 to vector<16xf32>
      %broadcast_in_dim3A_1479 = vector.broadcast %jit3A_1477 : f32 to vector<16xf32>
      %select_n3A_1480 = arith.select %eq3A_1467, %broadcast_in_dim3A_1478, %broadcast_in_dim3A_1479 : vector<16xi1>, vector<16xf32>
      %add3A_1481 = arith.addf %get3A_1476, %select_n3A_1480 : vector<16xf32>
      %swap3A_1482 = arith.constant 0 : index
      %swap3A_1483 = tpu.vector_load %arg14[%swap3A_1482] {strides = array<i32>} : memref<16xf32, #tpu.memory_space<vmem>>, vector<16xf32>,
      tpu.vector_store %arg14[%swap3A_1482], %add3A_1481 {strides = array<i32>} : memref<16xf32, #tpu.memory_space<vmem>>, vector<16xf32>,
    } else {
    }
    %not3A_339 = arith.constant true
    %not3A_340 = arith.xori %eq3A_335, %not3A_339 : i1
    %convert_element_type3A_341 = arith.extui %not3A_340 : i1 to i32
    %cond3A_342 = arith.constant 0 : i32
    %cond3A_343 = arith.cmpi ne, %convert_element_type3A_341, %cond3A_342 : i32
    scf.if %cond3A_343 {
      tpu.vector_store_idx %arg13[%get3A_330], %exp3A_325 {add = true} : memref<16xf32, #tpu.memory_space<vmem>>[vector<16xi32>], vector<16xf32>,
      tpu.vector_store_idx %arg14[%get3A_330], %mul3A_328 {add = true} : memref<16xf32, #tpu.memory_space<vmem>>[vector<16xi32>], vector<16xf32>,
    } else {
    }
    %get3A_344 = arith.constant 208 : index
    %get3A_345 = tpu.vector_load %arg11[%get3A_344] {strides = array<i32>} : memref<1024xf32, #tpu.memory_space<vmem>>, vector<16xf32>,
    %exp3A_346 = math.exp %get3A_345 : vector<16xf32>
    %get3A_347 = arith.constant 208 : index
    %get3A_348 = tpu.vector_load %arg12[%get3A_347] {strides = array<i32>} : memref<1024xf32, #tpu.memory_space<vmem>>, vector<16xf32>,
    %mul3A_349 = arith.mulf %exp3A_346, %get3A_348 : vector<16xf32>
    %get3A_350 = arith.constant 208 : index
    %get3A_351 = tpu.vector_load %arg10[%get3A_350] {strides = array<i32>} : memref<1024xi32, #tpu.memory_space<vmem>>, vector<16xi32>,
    %slice3A_352 = vector.extract_strided_slice %get3A_351 {offsets = [0], sizes = [1], strides = [1]} : vector<16xi32> to vector<1xi32>
    %squeeze3A_353 = vector.extract %slice3A_352[0] : i32 from vector<1xi32>
    %slice3A_354 = vector.extract_strided_slice %get3A_351 {offsets = [15], sizes = [1], strides = [1]} : vector<16xi32> to vector<1xi32>
    %squeeze3A_355 = vector.extract %slice3A_354[0] : i32 from vector<1xi32>
    %eq3A_356 = arith.cmpi eq, %squeeze3A_353, %squeeze3A_355 : i32
    %convert_element_type3A_357 = arith.extui %eq3A_356 : i1 to i32
    %cond3A_358 = arith.constant 0 : i32
    %cond3A_359 = arith.cmpi ne, %convert_element_type3A_357, %cond3A_358 : i32
    scf.if %cond3A_359 {
      %reduce_sum3A = arith.constant true
      %reduce_sum3A_1459 = vector.broadcast %reduce_sum3A : i1 to vector<16xi1>
      %reduce_sum3A_1460 = tpu.scan <sum>, %exp3A_346 masked %reduce_sum3A_1459 : vector<16xf32>, vector<16xi1> -> vector<16xf32>
      %reduce_sum3A_1461 = vector.extract %reduce_sum3A_1460[15] : f32 from vector<16xf32>
      %reduce_sum3A_1462 = arith.constant true
      %reduce_sum3A_1463 = vector.broadcast %reduce_sum3A_1462 : i1 to vector<16xi1>
      %reduce_sum3A_1464 = tpu.scan <sum>, %mul3A_349 masked %reduce_sum3A_1463 : vector<16xf32>, vector<16xi1> -> vector<16xf32>
      %reduce_sum3A_1465 = vector.extract %reduce_sum3A_1464[15] : f32 from vector<16xf32>
      %eq3A_1466 = vector.broadcast %squeeze3A_353 : i32 to vector<16xi32>
      %eq3A_1467 = arith.cmpi eq, %iota3A, %eq3A_1466 : vector<16xi32>
      %get3A_1468 = arith.constant 0 : index
      %get3A_1469 = tpu.vector_load %arg13[%get3A_1468] {strides = array<i32>} : memref<16xf32, #tpu.memory_space<vmem>>, vector<16xf32>,
      %jit3A = arith.constant 0.000000e+00 : f32
      %broadcast_in_dim3A_1470 = vector.broadcast %reduce_sum3A_1461 : f32 to vector<16xf32>
      %broadcast_in_dim3A_1471 = vector.broadcast %jit3A : f32 to vector<16xf32>
      %select_n3A = arith.select %eq3A_1467, %broadcast_in_dim3A_1470, %broadcast_in_dim3A_1471 : vector<16xi1>, vector<16xf32>
      %add3A_1472 = arith.addf %get3A_1469, %select_n3A : vector<16xf32>
      %swap3A_1473 = arith.constant 0 : index
      %swap3A_1474 = tpu.vector_load %arg13[%swap3A_1473] {strides = array<i32>} : memref<16xf32, #tpu.memory_space<vmem>>, vector<16xf32>,
      tpu.vector_store %arg13[%swap3A_1473], %add3A_1472 {strides = array<i32>} : memref<16xf32, #tpu.memory_space<vmem>>, vector<16xf32>,
      %get3A_1475 = arith.constant 0 : index
      %get3A_1476 = tpu.vector_load %arg14[%get3A_1475] {strides = array<i32>} : memref<16xf32, #tpu.memory_space<vmem>>, vector<16xf32>,
      %jit3A_1477 = arith.constant 0.000000e+00 : f32
      %broadcast_in_dim3A_1478 = vector.broadcast %reduce_sum3A_1465 : f32 to vector<16xf32>
      %broadcast_in_dim3A_1479 = vector.broadcast %jit3A_1477 : f32 to vector<16xf32>
      %select_n3A_1480 = arith.select %eq3A_1467, %broadcast_in_dim3A_1478, %broadcast_in_dim3A_1479 : vector<16xi1>, vector<16xf32>
      %add3A_1481 = arith.addf %get3A_1476, %select_n3A_1480 : vector<16xf32>
      %swap3A_1482 = arith.constant 0 : index
      %swap3A_1483 = tpu.vector_load %arg14[%swap3A_1482] {strides = array<i32>} : memref<16xf32, #tpu.memory_space<vmem>>, vector<16xf32>,
      tpu.vector_store %arg14[%swap3A_1482], %add3A_1481 {strides = array<i32>} : memref<16xf32, #tpu.memory_space<vmem>>, vector<16xf32>,
    } else {
    }
    %not3A_360 = arith.constant true
    %not3A_361 = arith.xori %eq3A_356, %not3A_360 : i1
    %convert_element_type3A_362 = arith.extui %not3A_361 : i1 to i32
    %cond3A_363 = arith.constant 0 : i32
    %cond3A_364 = arith.cmpi ne, %convert_element_type3A_362, %cond3A_363 : i32
    scf.if %cond3A_364 {
      tpu.vector_store_idx %arg13[%get3A_351], %exp3A_346 {add = true} : memref<16xf32, #tpu.memory_space<vmem>>[vector<16xi32>], vector<16xf32>,
      tpu.vector_store_idx %arg14[%get3A_351], %mul3A_349 {add = true} : memref<16xf32, #tpu.memory_space<vmem>>[vector<16xi32>], vector<16xf32>,
    } else {
    }
    %get3A_365 = arith.constant 224 : index
    %get3A_366 = tpu.vector_load %arg11[%get3A_365] {strides = array<i32>} : memref<1024xf32, #tpu.memory_space<vmem>>, vector<16xf32>,
    %exp3A_367 = math.exp %get3A_366 : vector<16xf32>
    %get3A_368 = arith.constant 224 : index
    %get3A_369 = tpu.vector_load %arg12[%get3A_368] {strides = array<i32>} : memref<1024xf32, #tpu.memory_space<vmem>>, vector<16xf32>,
    %mul3A_370 = arith.mulf %exp3A_367, %get3A_369 : vector<16xf32>
    %get3A_371 = arith.constant 224 : index
    %get3A_372 = tpu.vector_load %arg10[%get3A_371] {strides = array<i32>} : memref<1024xi32, #tpu.memory_space<vmem>>, vector<16xi32>,
    %slice3A_373 = vector.extract_strided_slice %get3A_372 {offsets = [0], sizes = [1], strides = [1]} : vector<16xi32> to vector<1xi32>
    %squeeze3A_374 = vector.extract %slice3A_373[0] : i32 from vector<1xi32>
    %slice3A_375 = vector.extract_strided_slice %get3A_372 {offsets = [15], sizes = [1], strides = [1]} : vector<16xi32> to vector<1xi32>
    %squeeze3A_376 = vector.extract %slice3A_375[0] : i32 from vector<1xi32>
    %eq3A_377 = arith.cmpi eq, %squeeze3A_374, %squeeze3A_376 : i32
    %convert_element_type3A_378 = arith.extui %eq3A_377 : i1 to i32
    %cond3A_379 = arith.constant 0 : i32
    %cond3A_380 = arith.cmpi ne, %convert_element_type3A_378, %cond3A_379 : i32
    scf.if %cond3A_380 {
      %reduce_sum3A = arith.constant true
      %reduce_sum3A_1459 = vector.broadcast %reduce_sum3A : i1 to vector<16xi1>
      %reduce_sum3A_1460 = tpu.scan <sum>, %exp3A_367 masked %reduce_sum3A_1459 : vector<16xf32>, vector<16xi1> -> vector<16xf32>
      %reduce_sum3A_1461 = vector.extract %reduce_sum3A_1460[15] : f32 from vector<16xf32>
      %reduce_sum3A_1462 = arith.constant true
      %reduce_sum3A_1463 = vector.broadcast %reduce_sum3A_1462 : i1 to vector<16xi1>
      %reduce_sum3A_1464 = tpu.scan <sum>, %mul3A_370 masked %reduce_sum3A_1463 : vector<16xf32>, vector<16xi1> -> vector<16xf32>
      %reduce_sum3A_1465 = vector.extract %reduce_sum3A_1464[15] : f32 from vector<16xf32>
      %eq3A_1466 = vector.broadcast %squeeze3A_374 : i32 to vector<16xi32>
      %eq3A_1467 = arith.cmpi eq, %iota3A, %eq3A_1466 : vector<16xi32>
      %get3A_1468 = arith.constant 0 : index
      %get3A_1469 = tpu.vector_load %arg13[%get3A_1468] {strides = array<i32>} : memref<16xf32, #tpu.memory_space<vmem>>, vector<16xf32>,
      %jit3A = arith.constant 0.000000e+00 : f32
      %broadcast_in_dim3A_1470 = vector.broadcast %reduce_sum3A_1461 : f32 to vector<16xf32>
      %broadcast_in_dim3A_1471 = vector.broadcast %jit3A : f32 to vector<16xf32>
      %select_n3A = arith.select %eq3A_1467, %broadcast_in_dim3A_1470, %broadcast_in_dim3A_1471 : vector<16xi1>, vector<16xf32>
      %add3A_1472 = arith.addf %get3A_1469, %select_n3A : vector<16xf32>
      %swap3A_1473 = arith.constant 0 : index
      %swap3A_1474 = tpu.vector_load %arg13[%swap3A_1473] {strides = array<i32>} : memref<16xf32, #tpu.memory_space<vmem>>, vector<16xf32>,
      tpu.vector_store %arg13[%swap3A_1473], %add3A_1472 {strides = array<i32>} : memref<16xf32, #tpu.memory_space<vmem>>, vector<16xf32>,
      %get3A_1475 = arith.constant 0 : index
      %get3A_1476 = tpu.vector_load %arg14[%get3A_1475] {strides = array<i32>} : memref<16xf32, #tpu.memory_space<vmem>>, vector<16xf32>,
      %jit3A_1477 = arith.constant 0.000000e+00 : f32
      %broadcast_in_dim3A_1478 = vector.broadcast %reduce_sum3A_1465 : f32 to vector<16xf32>
      %broadcast_in_dim3A_1479 = vector.broadcast %jit3A_1477 : f32 to vector<16xf32>
      %select_n3A_1480 = arith.select %eq3A_1467, %broadcast_in_dim3A_1478, %broadcast_in_dim3A_1479 : vector<16xi1>, vector<16xf32>
      %add3A_1481 = arith.addf %get3A_1476, %select_n3A_1480 : vector<16xf32>
      %swap3A_1482 = arith.constant 0 : index
      %swap3A_1483 = tpu.vector_load %arg14[%swap3A_1482] {strides = array<i32>} : memref<16xf32, #tpu.memory_space<vmem>>, vector<16xf32>,
      tpu.vector_store %arg14[%swap3A_1482], %add3A_1481 {strides = array<i32>} : memref<16xf32, #tpu.memory_space<vmem>>, vector<16xf32>,
    } else {
    }
    %not3A_381 = arith.constant true
    %not3A_382 = arith.xori %eq3A_377, %not3A_381 : i1
    %convert_element_type3A_383 = arith.extui %not3A_382 : i1 to i32
    %cond3A_384 = arith.constant 0 : i32
    %cond3A_385 = arith.cmpi ne, %convert_element_type3A_383, %cond3A_384 : i32
    scf.if %cond3A_385 {
      tpu.vector_store_idx %arg13[%get3A_372], %exp3A_367 {add = true} : memref<16xf32, #tpu.memory_space<vmem>>[vector<16xi32>], vector<16xf32>,
      tpu.vector_store_idx %arg14[%get3A_372], %mul3A_370 {add = true} : memref<16xf32, #tpu.memory_space<vmem>>[vector<16xi32>], vector<16xf32>,
    } else {
    }
    %get3A_386 = arith.constant 240 : index
    %get3A_387 = tpu.vector_load %arg11[%get3A_386] {strides = array<i32>} : memref<1024xf32, #tpu.memory_space<vmem>>, vector<16xf32>,
    %exp3A_388 = math.exp %get3A_387 : vector<16xf32>
    %get3A_389 = arith.constant 240 : index
    %get3A_390 = tpu.vector_load %arg12[%get3A_389] {strides = array<i32>} : memref<1024xf32, #tpu.memory_space<vmem>>, vector<16xf32>,
    %mul3A_391 = arith.mulf %exp3A_388, %get3A_390 : vector<16xf32>
    %get3A_392 = arith.constant 240 : index
    %get3A_393 = tpu.vector_load %arg10[%get3A_392] {strides = array<i32>} : memref<1024xi32, #tpu.memory_space<vmem>>, vector<16xi32>,
    %slice3A_394 = vector.extract_strided_slice %get3A_393 {offsets = [0], sizes = [1], strides = [1]} : vector<16xi32> to vector<1xi32>
    %squeeze3A_395 = vector.extract %slice3A_394[0] : i32 from vector<1xi32>
    %slice3A_396 = vector.extract_strided_slice %get3A_393 {offsets = [15], sizes = [1], strides = [1]} : vector<16xi32> to vector<1xi32>
    %squeeze3A_397 = vector.extract %slice3A_396[0] : i32 from vector<1xi32>
    %eq3A_398 = arith.cmpi eq, %squeeze3A_395, %squeeze3A_397 : i32
    %convert_element_type3A_399 = arith.extui %eq3A_398 : i1 to i32
    %cond3A_400 = arith.constant 0 : i32
    %cond3A_401 = arith.cmpi ne, %convert_element_type3A_399, %cond3A_400 : i32
    scf.if %cond3A_401 {
      %reduce_sum3A = arith.constant true
      %reduce_sum3A_1459 = vector.broadcast %reduce_sum3A : i1 to vector<16xi1>
      %reduce_sum3A_1460 = tpu.scan <sum>, %exp3A_388 masked %reduce_sum3A_1459 : vector<16xf32>, vector<16xi1> -> vector<16xf32>
      %reduce_sum3A_1461 = vector.extract %reduce_sum3A_1460[15] : f32 from vector<16xf32>
      %reduce_sum3A_1462 = arith.constant true
      %reduce_sum3A_1463 = vector.broadcast %reduce_sum3A_1462 : i1 to vector<16xi1>
      %reduce_sum3A_1464 = tpu.scan <sum>, %mul3A_391 masked %reduce_sum3A_1463 : vector<16xf32>, vector<16xi1> -> vector<16xf32>
      %reduce_sum3A_1465 = vector.extract %reduce_sum3A_1464[15] : f32 from vector<16xf32>
      %eq3A_1466 = vector.broadcast %squeeze3A_395 : i32 to vector<16xi32>
      %eq3A_1467 = arith.cmpi eq, %iota3A, %eq3A_1466 : vector<16xi32>
      %get3A_1468 = arith.constant 0 : index
      %get3A_1469 = tpu.vector_load %arg13[%get3A_1468] {strides = array<i32>} : memref<16xf32, #tpu.memory_space<vmem>>, vector<16xf32>,
      %jit3A = arith.constant 0.000000e+00 : f32
      %broadcast_in_dim3A_1470 = vector.broadcast %reduce_sum3A_1461 : f32 to vector<16xf32>
      %broadcast_in_dim3A_1471 = vector.broadcast %jit3A : f32 to vector<16xf32>
      %select_n3A = arith.select %eq3A_1467, %broadcast_in_dim3A_1470, %broadcast_in_dim3A_1471 : vector<16xi1>, vector<16xf32>
      %add3A_1472 = arith.addf %get3A_1469, %select_n3A : vector<16xf32>
      %swap3A_1473 = arith.constant 0 : index
      %swap3A_1474 = tpu.vector_load %arg13[%swap3A_1473] {strides = array<i32>} : memref<16xf32, #tpu.memory_space<vmem>>, vector<16xf32>,
      tpu.vector_store %arg13[%swap3A_1473], %add3A_1472 {strides = array<i32>} : memref<16xf32, #tpu.memory_space<vmem>>, vector<16xf32>,
      %get3A_1475 = arith.constant 0 : index
      %get3A_1476 = tpu.vector_load %arg14[%get3A_1475] {strides = array<i32>} : memref<16xf32, #tpu.memory_space<vmem>>, vector<16xf32>,
      %jit3A_1477 = arith.constant 0.000000e+00 : f32
      %broadcast_in_dim3A_1478 = vector.broadcast %reduce_sum3A_1465 : f32 to vector<16xf32>
      %broadcast_in_dim3A_1479 = vector.broadcast %jit3A_1477 : f32 to vector<16xf32>
      %select_n3A_1480 = arith.select %eq3A_1467, %broadcast_in_dim3A_1478, %broadcast_in_dim3A_1479 : vector<16xi1>, vector<16xf32>
      %add3A_1481 = arith.addf %get3A_1476, %select_n3A_1480 : vector<16xf32>
      %swap3A_1482 = arith.constant 0 : index
      %swap3A_1483 = tpu.vector_load %arg14[%swap3A_1482] {strides = array<i32>} : memref<16xf32, #tpu.memory_space<vmem>>, vector<16xf32>,
      tpu.vector_store %arg14[%swap3A_1482], %add3A_1481 {strides = array<i32>} : memref<16xf32, #tpu.memory_space<vmem>>, vector<16xf32>,
    } else {
    }
    %not3A_402 = arith.constant true
    %not3A_403 = arith.xori %eq3A_398, %not3A_402 : i1
    %convert_element_type3A_404 = arith.extui %not3A_403 : i1 to i32
    %cond3A_405 = arith.constant 0 : i32
    %cond3A_406 = arith.cmpi ne, %convert_element_type3A_404, %cond3A_405 : i32
    scf.if %cond3A_406 {
      tpu.vector_store_idx %arg13[%get3A_393], %exp3A_388 {add = true} : memref<16xf32, #tpu.memory_space<vmem>>[vector<16xi32>], vector<16xf32>,
      tpu.vector_store_idx %arg14[%get3A_393], %mul3A_391 {add = true} : memref<16xf32, #tpu.memory_space<vmem>>[vector<16xi32>], vector<16xf32>,
    } else {
    }
    %dma_wait3A_407 = arith.constant 256 : i32
    %dma_wait3A_408 = tpu.memref_slice %arg11[%dma_wait3A_407] : memref<1024xf32, #tpu.memory_space<vmem>> -> memref<256xf32, #tpu.memory_space<vmem>>
    %dma_wait3A_409 = arith.constant 256 : i32
    %dma_wait3A_410 = tpu.memref_slice %arg8[%dma_wait3A_409] : memref<1024xi32, #tpu.memory_space<vmem>> -> memref<256xi32, #tpu.memory_space<vmem>>
    %dma_wait3A_411 = arith.constant 0 : i32
    %dma_wait3A_412 = tpu.memref_slice %arg5[%dma_wait3A_411] : memref<100000xf32, #tpu.memory_space<hbm>> -> memref<100000xf32, #tpu.memory_space<hbm>>
    tpu.wait_indirect_dma semaphore(%arg19 : memref<!tpu.dma_semaphore, #tpu.memory_space<semaphore_mem>>) src(%dma_wait3A_412 : memref<100000xf32, #tpu.memory_space<hbm>>) dst(%dma_wait3A_408 : memref<256xf32, #tpu.memory_space<vmem>>)
    %dma_wait3A_413 = arith.constant 256 : i32
    %dma_wait3A_414 = tpu.memref_slice %arg12[%dma_wait3A_413] : memref<1024xf32, #tpu.memory_space<vmem>> -> memref<256xf32, #tpu.memory_space<vmem>>
    %dma_wait3A_415 = arith.constant 256 : i32
    %dma_wait3A_416 = tpu.memref_slice %arg9[%dma_wait3A_415] : memref<1024xi32, #tpu.memory_space<vmem>> -> memref<256xi32, #tpu.memory_space<vmem>>
    %dma_wait3A_417 = arith.constant 0 : i32
    %dma_wait3A_418 = tpu.memref_slice %arg6[%dma_wait3A_417] : memref<100000xf32, #tpu.memory_space<hbm>> -> memref<100000xf32, #tpu.memory_space<hbm>>
    tpu.wait_indirect_dma semaphore(%arg20 : memref<!tpu.dma_semaphore, #tpu.memory_space<semaphore_mem>>) src(%dma_wait3A_418 : memref<100000xf32, #tpu.memory_space<hbm>>) dst(%dma_wait3A_414 : memref<256xf32, #tpu.memory_space<vmem>>)
    %get3A_419 = arith.constant 256 : index
    %get3A_420 = tpu.vector_load %arg11[%get3A_419] {strides = array<i32>} : memref<1024xf32, #tpu.memory_space<vmem>>, vector<16xf32>,
    %exp3A_421 = math.exp %get3A_420 : vector<16xf32>
    %get3A_422 = arith.constant 256 : index
    %get3A_423 = tpu.vector_load %arg12[%get3A_422] {strides = array<i32>} : memref<1024xf32, #tpu.memory_space<vmem>>, vector<16xf32>,
    %mul3A_424 = arith.mulf %exp3A_421, %get3A_423 : vector<16xf32>
    %get3A_425 = arith.constant 256 : index
    %get3A_426 = tpu.vector_load %arg10[%get3A_425] {strides = array<i32>} : memref<1024xi32, #tpu.memory_space<vmem>>, vector<16xi32>,
    %slice3A_427 = vector.extract_strided_slice %get3A_426 {offsets = [0], sizes = [1], strides = [1]} : vector<16xi32> to vector<1xi32>
    %squeeze3A_428 = vector.extract %slice3A_427[0] : i32 from vector<1xi32>
    %slice3A_429 = vector.extract_strided_slice %get3A_426 {offsets = [15], sizes = [1], strides = [1]} : vector<16xi32> to vector<1xi32>
    %squeeze3A_430 = vector.extract %slice3A_429[0] : i32 from vector<1xi32>
    %eq3A_431 = arith.cmpi eq, %squeeze3A_428, %squeeze3A_430 : i32
    %convert_element_type3A_432 = arith.extui %eq3A_431 : i1 to i32
    %cond3A_433 = arith.constant 0 : i32
    %cond3A_434 = arith.cmpi ne, %convert_element_type3A_432, %cond3A_433 : i32
    scf.if %cond3A_434 {
      %reduce_sum3A = arith.constant true
      %reduce_sum3A_1459 = vector.broadcast %reduce_sum3A : i1 to vector<16xi1>
      %reduce_sum3A_1460 = tpu.scan <sum>, %exp3A_421 masked %reduce_sum3A_1459 : vector<16xf32>, vector<16xi1> -> vector<16xf32>
      %reduce_sum3A_1461 = vector.extract %reduce_sum3A_1460[15] : f32 from vector<16xf32>
      %reduce_sum3A_1462 = arith.constant true
      %reduce_sum3A_1463 = vector.broadcast %reduce_sum3A_1462 : i1 to vector<16xi1>
      %reduce_sum3A_1464 = tpu.scan <sum>, %mul3A_424 masked %reduce_sum3A_1463 : vector<16xf32>, vector<16xi1> -> vector<16xf32>
      %reduce_sum3A_1465 = vector.extract %reduce_sum3A_1464[15] : f32 from vector<16xf32>
      %eq3A_1466 = vector.broadcast %squeeze3A_428 : i32 to vector<16xi32>
      %eq3A_1467 = arith.cmpi eq, %iota3A, %eq3A_1466 : vector<16xi32>
      %get3A_1468 = arith.constant 0 : index
      %get3A_1469 = tpu.vector_load %arg13[%get3A_1468] {strides = array<i32>} : memref<16xf32, #tpu.memory_space<vmem>>, vector<16xf32>,
      %jit3A = arith.constant 0.000000e+00 : f32
      %broadcast_in_dim3A_1470 = vector.broadcast %reduce_sum3A_1461 : f32 to vector<16xf32>
      %broadcast_in_dim3A_1471 = vector.broadcast %jit3A : f32 to vector<16xf32>
      %select_n3A = arith.select %eq3A_1467, %broadcast_in_dim3A_1470, %broadcast_in_dim3A_1471 : vector<16xi1>, vector<16xf32>
      %add3A_1472 = arith.addf %get3A_1469, %select_n3A : vector<16xf32>
      %swap3A_1473 = arith.constant 0 : index
      %swap3A_1474 = tpu.vector_load %arg13[%swap3A_1473] {strides = array<i32>} : memref<16xf32, #tpu.memory_space<vmem>>, vector<16xf32>,
      tpu.vector_store %arg13[%swap3A_1473], %add3A_1472 {strides = array<i32>} : memref<16xf32, #tpu.memory_space<vmem>>, vector<16xf32>,
      %get3A_1475 = arith.constant 0 : index
      %get3A_1476 = tpu.vector_load %arg14[%get3A_1475] {strides = array<i32>} : memref<16xf32, #tpu.memory_space<vmem>>, vector<16xf32>,
      %jit3A_1477 = arith.constant 0.000000e+00 : f32
      %broadcast_in_dim3A_1478 = vector.broadcast %reduce_sum3A_1465 : f32 to vector<16xf32>
      %broadcast_in_dim3A_1479 = vector.broadcast %jit3A_1477 : f32 to vector<16xf32>
      %select_n3A_1480 = arith.select %eq3A_1467, %broadcast_in_dim3A_1478, %broadcast_in_dim3A_1479 : vector<16xi1>, vector<16xf32>
      %add3A_1481 = arith.addf %get3A_1476, %select_n3A_1480 : vector<16xf32>
      %swap3A_1482 = arith.constant 0 : index
      %swap3A_1483 = tpu.vector_load %arg14[%swap3A_1482] {strides = array<i32>} : memref<16xf32, #tpu.memory_space<vmem>>, vector<16xf32>,
      tpu.vector_store %arg14[%swap3A_1482], %add3A_1481 {strides = array<i32>} : memref<16xf32, #tpu.memory_space<vmem>>, vector<16xf32>,
    } else {
    }
    %not3A_435 = arith.constant true
    %not3A_436 = arith.xori %eq3A_431, %not3A_435 : i1
    %convert_element_type3A_437 = arith.extui %not3A_436 : i1 to i32
    %cond3A_438 = arith.constant 0 : i32
    %cond3A_439 = arith.cmpi ne, %convert_element_type3A_437, %cond3A_438 : i32
    scf.if %cond3A_439 {
      tpu.vector_store_idx %arg13[%get3A_426], %exp3A_421 {add = true} : memref<16xf32, #tpu.memory_space<vmem>>[vector<16xi32>], vector<16xf32>,
      tpu.vector_store_idx %arg14[%get3A_426], %mul3A_424 {add = true} : memref<16xf32, #tpu.memory_space<vmem>>[vector<16xi32>], vector<16xf32>,
    } else {
    }
    %get3A_440 = arith.constant 272 : index
    %get3A_441 = tpu.vector_load %arg11[%get3A_440] {strides = array<i32>} : memref<1024xf32, #tpu.memory_space<vmem>>, vector<16xf32>,
    %exp3A_442 = math.exp %get3A_441 : vector<16xf32>
    %get3A_443 = arith.constant 272 : index
    %get3A_444 = tpu.vector_load %arg12[%get3A_443] {strides = array<i32>} : memref<1024xf32, #tpu.memory_space<vmem>>, vector<16xf32>,
    %mul3A_445 = arith.mulf %exp3A_442, %get3A_444 : vector<16xf32>
    %get3A_446 = arith.constant 272 : index
    %get3A_447 = tpu.vector_load %arg10[%get3A_446] {strides = array<i32>} : memref<1024xi32, #tpu.memory_space<vmem>>, vector<16xi32>,
    %slice3A_448 = vector.extract_strided_slice %get3A_447 {offsets = [0], sizes = [1], strides = [1]} : vector<16xi32> to vector<1xi32>
    %squeeze3A_449 = vector.extract %slice3A_448[0] : i32 from vector<1xi32>
    %slice3A_450 = vector.extract_strided_slice %get3A_447 {offsets = [15], sizes = [1], strides = [1]} : vector<16xi32> to vector<1xi32>
    %squeeze3A_451 = vector.extract %slice3A_450[0] : i32 from vector<1xi32>
    %eq3A_452 = arith.cmpi eq, %squeeze3A_449, %squeeze3A_451 : i32
    %convert_element_type3A_453 = arith.extui %eq3A_452 : i1 to i32
    %cond3A_454 = arith.constant 0 : i32
    %cond3A_455 = arith.cmpi ne, %convert_element_type3A_453, %cond3A_454 : i32
    scf.if %cond3A_455 {
      %reduce_sum3A = arith.constant true
      %reduce_sum3A_1459 = vector.broadcast %reduce_sum3A : i1 to vector<16xi1>
      %reduce_sum3A_1460 = tpu.scan <sum>, %exp3A_442 masked %reduce_sum3A_1459 : vector<16xf32>, vector<16xi1> -> vector<16xf32>
      %reduce_sum3A_1461 = vector.extract %reduce_sum3A_1460[15] : f32 from vector<16xf32>
      %reduce_sum3A_1462 = arith.constant true
      %reduce_sum3A_1463 = vector.broadcast %reduce_sum3A_1462 : i1 to vector<16xi1>
      %reduce_sum3A_1464 = tpu.scan <sum>, %mul3A_445 masked %reduce_sum3A_1463 : vector<16xf32>, vector<16xi1> -> vector<16xf32>
      %reduce_sum3A_1465 = vector.extract %reduce_sum3A_1464[15] : f32 from vector<16xf32>
      %eq3A_1466 = vector.broadcast %squeeze3A_449 : i32 to vector<16xi32>
      %eq3A_1467 = arith.cmpi eq, %iota3A, %eq3A_1466 : vector<16xi32>
      %get3A_1468 = arith.constant 0 : index
      %get3A_1469 = tpu.vector_load %arg13[%get3A_1468] {strides = array<i32>} : memref<16xf32, #tpu.memory_space<vmem>>, vector<16xf32>,
      %jit3A = arith.constant 0.000000e+00 : f32
      %broadcast_in_dim3A_1470 = vector.broadcast %reduce_sum3A_1461 : f32 to vector<16xf32>
      %broadcast_in_dim3A_1471 = vector.broadcast %jit3A : f32 to vector<16xf32>
      %select_n3A = arith.select %eq3A_1467, %broadcast_in_dim3A_1470, %broadcast_in_dim3A_1471 : vector<16xi1>, vector<16xf32>
      %add3A_1472 = arith.addf %get3A_1469, %select_n3A : vector<16xf32>
      %swap3A_1473 = arith.constant 0 : index
      %swap3A_1474 = tpu.vector_load %arg13[%swap3A_1473] {strides = array<i32>} : memref<16xf32, #tpu.memory_space<vmem>>, vector<16xf32>,
      tpu.vector_store %arg13[%swap3A_1473], %add3A_1472 {strides = array<i32>} : memref<16xf32, #tpu.memory_space<vmem>>, vector<16xf32>,
      %get3A_1475 = arith.constant 0 : index
      %get3A_1476 = tpu.vector_load %arg14[%get3A_1475] {strides = array<i32>} : memref<16xf32, #tpu.memory_space<vmem>>, vector<16xf32>,
      %jit3A_1477 = arith.constant 0.000000e+00 : f32
      %broadcast_in_dim3A_1478 = vector.broadcast %reduce_sum3A_1465 : f32 to vector<16xf32>
      %broadcast_in_dim3A_1479 = vector.broadcast %jit3A_1477 : f32 to vector<16xf32>
      %select_n3A_1480 = arith.select %eq3A_1467, %broadcast_in_dim3A_1478, %broadcast_in_dim3A_1479 : vector<16xi1>, vector<16xf32>
      %add3A_1481 = arith.addf %get3A_1476, %select_n3A_1480 : vector<16xf32>
      %swap3A_1482 = arith.constant 0 : index
      %swap3A_1483 = tpu.vector_load %arg14[%swap3A_1482] {strides = array<i32>} : memref<16xf32, #tpu.memory_space<vmem>>, vector<16xf32>,
      tpu.vector_store %arg14[%swap3A_1482], %add3A_1481 {strides = array<i32>} : memref<16xf32, #tpu.memory_space<vmem>>, vector<16xf32>,
    } else {
    }
    %not3A_456 = arith.constant true
    %not3A_457 = arith.xori %eq3A_452, %not3A_456 : i1
    %convert_element_type3A_458 = arith.extui %not3A_457 : i1 to i32
    %cond3A_459 = arith.constant 0 : i32
    %cond3A_460 = arith.cmpi ne, %convert_element_type3A_458, %cond3A_459 : i32
    scf.if %cond3A_460 {
      tpu.vector_store_idx %arg13[%get3A_447], %exp3A_442 {add = true} : memref<16xf32, #tpu.memory_space<vmem>>[vector<16xi32>], vector<16xf32>,
      tpu.vector_store_idx %arg14[%get3A_447], %mul3A_445 {add = true} : memref<16xf32, #tpu.memory_space<vmem>>[vector<16xi32>], vector<16xf32>,
    } else {
    }
    %get3A_461 = arith.constant 288 : index
    %get3A_462 = tpu.vector_load %arg11[%get3A_461] {strides = array<i32>} : memref<1024xf32, #tpu.memory_space<vmem>>, vector<16xf32>,
    %exp3A_463 = math.exp %get3A_462 : vector<16xf32>
    %get3A_464 = arith.constant 288 : index
    %get3A_465 = tpu.vector_load %arg12[%get3A_464] {strides = array<i32>} : memref<1024xf32, #tpu.memory_space<vmem>>, vector<16xf32>,
    %mul3A_466 = arith.mulf %exp3A_463, %get3A_465 : vector<16xf32>
    %get3A_467 = arith.constant 288 : index
    %get3A_468 = tpu.vector_load %arg10[%get3A_467] {strides = array<i32>} : memref<1024xi32, #tpu.memory_space<vmem>>, vector<16xi32>,
    %slice3A_469 = vector.extract_strided_slice %get3A_468 {offsets = [0], sizes = [1], strides = [1]} : vector<16xi32> to vector<1xi32>
    %squeeze3A_470 = vector.extract %slice3A_469[0] : i32 from vector<1xi32>
    %slice3A_471 = vector.extract_strided_slice %get3A_468 {offsets = [15], sizes = [1], strides = [1]} : vector<16xi32> to vector<1xi32>
    %squeeze3A_472 = vector.extract %slice3A_471[0] : i32 from vector<1xi32>
    %eq3A_473 = arith.cmpi eq, %squeeze3A_470, %squeeze3A_472 : i32
    %convert_element_type3A_474 = arith.extui %eq3A_473 : i1 to i32
    %cond3A_475 = arith.constant 0 : i32
    %cond3A_476 = arith.cmpi ne, %convert_element_type3A_474, %cond3A_475 : i32
    scf.if %cond3A_476 {
      %reduce_sum3A = arith.constant true
      %reduce_sum3A_1459 = vector.broadcast %reduce_sum3A : i1 to vector<16xi1>
      %reduce_sum3A_1460 = tpu.scan <sum>, %exp3A_463 masked %reduce_sum3A_1459 : vector<16xf32>, vector<16xi1> -> vector<16xf32>
      %reduce_sum3A_1461 = vector.extract %reduce_sum3A_1460[15] : f32 from vector<16xf32>
      %reduce_sum3A_1462 = arith.constant true
      %reduce_sum3A_1463 = vector.broadcast %reduce_sum3A_1462 : i1 to vector<16xi1>
      %reduce_sum3A_1464 = tpu.scan <sum>, %mul3A_466 masked %reduce_sum3A_1463 : vector<16xf32>, vector<16xi1> -> vector<16xf32>
      %reduce_sum3A_1465 = vector.extract %reduce_sum3A_1464[15] : f32 from vector<16xf32>
      %eq3A_1466 = vector.broadcast %squeeze3A_470 : i32 to vector<16xi32>
      %eq3A_1467 = arith.cmpi eq, %iota3A, %eq3A_1466 : vector<16xi32>
      %get3A_1468 = arith.constant 0 : index
      %get3A_1469 = tpu.vector_load %arg13[%get3A_1468] {strides = array<i32>} : memref<16xf32, #tpu.memory_space<vmem>>, vector<16xf32>,
      %jit3A = arith.constant 0.000000e+00 : f32
      %broadcast_in_dim3A_1470 = vector.broadcast %reduce_sum3A_1461 : f32 to vector<16xf32>
      %broadcast_in_dim3A_1471 = vector.broadcast %jit3A : f32 to vector<16xf32>
      %select_n3A = arith.select %eq3A_1467, %broadcast_in_dim3A_1470, %broadcast_in_dim3A_1471 : vector<16xi1>, vector<16xf32>
      %add3A_1472 = arith.addf %get3A_1469, %select_n3A : vector<16xf32>
      %swap3A_1473 = arith.constant 0 : index
      %swap3A_1474 = tpu.vector_load %arg13[%swap3A_1473] {strides = array<i32>} : memref<16xf32, #tpu.memory_space<vmem>>, vector<16xf32>,
      tpu.vector_store %arg13[%swap3A_1473], %add3A_1472 {strides = array<i32>} : memref<16xf32, #tpu.memory_space<vmem>>, vector<16xf32>,
      %get3A_1475 = arith.constant 0 : index
      %get3A_1476 = tpu.vector_load %arg14[%get3A_1475] {strides = array<i32>} : memref<16xf32, #tpu.memory_space<vmem>>, vector<16xf32>,
      %jit3A_1477 = arith.constant 0.000000e+00 : f32
      %broadcast_in_dim3A_1478 = vector.broadcast %reduce_sum3A_1465 : f32 to vector<16xf32>
      %broadcast_in_dim3A_1479 = vector.broadcast %jit3A_1477 : f32 to vector<16xf32>
      %select_n3A_1480 = arith.select %eq3A_1467, %broadcast_in_dim3A_1478, %broadcast_in_dim3A_1479 : vector<16xi1>, vector<16xf32>
      %add3A_1481 = arith.addf %get3A_1476, %select_n3A_1480 : vector<16xf32>
      %swap3A_1482 = arith.constant 0 : index
      %swap3A_1483 = tpu.vector_load %arg14[%swap3A_1482] {strides = array<i32>} : memref<16xf32, #tpu.memory_space<vmem>>, vector<16xf32>,
      tpu.vector_store %arg14[%swap3A_1482], %add3A_1481 {strides = array<i32>} : memref<16xf32, #tpu.memory_space<vmem>>, vector<16xf32>,
    } else {
    }
    %not3A_477 = arith.constant true
    %not3A_478 = arith.xori %eq3A_473, %not3A_477 : i1
    %convert_element_type3A_479 = arith.extui %not3A_478 : i1 to i32
    %cond3A_480 = arith.constant 0 : i32
    %cond3A_481 = arith.cmpi ne, %convert_element_type3A_479, %cond3A_480 : i32
    scf.if %cond3A_481 {
      tpu.vector_store_idx %arg13[%get3A_468], %exp3A_463 {add = true} : memref<16xf32, #tpu.memory_space<vmem>>[vector<16xi32>], vector<16xf32>,
      tpu.vector_store_idx %arg14[%get3A_468], %mul3A_466 {add = true} : memref<16xf32, #tpu.memory_space<vmem>>[vector<16xi32>], vector<16xf32>,
    } else {
    }
    %get3A_482 = arith.constant 304 : index
    %get3A_483 = tpu.vector_load %arg11[%get3A_482] {strides = array<i32>} : memref<1024xf32, #tpu.memory_space<vmem>>, vector<16xf32>,
    %exp3A_484 = math.exp %get3A_483 : vector<16xf32>
    %get3A_485 = arith.constant 304 : index
    %get3A_486 = tpu.vector_load %arg12[%get3A_485] {strides = array<i32>} : memref<1024xf32, #tpu.memory_space<vmem>>, vector<16xf32>,
    %mul3A_487 = arith.mulf %exp3A_484, %get3A_486 : vector<16xf32>
    %get3A_488 = arith.constant 304 : index
    %get3A_489 = tpu.vector_load %arg10[%get3A_488] {strides = array<i32>} : memref<1024xi32, #tpu.memory_space<vmem>>, vector<16xi32>,
    %slice3A_490 = vector.extract_strided_slice %get3A_489 {offsets = [0], sizes = [1], strides = [1]} : vector<16xi32> to vector<1xi32>
    %squeeze3A_491 = vector.extract %slice3A_490[0] : i32 from vector<1xi32>
    %slice3A_492 = vector.extract_strided_slice %get3A_489 {offsets = [15], sizes = [1], strides = [1]} : vector<16xi32> to vector<1xi32>
    %squeeze3A_493 = vector.extract %slice3A_492[0] : i32 from vector<1xi32>
    %eq3A_494 = arith.cmpi eq, %squeeze3A_491, %squeeze3A_493 : i32
    %convert_element_type3A_495 = arith.extui %eq3A_494 : i1 to i32
    %cond3A_496 = arith.constant 0 : i32
    %cond3A_497 = arith.cmpi ne, %convert_element_type3A_495, %cond3A_496 : i32
    scf.if %cond3A_497 {
      %reduce_sum3A = arith.constant true
      %reduce_sum3A_1459 = vector.broadcast %reduce_sum3A : i1 to vector<16xi1>
      %reduce_sum3A_1460 = tpu.scan <sum>, %exp3A_484 masked %reduce_sum3A_1459 : vector<16xf32>, vector<16xi1> -> vector<16xf32>
      %reduce_sum3A_1461 = vector.extract %reduce_sum3A_1460[15] : f32 from vector<16xf32>
      %reduce_sum3A_1462 = arith.constant true
      %reduce_sum3A_1463 = vector.broadcast %reduce_sum3A_1462 : i1 to vector<16xi1>
      %reduce_sum3A_1464 = tpu.scan <sum>, %mul3A_487 masked %reduce_sum3A_1463 : vector<16xf32>, vector<16xi1> -> vector<16xf32>
      %reduce_sum3A_1465 = vector.extract %reduce_sum3A_1464[15] : f32 from vector<16xf32>
      %eq3A_1466 = vector.broadcast %squeeze3A_491 : i32 to vector<16xi32>
      %eq3A_1467 = arith.cmpi eq, %iota3A, %eq3A_1466 : vector<16xi32>
      %get3A_1468 = arith.constant 0 : index
      %get3A_1469 = tpu.vector_load %arg13[%get3A_1468] {strides = array<i32>} : memref<16xf32, #tpu.memory_space<vmem>>, vector<16xf32>,
      %jit3A = arith.constant 0.000000e+00 : f32
      %broadcast_in_dim3A_1470 = vector.broadcast %reduce_sum3A_1461 : f32 to vector<16xf32>
      %broadcast_in_dim3A_1471 = vector.broadcast %jit3A : f32 to vector<16xf32>
      %select_n3A = arith.select %eq3A_1467, %broadcast_in_dim3A_1470, %broadcast_in_dim3A_1471 : vector<16xi1>, vector<16xf32>
      %add3A_1472 = arith.addf %get3A_1469, %select_n3A : vector<16xf32>
      %swap3A_1473 = arith.constant 0 : index
      %swap3A_1474 = tpu.vector_load %arg13[%swap3A_1473] {strides = array<i32>} : memref<16xf32, #tpu.memory_space<vmem>>, vector<16xf32>,
      tpu.vector_store %arg13[%swap3A_1473], %add3A_1472 {strides = array<i32>} : memref<16xf32, #tpu.memory_space<vmem>>, vector<16xf32>,
      %get3A_1475 = arith.constant 0 : index
      %get3A_1476 = tpu.vector_load %arg14[%get3A_1475] {strides = array<i32>} : memref<16xf32, #tpu.memory_space<vmem>>, vector<16xf32>,
      %jit3A_1477 = arith.constant 0.000000e+00 : f32
      %broadcast_in_dim3A_1478 = vector.broadcast %reduce_sum3A_1465 : f32 to vector<16xf32>
      %broadcast_in_dim3A_1479 = vector.broadcast %jit3A_1477 : f32 to vector<16xf32>
      %select_n3A_1480 = arith.select %eq3A_1467, %broadcast_in_dim3A_1478, %broadcast_in_dim3A_1479 : vector<16xi1>, vector<16xf32>
      %add3A_1481 = arith.addf %get3A_1476, %select_n3A_1480 : vector<16xf32>
      %swap3A_1482 = arith.constant 0 : index
      %swap3A_1483 = tpu.vector_load %arg14[%swap3A_1482] {strides = array<i32>} : memref<16xf32, #tpu.memory_space<vmem>>, vector<16xf32>,
      tpu.vector_store %arg14[%swap3A_1482], %add3A_1481 {strides = array<i32>} : memref<16xf32, #tpu.memory_space<vmem>>, vector<16xf32>,
    } else {
    }
    %not3A_498 = arith.constant true
    %not3A_499 = arith.xori %eq3A_494, %not3A_498 : i1
    %convert_element_type3A_500 = arith.extui %not3A_499 : i1 to i32
    %cond3A_501 = arith.constant 0 : i32
    %cond3A_502 = arith.cmpi ne, %convert_element_type3A_500, %cond3A_501 : i32
    scf.if %cond3A_502 {
      tpu.vector_store_idx %arg13[%get3A_489], %exp3A_484 {add = true} : memref<16xf32, #tpu.memory_space<vmem>>[vector<16xi32>], vector<16xf32>,
      tpu.vector_store_idx %arg14[%get3A_489], %mul3A_487 {add = true} : memref<16xf32, #tpu.memory_space<vmem>>[vector<16xi32>], vector<16xf32>,
    } else {
    }
    %get3A_503 = arith.constant 320 : index
    %get3A_504 = tpu.vector_load %arg11[%get3A_503] {strides = array<i32>} : memref<1024xf32, #tpu.memory_space<vmem>>, vector<16xf32>,
    %exp3A_505 = math.exp %get3A_504 : vector<16xf32>
    %get3A_506 = arith.constant 320 : index
    %get3A_507 = tpu.vector_load %arg12[%get3A_506] {strides = array<i32>} : memref<1024xf32, #tpu.memory_space<vmem>>, vector<16xf32>,
    %mul3A_508 = arith.mulf %exp3A_505, %get3A_507 : vector<16xf32>
    %get3A_509 = arith.constant 320 : index
    %get3A_510 = tpu.vector_load %arg10[%get3A_509] {strides = array<i32>} : memref<1024xi32, #tpu.memory_space<vmem>>, vector<16xi32>,
    %slice3A_511 = vector.extract_strided_slice %get3A_510 {offsets = [0], sizes = [1], strides = [1]} : vector<16xi32> to vector<1xi32>
    %squeeze3A_512 = vector.extract %slice3A_511[0] : i32 from vector<1xi32>
    %slice3A_513 = vector.extract_strided_slice %get3A_510 {offsets = [15], sizes = [1], strides = [1]} : vector<16xi32> to vector<1xi32>
    %squeeze3A_514 = vector.extract %slice3A_513[0] : i32 from vector<1xi32>
    %eq3A_515 = arith.cmpi eq, %squeeze3A_512, %squeeze3A_514 : i32
    %convert_element_type3A_516 = arith.extui %eq3A_515 : i1 to i32
    %cond3A_517 = arith.constant 0 : i32
    %cond3A_518 = arith.cmpi ne, %convert_element_type3A_516, %cond3A_517 : i32
    scf.if %cond3A_518 {
      %reduce_sum3A = arith.constant true
      %reduce_sum3A_1459 = vector.broadcast %reduce_sum3A : i1 to vector<16xi1>
      %reduce_sum3A_1460 = tpu.scan <sum>, %exp3A_505 masked %reduce_sum3A_1459 : vector<16xf32>, vector<16xi1> -> vector<16xf32>
      %reduce_sum3A_1461 = vector.extract %reduce_sum3A_1460[15] : f32 from vector<16xf32>
      %reduce_sum3A_1462 = arith.constant true
      %reduce_sum3A_1463 = vector.broadcast %reduce_sum3A_1462 : i1 to vector<16xi1>
      %reduce_sum3A_1464 = tpu.scan <sum>, %mul3A_508 masked %reduce_sum3A_1463 : vector<16xf32>, vector<16xi1> -> vector<16xf32>
      %reduce_sum3A_1465 = vector.extract %reduce_sum3A_1464[15] : f32 from vector<16xf32>
      %eq3A_1466 = vector.broadcast %squeeze3A_512 : i32 to vector<16xi32>
      %eq3A_1467 = arith.cmpi eq, %iota3A, %eq3A_1466 : vector<16xi32>
      %get3A_1468 = arith.constant 0 : index
      %get3A_1469 = tpu.vector_load %arg13[%get3A_1468] {strides = array<i32>} : memref<16xf32, #tpu.memory_space<vmem>>, vector<16xf32>,
      %jit3A = arith.constant 0.000000e+00 : f32
      %broadcast_in_dim3A_1470 = vector.broadcast %reduce_sum3A_1461 : f32 to vector<16xf32>
      %broadcast_in_dim3A_1471 = vector.broadcast %jit3A : f32 to vector<16xf32>
      %select_n3A = arith.select %eq3A_1467, %broadcast_in_dim3A_1470, %broadcast_in_dim3A_1471 : vector<16xi1>, vector<16xf32>
      %add3A_1472 = arith.addf %get3A_1469, %select_n3A : vector<16xf32>
      %swap3A_1473 = arith.constant 0 : index
      %swap3A_1474 = tpu.vector_load %arg13[%swap3A_1473] {strides = array<i32>} : memref<16xf32, #tpu.memory_space<vmem>>, vector<16xf32>,
      tpu.vector_store %arg13[%swap3A_1473], %add3A_1472 {strides = array<i32>} : memref<16xf32, #tpu.memory_space<vmem>>, vector<16xf32>,
      %get3A_1475 = arith.constant 0 : index
      %get3A_1476 = tpu.vector_load %arg14[%get3A_1475] {strides = array<i32>} : memref<16xf32, #tpu.memory_space<vmem>>, vector<16xf32>,
      %jit3A_1477 = arith.constant 0.000000e+00 : f32
      %broadcast_in_dim3A_1478 = vector.broadcast %reduce_sum3A_1465 : f32 to vector<16xf32>
      %broadcast_in_dim3A_1479 = vector.broadcast %jit3A_1477 : f32 to vector<16xf32>
      %select_n3A_1480 = arith.select %eq3A_1467, %broadcast_in_dim3A_1478, %broadcast_in_dim3A_1479 : vector<16xi1>, vector<16xf32>
      %add3A_1481 = arith.addf %get3A_1476, %select_n3A_1480 : vector<16xf32>
      %swap3A_1482 = arith.constant 0 : index
      %swap3A_1483 = tpu.vector_load %arg14[%swap3A_1482] {strides = array<i32>} : memref<16xf32, #tpu.memory_space<vmem>>, vector<16xf32>,
      tpu.vector_store %arg14[%swap3A_1482], %add3A_1481 {strides = array<i32>} : memref<16xf32, #tpu.memory_space<vmem>>, vector<16xf32>,
    } else {
    }
    %not3A_519 = arith.constant true
    %not3A_520 = arith.xori %eq3A_515, %not3A_519 : i1
    %convert_element_type3A_521 = arith.extui %not3A_520 : i1 to i32
    %cond3A_522 = arith.constant 0 : i32
    %cond3A_523 = arith.cmpi ne, %convert_element_type3A_521, %cond3A_522 : i32
    scf.if %cond3A_523 {
      tpu.vector_store_idx %arg13[%get3A_510], %exp3A_505 {add = true} : memref<16xf32, #tpu.memory_space<vmem>>[vector<16xi32>], vector<16xf32>,
      tpu.vector_store_idx %arg14[%get3A_510], %mul3A_508 {add = true} : memref<16xf32, #tpu.memory_space<vmem>>[vector<16xi32>], vector<16xf32>,
    } else {
    }
    %get3A_524 = arith.constant 336 : index
    %get3A_525 = tpu.vector_load %arg11[%get3A_524] {strides = array<i32>} : memref<1024xf32, #tpu.memory_space<vmem>>, vector<16xf32>,
    %exp3A_526 = math.exp %get3A_525 : vector<16xf32>
    %get3A_527 = arith.constant 336 : index
    %get3A_528 = tpu.vector_load %arg12[%get3A_527] {strides = array<i32>} : memref<1024xf32, #tpu.memory_space<vmem>>, vector<16xf32>,
    %mul3A_529 = arith.mulf %exp3A_526, %get3A_528 : vector<16xf32>
    %get3A_530 = arith.constant 336 : index
    %get3A_531 = tpu.vector_load %arg10[%get3A_530] {strides = array<i32>} : memref<1024xi32, #tpu.memory_space<vmem>>, vector<16xi32>,
    %slice3A_532 = vector.extract_strided_slice %get3A_531 {offsets = [0], sizes = [1], strides = [1]} : vector<16xi32> to vector<1xi32>
    %squeeze3A_533 = vector.extract %slice3A_532[0] : i32 from vector<1xi32>
    %slice3A_534 = vector.extract_strided_slice %get3A_531 {offsets = [15], sizes = [1], strides = [1]} : vector<16xi32> to vector<1xi32>
    %squeeze3A_535 = vector.extract %slice3A_534[0] : i32 from vector<1xi32>
    %eq3A_536 = arith.cmpi eq, %squeeze3A_533, %squeeze3A_535 : i32
    %convert_element_type3A_537 = arith.extui %eq3A_536 : i1 to i32
    %cond3A_538 = arith.constant 0 : i32
    %cond3A_539 = arith.cmpi ne, %convert_element_type3A_537, %cond3A_538 : i32
    scf.if %cond3A_539 {
      %reduce_sum3A = arith.constant true
      %reduce_sum3A_1459 = vector.broadcast %reduce_sum3A : i1 to vector<16xi1>
      %reduce_sum3A_1460 = tpu.scan <sum>, %exp3A_526 masked %reduce_sum3A_1459 : vector<16xf32>, vector<16xi1> -> vector<16xf32>
      %reduce_sum3A_1461 = vector.extract %reduce_sum3A_1460[15] : f32 from vector<16xf32>
      %reduce_sum3A_1462 = arith.constant true
      %reduce_sum3A_1463 = vector.broadcast %reduce_sum3A_1462 : i1 to vector<16xi1>
      %reduce_sum3A_1464 = tpu.scan <sum>, %mul3A_529 masked %reduce_sum3A_1463 : vector<16xf32>, vector<16xi1> -> vector<16xf32>
      %reduce_sum3A_1465 = vector.extract %reduce_sum3A_1464[15] : f32 from vector<16xf32>
      %eq3A_1466 = vector.broadcast %squeeze3A_533 : i32 to vector<16xi32>
      %eq3A_1467 = arith.cmpi eq, %iota3A, %eq3A_1466 : vector<16xi32>
      %get3A_1468 = arith.constant 0 : index
      %get3A_1469 = tpu.vector_load %arg13[%get3A_1468] {strides = array<i32>} : memref<16xf32, #tpu.memory_space<vmem>>, vector<16xf32>,
      %jit3A = arith.constant 0.000000e+00 : f32
      %broadcast_in_dim3A_1470 = vector.broadcast %reduce_sum3A_1461 : f32 to vector<16xf32>
      %broadcast_in_dim3A_1471 = vector.broadcast %jit3A : f32 to vector<16xf32>
      %select_n3A = arith.select %eq3A_1467, %broadcast_in_dim3A_1470, %broadcast_in_dim3A_1471 : vector<16xi1>, vector<16xf32>
      %add3A_1472 = arith.addf %get3A_1469, %select_n3A : vector<16xf32>
      %swap3A_1473 = arith.constant 0 : index
      %swap3A_1474 = tpu.vector_load %arg13[%swap3A_1473] {strides = array<i32>} : memref<16xf32, #tpu.memory_space<vmem>>, vector<16xf32>,
      tpu.vector_store %arg13[%swap3A_1473], %add3A_1472 {strides = array<i32>} : memref<16xf32, #tpu.memory_space<vmem>>, vector<16xf32>,
      %get3A_1475 = arith.constant 0 : index
      %get3A_1476 = tpu.vector_load %arg14[%get3A_1475] {strides = array<i32>} : memref<16xf32, #tpu.memory_space<vmem>>, vector<16xf32>,
      %jit3A_1477 = arith.constant 0.000000e+00 : f32
      %broadcast_in_dim3A_1478 = vector.broadcast %reduce_sum3A_1465 : f32 to vector<16xf32>
      %broadcast_in_dim3A_1479 = vector.broadcast %jit3A_1477 : f32 to vector<16xf32>
      %select_n3A_1480 = arith.select %eq3A_1467, %broadcast_in_dim3A_1478, %broadcast_in_dim3A_1479 : vector<16xi1>, vector<16xf32>
      %add3A_1481 = arith.addf %get3A_1476, %select_n3A_1480 : vector<16xf32>
      %swap3A_1482 = arith.constant 0 : index
      %swap3A_1483 = tpu.vector_load %arg14[%swap3A_1482] {strides = array<i32>} : memref<16xf32, #tpu.memory_space<vmem>>, vector<16xf32>,
      tpu.vector_store %arg14[%swap3A_1482], %add3A_1481 {strides = array<i32>} : memref<16xf32, #tpu.memory_space<vmem>>, vector<16xf32>,
    } else {
    }
    %not3A_540 = arith.constant true
    %not3A_541 = arith.xori %eq3A_536, %not3A_540 : i1
    %convert_element_type3A_542 = arith.extui %not3A_541 : i1 to i32
    %cond3A_543 = arith.constant 0 : i32
    %cond3A_544 = arith.cmpi ne, %convert_element_type3A_542, %cond3A_543 : i32
    scf.if %cond3A_544 {
      tpu.vector_store_idx %arg13[%get3A_531], %exp3A_526 {add = true} : memref<16xf32, #tpu.memory_space<vmem>>[vector<16xi32>], vector<16xf32>,
      tpu.vector_store_idx %arg14[%get3A_531], %mul3A_529 {add = true} : memref<16xf32, #tpu.memory_space<vmem>>[vector<16xi32>], vector<16xf32>,
    } else {
    }
    %get3A_545 = arith.constant 352 : index
    %get3A_546 = tpu.vector_load %arg11[%get3A_545] {strides = array<i32>} : memref<1024xf32, #tpu.memory_space<vmem>>, vector<16xf32>,
    %exp3A_547 = math.exp %get3A_546 : vector<16xf32>
    %get3A_548 = arith.constant 352 : index
    %get3A_549 = tpu.vector_load %arg12[%get3A_548] {strides = array<i32>} : memref<1024xf32, #tpu.memory_space<vmem>>, vector<16xf32>,
    %mul3A_550 = arith.mulf %exp3A_547, %get3A_549 : vector<16xf32>
    %get3A_551 = arith.constant 352 : index
    %get3A_552 = tpu.vector_load %arg10[%get3A_551] {strides = array<i32>} : memref<1024xi32, #tpu.memory_space<vmem>>, vector<16xi32>,
    %slice3A_553 = vector.extract_strided_slice %get3A_552 {offsets = [0], sizes = [1], strides = [1]} : vector<16xi32> to vector<1xi32>
    %squeeze3A_554 = vector.extract %slice3A_553[0] : i32 from vector<1xi32>
    %slice3A_555 = vector.extract_strided_slice %get3A_552 {offsets = [15], sizes = [1], strides = [1]} : vector<16xi32> to vector<1xi32>
    %squeeze3A_556 = vector.extract %slice3A_555[0] : i32 from vector<1xi32>
    %eq3A_557 = arith.cmpi eq, %squeeze3A_554, %squeeze3A_556 : i32
    %convert_element_type3A_558 = arith.extui %eq3A_557 : i1 to i32
    %cond3A_559 = arith.constant 0 : i32
    %cond3A_560 = arith.cmpi ne, %convert_element_type3A_558, %cond3A_559 : i32
    scf.if %cond3A_560 {
      %reduce_sum3A = arith.constant true
      %reduce_sum3A_1459 = vector.broadcast %reduce_sum3A : i1 to vector<16xi1>
      %reduce_sum3A_1460 = tpu.scan <sum>, %exp3A_547 masked %reduce_sum3A_1459 : vector<16xf32>, vector<16xi1> -> vector<16xf32>
      %reduce_sum3A_1461 = vector.extract %reduce_sum3A_1460[15] : f32 from vector<16xf32>
      %reduce_sum3A_1462 = arith.constant true
      %reduce_sum3A_1463 = vector.broadcast %reduce_sum3A_1462 : i1 to vector<16xi1>
      %reduce_sum3A_1464 = tpu.scan <sum>, %mul3A_550 masked %reduce_sum3A_1463 : vector<16xf32>, vector<16xi1> -> vector<16xf32>
      %reduce_sum3A_1465 = vector.extract %reduce_sum3A_1464[15] : f32 from vector<16xf32>
      %eq3A_1466 = vector.broadcast %squeeze3A_554 : i32 to vector<16xi32>
      %eq3A_1467 = arith.cmpi eq, %iota3A, %eq3A_1466 : vector<16xi32>
      %get3A_1468 = arith.constant 0 : index
      %get3A_1469 = tpu.vector_load %arg13[%get3A_1468] {strides = array<i32>} : memref<16xf32, #tpu.memory_space<vmem>>, vector<16xf32>,
      %jit3A = arith.constant 0.000000e+00 : f32
      %broadcast_in_dim3A_1470 = vector.broadcast %reduce_sum3A_1461 : f32 to vector<16xf32>
      %broadcast_in_dim3A_1471 = vector.broadcast %jit3A : f32 to vector<16xf32>
      %select_n3A = arith.select %eq3A_1467, %broadcast_in_dim3A_1470, %broadcast_in_dim3A_1471 : vector<16xi1>, vector<16xf32>
      %add3A_1472 = arith.addf %get3A_1469, %select_n3A : vector<16xf32>
      %swap3A_1473 = arith.constant 0 : index
      %swap3A_1474 = tpu.vector_load %arg13[%swap3A_1473] {strides = array<i32>} : memref<16xf32, #tpu.memory_space<vmem>>, vector<16xf32>,
      tpu.vector_store %arg13[%swap3A_1473], %add3A_1472 {strides = array<i32>} : memref<16xf32, #tpu.memory_space<vmem>>, vector<16xf32>,
      %get3A_1475 = arith.constant 0 : index
      %get3A_1476 = tpu.vector_load %arg14[%get3A_1475] {strides = array<i32>} : memref<16xf32, #tpu.memory_space<vmem>>, vector<16xf32>,
      %jit3A_1477 = arith.constant 0.000000e+00 : f32
      %broadcast_in_dim3A_1478 = vector.broadcast %reduce_sum3A_1465 : f32 to vector<16xf32>
      %broadcast_in_dim3A_1479 = vector.broadcast %jit3A_1477 : f32 to vector<16xf32>
      %select_n3A_1480 = arith.select %eq3A_1467, %broadcast_in_dim3A_1478, %broadcast_in_dim3A_1479 : vector<16xi1>, vector<16xf32>
      %add3A_1481 = arith.addf %get3A_1476, %select_n3A_1480 : vector<16xf32>
      %swap3A_1482 = arith.constant 0 : index
      %swap3A_1483 = tpu.vector_load %arg14[%swap3A_1482] {strides = array<i32>} : memref<16xf32, #tpu.memory_space<vmem>>, vector<16xf32>,
      tpu.vector_store %arg14[%swap3A_1482], %add3A_1481 {strides = array<i32>} : memref<16xf32, #tpu.memory_space<vmem>>, vector<16xf32>,
    } else {
    }
    %not3A_561 = arith.constant true
    %not3A_562 = arith.xori %eq3A_557, %not3A_561 : i1
    %convert_element_type3A_563 = arith.extui %not3A_562 : i1 to i32
    %cond3A_564 = arith.constant 0 : i32
    %cond3A_565 = arith.cmpi ne, %convert_element_type3A_563, %cond3A_564 : i32
    scf.if %cond3A_565 {
      tpu.vector_store_idx %arg13[%get3A_552], %exp3A_547 {add = true} : memref<16xf32, #tpu.memory_space<vmem>>[vector<16xi32>], vector<16xf32>,
      tpu.vector_store_idx %arg14[%get3A_552], %mul3A_550 {add = true} : memref<16xf32, #tpu.memory_space<vmem>>[vector<16xi32>], vector<16xf32>,
    } else {
    }
    %get3A_566 = arith.constant 368 : index
    %get3A_567 = tpu.vector_load %arg11[%get3A_566] {strides = array<i32>} : memref<1024xf32, #tpu.memory_space<vmem>>, vector<16xf32>,
    %exp3A_568 = math.exp %get3A_567 : vector<16xf32>
    %get3A_569 = arith.constant 368 : index
    %get3A_570 = tpu.vector_load %arg12[%get3A_569] {strides = array<i32>} : memref<1024xf32, #tpu.memory_space<vmem>>, vector<16xf32>,
    %mul3A_571 = arith.mulf %exp3A_568, %get3A_570 : vector<16xf32>
    %get3A_572 = arith.constant 368 : index
    %get3A_573 = tpu.vector_load %arg10[%get3A_572] {strides = array<i32>} : memref<1024xi32, #tpu.memory_space<vmem>>, vector<16xi32>,
    %slice3A_574 = vector.extract_strided_slice %get3A_573 {offsets = [0], sizes = [1], strides = [1]} : vector<16xi32> to vector<1xi32>
    %squeeze3A_575 = vector.extract %slice3A_574[0] : i32 from vector<1xi32>
    %slice3A_576 = vector.extract_strided_slice %get3A_573 {offsets = [15], sizes = [1], strides = [1]} : vector<16xi32> to vector<1xi32>
    %squeeze3A_577 = vector.extract %slice3A_576[0] : i32 from vector<1xi32>
    %eq3A_578 = arith.cmpi eq, %squeeze3A_575, %squeeze3A_577 : i32
    %convert_element_type3A_579 = arith.extui %eq3A_578 : i1 to i32
    %cond3A_580 = arith.constant 0 : i32
    %cond3A_581 = arith.cmpi ne, %convert_element_type3A_579, %cond3A_580 : i32
    scf.if %cond3A_581 {
      %reduce_sum3A = arith.constant true
      %reduce_sum3A_1459 = vector.broadcast %reduce_sum3A : i1 to vector<16xi1>
      %reduce_sum3A_1460 = tpu.scan <sum>, %exp3A_568 masked %reduce_sum3A_1459 : vector<16xf32>, vector<16xi1> -> vector<16xf32>
      %reduce_sum3A_1461 = vector.extract %reduce_sum3A_1460[15] : f32 from vector<16xf32>
      %reduce_sum3A_1462 = arith.constant true
      %reduce_sum3A_1463 = vector.broadcast %reduce_sum3A_1462 : i1 to vector<16xi1>
      %reduce_sum3A_1464 = tpu.scan <sum>, %mul3A_571 masked %reduce_sum3A_1463 : vector<16xf32>, vector<16xi1> -> vector<16xf32>
      %reduce_sum3A_1465 = vector.extract %reduce_sum3A_1464[15] : f32 from vector<16xf32>
      %eq3A_1466 = vector.broadcast %squeeze3A_575 : i32 to vector<16xi32>
      %eq3A_1467 = arith.cmpi eq, %iota3A, %eq3A_1466 : vector<16xi32>
      %get3A_1468 = arith.constant 0 : index
      %get3A_1469 = tpu.vector_load %arg13[%get3A_1468] {strides = array<i32>} : memref<16xf32, #tpu.memory_space<vmem>>, vector<16xf32>,
      %jit3A = arith.constant 0.000000e+00 : f32
      %broadcast_in_dim3A_1470 = vector.broadcast %reduce_sum3A_1461 : f32 to vector<16xf32>
      %broadcast_in_dim3A_1471 = vector.broadcast %jit3A : f32 to vector<16xf32>
      %select_n3A = arith.select %eq3A_1467, %broadcast_in_dim3A_1470, %broadcast_in_dim3A_1471 : vector<16xi1>, vector<16xf32>
      %add3A_1472 = arith.addf %get3A_1469, %select_n3A : vector<16xf32>
      %swap3A_1473 = arith.constant 0 : index
      %swap3A_1474 = tpu.vector_load %arg13[%swap3A_1473] {strides = array<i32>} : memref<16xf32, #tpu.memory_space<vmem>>, vector<16xf32>,
      tpu.vector_store %arg13[%swap3A_1473], %add3A_1472 {strides = array<i32>} : memref<16xf32, #tpu.memory_space<vmem>>, vector<16xf32>,
      %get3A_1475 = arith.constant 0 : index
      %get3A_1476 = tpu.vector_load %arg14[%get3A_1475] {strides = array<i32>} : memref<16xf32, #tpu.memory_space<vmem>>, vector<16xf32>,
      %jit3A_1477 = arith.constant 0.000000e+00 : f32
      %broadcast_in_dim3A_1478 = vector.broadcast %reduce_sum3A_1465 : f32 to vector<16xf32>
      %broadcast_in_dim3A_1479 = vector.broadcast %jit3A_1477 : f32 to vector<16xf32>
      %select_n3A_1480 = arith.select %eq3A_1467, %broadcast_in_dim3A_1478, %broadcast_in_dim3A_1479 : vector<16xi1>, vector<16xf32>
      %add3A_1481 = arith.addf %get3A_1476, %select_n3A_1480 : vector<16xf32>
      %swap3A_1482 = arith.constant 0 : index
      %swap3A_1483 = tpu.vector_load %arg14[%swap3A_1482] {strides = array<i32>} : memref<16xf32, #tpu.memory_space<vmem>>, vector<16xf32>,
      tpu.vector_store %arg14[%swap3A_1482], %add3A_1481 {strides = array<i32>} : memref<16xf32, #tpu.memory_space<vmem>>, vector<16xf32>,
    } else {
    }
    %not3A_582 = arith.constant true
    %not3A_583 = arith.xori %eq3A_578, %not3A_582 : i1
    %convert_element_type3A_584 = arith.extui %not3A_583 : i1 to i32
    %cond3A_585 = arith.constant 0 : i32
    %cond3A_586 = arith.cmpi ne, %convert_element_type3A_584, %cond3A_585 : i32
    scf.if %cond3A_586 {
      tpu.vector_store_idx %arg13[%get3A_573], %exp3A_568 {add = true} : memref<16xf32, #tpu.memory_space<vmem>>[vector<16xi32>], vector<16xf32>,
      tpu.vector_store_idx %arg14[%get3A_573], %mul3A_571 {add = true} : memref<16xf32, #tpu.memory_space<vmem>>[vector<16xi32>], vector<16xf32>,
    } else {
    }
    %get3A_587 = arith.constant 384 : index
    %get3A_588 = tpu.vector_load %arg11[%get3A_587] {strides = array<i32>} : memref<1024xf32, #tpu.memory_space<vmem>>, vector<16xf32>,
    %exp3A_589 = math.exp %get3A_588 : vector<16xf32>
    %get3A_590 = arith.constant 384 : index
    %get3A_591 = tpu.vector_load %arg12[%get3A_590] {strides = array<i32>} : memref<1024xf32, #tpu.memory_space<vmem>>, vector<16xf32>,
    %mul3A_592 = arith.mulf %exp3A_589, %get3A_591 : vector<16xf32>
    %get3A_593 = arith.constant 384 : index
    %get3A_594 = tpu.vector_load %arg10[%get3A_593] {strides = array<i32>} : memref<1024xi32, #tpu.memory_space<vmem>>, vector<16xi32>,
    %slice3A_595 = vector.extract_strided_slice %get3A_594 {offsets = [0], sizes = [1], strides = [1]} : vector<16xi32> to vector<1xi32>
    %squeeze3A_596 = vector.extract %slice3A_595[0] : i32 from vector<1xi32>
    %slice3A_597 = vector.extract_strided_slice %get3A_594 {offsets = [15], sizes = [1], strides = [1]} : vector<16xi32> to vector<1xi32>
    %squeeze3A_598 = vector.extract %slice3A_597[0] : i32 from vector<1xi32>
    %eq3A_599 = arith.cmpi eq, %squeeze3A_596, %squeeze3A_598 : i32
    %convert_element_type3A_600 = arith.extui %eq3A_599 : i1 to i32
    %cond3A_601 = arith.constant 0 : i32
    %cond3A_602 = arith.cmpi ne, %convert_element_type3A_600, %cond3A_601 : i32
    scf.if %cond3A_602 {
      %reduce_sum3A = arith.constant true
      %reduce_sum3A_1459 = vector.broadcast %reduce_sum3A : i1 to vector<16xi1>
      %reduce_sum3A_1460 = tpu.scan <sum>, %exp3A_589 masked %reduce_sum3A_1459 : vector<16xf32>, vector<16xi1> -> vector<16xf32>
      %reduce_sum3A_1461 = vector.extract %reduce_sum3A_1460[15] : f32 from vector<16xf32>
      %reduce_sum3A_1462 = arith.constant true
      %reduce_sum3A_1463 = vector.broadcast %reduce_sum3A_1462 : i1 to vector<16xi1>
      %reduce_sum3A_1464 = tpu.scan <sum>, %mul3A_592 masked %reduce_sum3A_1463 : vector<16xf32>, vector<16xi1> -> vector<16xf32>
      %reduce_sum3A_1465 = vector.extract %reduce_sum3A_1464[15] : f32 from vector<16xf32>
      %eq3A_1466 = vector.broadcast %squeeze3A_596 : i32 to vector<16xi32>
      %eq3A_1467 = arith.cmpi eq, %iota3A, %eq3A_1466 : vector<16xi32>
      %get3A_1468 = arith.constant 0 : index
      %get3A_1469 = tpu.vector_load %arg13[%get3A_1468] {strides = array<i32>} : memref<16xf32, #tpu.memory_space<vmem>>, vector<16xf32>,
      %jit3A = arith.constant 0.000000e+00 : f32
      %broadcast_in_dim3A_1470 = vector.broadcast %reduce_sum3A_1461 : f32 to vector<16xf32>
      %broadcast_in_dim3A_1471 = vector.broadcast %jit3A : f32 to vector<16xf32>
      %select_n3A = arith.select %eq3A_1467, %broadcast_in_dim3A_1470, %broadcast_in_dim3A_1471 : vector<16xi1>, vector<16xf32>
      %add3A_1472 = arith.addf %get3A_1469, %select_n3A : vector<16xf32>
      %swap3A_1473 = arith.constant 0 : index
      %swap3A_1474 = tpu.vector_load %arg13[%swap3A_1473] {strides = array<i32>} : memref<16xf32, #tpu.memory_space<vmem>>, vector<16xf32>,
      tpu.vector_store %arg13[%swap3A_1473], %add3A_1472 {strides = array<i32>} : memref<16xf32, #tpu.memory_space<vmem>>, vector<16xf32>,
      %get3A_1475 = arith.constant 0 : index
      %get3A_1476 = tpu.vector_load %arg14[%get3A_1475] {strides = array<i32>} : memref<16xf32, #tpu.memory_space<vmem>>, vector<16xf32>,
      %jit3A_1477 = arith.constant 0.000000e+00 : f32
      %broadcast_in_dim3A_1478 = vector.broadcast %reduce_sum3A_1465 : f32 to vector<16xf32>
      %broadcast_in_dim3A_1479 = vector.broadcast %jit3A_1477 : f32 to vector<16xf32>
      %select_n3A_1480 = arith.select %eq3A_1467, %broadcast_in_dim3A_1478, %broadcast_in_dim3A_1479 : vector<16xi1>, vector<16xf32>
      %add3A_1481 = arith.addf %get3A_1476, %select_n3A_1480 : vector<16xf32>
      %swap3A_1482 = arith.constant 0 : index
      %swap3A_1483 = tpu.vector_load %arg14[%swap3A_1482] {strides = array<i32>} : memref<16xf32, #tpu.memory_space<vmem>>, vector<16xf32>,
      tpu.vector_store %arg14[%swap3A_1482], %add3A_1481 {strides = array<i32>} : memref<16xf32, #tpu.memory_space<vmem>>, vector<16xf32>,
    } else {
    }
    %not3A_603 = arith.constant true
    %not3A_604 = arith.xori %eq3A_599, %not3A_603 : i1
    %convert_element_type3A_605 = arith.extui %not3A_604 : i1 to i32
    %cond3A_606 = arith.constant 0 : i32
    %cond3A_607 = arith.cmpi ne, %convert_element_type3A_605, %cond3A_606 : i32
    scf.if %cond3A_607 {
      tpu.vector_store_idx %arg13[%get3A_594], %exp3A_589 {add = true} : memref<16xf32, #tpu.memory_space<vmem>>[vector<16xi32>], vector<16xf32>,
      tpu.vector_store_idx %arg14[%get3A_594], %mul3A_592 {add = true} : memref<16xf32, #tpu.memory_space<vmem>>[vector<16xi32>], vector<16xf32>,
    } else {
    }
    %get3A_608 = arith.constant 400 : index
    %get3A_609 = tpu.vector_load %arg11[%get3A_608] {strides = array<i32>} : memref<1024xf32, #tpu.memory_space<vmem>>, vector<16xf32>,
    %exp3A_610 = math.exp %get3A_609 : vector<16xf32>
    %get3A_611 = arith.constant 400 : index
    %get3A_612 = tpu.vector_load %arg12[%get3A_611] {strides = array<i32>} : memref<1024xf32, #tpu.memory_space<vmem>>, vector<16xf32>,
    %mul3A_613 = arith.mulf %exp3A_610, %get3A_612 : vector<16xf32>
    %get3A_614 = arith.constant 400 : index
    %get3A_615 = tpu.vector_load %arg10[%get3A_614] {strides = array<i32>} : memref<1024xi32, #tpu.memory_space<vmem>>, vector<16xi32>,
    %slice3A_616 = vector.extract_strided_slice %get3A_615 {offsets = [0], sizes = [1], strides = [1]} : vector<16xi32> to vector<1xi32>
    %squeeze3A_617 = vector.extract %slice3A_616[0] : i32 from vector<1xi32>
    %slice3A_618 = vector.extract_strided_slice %get3A_615 {offsets = [15], sizes = [1], strides = [1]} : vector<16xi32> to vector<1xi32>
    %squeeze3A_619 = vector.extract %slice3A_618[0] : i32 from vector<1xi32>
    %eq3A_620 = arith.cmpi eq, %squeeze3A_617, %squeeze3A_619 : i32
    %convert_element_type3A_621 = arith.extui %eq3A_620 : i1 to i32
    %cond3A_622 = arith.constant 0 : i32
    %cond3A_623 = arith.cmpi ne, %convert_element_type3A_621, %cond3A_622 : i32
    scf.if %cond3A_623 {
      %reduce_sum3A = arith.constant true
      %reduce_sum3A_1459 = vector.broadcast %reduce_sum3A : i1 to vector<16xi1>
      %reduce_sum3A_1460 = tpu.scan <sum>, %exp3A_610 masked %reduce_sum3A_1459 : vector<16xf32>, vector<16xi1> -> vector<16xf32>
      %reduce_sum3A_1461 = vector.extract %reduce_sum3A_1460[15] : f32 from vector<16xf32>
      %reduce_sum3A_1462 = arith.constant true
      %reduce_sum3A_1463 = vector.broadcast %reduce_sum3A_1462 : i1 to vector<16xi1>
      %reduce_sum3A_1464 = tpu.scan <sum>, %mul3A_613 masked %reduce_sum3A_1463 : vector<16xf32>, vector<16xi1> -> vector<16xf32>
      %reduce_sum3A_1465 = vector.extract %reduce_sum3A_1464[15] : f32 from vector<16xf32>
      %eq3A_1466 = vector.broadcast %squeeze3A_617 : i32 to vector<16xi32>
      %eq3A_1467 = arith.cmpi eq, %iota3A, %eq3A_1466 : vector<16xi32>
      %get3A_1468 = arith.constant 0 : index
      %get3A_1469 = tpu.vector_load %arg13[%get3A_1468] {strides = array<i32>} : memref<16xf32, #tpu.memory_space<vmem>>, vector<16xf32>,
      %jit3A = arith.constant 0.000000e+00 : f32
      %broadcast_in_dim3A_1470 = vector.broadcast %reduce_sum3A_1461 : f32 to vector<16xf32>
      %broadcast_in_dim3A_1471 = vector.broadcast %jit3A : f32 to vector<16xf32>
      %select_n3A = arith.select %eq3A_1467, %broadcast_in_dim3A_1470, %broadcast_in_dim3A_1471 : vector<16xi1>, vector<16xf32>
      %add3A_1472 = arith.addf %get3A_1469, %select_n3A : vector<16xf32>
      %swap3A_1473 = arith.constant 0 : index
      %swap3A_1474 = tpu.vector_load %arg13[%swap3A_1473] {strides = array<i32>} : memref<16xf32, #tpu.memory_space<vmem>>, vector<16xf32>,
      tpu.vector_store %arg13[%swap3A_1473], %add3A_1472 {strides = array<i32>} : memref<16xf32, #tpu.memory_space<vmem>>, vector<16xf32>,
      %get3A_1475 = arith.constant 0 : index
      %get3A_1476 = tpu.vector_load %arg14[%get3A_1475] {strides = array<i32>} : memref<16xf32, #tpu.memory_space<vmem>>, vector<16xf32>,
      %jit3A_1477 = arith.constant 0.000000e+00 : f32
      %broadcast_in_dim3A_1478 = vector.broadcast %reduce_sum3A_1465 : f32 to vector<16xf32>
      %broadcast_in_dim3A_1479 = vector.broadcast %jit3A_1477 : f32 to vector<16xf32>
      %select_n3A_1480 = arith.select %eq3A_1467, %broadcast_in_dim3A_1478, %broadcast_in_dim3A_1479 : vector<16xi1>, vector<16xf32>
      %add3A_1481 = arith.addf %get3A_1476, %select_n3A_1480 : vector<16xf32>
      %swap3A_1482 = arith.constant 0 : index
      %swap3A_1483 = tpu.vector_load %arg14[%swap3A_1482] {strides = array<i32>} : memref<16xf32, #tpu.memory_space<vmem>>, vector<16xf32>,
      tpu.vector_store %arg14[%swap3A_1482], %add3A_1481 {strides = array<i32>} : memref<16xf32, #tpu.memory_space<vmem>>, vector<16xf32>,
    } else {
    }
    %not3A_624 = arith.constant true
    %not3A_625 = arith.xori %eq3A_620, %not3A_624 : i1
    %convert_element_type3A_626 = arith.extui %not3A_625 : i1 to i32
    %cond3A_627 = arith.constant 0 : i32
    %cond3A_628 = arith.cmpi ne, %convert_element_type3A_626, %cond3A_627 : i32
    scf.if %cond3A_628 {
      tpu.vector_store_idx %arg13[%get3A_615], %exp3A_610 {add = true} : memref<16xf32, #tpu.memory_space<vmem>>[vector<16xi32>], vector<16xf32>,
      tpu.vector_store_idx %arg14[%get3A_615], %mul3A_613 {add = true} : memref<16xf32, #tpu.memory_space<vmem>>[vector<16xi32>], vector<16xf32>,
    } else {
    }
    %get3A_629 = arith.constant 416 : index
    %get3A_630 = tpu.vector_load %arg11[%get3A_629] {strides = array<i32>} : memref<1024xf32, #tpu.memory_space<vmem>>, vector<16xf32>,
    %exp3A_631 = math.exp %get3A_630 : vector<16xf32>
    %get3A_632 = arith.constant 416 : index
    %get3A_633 = tpu.vector_load %arg12[%get3A_632] {strides = array<i32>} : memref<1024xf32, #tpu.memory_space<vmem>>, vector<16xf32>,
    %mul3A_634 = arith.mulf %exp3A_631, %get3A_633 : vector<16xf32>
    %get3A_635 = arith.constant 416 : index
    %get3A_636 = tpu.vector_load %arg10[%get3A_635] {strides = array<i32>} : memref<1024xi32, #tpu.memory_space<vmem>>, vector<16xi32>,
    %slice3A_637 = vector.extract_strided_slice %get3A_636 {offsets = [0], sizes = [1], strides = [1]} : vector<16xi32> to vector<1xi32>
    %squeeze3A_638 = vector.extract %slice3A_637[0] : i32 from vector<1xi32>
    %slice3A_639 = vector.extract_strided_slice %get3A_636 {offsets = [15], sizes = [1], strides = [1]} : vector<16xi32> to vector<1xi32>
    %squeeze3A_640 = vector.extract %slice3A_639[0] : i32 from vector<1xi32>
    %eq3A_641 = arith.cmpi eq, %squeeze3A_638, %squeeze3A_640 : i32
    %convert_element_type3A_642 = arith.extui %eq3A_641 : i1 to i32
    %cond3A_643 = arith.constant 0 : i32
    %cond3A_644 = arith.cmpi ne, %convert_element_type3A_642, %cond3A_643 : i32
    scf.if %cond3A_644 {
      %reduce_sum3A = arith.constant true
      %reduce_sum3A_1459 = vector.broadcast %reduce_sum3A : i1 to vector<16xi1>
      %reduce_sum3A_1460 = tpu.scan <sum>, %exp3A_631 masked %reduce_sum3A_1459 : vector<16xf32>, vector<16xi1> -> vector<16xf32>
      %reduce_sum3A_1461 = vector.extract %reduce_sum3A_1460[15] : f32 from vector<16xf32>
      %reduce_sum3A_1462 = arith.constant true
      %reduce_sum3A_1463 = vector.broadcast %reduce_sum3A_1462 : i1 to vector<16xi1>
      %reduce_sum3A_1464 = tpu.scan <sum>, %mul3A_634 masked %reduce_sum3A_1463 : vector<16xf32>, vector<16xi1> -> vector<16xf32>
      %reduce_sum3A_1465 = vector.extract %reduce_sum3A_1464[15] : f32 from vector<16xf32>
      %eq3A_1466 = vector.broadcast %squeeze3A_638 : i32 to vector<16xi32>
      %eq3A_1467 = arith.cmpi eq, %iota3A, %eq3A_1466 : vector<16xi32>
      %get3A_1468 = arith.constant 0 : index
      %get3A_1469 = tpu.vector_load %arg13[%get3A_1468] {strides = array<i32>} : memref<16xf32, #tpu.memory_space<vmem>>, vector<16xf32>,
      %jit3A = arith.constant 0.000000e+00 : f32
      %broadcast_in_dim3A_1470 = vector.broadcast %reduce_sum3A_1461 : f32 to vector<16xf32>
      %broadcast_in_dim3A_1471 = vector.broadcast %jit3A : f32 to vector<16xf32>
      %select_n3A = arith.select %eq3A_1467, %broadcast_in_dim3A_1470, %broadcast_in_dim3A_1471 : vector<16xi1>, vector<16xf32>
      %add3A_1472 = arith.addf %get3A_1469, %select_n3A : vector<16xf32>
      %swap3A_1473 = arith.constant 0 : index
      %swap3A_1474 = tpu.vector_load %arg13[%swap3A_1473] {strides = array<i32>} : memref<16xf32, #tpu.memory_space<vmem>>, vector<16xf32>,
      tpu.vector_store %arg13[%swap3A_1473], %add3A_1472 {strides = array<i32>} : memref<16xf32, #tpu.memory_space<vmem>>, vector<16xf32>,
      %get3A_1475 = arith.constant 0 : index
      %get3A_1476 = tpu.vector_load %arg14[%get3A_1475] {strides = array<i32>} : memref<16xf32, #tpu.memory_space<vmem>>, vector<16xf32>,
      %jit3A_1477 = arith.constant 0.000000e+00 : f32
      %broadcast_in_dim3A_1478 = vector.broadcast %reduce_sum3A_1465 : f32 to vector<16xf32>
      %broadcast_in_dim3A_1479 = vector.broadcast %jit3A_1477 : f32 to vector<16xf32>
      %select_n3A_1480 = arith.select %eq3A_1467, %broadcast_in_dim3A_1478, %broadcast_in_dim3A_1479 : vector<16xi1>, vector<16xf32>
      %add3A_1481 = arith.addf %get3A_1476, %select_n3A_1480 : vector<16xf32>
      %swap3A_1482 = arith.constant 0 : index
      %swap3A_1483 = tpu.vector_load %arg14[%swap3A_1482] {strides = array<i32>} : memref<16xf32, #tpu.memory_space<vmem>>, vector<16xf32>,
      tpu.vector_store %arg14[%swap3A_1482], %add3A_1481 {strides = array<i32>} : memref<16xf32, #tpu.memory_space<vmem>>, vector<16xf32>,
    } else {
    }
    %not3A_645 = arith.constant true
    %not3A_646 = arith.xori %eq3A_641, %not3A_645 : i1
    %convert_element_type3A_647 = arith.extui %not3A_646 : i1 to i32
    %cond3A_648 = arith.constant 0 : i32
    %cond3A_649 = arith.cmpi ne, %convert_element_type3A_647, %cond3A_648 : i32
    scf.if %cond3A_649 {
      tpu.vector_store_idx %arg13[%get3A_636], %exp3A_631 {add = true} : memref<16xf32, #tpu.memory_space<vmem>>[vector<16xi32>], vector<16xf32>,
      tpu.vector_store_idx %arg14[%get3A_636], %mul3A_634 {add = true} : memref<16xf32, #tpu.memory_space<vmem>>[vector<16xi32>], vector<16xf32>,
    } else {
    }
    %get3A_650 = arith.constant 432 : index
    %get3A_651 = tpu.vector_load %arg11[%get3A_650] {strides = array<i32>} : memref<1024xf32, #tpu.memory_space<vmem>>, vector<16xf32>,
    %exp3A_652 = math.exp %get3A_651 : vector<16xf32>
    %get3A_653 = arith.constant 432 : index
    %get3A_654 = tpu.vector_load %arg12[%get3A_653] {strides = array<i32>} : memref<1024xf32, #tpu.memory_space<vmem>>, vector<16xf32>,
    %mul3A_655 = arith.mulf %exp3A_652, %get3A_654 : vector<16xf32>
    %get3A_656 = arith.constant 432 : index
    %get3A_657 = tpu.vector_load %arg10[%get3A_656] {strides = array<i32>} : memref<1024xi32, #tpu.memory_space<vmem>>, vector<16xi32>,
    %slice3A_658 = vector.extract_strided_slice %get3A_657 {offsets = [0], sizes = [1], strides = [1]} : vector<16xi32> to vector<1xi32>
    %squeeze3A_659 = vector.extract %slice3A_658[0] : i32 from vector<1xi32>
    %slice3A_660 = vector.extract_strided_slice %get3A_657 {offsets = [15], sizes = [1], strides = [1]} : vector<16xi32> to vector<1xi32>
    %squeeze3A_661 = vector.extract %slice3A_660[0] : i32 from vector<1xi32>
    %eq3A_662 = arith.cmpi eq, %squeeze3A_659, %squeeze3A_661 : i32
    %convert_element_type3A_663 = arith.extui %eq3A_662 : i1 to i32
    %cond3A_664 = arith.constant 0 : i32
    %cond3A_665 = arith.cmpi ne, %convert_element_type3A_663, %cond3A_664 : i32
    scf.if %cond3A_665 {
      %reduce_sum3A = arith.constant true
      %reduce_sum3A_1459 = vector.broadcast %reduce_sum3A : i1 to vector<16xi1>
      %reduce_sum3A_1460 = tpu.scan <sum>, %exp3A_652 masked %reduce_sum3A_1459 : vector<16xf32>, vector<16xi1> -> vector<16xf32>
      %reduce_sum3A_1461 = vector.extract %reduce_sum3A_1460[15] : f32 from vector<16xf32>
      %reduce_sum3A_1462 = arith.constant true
      %reduce_sum3A_1463 = vector.broadcast %reduce_sum3A_1462 : i1 to vector<16xi1>
      %reduce_sum3A_1464 = tpu.scan <sum>, %mul3A_655 masked %reduce_sum3A_1463 : vector<16xf32>, vector<16xi1> -> vector<16xf32>
      %reduce_sum3A_1465 = vector.extract %reduce_sum3A_1464[15] : f32 from vector<16xf32>
      %eq3A_1466 = vector.broadcast %squeeze3A_659 : i32 to vector<16xi32>
      %eq3A_1467 = arith.cmpi eq, %iota3A, %eq3A_1466 : vector<16xi32>
      %get3A_1468 = arith.constant 0 : index
      %get3A_1469 = tpu.vector_load %arg13[%get3A_1468] {strides = array<i32>} : memref<16xf32, #tpu.memory_space<vmem>>, vector<16xf32>,
      %jit3A = arith.constant 0.000000e+00 : f32
      %broadcast_in_dim3A_1470 = vector.broadcast %reduce_sum3A_1461 : f32 to vector<16xf32>
      %broadcast_in_dim3A_1471 = vector.broadcast %jit3A : f32 to vector<16xf32>
      %select_n3A = arith.select %eq3A_1467, %broadcast_in_dim3A_1470, %broadcast_in_dim3A_1471 : vector<16xi1>, vector<16xf32>
      %add3A_1472 = arith.addf %get3A_1469, %select_n3A : vector<16xf32>
      %swap3A_1473 = arith.constant 0 : index
      %swap3A_1474 = tpu.vector_load %arg13[%swap3A_1473] {strides = array<i32>} : memref<16xf32, #tpu.memory_space<vmem>>, vector<16xf32>,
      tpu.vector_store %arg13[%swap3A_1473], %add3A_1472 {strides = array<i32>} : memref<16xf32, #tpu.memory_space<vmem>>, vector<16xf32>,
      %get3A_1475 = arith.constant 0 : index
      %get3A_1476 = tpu.vector_load %arg14[%get3A_1475] {strides = array<i32>} : memref<16xf32, #tpu.memory_space<vmem>>, vector<16xf32>,
      %jit3A_1477 = arith.constant 0.000000e+00 : f32
      %broadcast_in_dim3A_1478 = vector.broadcast %reduce_sum3A_1465 : f32 to vector<16xf32>
      %broadcast_in_dim3A_1479 = vector.broadcast %jit3A_1477 : f32 to vector<16xf32>
      %select_n3A_1480 = arith.select %eq3A_1467, %broadcast_in_dim3A_1478, %broadcast_in_dim3A_1479 : vector<16xi1>, vector<16xf32>
      %add3A_1481 = arith.addf %get3A_1476, %select_n3A_1480 : vector<16xf32>
      %swap3A_1482 = arith.constant 0 : index
      %swap3A_1483 = tpu.vector_load %arg14[%swap3A_1482] {strides = array<i32>} : memref<16xf32, #tpu.memory_space<vmem>>, vector<16xf32>,
      tpu.vector_store %arg14[%swap3A_1482], %add3A_1481 {strides = array<i32>} : memref<16xf32, #tpu.memory_space<vmem>>, vector<16xf32>,
    } else {
    }
    %not3A_666 = arith.constant true
    %not3A_667 = arith.xori %eq3A_662, %not3A_666 : i1
    %convert_element_type3A_668 = arith.extui %not3A_667 : i1 to i32
    %cond3A_669 = arith.constant 0 : i32
    %cond3A_670 = arith.cmpi ne, %convert_element_type3A_668, %cond3A_669 : i32
    scf.if %cond3A_670 {
      tpu.vector_store_idx %arg13[%get3A_657], %exp3A_652 {add = true} : memref<16xf32, #tpu.memory_space<vmem>>[vector<16xi32>], vector<16xf32>,
      tpu.vector_store_idx %arg14[%get3A_657], %mul3A_655 {add = true} : memref<16xf32, #tpu.memory_space<vmem>>[vector<16xi32>], vector<16xf32>,
    } else {
    }
    %get3A_671 = arith.constant 448 : index
    %get3A_672 = tpu.vector_load %arg11[%get3A_671] {strides = array<i32>} : memref<1024xf32, #tpu.memory_space<vmem>>, vector<16xf32>,
    %exp3A_673 = math.exp %get3A_672 : vector<16xf32>
    %get3A_674 = arith.constant 448 : index
    %get3A_675 = tpu.vector_load %arg12[%get3A_674] {strides = array<i32>} : memref<1024xf32, #tpu.memory_space<vmem>>, vector<16xf32>,
    %mul3A_676 = arith.mulf %exp3A_673, %get3A_675 : vector<16xf32>
    %get3A_677 = arith.constant 448 : index
    %get3A_678 = tpu.vector_load %arg10[%get3A_677] {strides = array<i32>} : memref<1024xi32, #tpu.memory_space<vmem>>, vector<16xi32>,
    %slice3A_679 = vector.extract_strided_slice %get3A_678 {offsets = [0], sizes = [1], strides = [1]} : vector<16xi32> to vector<1xi32>
    %squeeze3A_680 = vector.extract %slice3A_679[0] : i32 from vector<1xi32>
    %slice3A_681 = vector.extract_strided_slice %get3A_678 {offsets = [15], sizes = [1], strides = [1]} : vector<16xi32> to vector<1xi32>
    %squeeze3A_682 = vector.extract %slice3A_681[0] : i32 from vector<1xi32>
    %eq3A_683 = arith.cmpi eq, %squeeze3A_680, %squeeze3A_682 : i32
    %convert_element_type3A_684 = arith.extui %eq3A_683 : i1 to i32
    %cond3A_685 = arith.constant 0 : i32
    %cond3A_686 = arith.cmpi ne, %convert_element_type3A_684, %cond3A_685 : i32
    scf.if %cond3A_686 {
      %reduce_sum3A = arith.constant true
      %reduce_sum3A_1459 = vector.broadcast %reduce_sum3A : i1 to vector<16xi1>
      %reduce_sum3A_1460 = tpu.scan <sum>, %exp3A_673 masked %reduce_sum3A_1459 : vector<16xf32>, vector<16xi1> -> vector<16xf32>
      %reduce_sum3A_1461 = vector.extract %reduce_sum3A_1460[15] : f32 from vector<16xf32>
      %reduce_sum3A_1462 = arith.constant true
      %reduce_sum3A_1463 = vector.broadcast %reduce_sum3A_1462 : i1 to vector<16xi1>
      %reduce_sum3A_1464 = tpu.scan <sum>, %mul3A_676 masked %reduce_sum3A_1463 : vector<16xf32>, vector<16xi1> -> vector<16xf32>
      %reduce_sum3A_1465 = vector.extract %reduce_sum3A_1464[15] : f32 from vector<16xf32>
      %eq3A_1466 = vector.broadcast %squeeze3A_680 : i32 to vector<16xi32>
      %eq3A_1467 = arith.cmpi eq, %iota3A, %eq3A_1466 : vector<16xi32>
      %get3A_1468 = arith.constant 0 : index
      %get3A_1469 = tpu.vector_load %arg13[%get3A_1468] {strides = array<i32>} : memref<16xf32, #tpu.memory_space<vmem>>, vector<16xf32>,
      %jit3A = arith.constant 0.000000e+00 : f32
      %broadcast_in_dim3A_1470 = vector.broadcast %reduce_sum3A_1461 : f32 to vector<16xf32>
      %broadcast_in_dim3A_1471 = vector.broadcast %jit3A : f32 to vector<16xf32>
      %select_n3A = arith.select %eq3A_1467, %broadcast_in_dim3A_1470, %broadcast_in_dim3A_1471 : vector<16xi1>, vector<16xf32>
      %add3A_1472 = arith.addf %get3A_1469, %select_n3A : vector<16xf32>
      %swap3A_1473 = arith.constant 0 : index
      %swap3A_1474 = tpu.vector_load %arg13[%swap3A_1473] {strides = array<i32>} : memref<16xf32, #tpu.memory_space<vmem>>, vector<16xf32>,
      tpu.vector_store %arg13[%swap3A_1473], %add3A_1472 {strides = array<i32>} : memref<16xf32, #tpu.memory_space<vmem>>, vector<16xf32>,
      %get3A_1475 = arith.constant 0 : index
      %get3A_1476 = tpu.vector_load %arg14[%get3A_1475] {strides = array<i32>} : memref<16xf32, #tpu.memory_space<vmem>>, vector<16xf32>,
      %jit3A_1477 = arith.constant 0.000000e+00 : f32
      %broadcast_in_dim3A_1478 = vector.broadcast %reduce_sum3A_1465 : f32 to vector<16xf32>
      %broadcast_in_dim3A_1479 = vector.broadcast %jit3A_1477 : f32 to vector<16xf32>
      %select_n3A_1480 = arith.select %eq3A_1467, %broadcast_in_dim3A_1478, %broadcast_in_dim3A_1479 : vector<16xi1>, vector<16xf32>
      %add3A_1481 = arith.addf %get3A_1476, %select_n3A_1480 : vector<16xf32>
      %swap3A_1482 = arith.constant 0 : index
      %swap3A_1483 = tpu.vector_load %arg14[%swap3A_1482] {strides = array<i32>} : memref<16xf32, #tpu.memory_space<vmem>>, vector<16xf32>,
      tpu.vector_store %arg14[%swap3A_1482], %add3A_1481 {strides = array<i32>} : memref<16xf32, #tpu.memory_space<vmem>>, vector<16xf32>,
    } else {
    }
    %not3A_687 = arith.constant true
    %not3A_688 = arith.xori %eq3A_683, %not3A_687 : i1
    %convert_element_type3A_689 = arith.extui %not3A_688 : i1 to i32
    %cond3A_690 = arith.constant 0 : i32
    %cond3A_691 = arith.cmpi ne, %convert_element_type3A_689, %cond3A_690 : i32
    scf.if %cond3A_691 {
      tpu.vector_store_idx %arg13[%get3A_678], %exp3A_673 {add = true} : memref<16xf32, #tpu.memory_space<vmem>>[vector<16xi32>], vector<16xf32>,
      tpu.vector_store_idx %arg14[%get3A_678], %mul3A_676 {add = true} : memref<16xf32, #tpu.memory_space<vmem>>[vector<16xi32>], vector<16xf32>,
    } else {
    }
    %get3A_692 = arith.constant 464 : index
    %get3A_693 = tpu.vector_load %arg11[%get3A_692] {strides = array<i32>} : memref<1024xf32, #tpu.memory_space<vmem>>, vector<16xf32>,
    %exp3A_694 = math.exp %get3A_693 : vector<16xf32>
    %get3A_695 = arith.constant 464 : index
    %get3A_696 = tpu.vector_load %arg12[%get3A_695] {strides = array<i32>} : memref<1024xf32, #tpu.memory_space<vmem>>, vector<16xf32>,
    %mul3A_697 = arith.mulf %exp3A_694, %get3A_696 : vector<16xf32>
    %get3A_698 = arith.constant 464 : index
    %get3A_699 = tpu.vector_load %arg10[%get3A_698] {strides = array<i32>} : memref<1024xi32, #tpu.memory_space<vmem>>, vector<16xi32>,
    %slice3A_700 = vector.extract_strided_slice %get3A_699 {offsets = [0], sizes = [1], strides = [1]} : vector<16xi32> to vector<1xi32>
    %squeeze3A_701 = vector.extract %slice3A_700[0] : i32 from vector<1xi32>
    %slice3A_702 = vector.extract_strided_slice %get3A_699 {offsets = [15], sizes = [1], strides = [1]} : vector<16xi32> to vector<1xi32>
    %squeeze3A_703 = vector.extract %slice3A_702[0] : i32 from vector<1xi32>
    %eq3A_704 = arith.cmpi eq, %squeeze3A_701, %squeeze3A_703 : i32
    %convert_element_type3A_705 = arith.extui %eq3A_704 : i1 to i32
    %cond3A_706 = arith.constant 0 : i32
    %cond3A_707 = arith.cmpi ne, %convert_element_type3A_705, %cond3A_706 : i32
    scf.if %cond3A_707 {
      %reduce_sum3A = arith.constant true
      %reduce_sum3A_1459 = vector.broadcast %reduce_sum3A : i1 to vector<16xi1>
      %reduce_sum3A_1460 = tpu.scan <sum>, %exp3A_694 masked %reduce_sum3A_1459 : vector<16xf32>, vector<16xi1> -> vector<16xf32>
      %reduce_sum3A_1461 = vector.extract %reduce_sum3A_1460[15] : f32 from vector<16xf32>
      %reduce_sum3A_1462 = arith.constant true
      %reduce_sum3A_1463 = vector.broadcast %reduce_sum3A_1462 : i1 to vector<16xi1>
      %reduce_sum3A_1464 = tpu.scan <sum>, %mul3A_697 masked %reduce_sum3A_1463 : vector<16xf32>, vector<16xi1> -> vector<16xf32>
      %reduce_sum3A_1465 = vector.extract %reduce_sum3A_1464[15] : f32 from vector<16xf32>
      %eq3A_1466 = vector.broadcast %squeeze3A_701 : i32 to vector<16xi32>
      %eq3A_1467 = arith.cmpi eq, %iota3A, %eq3A_1466 : vector<16xi32>
      %get3A_1468 = arith.constant 0 : index
      %get3A_1469 = tpu.vector_load %arg13[%get3A_1468] {strides = array<i32>} : memref<16xf32, #tpu.memory_space<vmem>>, vector<16xf32>,
      %jit3A = arith.constant 0.000000e+00 : f32
      %broadcast_in_dim3A_1470 = vector.broadcast %reduce_sum3A_1461 : f32 to vector<16xf32>
      %broadcast_in_dim3A_1471 = vector.broadcast %jit3A : f32 to vector<16xf32>
      %select_n3A = arith.select %eq3A_1467, %broadcast_in_dim3A_1470, %broadcast_in_dim3A_1471 : vector<16xi1>, vector<16xf32>
      %add3A_1472 = arith.addf %get3A_1469, %select_n3A : vector<16xf32>
      %swap3A_1473 = arith.constant 0 : index
      %swap3A_1474 = tpu.vector_load %arg13[%swap3A_1473] {strides = array<i32>} : memref<16xf32, #tpu.memory_space<vmem>>, vector<16xf32>,
      tpu.vector_store %arg13[%swap3A_1473], %add3A_1472 {strides = array<i32>} : memref<16xf32, #tpu.memory_space<vmem>>, vector<16xf32>,
      %get3A_1475 = arith.constant 0 : index
      %get3A_1476 = tpu.vector_load %arg14[%get3A_1475] {strides = array<i32>} : memref<16xf32, #tpu.memory_space<vmem>>, vector<16xf32>,
      %jit3A_1477 = arith.constant 0.000000e+00 : f32
      %broadcast_in_dim3A_1478 = vector.broadcast %reduce_sum3A_1465 : f32 to vector<16xf32>
      %broadcast_in_dim3A_1479 = vector.broadcast %jit3A_1477 : f32 to vector<16xf32>
      %select_n3A_1480 = arith.select %eq3A_1467, %broadcast_in_dim3A_1478, %broadcast_in_dim3A_1479 : vector<16xi1>, vector<16xf32>
      %add3A_1481 = arith.addf %get3A_1476, %select_n3A_1480 : vector<16xf32>
      %swap3A_1482 = arith.constant 0 : index
      %swap3A_1483 = tpu.vector_load %arg14[%swap3A_1482] {strides = array<i32>} : memref<16xf32, #tpu.memory_space<vmem>>, vector<16xf32>,
      tpu.vector_store %arg14[%swap3A_1482], %add3A_1481 {strides = array<i32>} : memref<16xf32, #tpu.memory_space<vmem>>, vector<16xf32>,
    } else {
    }
    %not3A_708 = arith.constant true
    %not3A_709 = arith.xori %eq3A_704, %not3A_708 : i1
    %convert_element_type3A_710 = arith.extui %not3A_709 : i1 to i32
    %cond3A_711 = arith.constant 0 : i32
    %cond3A_712 = arith.cmpi ne, %convert_element_type3A_710, %cond3A_711 : i32
    scf.if %cond3A_712 {
      tpu.vector_store_idx %arg13[%get3A_699], %exp3A_694 {add = true} : memref<16xf32, #tpu.memory_space<vmem>>[vector<16xi32>], vector<16xf32>,
      tpu.vector_store_idx %arg14[%get3A_699], %mul3A_697 {add = true} : memref<16xf32, #tpu.memory_space<vmem>>[vector<16xi32>], vector<16xf32>,
    } else {
    }
    %get3A_713 = arith.constant 480 : index
    %get3A_714 = tpu.vector_load %arg11[%get3A_713] {strides = array<i32>} : memref<1024xf32, #tpu.memory_space<vmem>>, vector<16xf32>,
    %exp3A_715 = math.exp %get3A_714 : vector<16xf32>
    %get3A_716 = arith.constant 480 : index
    %get3A_717 = tpu.vector_load %arg12[%get3A_716] {strides = array<i32>} : memref<1024xf32, #tpu.memory_space<vmem>>, vector<16xf32>,
    %mul3A_718 = arith.mulf %exp3A_715, %get3A_717 : vector<16xf32>
    %get3A_719 = arith.constant 480 : index
    %get3A_720 = tpu.vector_load %arg10[%get3A_719] {strides = array<i32>} : memref<1024xi32, #tpu.memory_space<vmem>>, vector<16xi32>,
    %slice3A_721 = vector.extract_strided_slice %get3A_720 {offsets = [0], sizes = [1], strides = [1]} : vector<16xi32> to vector<1xi32>
    %squeeze3A_722 = vector.extract %slice3A_721[0] : i32 from vector<1xi32>
    %slice3A_723 = vector.extract_strided_slice %get3A_720 {offsets = [15], sizes = [1], strides = [1]} : vector<16xi32> to vector<1xi32>
    %squeeze3A_724 = vector.extract %slice3A_723[0] : i32 from vector<1xi32>
    %eq3A_725 = arith.cmpi eq, %squeeze3A_722, %squeeze3A_724 : i32
    %convert_element_type3A_726 = arith.extui %eq3A_725 : i1 to i32
    %cond3A_727 = arith.constant 0 : i32
    %cond3A_728 = arith.cmpi ne, %convert_element_type3A_726, %cond3A_727 : i32
    scf.if %cond3A_728 {
      %reduce_sum3A = arith.constant true
      %reduce_sum3A_1459 = vector.broadcast %reduce_sum3A : i1 to vector<16xi1>
      %reduce_sum3A_1460 = tpu.scan <sum>, %exp3A_715 masked %reduce_sum3A_1459 : vector<16xf32>, vector<16xi1> -> vector<16xf32>
      %reduce_sum3A_1461 = vector.extract %reduce_sum3A_1460[15] : f32 from vector<16xf32>
      %reduce_sum3A_1462 = arith.constant true
      %reduce_sum3A_1463 = vector.broadcast %reduce_sum3A_1462 : i1 to vector<16xi1>
      %reduce_sum3A_1464 = tpu.scan <sum>, %mul3A_718 masked %reduce_sum3A_1463 : vector<16xf32>, vector<16xi1> -> vector<16xf32>
      %reduce_sum3A_1465 = vector.extract %reduce_sum3A_1464[15] : f32 from vector<16xf32>
      %eq3A_1466 = vector.broadcast %squeeze3A_722 : i32 to vector<16xi32>
      %eq3A_1467 = arith.cmpi eq, %iota3A, %eq3A_1466 : vector<16xi32>
      %get3A_1468 = arith.constant 0 : index
      %get3A_1469 = tpu.vector_load %arg13[%get3A_1468] {strides = array<i32>} : memref<16xf32, #tpu.memory_space<vmem>>, vector<16xf32>,
      %jit3A = arith.constant 0.000000e+00 : f32
      %broadcast_in_dim3A_1470 = vector.broadcast %reduce_sum3A_1461 : f32 to vector<16xf32>
      %broadcast_in_dim3A_1471 = vector.broadcast %jit3A : f32 to vector<16xf32>
      %select_n3A = arith.select %eq3A_1467, %broadcast_in_dim3A_1470, %broadcast_in_dim3A_1471 : vector<16xi1>, vector<16xf32>
      %add3A_1472 = arith.addf %get3A_1469, %select_n3A : vector<16xf32>
      %swap3A_1473 = arith.constant 0 : index
      %swap3A_1474 = tpu.vector_load %arg13[%swap3A_1473] {strides = array<i32>} : memref<16xf32, #tpu.memory_space<vmem>>, vector<16xf32>,
      tpu.vector_store %arg13[%swap3A_1473], %add3A_1472 {strides = array<i32>} : memref<16xf32, #tpu.memory_space<vmem>>, vector<16xf32>,
      %get3A_1475 = arith.constant 0 : index
      %get3A_1476 = tpu.vector_load %arg14[%get3A_1475] {strides = array<i32>} : memref<16xf32, #tpu.memory_space<vmem>>, vector<16xf32>,
      %jit3A_1477 = arith.constant 0.000000e+00 : f32
      %broadcast_in_dim3A_1478 = vector.broadcast %reduce_sum3A_1465 : f32 to vector<16xf32>
      %broadcast_in_dim3A_1479 = vector.broadcast %jit3A_1477 : f32 to vector<16xf32>
      %select_n3A_1480 = arith.select %eq3A_1467, %broadcast_in_dim3A_1478, %broadcast_in_dim3A_1479 : vector<16xi1>, vector<16xf32>
      %add3A_1481 = arith.addf %get3A_1476, %select_n3A_1480 : vector<16xf32>
      %swap3A_1482 = arith.constant 0 : index
      %swap3A_1483 = tpu.vector_load %arg14[%swap3A_1482] {strides = array<i32>} : memref<16xf32, #tpu.memory_space<vmem>>, vector<16xf32>,
      tpu.vector_store %arg14[%swap3A_1482], %add3A_1481 {strides = array<i32>} : memref<16xf32, #tpu.memory_space<vmem>>, vector<16xf32>,
    } else {
    }
    %not3A_729 = arith.constant true
    %not3A_730 = arith.xori %eq3A_725, %not3A_729 : i1
    %convert_element_type3A_731 = arith.extui %not3A_730 : i1 to i32
    %cond3A_732 = arith.constant 0 : i32
    %cond3A_733 = arith.cmpi ne, %convert_element_type3A_731, %cond3A_732 : i32
    scf.if %cond3A_733 {
      tpu.vector_store_idx %arg13[%get3A_720], %exp3A_715 {add = true} : memref<16xf32, #tpu.memory_space<vmem>>[vector<16xi32>], vector<16xf32>,
      tpu.vector_store_idx %arg14[%get3A_720], %mul3A_718 {add = true} : memref<16xf32, #tpu.memory_space<vmem>>[vector<16xi32>], vector<16xf32>,
    } else {
    }
    %get3A_734 = arith.constant 496 : index
    %get3A_735 = tpu.vector_load %arg11[%get3A_734] {strides = array<i32>} : memref<1024xf32, #tpu.memory_space<vmem>>, vector<16xf32>,
    %exp3A_736 = math.exp %get3A_735 : vector<16xf32>
    %get3A_737 = arith.constant 496 : index
    %get3A_738 = tpu.vector_load %arg12[%get3A_737] {strides = array<i32>} : memref<1024xf32, #tpu.memory_space<vmem>>, vector<16xf32>,
    %mul3A_739 = arith.mulf %exp3A_736, %get3A_738 : vector<16xf32>
    %get3A_740 = arith.constant 496 : index
    %get3A_741 = tpu.vector_load %arg10[%get3A_740] {strides = array<i32>} : memref<1024xi32, #tpu.memory_space<vmem>>, vector<16xi32>,
    %slice3A_742 = vector.extract_strided_slice %get3A_741 {offsets = [0], sizes = [1], strides = [1]} : vector<16xi32> to vector<1xi32>
    %squeeze3A_743 = vector.extract %slice3A_742[0] : i32 from vector<1xi32>
    %slice3A_744 = vector.extract_strided_slice %get3A_741 {offsets = [15], sizes = [1], strides = [1]} : vector<16xi32> to vector<1xi32>
    %squeeze3A_745 = vector.extract %slice3A_744[0] : i32 from vector<1xi32>
    %eq3A_746 = arith.cmpi eq, %squeeze3A_743, %squeeze3A_745 : i32
    %convert_element_type3A_747 = arith.extui %eq3A_746 : i1 to i32
    %cond3A_748 = arith.constant 0 : i32
    %cond3A_749 = arith.cmpi ne, %convert_element_type3A_747, %cond3A_748 : i32
    scf.if %cond3A_749 {
      %reduce_sum3A = arith.constant true
      %reduce_sum3A_1459 = vector.broadcast %reduce_sum3A : i1 to vector<16xi1>
      %reduce_sum3A_1460 = tpu.scan <sum>, %exp3A_736 masked %reduce_sum3A_1459 : vector<16xf32>, vector<16xi1> -> vector<16xf32>
      %reduce_sum3A_1461 = vector.extract %reduce_sum3A_1460[15] : f32 from vector<16xf32>
      %reduce_sum3A_1462 = arith.constant true
      %reduce_sum3A_1463 = vector.broadcast %reduce_sum3A_1462 : i1 to vector<16xi1>
      %reduce_sum3A_1464 = tpu.scan <sum>, %mul3A_739 masked %reduce_sum3A_1463 : vector<16xf32>, vector<16xi1> -> vector<16xf32>
      %reduce_sum3A_1465 = vector.extract %reduce_sum3A_1464[15] : f32 from vector<16xf32>
      %eq3A_1466 = vector.broadcast %squeeze3A_743 : i32 to vector<16xi32>
      %eq3A_1467 = arith.cmpi eq, %iota3A, %eq3A_1466 : vector<16xi32>
      %get3A_1468 = arith.constant 0 : index
      %get3A_1469 = tpu.vector_load %arg13[%get3A_1468] {strides = array<i32>} : memref<16xf32, #tpu.memory_space<vmem>>, vector<16xf32>,
      %jit3A = arith.constant 0.000000e+00 : f32
      %broadcast_in_dim3A_1470 = vector.broadcast %reduce_sum3A_1461 : f32 to vector<16xf32>
      %broadcast_in_dim3A_1471 = vector.broadcast %jit3A : f32 to vector<16xf32>
      %select_n3A = arith.select %eq3A_1467, %broadcast_in_dim3A_1470, %broadcast_in_dim3A_1471 : vector<16xi1>, vector<16xf32>
      %add3A_1472 = arith.addf %get3A_1469, %select_n3A : vector<16xf32>
      %swap3A_1473 = arith.constant 0 : index
      %swap3A_1474 = tpu.vector_load %arg13[%swap3A_1473] {strides = array<i32>} : memref<16xf32, #tpu.memory_space<vmem>>, vector<16xf32>,
      tpu.vector_store %arg13[%swap3A_1473], %add3A_1472 {strides = array<i32>} : memref<16xf32, #tpu.memory_space<vmem>>, vector<16xf32>,
      %get3A_1475 = arith.constant 0 : index
      %get3A_1476 = tpu.vector_load %arg14[%get3A_1475] {strides = array<i32>} : memref<16xf32, #tpu.memory_space<vmem>>, vector<16xf32>,
      %jit3A_1477 = arith.constant 0.000000e+00 : f32
      %broadcast_in_dim3A_1478 = vector.broadcast %reduce_sum3A_1465 : f32 to vector<16xf32>
      %broadcast_in_dim3A_1479 = vector.broadcast %jit3A_1477 : f32 to vector<16xf32>
      %select_n3A_1480 = arith.select %eq3A_1467, %broadcast_in_dim3A_1478, %broadcast_in_dim3A_1479 : vector<16xi1>, vector<16xf32>
      %add3A_1481 = arith.addf %get3A_1476, %select_n3A_1480 : vector<16xf32>
      %swap3A_1482 = arith.constant 0 : index
      %swap3A_1483 = tpu.vector_load %arg14[%swap3A_1482] {strides = array<i32>} : memref<16xf32, #tpu.memory_space<vmem>>, vector<16xf32>,
      tpu.vector_store %arg14[%swap3A_1482], %add3A_1481 {strides = array<i32>} : memref<16xf32, #tpu.memory_space<vmem>>, vector<16xf32>,
    } else {
    }
    %not3A_750 = arith.constant true
    %not3A_751 = arith.xori %eq3A_746, %not3A_750 : i1
    %convert_element_type3A_752 = arith.extui %not3A_751 : i1 to i32
    %cond3A_753 = arith.constant 0 : i32
    %cond3A_754 = arith.cmpi ne, %convert_element_type3A_752, %cond3A_753 : i32
    scf.if %cond3A_754 {
      tpu.vector_store_idx %arg13[%get3A_741], %exp3A_736 {add = true} : memref<16xf32, #tpu.memory_space<vmem>>[vector<16xi32>], vector<16xf32>,
      tpu.vector_store_idx %arg14[%get3A_741], %mul3A_739 {add = true} : memref<16xf32, #tpu.memory_space<vmem>>[vector<16xi32>], vector<16xf32>,
    } else {
    }
    %dma_wait3A_755 = arith.constant 512 : i32
    %dma_wait3A_756 = tpu.memref_slice %arg11[%dma_wait3A_755] : memref<1024xf32, #tpu.memory_space<vmem>> -> memref<256xf32, #tpu.memory_space<vmem>>
    %dma_wait3A_757 = arith.constant 512 : i32
    %dma_wait3A_758 = tpu.memref_slice %arg8[%dma_wait3A_757] : memref<1024xi32, #tpu.memory_space<vmem>> -> memref<256xi32, #tpu.memory_space<vmem>>
    %dma_wait3A_759 = arith.constant 0 : i32
    %dma_wait3A_760 = tpu.memref_slice %arg5[%dma_wait3A_759] : memref<100000xf32, #tpu.memory_space<hbm>> -> memref<100000xf32, #tpu.memory_space<hbm>>
    tpu.wait_indirect_dma semaphore(%arg21 : memref<!tpu.dma_semaphore, #tpu.memory_space<semaphore_mem>>) src(%dma_wait3A_760 : memref<100000xf32, #tpu.memory_space<hbm>>) dst(%dma_wait3A_756 : memref<256xf32, #tpu.memory_space<vmem>>)
    %dma_wait3A_761 = arith.constant 512 : i32
    %dma_wait3A_762 = tpu.memref_slice %arg12[%dma_wait3A_761] : memref<1024xf32, #tpu.memory_space<vmem>> -> memref<256xf32, #tpu.memory_space<vmem>>
    %dma_wait3A_763 = arith.constant 512 : i32
    %dma_wait3A_764 = tpu.memref_slice %arg9[%dma_wait3A_763] : memref<1024xi32, #tpu.memory_space<vmem>> -> memref<256xi32, #tpu.memory_space<vmem>>
    %dma_wait3A_765 = arith.constant 0 : i32
    %dma_wait3A_766 = tpu.memref_slice %arg6[%dma_wait3A_765] : memref<100000xf32, #tpu.memory_space<hbm>> -> memref<100000xf32, #tpu.memory_space<hbm>>
    tpu.wait_indirect_dma semaphore(%arg22 : memref<!tpu.dma_semaphore, #tpu.memory_space<semaphore_mem>>) src(%dma_wait3A_766 : memref<100000xf32, #tpu.memory_space<hbm>>) dst(%dma_wait3A_762 : memref<256xf32, #tpu.memory_space<vmem>>)
    %get3A_767 = arith.constant 512 : index
    %get3A_768 = tpu.vector_load %arg11[%get3A_767] {strides = array<i32>} : memref<1024xf32, #tpu.memory_space<vmem>>, vector<16xf32>,
    %exp3A_769 = math.exp %get3A_768 : vector<16xf32>
    %get3A_770 = arith.constant 512 : index
    %get3A_771 = tpu.vector_load %arg12[%get3A_770] {strides = array<i32>} : memref<1024xf32, #tpu.memory_space<vmem>>, vector<16xf32>,
    %mul3A_772 = arith.mulf %exp3A_769, %get3A_771 : vector<16xf32>
    %get3A_773 = arith.constant 512 : index
    %get3A_774 = tpu.vector_load %arg10[%get3A_773] {strides = array<i32>} : memref<1024xi32, #tpu.memory_space<vmem>>, vector<16xi32>,
    %slice3A_775 = vector.extract_strided_slice %get3A_774 {offsets = [0], sizes = [1], strides = [1]} : vector<16xi32> to vector<1xi32>
    %squeeze3A_776 = vector.extract %slice3A_775[0] : i32 from vector<1xi32>
    %slice3A_777 = vector.extract_strided_slice %get3A_774 {offsets = [15], sizes = [1], strides = [1]} : vector<16xi32> to vector<1xi32>
    %squeeze3A_778 = vector.extract %slice3A_777[0] : i32 from vector<1xi32>
    %eq3A_779 = arith.cmpi eq, %squeeze3A_776, %squeeze3A_778 : i32
    %convert_element_type3A_780 = arith.extui %eq3A_779 : i1 to i32
    %cond3A_781 = arith.constant 0 : i32
    %cond3A_782 = arith.cmpi ne, %convert_element_type3A_780, %cond3A_781 : i32
    scf.if %cond3A_782 {
      %reduce_sum3A = arith.constant true
      %reduce_sum3A_1459 = vector.broadcast %reduce_sum3A : i1 to vector<16xi1>
      %reduce_sum3A_1460 = tpu.scan <sum>, %exp3A_769 masked %reduce_sum3A_1459 : vector<16xf32>, vector<16xi1> -> vector<16xf32>
      %reduce_sum3A_1461 = vector.extract %reduce_sum3A_1460[15] : f32 from vector<16xf32>
      %reduce_sum3A_1462 = arith.constant true
      %reduce_sum3A_1463 = vector.broadcast %reduce_sum3A_1462 : i1 to vector<16xi1>
      %reduce_sum3A_1464 = tpu.scan <sum>, %mul3A_772 masked %reduce_sum3A_1463 : vector<16xf32>, vector<16xi1> -> vector<16xf32>
      %reduce_sum3A_1465 = vector.extract %reduce_sum3A_1464[15] : f32 from vector<16xf32>
      %eq3A_1466 = vector.broadcast %squeeze3A_776 : i32 to vector<16xi32>
      %eq3A_1467 = arith.cmpi eq, %iota3A, %eq3A_1466 : vector<16xi32>
      %get3A_1468 = arith.constant 0 : index
      %get3A_1469 = tpu.vector_load %arg13[%get3A_1468] {strides = array<i32>} : memref<16xf32, #tpu.memory_space<vmem>>, vector<16xf32>,
      %jit3A = arith.constant 0.000000e+00 : f32
      %broadcast_in_dim3A_1470 = vector.broadcast %reduce_sum3A_1461 : f32 to vector<16xf32>
      %broadcast_in_dim3A_1471 = vector.broadcast %jit3A : f32 to vector<16xf32>
      %select_n3A = arith.select %eq3A_1467, %broadcast_in_dim3A_1470, %broadcast_in_dim3A_1471 : vector<16xi1>, vector<16xf32>
      %add3A_1472 = arith.addf %get3A_1469, %select_n3A : vector<16xf32>
      %swap3A_1473 = arith.constant 0 : index
      %swap3A_1474 = tpu.vector_load %arg13[%swap3A_1473] {strides = array<i32>} : memref<16xf32, #tpu.memory_space<vmem>>, vector<16xf32>,
      tpu.vector_store %arg13[%swap3A_1473], %add3A_1472 {strides = array<i32>} : memref<16xf32, #tpu.memory_space<vmem>>, vector<16xf32>,
      %get3A_1475 = arith.constant 0 : index
      %get3A_1476 = tpu.vector_load %arg14[%get3A_1475] {strides = array<i32>} : memref<16xf32, #tpu.memory_space<vmem>>, vector<16xf32>,
      %jit3A_1477 = arith.constant 0.000000e+00 : f32
      %broadcast_in_dim3A_1478 = vector.broadcast %reduce_sum3A_1465 : f32 to vector<16xf32>
      %broadcast_in_dim3A_1479 = vector.broadcast %jit3A_1477 : f32 to vector<16xf32>
      %select_n3A_1480 = arith.select %eq3A_1467, %broadcast_in_dim3A_1478, %broadcast_in_dim3A_1479 : vector<16xi1>, vector<16xf32>
      %add3A_1481 = arith.addf %get3A_1476, %select_n3A_1480 : vector<16xf32>
      %swap3A_1482 = arith.constant 0 : index
      %swap3A_1483 = tpu.vector_load %arg14[%swap3A_1482] {strides = array<i32>} : memref<16xf32, #tpu.memory_space<vmem>>, vector<16xf32>,
      tpu.vector_store %arg14[%swap3A_1482], %add3A_1481 {strides = array<i32>} : memref<16xf32, #tpu.memory_space<vmem>>, vector<16xf32>,
    } else {
    }
    %not3A_783 = arith.constant true
    %not3A_784 = arith.xori %eq3A_779, %not3A_783 : i1
    %convert_element_type3A_785 = arith.extui %not3A_784 : i1 to i32
    %cond3A_786 = arith.constant 0 : i32
    %cond3A_787 = arith.cmpi ne, %convert_element_type3A_785, %cond3A_786 : i32
    scf.if %cond3A_787 {
      tpu.vector_store_idx %arg13[%get3A_774], %exp3A_769 {add = true} : memref<16xf32, #tpu.memory_space<vmem>>[vector<16xi32>], vector<16xf32>,
      tpu.vector_store_idx %arg14[%get3A_774], %mul3A_772 {add = true} : memref<16xf32, #tpu.memory_space<vmem>>[vector<16xi32>], vector<16xf32>,
    } else {
    }
    %get3A_788 = arith.constant 528 : index
    %get3A_789 = tpu.vector_load %arg11[%get3A_788] {strides = array<i32>} : memref<1024xf32, #tpu.memory_space<vmem>>, vector<16xf32>,
    %exp3A_790 = math.exp %get3A_789 : vector<16xf32>
    %get3A_791 = arith.constant 528 : index
    %get3A_792 = tpu.vector_load %arg12[%get3A_791] {strides = array<i32>} : memref<1024xf32, #tpu.memory_space<vmem>>, vector<16xf32>,
    %mul3A_793 = arith.mulf %exp3A_790, %get3A_792 : vector<16xf32>
    %get3A_794 = arith.constant 528 : index
    %get3A_795 = tpu.vector_load %arg10[%get3A_794] {strides = array<i32>} : memref<1024xi32, #tpu.memory_space<vmem>>, vector<16xi32>,
    %slice3A_796 = vector.extract_strided_slice %get3A_795 {offsets = [0], sizes = [1], strides = [1]} : vector<16xi32> to vector<1xi32>
    %squeeze3A_797 = vector.extract %slice3A_796[0] : i32 from vector<1xi32>
    %slice3A_798 = vector.extract_strided_slice %get3A_795 {offsets = [15], sizes = [1], strides = [1]} : vector<16xi32> to vector<1xi32>
    %squeeze3A_799 = vector.extract %slice3A_798[0] : i32 from vector<1xi32>
    %eq3A_800 = arith.cmpi eq, %squeeze3A_797, %squeeze3A_799 : i32
    %convert_element_type3A_801 = arith.extui %eq3A_800 : i1 to i32
    %cond3A_802 = arith.constant 0 : i32
    %cond3A_803 = arith.cmpi ne, %convert_element_type3A_801, %cond3A_802 : i32
    scf.if %cond3A_803 {
      %reduce_sum3A = arith.constant true
      %reduce_sum3A_1459 = vector.broadcast %reduce_sum3A : i1 to vector<16xi1>
      %reduce_sum3A_1460 = tpu.scan <sum>, %exp3A_790 masked %reduce_sum3A_1459 : vector<16xf32>, vector<16xi1> -> vector<16xf32>
      %reduce_sum3A_1461 = vector.extract %reduce_sum3A_1460[15] : f32 from vector<16xf32>
      %reduce_sum3A_1462 = arith.constant true
      %reduce_sum3A_1463 = vector.broadcast %reduce_sum3A_1462 : i1 to vector<16xi1>
      %reduce_sum3A_1464 = tpu.scan <sum>, %mul3A_793 masked %reduce_sum3A_1463 : vector<16xf32>, vector<16xi1> -> vector<16xf32>
      %reduce_sum3A_1465 = vector.extract %reduce_sum3A_1464[15] : f32 from vector<16xf32>
      %eq3A_1466 = vector.broadcast %squeeze3A_797 : i32 to vector<16xi32>
      %eq3A_1467 = arith.cmpi eq, %iota3A, %eq3A_1466 : vector<16xi32>
      %get3A_1468 = arith.constant 0 : index
      %get3A_1469 = tpu.vector_load %arg13[%get3A_1468] {strides = array<i32>} : memref<16xf32, #tpu.memory_space<vmem>>, vector<16xf32>,
      %jit3A = arith.constant 0.000000e+00 : f32
      %broadcast_in_dim3A_1470 = vector.broadcast %reduce_sum3A_1461 : f32 to vector<16xf32>
      %broadcast_in_dim3A_1471 = vector.broadcast %jit3A : f32 to vector<16xf32>
      %select_n3A = arith.select %eq3A_1467, %broadcast_in_dim3A_1470, %broadcast_in_dim3A_1471 : vector<16xi1>, vector<16xf32>
      %add3A_1472 = arith.addf %get3A_1469, %select_n3A : vector<16xf32>
      %swap3A_1473 = arith.constant 0 : index
      %swap3A_1474 = tpu.vector_load %arg13[%swap3A_1473] {strides = array<i32>} : memref<16xf32, #tpu.memory_space<vmem>>, vector<16xf32>,
      tpu.vector_store %arg13[%swap3A_1473], %add3A_1472 {strides = array<i32>} : memref<16xf32, #tpu.memory_space<vmem>>, vector<16xf32>,
      %get3A_1475 = arith.constant 0 : index
      %get3A_1476 = tpu.vector_load %arg14[%get3A_1475] {strides = array<i32>} : memref<16xf32, #tpu.memory_space<vmem>>, vector<16xf32>,
      %jit3A_1477 = arith.constant 0.000000e+00 : f32
      %broadcast_in_dim3A_1478 = vector.broadcast %reduce_sum3A_1465 : f32 to vector<16xf32>
      %broadcast_in_dim3A_1479 = vector.broadcast %jit3A_1477 : f32 to vector<16xf32>
      %select_n3A_1480 = arith.select %eq3A_1467, %broadcast_in_dim3A_1478, %broadcast_in_dim3A_1479 : vector<16xi1>, vector<16xf32>
      %add3A_1481 = arith.addf %get3A_1476, %select_n3A_1480 : vector<16xf32>
      %swap3A_1482 = arith.constant 0 : index
      %swap3A_1483 = tpu.vector_load %arg14[%swap3A_1482] {strides = array<i32>} : memref<16xf32, #tpu.memory_space<vmem>>, vector<16xf32>,
      tpu.vector_store %arg14[%swap3A_1482], %add3A_1481 {strides = array<i32>} : memref<16xf32, #tpu.memory_space<vmem>>, vector<16xf32>,
    } else {
    }
    %not3A_804 = arith.constant true
    %not3A_805 = arith.xori %eq3A_800, %not3A_804 : i1
    %convert_element_type3A_806 = arith.extui %not3A_805 : i1 to i32
    %cond3A_807 = arith.constant 0 : i32
    %cond3A_808 = arith.cmpi ne, %convert_element_type3A_806, %cond3A_807 : i32
    scf.if %cond3A_808 {
      tpu.vector_store_idx %arg13[%get3A_795], %exp3A_790 {add = true} : memref<16xf32, #tpu.memory_space<vmem>>[vector<16xi32>], vector<16xf32>,
      tpu.vector_store_idx %arg14[%get3A_795], %mul3A_793 {add = true} : memref<16xf32, #tpu.memory_space<vmem>>[vector<16xi32>], vector<16xf32>,
    } else {
    }
    %get3A_809 = arith.constant 544 : index
    %get3A_810 = tpu.vector_load %arg11[%get3A_809] {strides = array<i32>} : memref<1024xf32, #tpu.memory_space<vmem>>, vector<16xf32>,
    %exp3A_811 = math.exp %get3A_810 : vector<16xf32>
    %get3A_812 = arith.constant 544 : index
    %get3A_813 = tpu.vector_load %arg12[%get3A_812] {strides = array<i32>} : memref<1024xf32, #tpu.memory_space<vmem>>, vector<16xf32>,
    %mul3A_814 = arith.mulf %exp3A_811, %get3A_813 : vector<16xf32>
    %get3A_815 = arith.constant 544 : index
    %get3A_816 = tpu.vector_load %arg10[%get3A_815] {strides = array<i32>} : memref<1024xi32, #tpu.memory_space<vmem>>, vector<16xi32>,
    %slice3A_817 = vector.extract_strided_slice %get3A_816 {offsets = [0], sizes = [1], strides = [1]} : vector<16xi32> to vector<1xi32>
    %squeeze3A_818 = vector.extract %slice3A_817[0] : i32 from vector<1xi32>
    %slice3A_819 = vector.extract_strided_slice %get3A_816 {offsets = [15], sizes = [1], strides = [1]} : vector<16xi32> to vector<1xi32>
    %squeeze3A_820 = vector.extract %slice3A_819[0] : i32 from vector<1xi32>
    %eq3A_821 = arith.cmpi eq, %squeeze3A_818, %squeeze3A_820 : i32
    %convert_element_type3A_822 = arith.extui %eq3A_821 : i1 to i32
    %cond3A_823 = arith.constant 0 : i32
    %cond3A_824 = arith.cmpi ne, %convert_element_type3A_822, %cond3A_823 : i32
    scf.if %cond3A_824 {
      %reduce_sum3A = arith.constant true
      %reduce_sum3A_1459 = vector.broadcast %reduce_sum3A : i1 to vector<16xi1>
      %reduce_sum3A_1460 = tpu.scan <sum>, %exp3A_811 masked %reduce_sum3A_1459 : vector<16xf32>, vector<16xi1> -> vector<16xf32>
      %reduce_sum3A_1461 = vector.extract %reduce_sum3A_1460[15] : f32 from vector<16xf32>
      %reduce_sum3A_1462 = arith.constant true
      %reduce_sum3A_1463 = vector.broadcast %reduce_sum3A_1462 : i1 to vector<16xi1>
      %reduce_sum3A_1464 = tpu.scan <sum>, %mul3A_814 masked %reduce_sum3A_1463 : vector<16xf32>, vector<16xi1> -> vector<16xf32>
      %reduce_sum3A_1465 = vector.extract %reduce_sum3A_1464[15] : f32 from vector<16xf32>
      %eq3A_1466 = vector.broadcast %squeeze3A_818 : i32 to vector<16xi32>
      %eq3A_1467 = arith.cmpi eq, %iota3A, %eq3A_1466 : vector<16xi32>
      %get3A_1468 = arith.constant 0 : index
      %get3A_1469 = tpu.vector_load %arg13[%get3A_1468] {strides = array<i32>} : memref<16xf32, #tpu.memory_space<vmem>>, vector<16xf32>,
      %jit3A = arith.constant 0.000000e+00 : f32
      %broadcast_in_dim3A_1470 = vector.broadcast %reduce_sum3A_1461 : f32 to vector<16xf32>
      %broadcast_in_dim3A_1471 = vector.broadcast %jit3A : f32 to vector<16xf32>
      %select_n3A = arith.select %eq3A_1467, %broadcast_in_dim3A_1470, %broadcast_in_dim3A_1471 : vector<16xi1>, vector<16xf32>
      %add3A_1472 = arith.addf %get3A_1469, %select_n3A : vector<16xf32>
      %swap3A_1473 = arith.constant 0 : index
      %swap3A_1474 = tpu.vector_load %arg13[%swap3A_1473] {strides = array<i32>} : memref<16xf32, #tpu.memory_space<vmem>>, vector<16xf32>,
      tpu.vector_store %arg13[%swap3A_1473], %add3A_1472 {strides = array<i32>} : memref<16xf32, #tpu.memory_space<vmem>>, vector<16xf32>,
      %get3A_1475 = arith.constant 0 : index
      %get3A_1476 = tpu.vector_load %arg14[%get3A_1475] {strides = array<i32>} : memref<16xf32, #tpu.memory_space<vmem>>, vector<16xf32>,
      %jit3A_1477 = arith.constant 0.000000e+00 : f32
      %broadcast_in_dim3A_1478 = vector.broadcast %reduce_sum3A_1465 : f32 to vector<16xf32>
      %broadcast_in_dim3A_1479 = vector.broadcast %jit3A_1477 : f32 to vector<16xf32>
      %select_n3A_1480 = arith.select %eq3A_1467, %broadcast_in_dim3A_1478, %broadcast_in_dim3A_1479 : vector<16xi1>, vector<16xf32>
      %add3A_1481 = arith.addf %get3A_1476, %select_n3A_1480 : vector<16xf32>
      %swap3A_1482 = arith.constant 0 : index
      %swap3A_1483 = tpu.vector_load %arg14[%swap3A_1482] {strides = array<i32>} : memref<16xf32, #tpu.memory_space<vmem>>, vector<16xf32>,
      tpu.vector_store %arg14[%swap3A_1482], %add3A_1481 {strides = array<i32>} : memref<16xf32, #tpu.memory_space<vmem>>, vector<16xf32>,
    } else {
    }
    %not3A_825 = arith.constant true
    %not3A_826 = arith.xori %eq3A_821, %not3A_825 : i1
    %convert_element_type3A_827 = arith.extui %not3A_826 : i1 to i32
    %cond3A_828 = arith.constant 0 : i32
    %cond3A_829 = arith.cmpi ne, %convert_element_type3A_827, %cond3A_828 : i32
    scf.if %cond3A_829 {
      tpu.vector_store_idx %arg13[%get3A_816], %exp3A_811 {add = true} : memref<16xf32, #tpu.memory_space<vmem>>[vector<16xi32>], vector<16xf32>,
      tpu.vector_store_idx %arg14[%get3A_816], %mul3A_814 {add = true} : memref<16xf32, #tpu.memory_space<vmem>>[vector<16xi32>], vector<16xf32>,
    } else {
    }
    %get3A_830 = arith.constant 560 : index
    %get3A_831 = tpu.vector_load %arg11[%get3A_830] {strides = array<i32>} : memref<1024xf32, #tpu.memory_space<vmem>>, vector<16xf32>,
    %exp3A_832 = math.exp %get3A_831 : vector<16xf32>
    %get3A_833 = arith.constant 560 : index
    %get3A_834 = tpu.vector_load %arg12[%get3A_833] {strides = array<i32>} : memref<1024xf32, #tpu.memory_space<vmem>>, vector<16xf32>,
    %mul3A_835 = arith.mulf %exp3A_832, %get3A_834 : vector<16xf32>
    %get3A_836 = arith.constant 560 : index
    %get3A_837 = tpu.vector_load %arg10[%get3A_836] {strides = array<i32>} : memref<1024xi32, #tpu.memory_space<vmem>>, vector<16xi32>,
    %slice3A_838 = vector.extract_strided_slice %get3A_837 {offsets = [0], sizes = [1], strides = [1]} : vector<16xi32> to vector<1xi32>
    %squeeze3A_839 = vector.extract %slice3A_838[0] : i32 from vector<1xi32>
    %slice3A_840 = vector.extract_strided_slice %get3A_837 {offsets = [15], sizes = [1], strides = [1]} : vector<16xi32> to vector<1xi32>
    %squeeze3A_841 = vector.extract %slice3A_840[0] : i32 from vector<1xi32>
    %eq3A_842 = arith.cmpi eq, %squeeze3A_839, %squeeze3A_841 : i32
    %convert_element_type3A_843 = arith.extui %eq3A_842 : i1 to i32
    %cond3A_844 = arith.constant 0 : i32
    %cond3A_845 = arith.cmpi ne, %convert_element_type3A_843, %cond3A_844 : i32
    scf.if %cond3A_845 {
      %reduce_sum3A = arith.constant true
      %reduce_sum3A_1459 = vector.broadcast %reduce_sum3A : i1 to vector<16xi1>
      %reduce_sum3A_1460 = tpu.scan <sum>, %exp3A_832 masked %reduce_sum3A_1459 : vector<16xf32>, vector<16xi1> -> vector<16xf32>
      %reduce_sum3A_1461 = vector.extract %reduce_sum3A_1460[15] : f32 from vector<16xf32>
      %reduce_sum3A_1462 = arith.constant true
      %reduce_sum3A_1463 = vector.broadcast %reduce_sum3A_1462 : i1 to vector<16xi1>
      %reduce_sum3A_1464 = tpu.scan <sum>, %mul3A_835 masked %reduce_sum3A_1463 : vector<16xf32>, vector<16xi1> -> vector<16xf32>
      %reduce_sum3A_1465 = vector.extract %reduce_sum3A_1464[15] : f32 from vector<16xf32>
      %eq3A_1466 = vector.broadcast %squeeze3A_839 : i32 to vector<16xi32>
      %eq3A_1467 = arith.cmpi eq, %iota3A, %eq3A_1466 : vector<16xi32>
      %get3A_1468 = arith.constant 0 : index
      %get3A_1469 = tpu.vector_load %arg13[%get3A_1468] {strides = array<i32>} : memref<16xf32, #tpu.memory_space<vmem>>, vector<16xf32>,
      %jit3A = arith.constant 0.000000e+00 : f32
      %broadcast_in_dim3A_1470 = vector.broadcast %reduce_sum3A_1461 : f32 to vector<16xf32>
      %broadcast_in_dim3A_1471 = vector.broadcast %jit3A : f32 to vector<16xf32>
      %select_n3A = arith.select %eq3A_1467, %broadcast_in_dim3A_1470, %broadcast_in_dim3A_1471 : vector<16xi1>, vector<16xf32>
      %add3A_1472 = arith.addf %get3A_1469, %select_n3A : vector<16xf32>
      %swap3A_1473 = arith.constant 0 : index
      %swap3A_1474 = tpu.vector_load %arg13[%swap3A_1473] {strides = array<i32>} : memref<16xf32, #tpu.memory_space<vmem>>, vector<16xf32>,
      tpu.vector_store %arg13[%swap3A_1473], %add3A_1472 {strides = array<i32>} : memref<16xf32, #tpu.memory_space<vmem>>, vector<16xf32>,
      %get3A_1475 = arith.constant 0 : index
      %get3A_1476 = tpu.vector_load %arg14[%get3A_1475] {strides = array<i32>} : memref<16xf32, #tpu.memory_space<vmem>>, vector<16xf32>,
      %jit3A_1477 = arith.constant 0.000000e+00 : f32
      %broadcast_in_dim3A_1478 = vector.broadcast %reduce_sum3A_1465 : f32 to vector<16xf32>
      %broadcast_in_dim3A_1479 = vector.broadcast %jit3A_1477 : f32 to vector<16xf32>
      %select_n3A_1480 = arith.select %eq3A_1467, %broadcast_in_dim3A_1478, %broadcast_in_dim3A_1479 : vector<16xi1>, vector<16xf32>
      %add3A_1481 = arith.addf %get3A_1476, %select_n3A_1480 : vector<16xf32>
      %swap3A_1482 = arith.constant 0 : index
      %swap3A_1483 = tpu.vector_load %arg14[%swap3A_1482] {strides = array<i32>} : memref<16xf32, #tpu.memory_space<vmem>>, vector<16xf32>,
      tpu.vector_store %arg14[%swap3A_1482], %add3A_1481 {strides = array<i32>} : memref<16xf32, #tpu.memory_space<vmem>>, vector<16xf32>,
    } else {
    }
    %not3A_846 = arith.constant true
    %not3A_847 = arith.xori %eq3A_842, %not3A_846 : i1
    %convert_element_type3A_848 = arith.extui %not3A_847 : i1 to i32
    %cond3A_849 = arith.constant 0 : i32
    %cond3A_850 = arith.cmpi ne, %convert_element_type3A_848, %cond3A_849 : i32
    scf.if %cond3A_850 {
      tpu.vector_store_idx %arg13[%get3A_837], %exp3A_832 {add = true} : memref<16xf32, #tpu.memory_space<vmem>>[vector<16xi32>], vector<16xf32>,
      tpu.vector_store_idx %arg14[%get3A_837], %mul3A_835 {add = true} : memref<16xf32, #tpu.memory_space<vmem>>[vector<16xi32>], vector<16xf32>,
    } else {
    }
    %get3A_851 = arith.constant 576 : index
    %get3A_852 = tpu.vector_load %arg11[%get3A_851] {strides = array<i32>} : memref<1024xf32, #tpu.memory_space<vmem>>, vector<16xf32>,
    %exp3A_853 = math.exp %get3A_852 : vector<16xf32>
    %get3A_854 = arith.constant 576 : index
    %get3A_855 = tpu.vector_load %arg12[%get3A_854] {strides = array<i32>} : memref<1024xf32, #tpu.memory_space<vmem>>, vector<16xf32>,
    %mul3A_856 = arith.mulf %exp3A_853, %get3A_855 : vector<16xf32>
    %get3A_857 = arith.constant 576 : index
    %get3A_858 = tpu.vector_load %arg10[%get3A_857] {strides = array<i32>} : memref<1024xi32, #tpu.memory_space<vmem>>, vector<16xi32>,
    %slice3A_859 = vector.extract_strided_slice %get3A_858 {offsets = [0], sizes = [1], strides = [1]} : vector<16xi32> to vector<1xi32>
    %squeeze3A_860 = vector.extract %slice3A_859[0] : i32 from vector<1xi32>
    %slice3A_861 = vector.extract_strided_slice %get3A_858 {offsets = [15], sizes = [1], strides = [1]} : vector<16xi32> to vector<1xi32>
    %squeeze3A_862 = vector.extract %slice3A_861[0] : i32 from vector<1xi32>
    %eq3A_863 = arith.cmpi eq, %squeeze3A_860, %squeeze3A_862 : i32
    %convert_element_type3A_864 = arith.extui %eq3A_863 : i1 to i32
    %cond3A_865 = arith.constant 0 : i32
    %cond3A_866 = arith.cmpi ne, %convert_element_type3A_864, %cond3A_865 : i32
    scf.if %cond3A_866 {
      %reduce_sum3A = arith.constant true
      %reduce_sum3A_1459 = vector.broadcast %reduce_sum3A : i1 to vector<16xi1>
      %reduce_sum3A_1460 = tpu.scan <sum>, %exp3A_853 masked %reduce_sum3A_1459 : vector<16xf32>, vector<16xi1> -> vector<16xf32>
      %reduce_sum3A_1461 = vector.extract %reduce_sum3A_1460[15] : f32 from vector<16xf32>
      %reduce_sum3A_1462 = arith.constant true
      %reduce_sum3A_1463 = vector.broadcast %reduce_sum3A_1462 : i1 to vector<16xi1>
      %reduce_sum3A_1464 = tpu.scan <sum>, %mul3A_856 masked %reduce_sum3A_1463 : vector<16xf32>, vector<16xi1> -> vector<16xf32>
      %reduce_sum3A_1465 = vector.extract %reduce_sum3A_1464[15] : f32 from vector<16xf32>
      %eq3A_1466 = vector.broadcast %squeeze3A_860 : i32 to vector<16xi32>
      %eq3A_1467 = arith.cmpi eq, %iota3A, %eq3A_1466 : vector<16xi32>
      %get3A_1468 = arith.constant 0 : index
      %get3A_1469 = tpu.vector_load %arg13[%get3A_1468] {strides = array<i32>} : memref<16xf32, #tpu.memory_space<vmem>>, vector<16xf32>,
      %jit3A = arith.constant 0.000000e+00 : f32
      %broadcast_in_dim3A_1470 = vector.broadcast %reduce_sum3A_1461 : f32 to vector<16xf32>
      %broadcast_in_dim3A_1471 = vector.broadcast %jit3A : f32 to vector<16xf32>
      %select_n3A = arith.select %eq3A_1467, %broadcast_in_dim3A_1470, %broadcast_in_dim3A_1471 : vector<16xi1>, vector<16xf32>
      %add3A_1472 = arith.addf %get3A_1469, %select_n3A : vector<16xf32>
      %swap3A_1473 = arith.constant 0 : index
      %swap3A_1474 = tpu.vector_load %arg13[%swap3A_1473] {strides = array<i32>} : memref<16xf32, #tpu.memory_space<vmem>>, vector<16xf32>,
      tpu.vector_store %arg13[%swap3A_1473], %add3A_1472 {strides = array<i32>} : memref<16xf32, #tpu.memory_space<vmem>>, vector<16xf32>,
      %get3A_1475 = arith.constant 0 : index
      %get3A_1476 = tpu.vector_load %arg14[%get3A_1475] {strides = array<i32>} : memref<16xf32, #tpu.memory_space<vmem>>, vector<16xf32>,
      %jit3A_1477 = arith.constant 0.000000e+00 : f32
      %broadcast_in_dim3A_1478 = vector.broadcast %reduce_sum3A_1465 : f32 to vector<16xf32>
      %broadcast_in_dim3A_1479 = vector.broadcast %jit3A_1477 : f32 to vector<16xf32>
      %select_n3A_1480 = arith.select %eq3A_1467, %broadcast_in_dim3A_1478, %broadcast_in_dim3A_1479 : vector<16xi1>, vector<16xf32>
      %add3A_1481 = arith.addf %get3A_1476, %select_n3A_1480 : vector<16xf32>
      %swap3A_1482 = arith.constant 0 : index
      %swap3A_1483 = tpu.vector_load %arg14[%swap3A_1482] {strides = array<i32>} : memref<16xf32, #tpu.memory_space<vmem>>, vector<16xf32>,
      tpu.vector_store %arg14[%swap3A_1482], %add3A_1481 {strides = array<i32>} : memref<16xf32, #tpu.memory_space<vmem>>, vector<16xf32>,
    } else {
    }
    %not3A_867 = arith.constant true
    %not3A_868 = arith.xori %eq3A_863, %not3A_867 : i1
    %convert_element_type3A_869 = arith.extui %not3A_868 : i1 to i32
    %cond3A_870 = arith.constant 0 : i32
    %cond3A_871 = arith.cmpi ne, %convert_element_type3A_869, %cond3A_870 : i32
    scf.if %cond3A_871 {
      tpu.vector_store_idx %arg13[%get3A_858], %exp3A_853 {add = true} : memref<16xf32, #tpu.memory_space<vmem>>[vector<16xi32>], vector<16xf32>,
      tpu.vector_store_idx %arg14[%get3A_858], %mul3A_856 {add = true} : memref<16xf32, #tpu.memory_space<vmem>>[vector<16xi32>], vector<16xf32>,
    } else {
    }
    %get3A_872 = arith.constant 592 : index
    %get3A_873 = tpu.vector_load %arg11[%get3A_872] {strides = array<i32>} : memref<1024xf32, #tpu.memory_space<vmem>>, vector<16xf32>,
    %exp3A_874 = math.exp %get3A_873 : vector<16xf32>
    %get3A_875 = arith.constant 592 : index
    %get3A_876 = tpu.vector_load %arg12[%get3A_875] {strides = array<i32>} : memref<1024xf32, #tpu.memory_space<vmem>>, vector<16xf32>,
    %mul3A_877 = arith.mulf %exp3A_874, %get3A_876 : vector<16xf32>
    %get3A_878 = arith.constant 592 : index
    %get3A_879 = tpu.vector_load %arg10[%get3A_878] {strides = array<i32>} : memref<1024xi32, #tpu.memory_space<vmem>>, vector<16xi32>,
    %slice3A_880 = vector.extract_strided_slice %get3A_879 {offsets = [0], sizes = [1], strides = [1]} : vector<16xi32> to vector<1xi32>
    %squeeze3A_881 = vector.extract %slice3A_880[0] : i32 from vector<1xi32>
    %slice3A_882 = vector.extract_strided_slice %get3A_879 {offsets = [15], sizes = [1], strides = [1]} : vector<16xi32> to vector<1xi32>
    %squeeze3A_883 = vector.extract %slice3A_882[0] : i32 from vector<1xi32>
    %eq3A_884 = arith.cmpi eq, %squeeze3A_881, %squeeze3A_883 : i32
    %convert_element_type3A_885 = arith.extui %eq3A_884 : i1 to i32
    %cond3A_886 = arith.constant 0 : i32
    %cond3A_887 = arith.cmpi ne, %convert_element_type3A_885, %cond3A_886 : i32
    scf.if %cond3A_887 {
      %reduce_sum3A = arith.constant true
      %reduce_sum3A_1459 = vector.broadcast %reduce_sum3A : i1 to vector<16xi1>
      %reduce_sum3A_1460 = tpu.scan <sum>, %exp3A_874 masked %reduce_sum3A_1459 : vector<16xf32>, vector<16xi1> -> vector<16xf32>
      %reduce_sum3A_1461 = vector.extract %reduce_sum3A_1460[15] : f32 from vector<16xf32>
      %reduce_sum3A_1462 = arith.constant true
      %reduce_sum3A_1463 = vector.broadcast %reduce_sum3A_1462 : i1 to vector<16xi1>
      %reduce_sum3A_1464 = tpu.scan <sum>, %mul3A_877 masked %reduce_sum3A_1463 : vector<16xf32>, vector<16xi1> -> vector<16xf32>
      %reduce_sum3A_1465 = vector.extract %reduce_sum3A_1464[15] : f32 from vector<16xf32>
      %eq3A_1466 = vector.broadcast %squeeze3A_881 : i32 to vector<16xi32>
      %eq3A_1467 = arith.cmpi eq, %iota3A, %eq3A_1466 : vector<16xi32>
      %get3A_1468 = arith.constant 0 : index
      %get3A_1469 = tpu.vector_load %arg13[%get3A_1468] {strides = array<i32>} : memref<16xf32, #tpu.memory_space<vmem>>, vector<16xf32>,
      %jit3A = arith.constant 0.000000e+00 : f32
      %broadcast_in_dim3A_1470 = vector.broadcast %reduce_sum3A_1461 : f32 to vector<16xf32>
      %broadcast_in_dim3A_1471 = vector.broadcast %jit3A : f32 to vector<16xf32>
      %select_n3A = arith.select %eq3A_1467, %broadcast_in_dim3A_1470, %broadcast_in_dim3A_1471 : vector<16xi1>, vector<16xf32>
      %add3A_1472 = arith.addf %get3A_1469, %select_n3A : vector<16xf32>
      %swap3A_1473 = arith.constant 0 : index
      %swap3A_1474 = tpu.vector_load %arg13[%swap3A_1473] {strides = array<i32>} : memref<16xf32, #tpu.memory_space<vmem>>, vector<16xf32>,
      tpu.vector_store %arg13[%swap3A_1473], %add3A_1472 {strides = array<i32>} : memref<16xf32, #tpu.memory_space<vmem>>, vector<16xf32>,
      %get3A_1475 = arith.constant 0 : index
      %get3A_1476 = tpu.vector_load %arg14[%get3A_1475] {strides = array<i32>} : memref<16xf32, #tpu.memory_space<vmem>>, vector<16xf32>,
      %jit3A_1477 = arith.constant 0.000000e+00 : f32
      %broadcast_in_dim3A_1478 = vector.broadcast %reduce_sum3A_1465 : f32 to vector<16xf32>
      %broadcast_in_dim3A_1479 = vector.broadcast %jit3A_1477 : f32 to vector<16xf32>
      %select_n3A_1480 = arith.select %eq3A_1467, %broadcast_in_dim3A_1478, %broadcast_in_dim3A_1479 : vector<16xi1>, vector<16xf32>
      %add3A_1481 = arith.addf %get3A_1476, %select_n3A_1480 : vector<16xf32>
      %swap3A_1482 = arith.constant 0 : index
      %swap3A_1483 = tpu.vector_load %arg14[%swap3A_1482] {strides = array<i32>} : memref<16xf32, #tpu.memory_space<vmem>>, vector<16xf32>,
      tpu.vector_store %arg14[%swap3A_1482], %add3A_1481 {strides = array<i32>} : memref<16xf32, #tpu.memory_space<vmem>>, vector<16xf32>,
    } else {
    }
    %not3A_888 = arith.constant true
    %not3A_889 = arith.xori %eq3A_884, %not3A_888 : i1
    %convert_element_type3A_890 = arith.extui %not3A_889 : i1 to i32
    %cond3A_891 = arith.constant 0 : i32
    %cond3A_892 = arith.cmpi ne, %convert_element_type3A_890, %cond3A_891 : i32
    scf.if %cond3A_892 {
      tpu.vector_store_idx %arg13[%get3A_879], %exp3A_874 {add = true} : memref<16xf32, #tpu.memory_space<vmem>>[vector<16xi32>], vector<16xf32>,
      tpu.vector_store_idx %arg14[%get3A_879], %mul3A_877 {add = true} : memref<16xf32, #tpu.memory_space<vmem>>[vector<16xi32>], vector<16xf32>,
    } else {
    }
    %get3A_893 = arith.constant 608 : index
    %get3A_894 = tpu.vector_load %arg11[%get3A_893] {strides = array<i32>} : memref<1024xf32, #tpu.memory_space<vmem>>, vector<16xf32>,
    %exp3A_895 = math.exp %get3A_894 : vector<16xf32>
    %get3A_896 = arith.constant 608 : index
    %get3A_897 = tpu.vector_load %arg12[%get3A_896] {strides = array<i32>} : memref<1024xf32, #tpu.memory_space<vmem>>, vector<16xf32>,
    %mul3A_898 = arith.mulf %exp3A_895, %get3A_897 : vector<16xf32>
    %get3A_899 = arith.constant 608 : index
    %get3A_900 = tpu.vector_load %arg10[%get3A_899] {strides = array<i32>} : memref<1024xi32, #tpu.memory_space<vmem>>, vector<16xi32>,
    %slice3A_901 = vector.extract_strided_slice %get3A_900 {offsets = [0], sizes = [1], strides = [1]} : vector<16xi32> to vector<1xi32>
    %squeeze3A_902 = vector.extract %slice3A_901[0] : i32 from vector<1xi32>
    %slice3A_903 = vector.extract_strided_slice %get3A_900 {offsets = [15], sizes = [1], strides = [1]} : vector<16xi32> to vector<1xi32>
    %squeeze3A_904 = vector.extract %slice3A_903[0] : i32 from vector<1xi32>
    %eq3A_905 = arith.cmpi eq, %squeeze3A_902, %squeeze3A_904 : i32
    %convert_element_type3A_906 = arith.extui %eq3A_905 : i1 to i32
    %cond3A_907 = arith.constant 0 : i32
    %cond3A_908 = arith.cmpi ne, %convert_element_type3A_906, %cond3A_907 : i32
    scf.if %cond3A_908 {
      %reduce_sum3A = arith.constant true
      %reduce_sum3A_1459 = vector.broadcast %reduce_sum3A : i1 to vector<16xi1>
      %reduce_sum3A_1460 = tpu.scan <sum>, %exp3A_895 masked %reduce_sum3A_1459 : vector<16xf32>, vector<16xi1> -> vector<16xf32>
      %reduce_sum3A_1461 = vector.extract %reduce_sum3A_1460[15] : f32 from vector<16xf32>
      %reduce_sum3A_1462 = arith.constant true
      %reduce_sum3A_1463 = vector.broadcast %reduce_sum3A_1462 : i1 to vector<16xi1>
      %reduce_sum3A_1464 = tpu.scan <sum>, %mul3A_898 masked %reduce_sum3A_1463 : vector<16xf32>, vector<16xi1> -> vector<16xf32>
      %reduce_sum3A_1465 = vector.extract %reduce_sum3A_1464[15] : f32 from vector<16xf32>
      %eq3A_1466 = vector.broadcast %squeeze3A_902 : i32 to vector<16xi32>
      %eq3A_1467 = arith.cmpi eq, %iota3A, %eq3A_1466 : vector<16xi32>
      %get3A_1468 = arith.constant 0 : index
      %get3A_1469 = tpu.vector_load %arg13[%get3A_1468] {strides = array<i32>} : memref<16xf32, #tpu.memory_space<vmem>>, vector<16xf32>,
      %jit3A = arith.constant 0.000000e+00 : f32
      %broadcast_in_dim3A_1470 = vector.broadcast %reduce_sum3A_1461 : f32 to vector<16xf32>
      %broadcast_in_dim3A_1471 = vector.broadcast %jit3A : f32 to vector<16xf32>
      %select_n3A = arith.select %eq3A_1467, %broadcast_in_dim3A_1470, %broadcast_in_dim3A_1471 : vector<16xi1>, vector<16xf32>
      %add3A_1472 = arith.addf %get3A_1469, %select_n3A : vector<16xf32>
      %swap3A_1473 = arith.constant 0 : index
      %swap3A_1474 = tpu.vector_load %arg13[%swap3A_1473] {strides = array<i32>} : memref<16xf32, #tpu.memory_space<vmem>>, vector<16xf32>,
      tpu.vector_store %arg13[%swap3A_1473], %add3A_1472 {strides = array<i32>} : memref<16xf32, #tpu.memory_space<vmem>>, vector<16xf32>,
      %get3A_1475 = arith.constant 0 : index
      %get3A_1476 = tpu.vector_load %arg14[%get3A_1475] {strides = array<i32>} : memref<16xf32, #tpu.memory_space<vmem>>, vector<16xf32>,
      %jit3A_1477 = arith.constant 0.000000e+00 : f32
      %broadcast_in_dim3A_1478 = vector.broadcast %reduce_sum3A_1465 : f32 to vector<16xf32>
      %broadcast_in_dim3A_1479 = vector.broadcast %jit3A_1477 : f32 to vector<16xf32>
      %select_n3A_1480 = arith.select %eq3A_1467, %broadcast_in_dim3A_1478, %broadcast_in_dim3A_1479 : vector<16xi1>, vector<16xf32>
      %add3A_1481 = arith.addf %get3A_1476, %select_n3A_1480 : vector<16xf32>
      %swap3A_1482 = arith.constant 0 : index
      %swap3A_1483 = tpu.vector_load %arg14[%swap3A_1482] {strides = array<i32>} : memref<16xf32, #tpu.memory_space<vmem>>, vector<16xf32>,
      tpu.vector_store %arg14[%swap3A_1482], %add3A_1481 {strides = array<i32>} : memref<16xf32, #tpu.memory_space<vmem>>, vector<16xf32>,
    } else {
    }
    %not3A_909 = arith.constant true
    %not3A_910 = arith.xori %eq3A_905, %not3A_909 : i1
    %convert_element_type3A_911 = arith.extui %not3A_910 : i1 to i32
    %cond3A_912 = arith.constant 0 : i32
    %cond3A_913 = arith.cmpi ne, %convert_element_type3A_911, %cond3A_912 : i32
    scf.if %cond3A_913 {
      tpu.vector_store_idx %arg13[%get3A_900], %exp3A_895 {add = true} : memref<16xf32, #tpu.memory_space<vmem>>[vector<16xi32>], vector<16xf32>,
      tpu.vector_store_idx %arg14[%get3A_900], %mul3A_898 {add = true} : memref<16xf32, #tpu.memory_space<vmem>>[vector<16xi32>], vector<16xf32>,
    } else {
    }
    %get3A_914 = arith.constant 624 : index
    %get3A_915 = tpu.vector_load %arg11[%get3A_914] {strides = array<i32>} : memref<1024xf32, #tpu.memory_space<vmem>>, vector<16xf32>,
    %exp3A_916 = math.exp %get3A_915 : vector<16xf32>
    %get3A_917 = arith.constant 624 : index
    %get3A_918 = tpu.vector_load %arg12[%get3A_917] {strides = array<i32>} : memref<1024xf32, #tpu.memory_space<vmem>>, vector<16xf32>,
    %mul3A_919 = arith.mulf %exp3A_916, %get3A_918 : vector<16xf32>
    %get3A_920 = arith.constant 624 : index
    %get3A_921 = tpu.vector_load %arg10[%get3A_920] {strides = array<i32>} : memref<1024xi32, #tpu.memory_space<vmem>>, vector<16xi32>,
    %slice3A_922 = vector.extract_strided_slice %get3A_921 {offsets = [0], sizes = [1], strides = [1]} : vector<16xi32> to vector<1xi32>
    %squeeze3A_923 = vector.extract %slice3A_922[0] : i32 from vector<1xi32>
    %slice3A_924 = vector.extract_strided_slice %get3A_921 {offsets = [15], sizes = [1], strides = [1]} : vector<16xi32> to vector<1xi32>
    %squeeze3A_925 = vector.extract %slice3A_924[0] : i32 from vector<1xi32>
    %eq3A_926 = arith.cmpi eq, %squeeze3A_923, %squeeze3A_925 : i32
    %convert_element_type3A_927 = arith.extui %eq3A_926 : i1 to i32
    %cond3A_928 = arith.constant 0 : i32
    %cond3A_929 = arith.cmpi ne, %convert_element_type3A_927, %cond3A_928 : i32
    scf.if %cond3A_929 {
      %reduce_sum3A = arith.constant true
      %reduce_sum3A_1459 = vector.broadcast %reduce_sum3A : i1 to vector<16xi1>
      %reduce_sum3A_1460 = tpu.scan <sum>, %exp3A_916 masked %reduce_sum3A_1459 : vector<16xf32>, vector<16xi1> -> vector<16xf32>
      %reduce_sum3A_1461 = vector.extract %reduce_sum3A_1460[15] : f32 from vector<16xf32>
      %reduce_sum3A_1462 = arith.constant true
      %reduce_sum3A_1463 = vector.broadcast %reduce_sum3A_1462 : i1 to vector<16xi1>
      %reduce_sum3A_1464 = tpu.scan <sum>, %mul3A_919 masked %reduce_sum3A_1463 : vector<16xf32>, vector<16xi1> -> vector<16xf32>
      %reduce_sum3A_1465 = vector.extract %reduce_sum3A_1464[15] : f32 from vector<16xf32>
      %eq3A_1466 = vector.broadcast %squeeze3A_923 : i32 to vector<16xi32>
      %eq3A_1467 = arith.cmpi eq, %iota3A, %eq3A_1466 : vector<16xi32>
      %get3A_1468 = arith.constant 0 : index
      %get3A_1469 = tpu.vector_load %arg13[%get3A_1468] {strides = array<i32>} : memref<16xf32, #tpu.memory_space<vmem>>, vector<16xf32>,
      %jit3A = arith.constant 0.000000e+00 : f32
      %broadcast_in_dim3A_1470 = vector.broadcast %reduce_sum3A_1461 : f32 to vector<16xf32>
      %broadcast_in_dim3A_1471 = vector.broadcast %jit3A : f32 to vector<16xf32>
      %select_n3A = arith.select %eq3A_1467, %broadcast_in_dim3A_1470, %broadcast_in_dim3A_1471 : vector<16xi1>, vector<16xf32>
      %add3A_1472 = arith.addf %get3A_1469, %select_n3A : vector<16xf32>
      %swap3A_1473 = arith.constant 0 : index
      %swap3A_1474 = tpu.vector_load %arg13[%swap3A_1473] {strides = array<i32>} : memref<16xf32, #tpu.memory_space<vmem>>, vector<16xf32>,
      tpu.vector_store %arg13[%swap3A_1473], %add3A_1472 {strides = array<i32>} : memref<16xf32, #tpu.memory_space<vmem>>, vector<16xf32>,
      %get3A_1475 = arith.constant 0 : index
      %get3A_1476 = tpu.vector_load %arg14[%get3A_1475] {strides = array<i32>} : memref<16xf32, #tpu.memory_space<vmem>>, vector<16xf32>,
      %jit3A_1477 = arith.constant 0.000000e+00 : f32
      %broadcast_in_dim3A_1478 = vector.broadcast %reduce_sum3A_1465 : f32 to vector<16xf32>
      %broadcast_in_dim3A_1479 = vector.broadcast %jit3A_1477 : f32 to vector<16xf32>
      %select_n3A_1480 = arith.select %eq3A_1467, %broadcast_in_dim3A_1478, %broadcast_in_dim3A_1479 : vector<16xi1>, vector<16xf32>
      %add3A_1481 = arith.addf %get3A_1476, %select_n3A_1480 : vector<16xf32>
      %swap3A_1482 = arith.constant 0 : index
      %swap3A_1483 = tpu.vector_load %arg14[%swap3A_1482] {strides = array<i32>} : memref<16xf32, #tpu.memory_space<vmem>>, vector<16xf32>,
      tpu.vector_store %arg14[%swap3A_1482], %add3A_1481 {strides = array<i32>} : memref<16xf32, #tpu.memory_space<vmem>>, vector<16xf32>,
    } else {
    }
    %not3A_930 = arith.constant true
    %not3A_931 = arith.xori %eq3A_926, %not3A_930 : i1
    %convert_element_type3A_932 = arith.extui %not3A_931 : i1 to i32
    %cond3A_933 = arith.constant 0 : i32
    %cond3A_934 = arith.cmpi ne, %convert_element_type3A_932, %cond3A_933 : i32
    scf.if %cond3A_934 {
      tpu.vector_store_idx %arg13[%get3A_921], %exp3A_916 {add = true} : memref<16xf32, #tpu.memory_space<vmem>>[vector<16xi32>], vector<16xf32>,
      tpu.vector_store_idx %arg14[%get3A_921], %mul3A_919 {add = true} : memref<16xf32, #tpu.memory_space<vmem>>[vector<16xi32>], vector<16xf32>,
    } else {
    }
    %get3A_935 = arith.constant 640 : index
    %get3A_936 = tpu.vector_load %arg11[%get3A_935] {strides = array<i32>} : memref<1024xf32, #tpu.memory_space<vmem>>, vector<16xf32>,
    %exp3A_937 = math.exp %get3A_936 : vector<16xf32>
    %get3A_938 = arith.constant 640 : index
    %get3A_939 = tpu.vector_load %arg12[%get3A_938] {strides = array<i32>} : memref<1024xf32, #tpu.memory_space<vmem>>, vector<16xf32>,
    %mul3A_940 = arith.mulf %exp3A_937, %get3A_939 : vector<16xf32>
    %get3A_941 = arith.constant 640 : index
    %get3A_942 = tpu.vector_load %arg10[%get3A_941] {strides = array<i32>} : memref<1024xi32, #tpu.memory_space<vmem>>, vector<16xi32>,
    %slice3A_943 = vector.extract_strided_slice %get3A_942 {offsets = [0], sizes = [1], strides = [1]} : vector<16xi32> to vector<1xi32>
    %squeeze3A_944 = vector.extract %slice3A_943[0] : i32 from vector<1xi32>
    %slice3A_945 = vector.extract_strided_slice %get3A_942 {offsets = [15], sizes = [1], strides = [1]} : vector<16xi32> to vector<1xi32>
    %squeeze3A_946 = vector.extract %slice3A_945[0] : i32 from vector<1xi32>
    %eq3A_947 = arith.cmpi eq, %squeeze3A_944, %squeeze3A_946 : i32
    %convert_element_type3A_948 = arith.extui %eq3A_947 : i1 to i32
    %cond3A_949 = arith.constant 0 : i32
    %cond3A_950 = arith.cmpi ne, %convert_element_type3A_948, %cond3A_949 : i32
    scf.if %cond3A_950 {
      %reduce_sum3A = arith.constant true
      %reduce_sum3A_1459 = vector.broadcast %reduce_sum3A : i1 to vector<16xi1>
      %reduce_sum3A_1460 = tpu.scan <sum>, %exp3A_937 masked %reduce_sum3A_1459 : vector<16xf32>, vector<16xi1> -> vector<16xf32>
      %reduce_sum3A_1461 = vector.extract %reduce_sum3A_1460[15] : f32 from vector<16xf32>
      %reduce_sum3A_1462 = arith.constant true
      %reduce_sum3A_1463 = vector.broadcast %reduce_sum3A_1462 : i1 to vector<16xi1>
      %reduce_sum3A_1464 = tpu.scan <sum>, %mul3A_940 masked %reduce_sum3A_1463 : vector<16xf32>, vector<16xi1> -> vector<16xf32>
      %reduce_sum3A_1465 = vector.extract %reduce_sum3A_1464[15] : f32 from vector<16xf32>
      %eq3A_1466 = vector.broadcast %squeeze3A_944 : i32 to vector<16xi32>
      %eq3A_1467 = arith.cmpi eq, %iota3A, %eq3A_1466 : vector<16xi32>
      %get3A_1468 = arith.constant 0 : index
      %get3A_1469 = tpu.vector_load %arg13[%get3A_1468] {strides = array<i32>} : memref<16xf32, #tpu.memory_space<vmem>>, vector<16xf32>,
      %jit3A = arith.constant 0.000000e+00 : f32
      %broadcast_in_dim3A_1470 = vector.broadcast %reduce_sum3A_1461 : f32 to vector<16xf32>
      %broadcast_in_dim3A_1471 = vector.broadcast %jit3A : f32 to vector<16xf32>
      %select_n3A = arith.select %eq3A_1467, %broadcast_in_dim3A_1470, %broadcast_in_dim3A_1471 : vector<16xi1>, vector<16xf32>
      %add3A_1472 = arith.addf %get3A_1469, %select_n3A : vector<16xf32>
      %swap3A_1473 = arith.constant 0 : index
      %swap3A_1474 = tpu.vector_load %arg13[%swap3A_1473] {strides = array<i32>} : memref<16xf32, #tpu.memory_space<vmem>>, vector<16xf32>,
      tpu.vector_store %arg13[%swap3A_1473], %add3A_1472 {strides = array<i32>} : memref<16xf32, #tpu.memory_space<vmem>>, vector<16xf32>,
      %get3A_1475 = arith.constant 0 : index
      %get3A_1476 = tpu.vector_load %arg14[%get3A_1475] {strides = array<i32>} : memref<16xf32, #tpu.memory_space<vmem>>, vector<16xf32>,
      %jit3A_1477 = arith.constant 0.000000e+00 : f32
      %broadcast_in_dim3A_1478 = vector.broadcast %reduce_sum3A_1465 : f32 to vector<16xf32>
      %broadcast_in_dim3A_1479 = vector.broadcast %jit3A_1477 : f32 to vector<16xf32>
      %select_n3A_1480 = arith.select %eq3A_1467, %broadcast_in_dim3A_1478, %broadcast_in_dim3A_1479 : vector<16xi1>, vector<16xf32>
      %add3A_1481 = arith.addf %get3A_1476, %select_n3A_1480 : vector<16xf32>
      %swap3A_1482 = arith.constant 0 : index
      %swap3A_1483 = tpu.vector_load %arg14[%swap3A_1482] {strides = array<i32>} : memref<16xf32, #tpu.memory_space<vmem>>, vector<16xf32>,
      tpu.vector_store %arg14[%swap3A_1482], %add3A_1481 {strides = array<i32>} : memref<16xf32, #tpu.memory_space<vmem>>, vector<16xf32>,
    } else {
    }
    %not3A_951 = arith.constant true
    %not3A_952 = arith.xori %eq3A_947, %not3A_951 : i1
    %convert_element_type3A_953 = arith.extui %not3A_952 : i1 to i32
    %cond3A_954 = arith.constant 0 : i32
    %cond3A_955 = arith.cmpi ne, %convert_element_type3A_953, %cond3A_954 : i32
    scf.if %cond3A_955 {
      tpu.vector_store_idx %arg13[%get3A_942], %exp3A_937 {add = true} : memref<16xf32, #tpu.memory_space<vmem>>[vector<16xi32>], vector<16xf32>,
      tpu.vector_store_idx %arg14[%get3A_942], %mul3A_940 {add = true} : memref<16xf32, #tpu.memory_space<vmem>>[vector<16xi32>], vector<16xf32>,
    } else {
    }
    %get3A_956 = arith.constant 656 : index
    %get3A_957 = tpu.vector_load %arg11[%get3A_956] {strides = array<i32>} : memref<1024xf32, #tpu.memory_space<vmem>>, vector<16xf32>,
    %exp3A_958 = math.exp %get3A_957 : vector<16xf32>
    %get3A_959 = arith.constant 656 : index
    %get3A_960 = tpu.vector_load %arg12[%get3A_959] {strides = array<i32>} : memref<1024xf32, #tpu.memory_space<vmem>>, vector<16xf32>,
    %mul3A_961 = arith.mulf %exp3A_958, %get3A_960 : vector<16xf32>
    %get3A_962 = arith.constant 656 : index
    %get3A_963 = tpu.vector_load %arg10[%get3A_962] {strides = array<i32>} : memref<1024xi32, #tpu.memory_space<vmem>>, vector<16xi32>,
    %slice3A_964 = vector.extract_strided_slice %get3A_963 {offsets = [0], sizes = [1], strides = [1]} : vector<16xi32> to vector<1xi32>
    %squeeze3A_965 = vector.extract %slice3A_964[0] : i32 from vector<1xi32>
    %slice3A_966 = vector.extract_strided_slice %get3A_963 {offsets = [15], sizes = [1], strides = [1]} : vector<16xi32> to vector<1xi32>
    %squeeze3A_967 = vector.extract %slice3A_966[0] : i32 from vector<1xi32>
    %eq3A_968 = arith.cmpi eq, %squeeze3A_965, %squeeze3A_967 : i32
    %convert_element_type3A_969 = arith.extui %eq3A_968 : i1 to i32
    %cond3A_970 = arith.constant 0 : i32
    %cond3A_971 = arith.cmpi ne, %convert_element_type3A_969, %cond3A_970 : i32
    scf.if %cond3A_971 {
      %reduce_sum3A = arith.constant true
      %reduce_sum3A_1459 = vector.broadcast %reduce_sum3A : i1 to vector<16xi1>
      %reduce_sum3A_1460 = tpu.scan <sum>, %exp3A_958 masked %reduce_sum3A_1459 : vector<16xf32>, vector<16xi1> -> vector<16xf32>
      %reduce_sum3A_1461 = vector.extract %reduce_sum3A_1460[15] : f32 from vector<16xf32>
      %reduce_sum3A_1462 = arith.constant true
      %reduce_sum3A_1463 = vector.broadcast %reduce_sum3A_1462 : i1 to vector<16xi1>
      %reduce_sum3A_1464 = tpu.scan <sum>, %mul3A_961 masked %reduce_sum3A_1463 : vector<16xf32>, vector<16xi1> -> vector<16xf32>
      %reduce_sum3A_1465 = vector.extract %reduce_sum3A_1464[15] : f32 from vector<16xf32>
      %eq3A_1466 = vector.broadcast %squeeze3A_965 : i32 to vector<16xi32>
      %eq3A_1467 = arith.cmpi eq, %iota3A, %eq3A_1466 : vector<16xi32>
      %get3A_1468 = arith.constant 0 : index
      %get3A_1469 = tpu.vector_load %arg13[%get3A_1468] {strides = array<i32>} : memref<16xf32, #tpu.memory_space<vmem>>, vector<16xf32>,
      %jit3A = arith.constant 0.000000e+00 : f32
      %broadcast_in_dim3A_1470 = vector.broadcast %reduce_sum3A_1461 : f32 to vector<16xf32>
      %broadcast_in_dim3A_1471 = vector.broadcast %jit3A : f32 to vector<16xf32>
      %select_n3A = arith.select %eq3A_1467, %broadcast_in_dim3A_1470, %broadcast_in_dim3A_1471 : vector<16xi1>, vector<16xf32>
      %add3A_1472 = arith.addf %get3A_1469, %select_n3A : vector<16xf32>
      %swap3A_1473 = arith.constant 0 : index
      %swap3A_1474 = tpu.vector_load %arg13[%swap3A_1473] {strides = array<i32>} : memref<16xf32, #tpu.memory_space<vmem>>, vector<16xf32>,
      tpu.vector_store %arg13[%swap3A_1473], %add3A_1472 {strides = array<i32>} : memref<16xf32, #tpu.memory_space<vmem>>, vector<16xf32>,
      %get3A_1475 = arith.constant 0 : index
      %get3A_1476 = tpu.vector_load %arg14[%get3A_1475] {strides = array<i32>} : memref<16xf32, #tpu.memory_space<vmem>>, vector<16xf32>,
      %jit3A_1477 = arith.constant 0.000000e+00 : f32
      %broadcast_in_dim3A_1478 = vector.broadcast %reduce_sum3A_1465 : f32 to vector<16xf32>
      %broadcast_in_dim3A_1479 = vector.broadcast %jit3A_1477 : f32 to vector<16xf32>
      %select_n3A_1480 = arith.select %eq3A_1467, %broadcast_in_dim3A_1478, %broadcast_in_dim3A_1479 : vector<16xi1>, vector<16xf32>
      %add3A_1481 = arith.addf %get3A_1476, %select_n3A_1480 : vector<16xf32>
      %swap3A_1482 = arith.constant 0 : index
      %swap3A_1483 = tpu.vector_load %arg14[%swap3A_1482] {strides = array<i32>} : memref<16xf32, #tpu.memory_space<vmem>>, vector<16xf32>,
      tpu.vector_store %arg14[%swap3A_1482], %add3A_1481 {strides = array<i32>} : memref<16xf32, #tpu.memory_space<vmem>>, vector<16xf32>,
    } else {
    }
    %not3A_972 = arith.constant true
    %not3A_973 = arith.xori %eq3A_968, %not3A_972 : i1
    %convert_element_type3A_974 = arith.extui %not3A_973 : i1 to i32
    %cond3A_975 = arith.constant 0 : i32
    %cond3A_976 = arith.cmpi ne, %convert_element_type3A_974, %cond3A_975 : i32
    scf.if %cond3A_976 {
      tpu.vector_store_idx %arg13[%get3A_963], %exp3A_958 {add = true} : memref<16xf32, #tpu.memory_space<vmem>>[vector<16xi32>], vector<16xf32>,
      tpu.vector_store_idx %arg14[%get3A_963], %mul3A_961 {add = true} : memref<16xf32, #tpu.memory_space<vmem>>[vector<16xi32>], vector<16xf32>,
    } else {
    }
    %get3A_977 = arith.constant 672 : index
    %get3A_978 = tpu.vector_load %arg11[%get3A_977] {strides = array<i32>} : memref<1024xf32, #tpu.memory_space<vmem>>, vector<16xf32>,
    %exp3A_979 = math.exp %get3A_978 : vector<16xf32>
    %get3A_980 = arith.constant 672 : index
    %get3A_981 = tpu.vector_load %arg12[%get3A_980] {strides = array<i32>} : memref<1024xf32, #tpu.memory_space<vmem>>, vector<16xf32>,
    %mul3A_982 = arith.mulf %exp3A_979, %get3A_981 : vector<16xf32>
    %get3A_983 = arith.constant 672 : index
    %get3A_984 = tpu.vector_load %arg10[%get3A_983] {strides = array<i32>} : memref<1024xi32, #tpu.memory_space<vmem>>, vector<16xi32>,
    %slice3A_985 = vector.extract_strided_slice %get3A_984 {offsets = [0], sizes = [1], strides = [1]} : vector<16xi32> to vector<1xi32>
    %squeeze3A_986 = vector.extract %slice3A_985[0] : i32 from vector<1xi32>
    %slice3A_987 = vector.extract_strided_slice %get3A_984 {offsets = [15], sizes = [1], strides = [1]} : vector<16xi32> to vector<1xi32>
    %squeeze3A_988 = vector.extract %slice3A_987[0] : i32 from vector<1xi32>
    %eq3A_989 = arith.cmpi eq, %squeeze3A_986, %squeeze3A_988 : i32
    %convert_element_type3A_990 = arith.extui %eq3A_989 : i1 to i32
    %cond3A_991 = arith.constant 0 : i32
    %cond3A_992 = arith.cmpi ne, %convert_element_type3A_990, %cond3A_991 : i32
    scf.if %cond3A_992 {
      %reduce_sum3A = arith.constant true
      %reduce_sum3A_1459 = vector.broadcast %reduce_sum3A : i1 to vector<16xi1>
      %reduce_sum3A_1460 = tpu.scan <sum>, %exp3A_979 masked %reduce_sum3A_1459 : vector<16xf32>, vector<16xi1> -> vector<16xf32>
      %reduce_sum3A_1461 = vector.extract %reduce_sum3A_1460[15] : f32 from vector<16xf32>
      %reduce_sum3A_1462 = arith.constant true
      %reduce_sum3A_1463 = vector.broadcast %reduce_sum3A_1462 : i1 to vector<16xi1>
      %reduce_sum3A_1464 = tpu.scan <sum>, %mul3A_982 masked %reduce_sum3A_1463 : vector<16xf32>, vector<16xi1> -> vector<16xf32>
      %reduce_sum3A_1465 = vector.extract %reduce_sum3A_1464[15] : f32 from vector<16xf32>
      %eq3A_1466 = vector.broadcast %squeeze3A_986 : i32 to vector<16xi32>
      %eq3A_1467 = arith.cmpi eq, %iota3A, %eq3A_1466 : vector<16xi32>
      %get3A_1468 = arith.constant 0 : index
      %get3A_1469 = tpu.vector_load %arg13[%get3A_1468] {strides = array<i32>} : memref<16xf32, #tpu.memory_space<vmem>>, vector<16xf32>,
      %jit3A = arith.constant 0.000000e+00 : f32
      %broadcast_in_dim3A_1470 = vector.broadcast %reduce_sum3A_1461 : f32 to vector<16xf32>
      %broadcast_in_dim3A_1471 = vector.broadcast %jit3A : f32 to vector<16xf32>
      %select_n3A = arith.select %eq3A_1467, %broadcast_in_dim3A_1470, %broadcast_in_dim3A_1471 : vector<16xi1>, vector<16xf32>
      %add3A_1472 = arith.addf %get3A_1469, %select_n3A : vector<16xf32>
      %swap3A_1473 = arith.constant 0 : index
      %swap3A_1474 = tpu.vector_load %arg13[%swap3A_1473] {strides = array<i32>} : memref<16xf32, #tpu.memory_space<vmem>>, vector<16xf32>,
      tpu.vector_store %arg13[%swap3A_1473], %add3A_1472 {strides = array<i32>} : memref<16xf32, #tpu.memory_space<vmem>>, vector<16xf32>,
      %get3A_1475 = arith.constant 0 : index
      %get3A_1476 = tpu.vector_load %arg14[%get3A_1475] {strides = array<i32>} : memref<16xf32, #tpu.memory_space<vmem>>, vector<16xf32>,
      %jit3A_1477 = arith.constant 0.000000e+00 : f32
      %broadcast_in_dim3A_1478 = vector.broadcast %reduce_sum3A_1465 : f32 to vector<16xf32>
      %broadcast_in_dim3A_1479 = vector.broadcast %jit3A_1477 : f32 to vector<16xf32>
      %select_n3A_1480 = arith.select %eq3A_1467, %broadcast_in_dim3A_1478, %broadcast_in_dim3A_1479 : vector<16xi1>, vector<16xf32>
      %add3A_1481 = arith.addf %get3A_1476, %select_n3A_1480 : vector<16xf32>
      %swap3A_1482 = arith.constant 0 : index
      %swap3A_1483 = tpu.vector_load %arg14[%swap3A_1482] {strides = array<i32>} : memref<16xf32, #tpu.memory_space<vmem>>, vector<16xf32>,
      tpu.vector_store %arg14[%swap3A_1482], %add3A_1481 {strides = array<i32>} : memref<16xf32, #tpu.memory_space<vmem>>, vector<16xf32>,
    } else {
    }
    %not3A_993 = arith.constant true
    %not3A_994 = arith.xori %eq3A_989, %not3A_993 : i1
    %convert_element_type3A_995 = arith.extui %not3A_994 : i1 to i32
    %cond3A_996 = arith.constant 0 : i32
    %cond3A_997 = arith.cmpi ne, %convert_element_type3A_995, %cond3A_996 : i32
    scf.if %cond3A_997 {
      tpu.vector_store_idx %arg13[%get3A_984], %exp3A_979 {add = true} : memref<16xf32, #tpu.memory_space<vmem>>[vector<16xi32>], vector<16xf32>,
      tpu.vector_store_idx %arg14[%get3A_984], %mul3A_982 {add = true} : memref<16xf32, #tpu.memory_space<vmem>>[vector<16xi32>], vector<16xf32>,
    } else {
    }
    %get3A_998 = arith.constant 688 : index
    %get3A_999 = tpu.vector_load %arg11[%get3A_998] {strides = array<i32>} : memref<1024xf32, #tpu.memory_space<vmem>>, vector<16xf32>,
    %exp3A_1000 = math.exp %get3A_999 : vector<16xf32>
    %get3A_1001 = arith.constant 688 : index
    %get3A_1002 = tpu.vector_load %arg12[%get3A_1001] {strides = array<i32>} : memref<1024xf32, #tpu.memory_space<vmem>>, vector<16xf32>,
    %mul3A_1003 = arith.mulf %exp3A_1000, %get3A_1002 : vector<16xf32>
    %get3A_1004 = arith.constant 688 : index
    %get3A_1005 = tpu.vector_load %arg10[%get3A_1004] {strides = array<i32>} : memref<1024xi32, #tpu.memory_space<vmem>>, vector<16xi32>,
    %slice3A_1006 = vector.extract_strided_slice %get3A_1005 {offsets = [0], sizes = [1], strides = [1]} : vector<16xi32> to vector<1xi32>
    %squeeze3A_1007 = vector.extract %slice3A_1006[0] : i32 from vector<1xi32>
    %slice3A_1008 = vector.extract_strided_slice %get3A_1005 {offsets = [15], sizes = [1], strides = [1]} : vector<16xi32> to vector<1xi32>
    %squeeze3A_1009 = vector.extract %slice3A_1008[0] : i32 from vector<1xi32>
    %eq3A_1010 = arith.cmpi eq, %squeeze3A_1007, %squeeze3A_1009 : i32
    %convert_element_type3A_1011 = arith.extui %eq3A_1010 : i1 to i32
    %cond3A_1012 = arith.constant 0 : i32
    %cond3A_1013 = arith.cmpi ne, %convert_element_type3A_1011, %cond3A_1012 : i32
    scf.if %cond3A_1013 {
      %reduce_sum3A = arith.constant true
      %reduce_sum3A_1459 = vector.broadcast %reduce_sum3A : i1 to vector<16xi1>
      %reduce_sum3A_1460 = tpu.scan <sum>, %exp3A_1000 masked %reduce_sum3A_1459 : vector<16xf32>, vector<16xi1> -> vector<16xf32>
      %reduce_sum3A_1461 = vector.extract %reduce_sum3A_1460[15] : f32 from vector<16xf32>
      %reduce_sum3A_1462 = arith.constant true
      %reduce_sum3A_1463 = vector.broadcast %reduce_sum3A_1462 : i1 to vector<16xi1>
      %reduce_sum3A_1464 = tpu.scan <sum>, %mul3A_1003 masked %reduce_sum3A_1463 : vector<16xf32>, vector<16xi1> -> vector<16xf32>
      %reduce_sum3A_1465 = vector.extract %reduce_sum3A_1464[15] : f32 from vector<16xf32>
      %eq3A_1466 = vector.broadcast %squeeze3A_1007 : i32 to vector<16xi32>
      %eq3A_1467 = arith.cmpi eq, %iota3A, %eq3A_1466 : vector<16xi32>
      %get3A_1468 = arith.constant 0 : index
      %get3A_1469 = tpu.vector_load %arg13[%get3A_1468] {strides = array<i32>} : memref<16xf32, #tpu.memory_space<vmem>>, vector<16xf32>,
      %jit3A = arith.constant 0.000000e+00 : f32
      %broadcast_in_dim3A_1470 = vector.broadcast %reduce_sum3A_1461 : f32 to vector<16xf32>
      %broadcast_in_dim3A_1471 = vector.broadcast %jit3A : f32 to vector<16xf32>
      %select_n3A = arith.select %eq3A_1467, %broadcast_in_dim3A_1470, %broadcast_in_dim3A_1471 : vector<16xi1>, vector<16xf32>
      %add3A_1472 = arith.addf %get3A_1469, %select_n3A : vector<16xf32>
      %swap3A_1473 = arith.constant 0 : index
      %swap3A_1474 = tpu.vector_load %arg13[%swap3A_1473] {strides = array<i32>} : memref<16xf32, #tpu.memory_space<vmem>>, vector<16xf32>,
      tpu.vector_store %arg13[%swap3A_1473], %add3A_1472 {strides = array<i32>} : memref<16xf32, #tpu.memory_space<vmem>>, vector<16xf32>,
      %get3A_1475 = arith.constant 0 : index
      %get3A_1476 = tpu.vector_load %arg14[%get3A_1475] {strides = array<i32>} : memref<16xf32, #tpu.memory_space<vmem>>, vector<16xf32>,
      %jit3A_1477 = arith.constant 0.000000e+00 : f32
      %broadcast_in_dim3A_1478 = vector.broadcast %reduce_sum3A_1465 : f32 to vector<16xf32>
      %broadcast_in_dim3A_1479 = vector.broadcast %jit3A_1477 : f32 to vector<16xf32>
      %select_n3A_1480 = arith.select %eq3A_1467, %broadcast_in_dim3A_1478, %broadcast_in_dim3A_1479 : vector<16xi1>, vector<16xf32>
      %add3A_1481 = arith.addf %get3A_1476, %select_n3A_1480 : vector<16xf32>
      %swap3A_1482 = arith.constant 0 : index
      %swap3A_1483 = tpu.vector_load %arg14[%swap3A_1482] {strides = array<i32>} : memref<16xf32, #tpu.memory_space<vmem>>, vector<16xf32>,
      tpu.vector_store %arg14[%swap3A_1482], %add3A_1481 {strides = array<i32>} : memref<16xf32, #tpu.memory_space<vmem>>, vector<16xf32>,
    } else {
    }
    %not3A_1014 = arith.constant true
    %not3A_1015 = arith.xori %eq3A_1010, %not3A_1014 : i1
    %convert_element_type3A_1016 = arith.extui %not3A_1015 : i1 to i32
    %cond3A_1017 = arith.constant 0 : i32
    %cond3A_1018 = arith.cmpi ne, %convert_element_type3A_1016, %cond3A_1017 : i32
    scf.if %cond3A_1018 {
      tpu.vector_store_idx %arg13[%get3A_1005], %exp3A_1000 {add = true} : memref<16xf32, #tpu.memory_space<vmem>>[vector<16xi32>], vector<16xf32>,
      tpu.vector_store_idx %arg14[%get3A_1005], %mul3A_1003 {add = true} : memref<16xf32, #tpu.memory_space<vmem>>[vector<16xi32>], vector<16xf32>,
    } else {
    }
    %get3A_1019 = arith.constant 704 : index
    %get3A_1020 = tpu.vector_load %arg11[%get3A_1019] {strides = array<i32>} : memref<1024xf32, #tpu.memory_space<vmem>>, vector<16xf32>,
    %exp3A_1021 = math.exp %get3A_1020 : vector<16xf32>
    %get3A_1022 = arith.constant 704 : index
    %get3A_1023 = tpu.vector_load %arg12[%get3A_1022] {strides = array<i32>} : memref<1024xf32, #tpu.memory_space<vmem>>, vector<16xf32>,
    %mul3A_1024 = arith.mulf %exp3A_1021, %get3A_1023 : vector<16xf32>
    %get3A_1025 = arith.constant 704 : index
    %get3A_1026 = tpu.vector_load %arg10[%get3A_1025] {strides = array<i32>} : memref<1024xi32, #tpu.memory_space<vmem>>, vector<16xi32>,
    %slice3A_1027 = vector.extract_strided_slice %get3A_1026 {offsets = [0], sizes = [1], strides = [1]} : vector<16xi32> to vector<1xi32>
    %squeeze3A_1028 = vector.extract %slice3A_1027[0] : i32 from vector<1xi32>
    %slice3A_1029 = vector.extract_strided_slice %get3A_1026 {offsets = [15], sizes = [1], strides = [1]} : vector<16xi32> to vector<1xi32>
    %squeeze3A_1030 = vector.extract %slice3A_1029[0] : i32 from vector<1xi32>
    %eq3A_1031 = arith.cmpi eq, %squeeze3A_1028, %squeeze3A_1030 : i32
    %convert_element_type3A_1032 = arith.extui %eq3A_1031 : i1 to i32
    %cond3A_1033 = arith.constant 0 : i32
    %cond3A_1034 = arith.cmpi ne, %convert_element_type3A_1032, %cond3A_1033 : i32
    scf.if %cond3A_1034 {
      %reduce_sum3A = arith.constant true
      %reduce_sum3A_1459 = vector.broadcast %reduce_sum3A : i1 to vector<16xi1>
      %reduce_sum3A_1460 = tpu.scan <sum>, %exp3A_1021 masked %reduce_sum3A_1459 : vector<16xf32>, vector<16xi1> -> vector<16xf32>
      %reduce_sum3A_1461 = vector.extract %reduce_sum3A_1460[15] : f32 from vector<16xf32>
      %reduce_sum3A_1462 = arith.constant true
      %reduce_sum3A_1463 = vector.broadcast %reduce_sum3A_1462 : i1 to vector<16xi1>
      %reduce_sum3A_1464 = tpu.scan <sum>, %mul3A_1024 masked %reduce_sum3A_1463 : vector<16xf32>, vector<16xi1> -> vector<16xf32>
      %reduce_sum3A_1465 = vector.extract %reduce_sum3A_1464[15] : f32 from vector<16xf32>
      %eq3A_1466 = vector.broadcast %squeeze3A_1028 : i32 to vector<16xi32>
      %eq3A_1467 = arith.cmpi eq, %iota3A, %eq3A_1466 : vector<16xi32>
      %get3A_1468 = arith.constant 0 : index
      %get3A_1469 = tpu.vector_load %arg13[%get3A_1468] {strides = array<i32>} : memref<16xf32, #tpu.memory_space<vmem>>, vector<16xf32>,
      %jit3A = arith.constant 0.000000e+00 : f32
      %broadcast_in_dim3A_1470 = vector.broadcast %reduce_sum3A_1461 : f32 to vector<16xf32>
      %broadcast_in_dim3A_1471 = vector.broadcast %jit3A : f32 to vector<16xf32>
      %select_n3A = arith.select %eq3A_1467, %broadcast_in_dim3A_1470, %broadcast_in_dim3A_1471 : vector<16xi1>, vector<16xf32>
      %add3A_1472 = arith.addf %get3A_1469, %select_n3A : vector<16xf32>
      %swap3A_1473 = arith.constant 0 : index
      %swap3A_1474 = tpu.vector_load %arg13[%swap3A_1473] {strides = array<i32>} : memref<16xf32, #tpu.memory_space<vmem>>, vector<16xf32>,
      tpu.vector_store %arg13[%swap3A_1473], %add3A_1472 {strides = array<i32>} : memref<16xf32, #tpu.memory_space<vmem>>, vector<16xf32>,
      %get3A_1475 = arith.constant 0 : index
      %get3A_1476 = tpu.vector_load %arg14[%get3A_1475] {strides = array<i32>} : memref<16xf32, #tpu.memory_space<vmem>>, vector<16xf32>,
      %jit3A_1477 = arith.constant 0.000000e+00 : f32
      %broadcast_in_dim3A_1478 = vector.broadcast %reduce_sum3A_1465 : f32 to vector<16xf32>
      %broadcast_in_dim3A_1479 = vector.broadcast %jit3A_1477 : f32 to vector<16xf32>
      %select_n3A_1480 = arith.select %eq3A_1467, %broadcast_in_dim3A_1478, %broadcast_in_dim3A_1479 : vector<16xi1>, vector<16xf32>
      %add3A_1481 = arith.addf %get3A_1476, %select_n3A_1480 : vector<16xf32>
      %swap3A_1482 = arith.constant 0 : index
      %swap3A_1483 = tpu.vector_load %arg14[%swap3A_1482] {strides = array<i32>} : memref<16xf32, #tpu.memory_space<vmem>>, vector<16xf32>,
      tpu.vector_store %arg14[%swap3A_1482], %add3A_1481 {strides = array<i32>} : memref<16xf32, #tpu.memory_space<vmem>>, vector<16xf32>,
    } else {
    }
    %not3A_1035 = arith.constant true
    %not3A_1036 = arith.xori %eq3A_1031, %not3A_1035 : i1
    %convert_element_type3A_1037 = arith.extui %not3A_1036 : i1 to i32
    %cond3A_1038 = arith.constant 0 : i32
    %cond3A_1039 = arith.cmpi ne, %convert_element_type3A_1037, %cond3A_1038 : i32
    scf.if %cond3A_1039 {
      tpu.vector_store_idx %arg13[%get3A_1026], %exp3A_1021 {add = true} : memref<16xf32, #tpu.memory_space<vmem>>[vector<16xi32>], vector<16xf32>,
      tpu.vector_store_idx %arg14[%get3A_1026], %mul3A_1024 {add = true} : memref<16xf32, #tpu.memory_space<vmem>>[vector<16xi32>], vector<16xf32>,
    } else {
    }
    %get3A_1040 = arith.constant 720 : index
    %get3A_1041 = tpu.vector_load %arg11[%get3A_1040] {strides = array<i32>} : memref<1024xf32, #tpu.memory_space<vmem>>, vector<16xf32>,
    %exp3A_1042 = math.exp %get3A_1041 : vector<16xf32>
    %get3A_1043 = arith.constant 720 : index
    %get3A_1044 = tpu.vector_load %arg12[%get3A_1043] {strides = array<i32>} : memref<1024xf32, #tpu.memory_space<vmem>>, vector<16xf32>,
    %mul3A_1045 = arith.mulf %exp3A_1042, %get3A_1044 : vector<16xf32>
    %get3A_1046 = arith.constant 720 : index
    %get3A_1047 = tpu.vector_load %arg10[%get3A_1046] {strides = array<i32>} : memref<1024xi32, #tpu.memory_space<vmem>>, vector<16xi32>,
    %slice3A_1048 = vector.extract_strided_slice %get3A_1047 {offsets = [0], sizes = [1], strides = [1]} : vector<16xi32> to vector<1xi32>
    %squeeze3A_1049 = vector.extract %slice3A_1048[0] : i32 from vector<1xi32>
    %slice3A_1050 = vector.extract_strided_slice %get3A_1047 {offsets = [15], sizes = [1], strides = [1]} : vector<16xi32> to vector<1xi32>
    %squeeze3A_1051 = vector.extract %slice3A_1050[0] : i32 from vector<1xi32>
    %eq3A_1052 = arith.cmpi eq, %squeeze3A_1049, %squeeze3A_1051 : i32
    %convert_element_type3A_1053 = arith.extui %eq3A_1052 : i1 to i32
    %cond3A_1054 = arith.constant 0 : i32
    %cond3A_1055 = arith.cmpi ne, %convert_element_type3A_1053, %cond3A_1054 : i32
    scf.if %cond3A_1055 {
      %reduce_sum3A = arith.constant true
      %reduce_sum3A_1459 = vector.broadcast %reduce_sum3A : i1 to vector<16xi1>
      %reduce_sum3A_1460 = tpu.scan <sum>, %exp3A_1042 masked %reduce_sum3A_1459 : vector<16xf32>, vector<16xi1> -> vector<16xf32>
      %reduce_sum3A_1461 = vector.extract %reduce_sum3A_1460[15] : f32 from vector<16xf32>
      %reduce_sum3A_1462 = arith.constant true
      %reduce_sum3A_1463 = vector.broadcast %reduce_sum3A_1462 : i1 to vector<16xi1>
      %reduce_sum3A_1464 = tpu.scan <sum>, %mul3A_1045 masked %reduce_sum3A_1463 : vector<16xf32>, vector<16xi1> -> vector<16xf32>
      %reduce_sum3A_1465 = vector.extract %reduce_sum3A_1464[15] : f32 from vector<16xf32>
      %eq3A_1466 = vector.broadcast %squeeze3A_1049 : i32 to vector<16xi32>
      %eq3A_1467 = arith.cmpi eq, %iota3A, %eq3A_1466 : vector<16xi32>
      %get3A_1468 = arith.constant 0 : index
      %get3A_1469 = tpu.vector_load %arg13[%get3A_1468] {strides = array<i32>} : memref<16xf32, #tpu.memory_space<vmem>>, vector<16xf32>,
      %jit3A = arith.constant 0.000000e+00 : f32
      %broadcast_in_dim3A_1470 = vector.broadcast %reduce_sum3A_1461 : f32 to vector<16xf32>
      %broadcast_in_dim3A_1471 = vector.broadcast %jit3A : f32 to vector<16xf32>
      %select_n3A = arith.select %eq3A_1467, %broadcast_in_dim3A_1470, %broadcast_in_dim3A_1471 : vector<16xi1>, vector<16xf32>
      %add3A_1472 = arith.addf %get3A_1469, %select_n3A : vector<16xf32>
      %swap3A_1473 = arith.constant 0 : index
      %swap3A_1474 = tpu.vector_load %arg13[%swap3A_1473] {strides = array<i32>} : memref<16xf32, #tpu.memory_space<vmem>>, vector<16xf32>,
      tpu.vector_store %arg13[%swap3A_1473], %add3A_1472 {strides = array<i32>} : memref<16xf32, #tpu.memory_space<vmem>>, vector<16xf32>,
      %get3A_1475 = arith.constant 0 : index
      %get3A_1476 = tpu.vector_load %arg14[%get3A_1475] {strides = array<i32>} : memref<16xf32, #tpu.memory_space<vmem>>, vector<16xf32>,
      %jit3A_1477 = arith.constant 0.000000e+00 : f32
      %broadcast_in_dim3A_1478 = vector.broadcast %reduce_sum3A_1465 : f32 to vector<16xf32>
      %broadcast_in_dim3A_1479 = vector.broadcast %jit3A_1477 : f32 to vector<16xf32>
      %select_n3A_1480 = arith.select %eq3A_1467, %broadcast_in_dim3A_1478, %broadcast_in_dim3A_1479 : vector<16xi1>, vector<16xf32>
      %add3A_1481 = arith.addf %get3A_1476, %select_n3A_1480 : vector<16xf32>
      %swap3A_1482 = arith.constant 0 : index
      %swap3A_1483 = tpu.vector_load %arg14[%swap3A_1482] {strides = array<i32>} : memref<16xf32, #tpu.memory_space<vmem>>, vector<16xf32>,
      tpu.vector_store %arg14[%swap3A_1482], %add3A_1481 {strides = array<i32>} : memref<16xf32, #tpu.memory_space<vmem>>, vector<16xf32>,
    } else {
    }
    %not3A_1056 = arith.constant true
    %not3A_1057 = arith.xori %eq3A_1052, %not3A_1056 : i1
    %convert_element_type3A_1058 = arith.extui %not3A_1057 : i1 to i32
    %cond3A_1059 = arith.constant 0 : i32
    %cond3A_1060 = arith.cmpi ne, %convert_element_type3A_1058, %cond3A_1059 : i32
    scf.if %cond3A_1060 {
      tpu.vector_store_idx %arg13[%get3A_1047], %exp3A_1042 {add = true} : memref<16xf32, #tpu.memory_space<vmem>>[vector<16xi32>], vector<16xf32>,
      tpu.vector_store_idx %arg14[%get3A_1047], %mul3A_1045 {add = true} : memref<16xf32, #tpu.memory_space<vmem>>[vector<16xi32>], vector<16xf32>,
    } else {
    }
    %get3A_1061 = arith.constant 736 : index
    %get3A_1062 = tpu.vector_load %arg11[%get3A_1061] {strides = array<i32>} : memref<1024xf32, #tpu.memory_space<vmem>>, vector<16xf32>,
    %exp3A_1063 = math.exp %get3A_1062 : vector<16xf32>
    %get3A_1064 = arith.constant 736 : index
    %get3A_1065 = tpu.vector_load %arg12[%get3A_1064] {strides = array<i32>} : memref<1024xf32, #tpu.memory_space<vmem>>, vector<16xf32>,
    %mul3A_1066 = arith.mulf %exp3A_1063, %get3A_1065 : vector<16xf32>
    %get3A_1067 = arith.constant 736 : index
    %get3A_1068 = tpu.vector_load %arg10[%get3A_1067] {strides = array<i32>} : memref<1024xi32, #tpu.memory_space<vmem>>, vector<16xi32>,
    %slice3A_1069 = vector.extract_strided_slice %get3A_1068 {offsets = [0], sizes = [1], strides = [1]} : vector<16xi32> to vector<1xi32>
    %squeeze3A_1070 = vector.extract %slice3A_1069[0] : i32 from vector<1xi32>
    %slice3A_1071 = vector.extract_strided_slice %get3A_1068 {offsets = [15], sizes = [1], strides = [1]} : vector<16xi32> to vector<1xi32>
    %squeeze3A_1072 = vector.extract %slice3A_1071[0] : i32 from vector<1xi32>
    %eq3A_1073 = arith.cmpi eq, %squeeze3A_1070, %squeeze3A_1072 : i32
    %convert_element_type3A_1074 = arith.extui %eq3A_1073 : i1 to i32
    %cond3A_1075 = arith.constant 0 : i32
    %cond3A_1076 = arith.cmpi ne, %convert_element_type3A_1074, %cond3A_1075 : i32
    scf.if %cond3A_1076 {
      %reduce_sum3A = arith.constant true
      %reduce_sum3A_1459 = vector.broadcast %reduce_sum3A : i1 to vector<16xi1>
      %reduce_sum3A_1460 = tpu.scan <sum>, %exp3A_1063 masked %reduce_sum3A_1459 : vector<16xf32>, vector<16xi1> -> vector<16xf32>
      %reduce_sum3A_1461 = vector.extract %reduce_sum3A_1460[15] : f32 from vector<16xf32>
      %reduce_sum3A_1462 = arith.constant true
      %reduce_sum3A_1463 = vector.broadcast %reduce_sum3A_1462 : i1 to vector<16xi1>
      %reduce_sum3A_1464 = tpu.scan <sum>, %mul3A_1066 masked %reduce_sum3A_1463 : vector<16xf32>, vector<16xi1> -> vector<16xf32>
      %reduce_sum3A_1465 = vector.extract %reduce_sum3A_1464[15] : f32 from vector<16xf32>
      %eq3A_1466 = vector.broadcast %squeeze3A_1070 : i32 to vector<16xi32>
      %eq3A_1467 = arith.cmpi eq, %iota3A, %eq3A_1466 : vector<16xi32>
      %get3A_1468 = arith.constant 0 : index
      %get3A_1469 = tpu.vector_load %arg13[%get3A_1468] {strides = array<i32>} : memref<16xf32, #tpu.memory_space<vmem>>, vector<16xf32>,
      %jit3A = arith.constant 0.000000e+00 : f32
      %broadcast_in_dim3A_1470 = vector.broadcast %reduce_sum3A_1461 : f32 to vector<16xf32>
      %broadcast_in_dim3A_1471 = vector.broadcast %jit3A : f32 to vector<16xf32>
      %select_n3A = arith.select %eq3A_1467, %broadcast_in_dim3A_1470, %broadcast_in_dim3A_1471 : vector<16xi1>, vector<16xf32>
      %add3A_1472 = arith.addf %get3A_1469, %select_n3A : vector<16xf32>
      %swap3A_1473 = arith.constant 0 : index
      %swap3A_1474 = tpu.vector_load %arg13[%swap3A_1473] {strides = array<i32>} : memref<16xf32, #tpu.memory_space<vmem>>, vector<16xf32>,
      tpu.vector_store %arg13[%swap3A_1473], %add3A_1472 {strides = array<i32>} : memref<16xf32, #tpu.memory_space<vmem>>, vector<16xf32>,
      %get3A_1475 = arith.constant 0 : index
      %get3A_1476 = tpu.vector_load %arg14[%get3A_1475] {strides = array<i32>} : memref<16xf32, #tpu.memory_space<vmem>>, vector<16xf32>,
      %jit3A_1477 = arith.constant 0.000000e+00 : f32
      %broadcast_in_dim3A_1478 = vector.broadcast %reduce_sum3A_1465 : f32 to vector<16xf32>
      %broadcast_in_dim3A_1479 = vector.broadcast %jit3A_1477 : f32 to vector<16xf32>
      %select_n3A_1480 = arith.select %eq3A_1467, %broadcast_in_dim3A_1478, %broadcast_in_dim3A_1479 : vector<16xi1>, vector<16xf32>
      %add3A_1481 = arith.addf %get3A_1476, %select_n3A_1480 : vector<16xf32>
      %swap3A_1482 = arith.constant 0 : index
      %swap3A_1483 = tpu.vector_load %arg14[%swap3A_1482] {strides = array<i32>} : memref<16xf32, #tpu.memory_space<vmem>>, vector<16xf32>,
      tpu.vector_store %arg14[%swap3A_1482], %add3A_1481 {strides = array<i32>} : memref<16xf32, #tpu.memory_space<vmem>>, vector<16xf32>,
    } else {
    }
    %not3A_1077 = arith.constant true
    %not3A_1078 = arith.xori %eq3A_1073, %not3A_1077 : i1
    %convert_element_type3A_1079 = arith.extui %not3A_1078 : i1 to i32
    %cond3A_1080 = arith.constant 0 : i32
    %cond3A_1081 = arith.cmpi ne, %convert_element_type3A_1079, %cond3A_1080 : i32
    scf.if %cond3A_1081 {
      tpu.vector_store_idx %arg13[%get3A_1068], %exp3A_1063 {add = true} : memref<16xf32, #tpu.memory_space<vmem>>[vector<16xi32>], vector<16xf32>,
      tpu.vector_store_idx %arg14[%get3A_1068], %mul3A_1066 {add = true} : memref<16xf32, #tpu.memory_space<vmem>>[vector<16xi32>], vector<16xf32>,
    } else {
    }
    %get3A_1082 = arith.constant 752 : index
    %get3A_1083 = tpu.vector_load %arg11[%get3A_1082] {strides = array<i32>} : memref<1024xf32, #tpu.memory_space<vmem>>, vector<16xf32>,
    %exp3A_1084 = math.exp %get3A_1083 : vector<16xf32>
    %get3A_1085 = arith.constant 752 : index
    %get3A_1086 = tpu.vector_load %arg12[%get3A_1085] {strides = array<i32>} : memref<1024xf32, #tpu.memory_space<vmem>>, vector<16xf32>,
    %mul3A_1087 = arith.mulf %exp3A_1084, %get3A_1086 : vector<16xf32>
    %get3A_1088 = arith.constant 752 : index
    %get3A_1089 = tpu.vector_load %arg10[%get3A_1088] {strides = array<i32>} : memref<1024xi32, #tpu.memory_space<vmem>>, vector<16xi32>,
    %slice3A_1090 = vector.extract_strided_slice %get3A_1089 {offsets = [0], sizes = [1], strides = [1]} : vector<16xi32> to vector<1xi32>
    %squeeze3A_1091 = vector.extract %slice3A_1090[0] : i32 from vector<1xi32>
    %slice3A_1092 = vector.extract_strided_slice %get3A_1089 {offsets = [15], sizes = [1], strides = [1]} : vector<16xi32> to vector<1xi32>
    %squeeze3A_1093 = vector.extract %slice3A_1092[0] : i32 from vector<1xi32>
    %eq3A_1094 = arith.cmpi eq, %squeeze3A_1091, %squeeze3A_1093 : i32
    %convert_element_type3A_1095 = arith.extui %eq3A_1094 : i1 to i32
    %cond3A_1096 = arith.constant 0 : i32
    %cond3A_1097 = arith.cmpi ne, %convert_element_type3A_1095, %cond3A_1096 : i32
    scf.if %cond3A_1097 {
      %reduce_sum3A = arith.constant true
      %reduce_sum3A_1459 = vector.broadcast %reduce_sum3A : i1 to vector<16xi1>
      %reduce_sum3A_1460 = tpu.scan <sum>, %exp3A_1084 masked %reduce_sum3A_1459 : vector<16xf32>, vector<16xi1> -> vector<16xf32>
      %reduce_sum3A_1461 = vector.extract %reduce_sum3A_1460[15] : f32 from vector<16xf32>
      %reduce_sum3A_1462 = arith.constant true
      %reduce_sum3A_1463 = vector.broadcast %reduce_sum3A_1462 : i1 to vector<16xi1>
      %reduce_sum3A_1464 = tpu.scan <sum>, %mul3A_1087 masked %reduce_sum3A_1463 : vector<16xf32>, vector<16xi1> -> vector<16xf32>
      %reduce_sum3A_1465 = vector.extract %reduce_sum3A_1464[15] : f32 from vector<16xf32>
      %eq3A_1466 = vector.broadcast %squeeze3A_1091 : i32 to vector<16xi32>
      %eq3A_1467 = arith.cmpi eq, %iota3A, %eq3A_1466 : vector<16xi32>
      %get3A_1468 = arith.constant 0 : index
      %get3A_1469 = tpu.vector_load %arg13[%get3A_1468] {strides = array<i32>} : memref<16xf32, #tpu.memory_space<vmem>>, vector<16xf32>,
      %jit3A = arith.constant 0.000000e+00 : f32
      %broadcast_in_dim3A_1470 = vector.broadcast %reduce_sum3A_1461 : f32 to vector<16xf32>
      %broadcast_in_dim3A_1471 = vector.broadcast %jit3A : f32 to vector<16xf32>
      %select_n3A = arith.select %eq3A_1467, %broadcast_in_dim3A_1470, %broadcast_in_dim3A_1471 : vector<16xi1>, vector<16xf32>
      %add3A_1472 = arith.addf %get3A_1469, %select_n3A : vector<16xf32>
      %swap3A_1473 = arith.constant 0 : index
      %swap3A_1474 = tpu.vector_load %arg13[%swap3A_1473] {strides = array<i32>} : memref<16xf32, #tpu.memory_space<vmem>>, vector<16xf32>,
      tpu.vector_store %arg13[%swap3A_1473], %add3A_1472 {strides = array<i32>} : memref<16xf32, #tpu.memory_space<vmem>>, vector<16xf32>,
      %get3A_1475 = arith.constant 0 : index
      %get3A_1476 = tpu.vector_load %arg14[%get3A_1475] {strides = array<i32>} : memref<16xf32, #tpu.memory_space<vmem>>, vector<16xf32>,
      %jit3A_1477 = arith.constant 0.000000e+00 : f32
      %broadcast_in_dim3A_1478 = vector.broadcast %reduce_sum3A_1465 : f32 to vector<16xf32>
      %broadcast_in_dim3A_1479 = vector.broadcast %jit3A_1477 : f32 to vector<16xf32>
      %select_n3A_1480 = arith.select %eq3A_1467, %broadcast_in_dim3A_1478, %broadcast_in_dim3A_1479 : vector<16xi1>, vector<16xf32>
      %add3A_1481 = arith.addf %get3A_1476, %select_n3A_1480 : vector<16xf32>
      %swap3A_1482 = arith.constant 0 : index
      %swap3A_1483 = tpu.vector_load %arg14[%swap3A_1482] {strides = array<i32>} : memref<16xf32, #tpu.memory_space<vmem>>, vector<16xf32>,
      tpu.vector_store %arg14[%swap3A_1482], %add3A_1481 {strides = array<i32>} : memref<16xf32, #tpu.memory_space<vmem>>, vector<16xf32>,
    } else {
    }
    %not3A_1098 = arith.constant true
    %not3A_1099 = arith.xori %eq3A_1094, %not3A_1098 : i1
    %convert_element_type3A_1100 = arith.extui %not3A_1099 : i1 to i32
    %cond3A_1101 = arith.constant 0 : i32
    %cond3A_1102 = arith.cmpi ne, %convert_element_type3A_1100, %cond3A_1101 : i32
    scf.if %cond3A_1102 {
      tpu.vector_store_idx %arg13[%get3A_1089], %exp3A_1084 {add = true} : memref<16xf32, #tpu.memory_space<vmem>>[vector<16xi32>], vector<16xf32>,
      tpu.vector_store_idx %arg14[%get3A_1089], %mul3A_1087 {add = true} : memref<16xf32, #tpu.memory_space<vmem>>[vector<16xi32>], vector<16xf32>,
    } else {
    }
    %dma_wait3A_1103 = arith.constant 768 : i32
    %dma_wait3A_1104 = tpu.memref_slice %arg11[%dma_wait3A_1103] : memref<1024xf32, #tpu.memory_space<vmem>> -> memref<256xf32, #tpu.memory_space<vmem>>
    %dma_wait3A_1105 = arith.constant 768 : i32
    %dma_wait3A_1106 = tpu.memref_slice %arg8[%dma_wait3A_1105] : memref<1024xi32, #tpu.memory_space<vmem>> -> memref<256xi32, #tpu.memory_space<vmem>>
    %dma_wait3A_1107 = arith.constant 0 : i32
    %dma_wait3A_1108 = tpu.memref_slice %arg5[%dma_wait3A_1107] : memref<100000xf32, #tpu.memory_space<hbm>> -> memref<100000xf32, #tpu.memory_space<hbm>>
    tpu.wait_indirect_dma semaphore(%arg23 : memref<!tpu.dma_semaphore, #tpu.memory_space<semaphore_mem>>) src(%dma_wait3A_1108 : memref<100000xf32, #tpu.memory_space<hbm>>) dst(%dma_wait3A_1104 : memref<256xf32, #tpu.memory_space<vmem>>)
    %dma_wait3A_1109 = arith.constant 768 : i32
    %dma_wait3A_1110 = tpu.memref_slice %arg12[%dma_wait3A_1109] : memref<1024xf32, #tpu.memory_space<vmem>> -> memref<256xf32, #tpu.memory_space<vmem>>
    %dma_wait3A_1111 = arith.constant 768 : i32
    %dma_wait3A_1112 = tpu.memref_slice %arg9[%dma_wait3A_1111] : memref<1024xi32, #tpu.memory_space<vmem>> -> memref<256xi32, #tpu.memory_space<vmem>>
    %dma_wait3A_1113 = arith.constant 0 : i32
    %dma_wait3A_1114 = tpu.memref_slice %arg6[%dma_wait3A_1113] : memref<100000xf32, #tpu.memory_space<hbm>> -> memref<100000xf32, #tpu.memory_space<hbm>>
    tpu.wait_indirect_dma semaphore(%arg24 : memref<!tpu.dma_semaphore, #tpu.memory_space<semaphore_mem>>) src(%dma_wait3A_1114 : memref<100000xf32, #tpu.memory_space<hbm>>) dst(%dma_wait3A_1110 : memref<256xf32, #tpu.memory_space<vmem>>)
    %get3A_1115 = arith.constant 768 : index
    %get3A_1116 = tpu.vector_load %arg11[%get3A_1115] {strides = array<i32>} : memref<1024xf32, #tpu.memory_space<vmem>>, vector<16xf32>,
    %exp3A_1117 = math.exp %get3A_1116 : vector<16xf32>
    %get3A_1118 = arith.constant 768 : index
    %get3A_1119 = tpu.vector_load %arg12[%get3A_1118] {strides = array<i32>} : memref<1024xf32, #tpu.memory_space<vmem>>, vector<16xf32>,
    %mul3A_1120 = arith.mulf %exp3A_1117, %get3A_1119 : vector<16xf32>
    %get3A_1121 = arith.constant 768 : index
    %get3A_1122 = tpu.vector_load %arg10[%get3A_1121] {strides = array<i32>} : memref<1024xi32, #tpu.memory_space<vmem>>, vector<16xi32>,
    %slice3A_1123 = vector.extract_strided_slice %get3A_1122 {offsets = [0], sizes = [1], strides = [1]} : vector<16xi32> to vector<1xi32>
    %squeeze3A_1124 = vector.extract %slice3A_1123[0] : i32 from vector<1xi32>
    %slice3A_1125 = vector.extract_strided_slice %get3A_1122 {offsets = [15], sizes = [1], strides = [1]} : vector<16xi32> to vector<1xi32>
    %squeeze3A_1126 = vector.extract %slice3A_1125[0] : i32 from vector<1xi32>
    %eq3A_1127 = arith.cmpi eq, %squeeze3A_1124, %squeeze3A_1126 : i32
    %convert_element_type3A_1128 = arith.extui %eq3A_1127 : i1 to i32
    %cond3A_1129 = arith.constant 0 : i32
    %cond3A_1130 = arith.cmpi ne, %convert_element_type3A_1128, %cond3A_1129 : i32
    scf.if %cond3A_1130 {
      %reduce_sum3A = arith.constant true
      %reduce_sum3A_1459 = vector.broadcast %reduce_sum3A : i1 to vector<16xi1>
      %reduce_sum3A_1460 = tpu.scan <sum>, %exp3A_1117 masked %reduce_sum3A_1459 : vector<16xf32>, vector<16xi1> -> vector<16xf32>
      %reduce_sum3A_1461 = vector.extract %reduce_sum3A_1460[15] : f32 from vector<16xf32>
      %reduce_sum3A_1462 = arith.constant true
      %reduce_sum3A_1463 = vector.broadcast %reduce_sum3A_1462 : i1 to vector<16xi1>
      %reduce_sum3A_1464 = tpu.scan <sum>, %mul3A_1120 masked %reduce_sum3A_1463 : vector<16xf32>, vector<16xi1> -> vector<16xf32>
      %reduce_sum3A_1465 = vector.extract %reduce_sum3A_1464[15] : f32 from vector<16xf32>
      %eq3A_1466 = vector.broadcast %squeeze3A_1124 : i32 to vector<16xi32>
      %eq3A_1467 = arith.cmpi eq, %iota3A, %eq3A_1466 : vector<16xi32>
      %get3A_1468 = arith.constant 0 : index
      %get3A_1469 = tpu.vector_load %arg13[%get3A_1468] {strides = array<i32>} : memref<16xf32, #tpu.memory_space<vmem>>, vector<16xf32>,
      %jit3A = arith.constant 0.000000e+00 : f32
      %broadcast_in_dim3A_1470 = vector.broadcast %reduce_sum3A_1461 : f32 to vector<16xf32>
      %broadcast_in_dim3A_1471 = vector.broadcast %jit3A : f32 to vector<16xf32>
      %select_n3A = arith.select %eq3A_1467, %broadcast_in_dim3A_1470, %broadcast_in_dim3A_1471 : vector<16xi1>, vector<16xf32>
      %add3A_1472 = arith.addf %get3A_1469, %select_n3A : vector<16xf32>
      %swap3A_1473 = arith.constant 0 : index
      %swap3A_1474 = tpu.vector_load %arg13[%swap3A_1473] {strides = array<i32>} : memref<16xf32, #tpu.memory_space<vmem>>, vector<16xf32>,
      tpu.vector_store %arg13[%swap3A_1473], %add3A_1472 {strides = array<i32>} : memref<16xf32, #tpu.memory_space<vmem>>, vector<16xf32>,
      %get3A_1475 = arith.constant 0 : index
      %get3A_1476 = tpu.vector_load %arg14[%get3A_1475] {strides = array<i32>} : memref<16xf32, #tpu.memory_space<vmem>>, vector<16xf32>,
      %jit3A_1477 = arith.constant 0.000000e+00 : f32
      %broadcast_in_dim3A_1478 = vector.broadcast %reduce_sum3A_1465 : f32 to vector<16xf32>
      %broadcast_in_dim3A_1479 = vector.broadcast %jit3A_1477 : f32 to vector<16xf32>
      %select_n3A_1480 = arith.select %eq3A_1467, %broadcast_in_dim3A_1478, %broadcast_in_dim3A_1479 : vector<16xi1>, vector<16xf32>
      %add3A_1481 = arith.addf %get3A_1476, %select_n3A_1480 : vector<16xf32>
      %swap3A_1482 = arith.constant 0 : index
      %swap3A_1483 = tpu.vector_load %arg14[%swap3A_1482] {strides = array<i32>} : memref<16xf32, #tpu.memory_space<vmem>>, vector<16xf32>,
      tpu.vector_store %arg14[%swap3A_1482], %add3A_1481 {strides = array<i32>} : memref<16xf32, #tpu.memory_space<vmem>>, vector<16xf32>,
    } else {
    }
    %not3A_1131 = arith.constant true
    %not3A_1132 = arith.xori %eq3A_1127, %not3A_1131 : i1
    %convert_element_type3A_1133 = arith.extui %not3A_1132 : i1 to i32
    %cond3A_1134 = arith.constant 0 : i32
    %cond3A_1135 = arith.cmpi ne, %convert_element_type3A_1133, %cond3A_1134 : i32
    scf.if %cond3A_1135 {
      tpu.vector_store_idx %arg13[%get3A_1122], %exp3A_1117 {add = true} : memref<16xf32, #tpu.memory_space<vmem>>[vector<16xi32>], vector<16xf32>,
      tpu.vector_store_idx %arg14[%get3A_1122], %mul3A_1120 {add = true} : memref<16xf32, #tpu.memory_space<vmem>>[vector<16xi32>], vector<16xf32>,
    } else {
    }
    %get3A_1136 = arith.constant 784 : index
    %get3A_1137 = tpu.vector_load %arg11[%get3A_1136] {strides = array<i32>} : memref<1024xf32, #tpu.memory_space<vmem>>, vector<16xf32>,
    %exp3A_1138 = math.exp %get3A_1137 : vector<16xf32>
    %get3A_1139 = arith.constant 784 : index
    %get3A_1140 = tpu.vector_load %arg12[%get3A_1139] {strides = array<i32>} : memref<1024xf32, #tpu.memory_space<vmem>>, vector<16xf32>,
    %mul3A_1141 = arith.mulf %exp3A_1138, %get3A_1140 : vector<16xf32>
    %get3A_1142 = arith.constant 784 : index
    %get3A_1143 = tpu.vector_load %arg10[%get3A_1142] {strides = array<i32>} : memref<1024xi32, #tpu.memory_space<vmem>>, vector<16xi32>,
    %slice3A_1144 = vector.extract_strided_slice %get3A_1143 {offsets = [0], sizes = [1], strides = [1]} : vector<16xi32> to vector<1xi32>
    %squeeze3A_1145 = vector.extract %slice3A_1144[0] : i32 from vector<1xi32>
    %slice3A_1146 = vector.extract_strided_slice %get3A_1143 {offsets = [15], sizes = [1], strides = [1]} : vector<16xi32> to vector<1xi32>
    %squeeze3A_1147 = vector.extract %slice3A_1146[0] : i32 from vector<1xi32>
    %eq3A_1148 = arith.cmpi eq, %squeeze3A_1145, %squeeze3A_1147 : i32
    %convert_element_type3A_1149 = arith.extui %eq3A_1148 : i1 to i32
    %cond3A_1150 = arith.constant 0 : i32
    %cond3A_1151 = arith.cmpi ne, %convert_element_type3A_1149, %cond3A_1150 : i32
    scf.if %cond3A_1151 {
      %reduce_sum3A = arith.constant true
      %reduce_sum3A_1459 = vector.broadcast %reduce_sum3A : i1 to vector<16xi1>
      %reduce_sum3A_1460 = tpu.scan <sum>, %exp3A_1138 masked %reduce_sum3A_1459 : vector<16xf32>, vector<16xi1> -> vector<16xf32>
      %reduce_sum3A_1461 = vector.extract %reduce_sum3A_1460[15] : f32 from vector<16xf32>
      %reduce_sum3A_1462 = arith.constant true
      %reduce_sum3A_1463 = vector.broadcast %reduce_sum3A_1462 : i1 to vector<16xi1>
      %reduce_sum3A_1464 = tpu.scan <sum>, %mul3A_1141 masked %reduce_sum3A_1463 : vector<16xf32>, vector<16xi1> -> vector<16xf32>
      %reduce_sum3A_1465 = vector.extract %reduce_sum3A_1464[15] : f32 from vector<16xf32>
      %eq3A_1466 = vector.broadcast %squeeze3A_1145 : i32 to vector<16xi32>
      %eq3A_1467 = arith.cmpi eq, %iota3A, %eq3A_1466 : vector<16xi32>
      %get3A_1468 = arith.constant 0 : index
      %get3A_1469 = tpu.vector_load %arg13[%get3A_1468] {strides = array<i32>} : memref<16xf32, #tpu.memory_space<vmem>>, vector<16xf32>,
      %jit3A = arith.constant 0.000000e+00 : f32
      %broadcast_in_dim3A_1470 = vector.broadcast %reduce_sum3A_1461 : f32 to vector<16xf32>
      %broadcast_in_dim3A_1471 = vector.broadcast %jit3A : f32 to vector<16xf32>
      %select_n3A = arith.select %eq3A_1467, %broadcast_in_dim3A_1470, %broadcast_in_dim3A_1471 : vector<16xi1>, vector<16xf32>
      %add3A_1472 = arith.addf %get3A_1469, %select_n3A : vector<16xf32>
      %swap3A_1473 = arith.constant 0 : index
      %swap3A_1474 = tpu.vector_load %arg13[%swap3A_1473] {strides = array<i32>} : memref<16xf32, #tpu.memory_space<vmem>>, vector<16xf32>,
      tpu.vector_store %arg13[%swap3A_1473], %add3A_1472 {strides = array<i32>} : memref<16xf32, #tpu.memory_space<vmem>>, vector<16xf32>,
      %get3A_1475 = arith.constant 0 : index
      %get3A_1476 = tpu.vector_load %arg14[%get3A_1475] {strides = array<i32>} : memref<16xf32, #tpu.memory_space<vmem>>, vector<16xf32>,
      %jit3A_1477 = arith.constant 0.000000e+00 : f32
      %broadcast_in_dim3A_1478 = vector.broadcast %reduce_sum3A_1465 : f32 to vector<16xf32>
      %broadcast_in_dim3A_1479 = vector.broadcast %jit3A_1477 : f32 to vector<16xf32>
      %select_n3A_1480 = arith.select %eq3A_1467, %broadcast_in_dim3A_1478, %broadcast_in_dim3A_1479 : vector<16xi1>, vector<16xf32>
      %add3A_1481 = arith.addf %get3A_1476, %select_n3A_1480 : vector<16xf32>
      %swap3A_1482 = arith.constant 0 : index
      %swap3A_1483 = tpu.vector_load %arg14[%swap3A_1482] {strides = array<i32>} : memref<16xf32, #tpu.memory_space<vmem>>, vector<16xf32>,
      tpu.vector_store %arg14[%swap3A_1482], %add3A_1481 {strides = array<i32>} : memref<16xf32, #tpu.memory_space<vmem>>, vector<16xf32>,
    } else {
    }
    %not3A_1152 = arith.constant true
    %not3A_1153 = arith.xori %eq3A_1148, %not3A_1152 : i1
    %convert_element_type3A_1154 = arith.extui %not3A_1153 : i1 to i32
    %cond3A_1155 = arith.constant 0 : i32
    %cond3A_1156 = arith.cmpi ne, %convert_element_type3A_1154, %cond3A_1155 : i32
    scf.if %cond3A_1156 {
      tpu.vector_store_idx %arg13[%get3A_1143], %exp3A_1138 {add = true} : memref<16xf32, #tpu.memory_space<vmem>>[vector<16xi32>], vector<16xf32>,
      tpu.vector_store_idx %arg14[%get3A_1143], %mul3A_1141 {add = true} : memref<16xf32, #tpu.memory_space<vmem>>[vector<16xi32>], vector<16xf32>,
    } else {
    }
    %get3A_1157 = arith.constant 800 : index
    %get3A_1158 = tpu.vector_load %arg11[%get3A_1157] {strides = array<i32>} : memref<1024xf32, #tpu.memory_space<vmem>>, vector<16xf32>,
    %exp3A_1159 = math.exp %get3A_1158 : vector<16xf32>
    %get3A_1160 = arith.constant 800 : index
    %get3A_1161 = tpu.vector_load %arg12[%get3A_1160] {strides = array<i32>} : memref<1024xf32, #tpu.memory_space<vmem>>, vector<16xf32>,
    %mul3A_1162 = arith.mulf %exp3A_1159, %get3A_1161 : vector<16xf32>
    %get3A_1163 = arith.constant 800 : index
    %get3A_1164 = tpu.vector_load %arg10[%get3A_1163] {strides = array<i32>} : memref<1024xi32, #tpu.memory_space<vmem>>, vector<16xi32>,
    %slice3A_1165 = vector.extract_strided_slice %get3A_1164 {offsets = [0], sizes = [1], strides = [1]} : vector<16xi32> to vector<1xi32>
    %squeeze3A_1166 = vector.extract %slice3A_1165[0] : i32 from vector<1xi32>
    %slice3A_1167 = vector.extract_strided_slice %get3A_1164 {offsets = [15], sizes = [1], strides = [1]} : vector<16xi32> to vector<1xi32>
    %squeeze3A_1168 = vector.extract %slice3A_1167[0] : i32 from vector<1xi32>
    %eq3A_1169 = arith.cmpi eq, %squeeze3A_1166, %squeeze3A_1168 : i32
    %convert_element_type3A_1170 = arith.extui %eq3A_1169 : i1 to i32
    %cond3A_1171 = arith.constant 0 : i32
    %cond3A_1172 = arith.cmpi ne, %convert_element_type3A_1170, %cond3A_1171 : i32
    scf.if %cond3A_1172 {
      %reduce_sum3A = arith.constant true
      %reduce_sum3A_1459 = vector.broadcast %reduce_sum3A : i1 to vector<16xi1>
      %reduce_sum3A_1460 = tpu.scan <sum>, %exp3A_1159 masked %reduce_sum3A_1459 : vector<16xf32>, vector<16xi1> -> vector<16xf32>
      %reduce_sum3A_1461 = vector.extract %reduce_sum3A_1460[15] : f32 from vector<16xf32>
      %reduce_sum3A_1462 = arith.constant true
      %reduce_sum3A_1463 = vector.broadcast %reduce_sum3A_1462 : i1 to vector<16xi1>
      %reduce_sum3A_1464 = tpu.scan <sum>, %mul3A_1162 masked %reduce_sum3A_1463 : vector<16xf32>, vector<16xi1> -> vector<16xf32>
      %reduce_sum3A_1465 = vector.extract %reduce_sum3A_1464[15] : f32 from vector<16xf32>
      %eq3A_1466 = vector.broadcast %squeeze3A_1166 : i32 to vector<16xi32>
      %eq3A_1467 = arith.cmpi eq, %iota3A, %eq3A_1466 : vector<16xi32>
      %get3A_1468 = arith.constant 0 : index
      %get3A_1469 = tpu.vector_load %arg13[%get3A_1468] {strides = array<i32>} : memref<16xf32, #tpu.memory_space<vmem>>, vector<16xf32>,
      %jit3A = arith.constant 0.000000e+00 : f32
      %broadcast_in_dim3A_1470 = vector.broadcast %reduce_sum3A_1461 : f32 to vector<16xf32>
      %broadcast_in_dim3A_1471 = vector.broadcast %jit3A : f32 to vector<16xf32>
      %select_n3A = arith.select %eq3A_1467, %broadcast_in_dim3A_1470, %broadcast_in_dim3A_1471 : vector<16xi1>, vector<16xf32>
      %add3A_1472 = arith.addf %get3A_1469, %select_n3A : vector<16xf32>
      %swap3A_1473 = arith.constant 0 : index
      %swap3A_1474 = tpu.vector_load %arg13[%swap3A_1473] {strides = array<i32>} : memref<16xf32, #tpu.memory_space<vmem>>, vector<16xf32>,
      tpu.vector_store %arg13[%swap3A_1473], %add3A_1472 {strides = array<i32>} : memref<16xf32, #tpu.memory_space<vmem>>, vector<16xf32>,
      %get3A_1475 = arith.constant 0 : index
      %get3A_1476 = tpu.vector_load %arg14[%get3A_1475] {strides = array<i32>} : memref<16xf32, #tpu.memory_space<vmem>>, vector<16xf32>,
      %jit3A_1477 = arith.constant 0.000000e+00 : f32
      %broadcast_in_dim3A_1478 = vector.broadcast %reduce_sum3A_1465 : f32 to vector<16xf32>
      %broadcast_in_dim3A_1479 = vector.broadcast %jit3A_1477 : f32 to vector<16xf32>
      %select_n3A_1480 = arith.select %eq3A_1467, %broadcast_in_dim3A_1478, %broadcast_in_dim3A_1479 : vector<16xi1>, vector<16xf32>
      %add3A_1481 = arith.addf %get3A_1476, %select_n3A_1480 : vector<16xf32>
      %swap3A_1482 = arith.constant 0 : index
      %swap3A_1483 = tpu.vector_load %arg14[%swap3A_1482] {strides = array<i32>} : memref<16xf32, #tpu.memory_space<vmem>>, vector<16xf32>,
      tpu.vector_store %arg14[%swap3A_1482], %add3A_1481 {strides = array<i32>} : memref<16xf32, #tpu.memory_space<vmem>>, vector<16xf32>,
    } else {
    }
    %not3A_1173 = arith.constant true
    %not3A_1174 = arith.xori %eq3A_1169, %not3A_1173 : i1
    %convert_element_type3A_1175 = arith.extui %not3A_1174 : i1 to i32
    %cond3A_1176 = arith.constant 0 : i32
    %cond3A_1177 = arith.cmpi ne, %convert_element_type3A_1175, %cond3A_1176 : i32
    scf.if %cond3A_1177 {
      tpu.vector_store_idx %arg13[%get3A_1164], %exp3A_1159 {add = true} : memref<16xf32, #tpu.memory_space<vmem>>[vector<16xi32>], vector<16xf32>,
      tpu.vector_store_idx %arg14[%get3A_1164], %mul3A_1162 {add = true} : memref<16xf32, #tpu.memory_space<vmem>>[vector<16xi32>], vector<16xf32>,
    } else {
    }
    %get3A_1178 = arith.constant 816 : index
    %get3A_1179 = tpu.vector_load %arg11[%get3A_1178] {strides = array<i32>} : memref<1024xf32, #tpu.memory_space<vmem>>, vector<16xf32>,
    %exp3A_1180 = math.exp %get3A_1179 : vector<16xf32>
    %get3A_1181 = arith.constant 816 : index
    %get3A_1182 = tpu.vector_load %arg12[%get3A_1181] {strides = array<i32>} : memref<1024xf32, #tpu.memory_space<vmem>>, vector<16xf32>,
    %mul3A_1183 = arith.mulf %exp3A_1180, %get3A_1182 : vector<16xf32>
    %get3A_1184 = arith.constant 816 : index
    %get3A_1185 = tpu.vector_load %arg10[%get3A_1184] {strides = array<i32>} : memref<1024xi32, #tpu.memory_space<vmem>>, vector<16xi32>,
    %slice3A_1186 = vector.extract_strided_slice %get3A_1185 {offsets = [0], sizes = [1], strides = [1]} : vector<16xi32> to vector<1xi32>
    %squeeze3A_1187 = vector.extract %slice3A_1186[0] : i32 from vector<1xi32>
    %slice3A_1188 = vector.extract_strided_slice %get3A_1185 {offsets = [15], sizes = [1], strides = [1]} : vector<16xi32> to vector<1xi32>
    %squeeze3A_1189 = vector.extract %slice3A_1188[0] : i32 from vector<1xi32>
    %eq3A_1190 = arith.cmpi eq, %squeeze3A_1187, %squeeze3A_1189 : i32
    %convert_element_type3A_1191 = arith.extui %eq3A_1190 : i1 to i32
    %cond3A_1192 = arith.constant 0 : i32
    %cond3A_1193 = arith.cmpi ne, %convert_element_type3A_1191, %cond3A_1192 : i32
    scf.if %cond3A_1193 {
      %reduce_sum3A = arith.constant true
      %reduce_sum3A_1459 = vector.broadcast %reduce_sum3A : i1 to vector<16xi1>
      %reduce_sum3A_1460 = tpu.scan <sum>, %exp3A_1180 masked %reduce_sum3A_1459 : vector<16xf32>, vector<16xi1> -> vector<16xf32>
      %reduce_sum3A_1461 = vector.extract %reduce_sum3A_1460[15] : f32 from vector<16xf32>
      %reduce_sum3A_1462 = arith.constant true
      %reduce_sum3A_1463 = vector.broadcast %reduce_sum3A_1462 : i1 to vector<16xi1>
      %reduce_sum3A_1464 = tpu.scan <sum>, %mul3A_1183 masked %reduce_sum3A_1463 : vector<16xf32>, vector<16xi1> -> vector<16xf32>
      %reduce_sum3A_1465 = vector.extract %reduce_sum3A_1464[15] : f32 from vector<16xf32>
      %eq3A_1466 = vector.broadcast %squeeze3A_1187 : i32 to vector<16xi32>
      %eq3A_1467 = arith.cmpi eq, %iota3A, %eq3A_1466 : vector<16xi32>
      %get3A_1468 = arith.constant 0 : index
      %get3A_1469 = tpu.vector_load %arg13[%get3A_1468] {strides = array<i32>} : memref<16xf32, #tpu.memory_space<vmem>>, vector<16xf32>,
      %jit3A = arith.constant 0.000000e+00 : f32
      %broadcast_in_dim3A_1470 = vector.broadcast %reduce_sum3A_1461 : f32 to vector<16xf32>
      %broadcast_in_dim3A_1471 = vector.broadcast %jit3A : f32 to vector<16xf32>
      %select_n3A = arith.select %eq3A_1467, %broadcast_in_dim3A_1470, %broadcast_in_dim3A_1471 : vector<16xi1>, vector<16xf32>
      %add3A_1472 = arith.addf %get3A_1469, %select_n3A : vector<16xf32>
      %swap3A_1473 = arith.constant 0 : index
      %swap3A_1474 = tpu.vector_load %arg13[%swap3A_1473] {strides = array<i32>} : memref<16xf32, #tpu.memory_space<vmem>>, vector<16xf32>,
      tpu.vector_store %arg13[%swap3A_1473], %add3A_1472 {strides = array<i32>} : memref<16xf32, #tpu.memory_space<vmem>>, vector<16xf32>,
      %get3A_1475 = arith.constant 0 : index
      %get3A_1476 = tpu.vector_load %arg14[%get3A_1475] {strides = array<i32>} : memref<16xf32, #tpu.memory_space<vmem>>, vector<16xf32>,
      %jit3A_1477 = arith.constant 0.000000e+00 : f32
      %broadcast_in_dim3A_1478 = vector.broadcast %reduce_sum3A_1465 : f32 to vector<16xf32>
      %broadcast_in_dim3A_1479 = vector.broadcast %jit3A_1477 : f32 to vector<16xf32>
      %select_n3A_1480 = arith.select %eq3A_1467, %broadcast_in_dim3A_1478, %broadcast_in_dim3A_1479 : vector<16xi1>, vector<16xf32>
      %add3A_1481 = arith.addf %get3A_1476, %select_n3A_1480 : vector<16xf32>
      %swap3A_1482 = arith.constant 0 : index
      %swap3A_1483 = tpu.vector_load %arg14[%swap3A_1482] {strides = array<i32>} : memref<16xf32, #tpu.memory_space<vmem>>, vector<16xf32>,
      tpu.vector_store %arg14[%swap3A_1482], %add3A_1481 {strides = array<i32>} : memref<16xf32, #tpu.memory_space<vmem>>, vector<16xf32>,
    } else {
    }
    %not3A_1194 = arith.constant true
    %not3A_1195 = arith.xori %eq3A_1190, %not3A_1194 : i1
    %convert_element_type3A_1196 = arith.extui %not3A_1195 : i1 to i32
    %cond3A_1197 = arith.constant 0 : i32
    %cond3A_1198 = arith.cmpi ne, %convert_element_type3A_1196, %cond3A_1197 : i32
    scf.if %cond3A_1198 {
      tpu.vector_store_idx %arg13[%get3A_1185], %exp3A_1180 {add = true} : memref<16xf32, #tpu.memory_space<vmem>>[vector<16xi32>], vector<16xf32>,
      tpu.vector_store_idx %arg14[%get3A_1185], %mul3A_1183 {add = true} : memref<16xf32, #tpu.memory_space<vmem>>[vector<16xi32>], vector<16xf32>,
    } else {
    }
    %get3A_1199 = arith.constant 832 : index
    %get3A_1200 = tpu.vector_load %arg11[%get3A_1199] {strides = array<i32>} : memref<1024xf32, #tpu.memory_space<vmem>>, vector<16xf32>,
    %exp3A_1201 = math.exp %get3A_1200 : vector<16xf32>
    %get3A_1202 = arith.constant 832 : index
    %get3A_1203 = tpu.vector_load %arg12[%get3A_1202] {strides = array<i32>} : memref<1024xf32, #tpu.memory_space<vmem>>, vector<16xf32>,
    %mul3A_1204 = arith.mulf %exp3A_1201, %get3A_1203 : vector<16xf32>
    %get3A_1205 = arith.constant 832 : index
    %get3A_1206 = tpu.vector_load %arg10[%get3A_1205] {strides = array<i32>} : memref<1024xi32, #tpu.memory_space<vmem>>, vector<16xi32>,
    %slice3A_1207 = vector.extract_strided_slice %get3A_1206 {offsets = [0], sizes = [1], strides = [1]} : vector<16xi32> to vector<1xi32>
    %squeeze3A_1208 = vector.extract %slice3A_1207[0] : i32 from vector<1xi32>
    %slice3A_1209 = vector.extract_strided_slice %get3A_1206 {offsets = [15], sizes = [1], strides = [1]} : vector<16xi32> to vector<1xi32>
    %squeeze3A_1210 = vector.extract %slice3A_1209[0] : i32 from vector<1xi32>
    %eq3A_1211 = arith.cmpi eq, %squeeze3A_1208, %squeeze3A_1210 : i32
    %convert_element_type3A_1212 = arith.extui %eq3A_1211 : i1 to i32
    %cond3A_1213 = arith.constant 0 : i32
    %cond3A_1214 = arith.cmpi ne, %convert_element_type3A_1212, %cond3A_1213 : i32
    scf.if %cond3A_1214 {
      %reduce_sum3A = arith.constant true
      %reduce_sum3A_1459 = vector.broadcast %reduce_sum3A : i1 to vector<16xi1>
      %reduce_sum3A_1460 = tpu.scan <sum>, %exp3A_1201 masked %reduce_sum3A_1459 : vector<16xf32>, vector<16xi1> -> vector<16xf32>
      %reduce_sum3A_1461 = vector.extract %reduce_sum3A_1460[15] : f32 from vector<16xf32>
      %reduce_sum3A_1462 = arith.constant true
      %reduce_sum3A_1463 = vector.broadcast %reduce_sum3A_1462 : i1 to vector<16xi1>
      %reduce_sum3A_1464 = tpu.scan <sum>, %mul3A_1204 masked %reduce_sum3A_1463 : vector<16xf32>, vector<16xi1> -> vector<16xf32>
      %reduce_sum3A_1465 = vector.extract %reduce_sum3A_1464[15] : f32 from vector<16xf32>
      %eq3A_1466 = vector.broadcast %squeeze3A_1208 : i32 to vector<16xi32>
      %eq3A_1467 = arith.cmpi eq, %iota3A, %eq3A_1466 : vector<16xi32>
      %get3A_1468 = arith.constant 0 : index
      %get3A_1469 = tpu.vector_load %arg13[%get3A_1468] {strides = array<i32>} : memref<16xf32, #tpu.memory_space<vmem>>, vector<16xf32>,
      %jit3A = arith.constant 0.000000e+00 : f32
      %broadcast_in_dim3A_1470 = vector.broadcast %reduce_sum3A_1461 : f32 to vector<16xf32>
      %broadcast_in_dim3A_1471 = vector.broadcast %jit3A : f32 to vector<16xf32>
      %select_n3A = arith.select %eq3A_1467, %broadcast_in_dim3A_1470, %broadcast_in_dim3A_1471 : vector<16xi1>, vector<16xf32>
      %add3A_1472 = arith.addf %get3A_1469, %select_n3A : vector<16xf32>
      %swap3A_1473 = arith.constant 0 : index
      %swap3A_1474 = tpu.vector_load %arg13[%swap3A_1473] {strides = array<i32>} : memref<16xf32, #tpu.memory_space<vmem>>, vector<16xf32>,
      tpu.vector_store %arg13[%swap3A_1473], %add3A_1472 {strides = array<i32>} : memref<16xf32, #tpu.memory_space<vmem>>, vector<16xf32>,
      %get3A_1475 = arith.constant 0 : index
      %get3A_1476 = tpu.vector_load %arg14[%get3A_1475] {strides = array<i32>} : memref<16xf32, #tpu.memory_space<vmem>>, vector<16xf32>,
      %jit3A_1477 = arith.constant 0.000000e+00 : f32
      %broadcast_in_dim3A_1478 = vector.broadcast %reduce_sum3A_1465 : f32 to vector<16xf32>
      %broadcast_in_dim3A_1479 = vector.broadcast %jit3A_1477 : f32 to vector<16xf32>
      %select_n3A_1480 = arith.select %eq3A_1467, %broadcast_in_dim3A_1478, %broadcast_in_dim3A_1479 : vector<16xi1>, vector<16xf32>
      %add3A_1481 = arith.addf %get3A_1476, %select_n3A_1480 : vector<16xf32>
      %swap3A_1482 = arith.constant 0 : index
      %swap3A_1483 = tpu.vector_load %arg14[%swap3A_1482] {strides = array<i32>} : memref<16xf32, #tpu.memory_space<vmem>>, vector<16xf32>,
      tpu.vector_store %arg14[%swap3A_1482], %add3A_1481 {strides = array<i32>} : memref<16xf32, #tpu.memory_space<vmem>>, vector<16xf32>,
    } else {
    }
    %not3A_1215 = arith.constant true
    %not3A_1216 = arith.xori %eq3A_1211, %not3A_1215 : i1
    %convert_element_type3A_1217 = arith.extui %not3A_1216 : i1 to i32
    %cond3A_1218 = arith.constant 0 : i32
    %cond3A_1219 = arith.cmpi ne, %convert_element_type3A_1217, %cond3A_1218 : i32
    scf.if %cond3A_1219 {
      tpu.vector_store_idx %arg13[%get3A_1206], %exp3A_1201 {add = true} : memref<16xf32, #tpu.memory_space<vmem>>[vector<16xi32>], vector<16xf32>,
      tpu.vector_store_idx %arg14[%get3A_1206], %mul3A_1204 {add = true} : memref<16xf32, #tpu.memory_space<vmem>>[vector<16xi32>], vector<16xf32>,
    } else {
    }
    %get3A_1220 = arith.constant 848 : index
    %get3A_1221 = tpu.vector_load %arg11[%get3A_1220] {strides = array<i32>} : memref<1024xf32, #tpu.memory_space<vmem>>, vector<16xf32>,
    %exp3A_1222 = math.exp %get3A_1221 : vector<16xf32>
    %get3A_1223 = arith.constant 848 : index
    %get3A_1224 = tpu.vector_load %arg12[%get3A_1223] {strides = array<i32>} : memref<1024xf32, #tpu.memory_space<vmem>>, vector<16xf32>,
    %mul3A_1225 = arith.mulf %exp3A_1222, %get3A_1224 : vector<16xf32>
    %get3A_1226 = arith.constant 848 : index
    %get3A_1227 = tpu.vector_load %arg10[%get3A_1226] {strides = array<i32>} : memref<1024xi32, #tpu.memory_space<vmem>>, vector<16xi32>,
    %slice3A_1228 = vector.extract_strided_slice %get3A_1227 {offsets = [0], sizes = [1], strides = [1]} : vector<16xi32> to vector<1xi32>
    %squeeze3A_1229 = vector.extract %slice3A_1228[0] : i32 from vector<1xi32>
    %slice3A_1230 = vector.extract_strided_slice %get3A_1227 {offsets = [15], sizes = [1], strides = [1]} : vector<16xi32> to vector<1xi32>
    %squeeze3A_1231 = vector.extract %slice3A_1230[0] : i32 from vector<1xi32>
    %eq3A_1232 = arith.cmpi eq, %squeeze3A_1229, %squeeze3A_1231 : i32
    %convert_element_type3A_1233 = arith.extui %eq3A_1232 : i1 to i32
    %cond3A_1234 = arith.constant 0 : i32
    %cond3A_1235 = arith.cmpi ne, %convert_element_type3A_1233, %cond3A_1234 : i32
    scf.if %cond3A_1235 {
      %reduce_sum3A = arith.constant true
      %reduce_sum3A_1459 = vector.broadcast %reduce_sum3A : i1 to vector<16xi1>
      %reduce_sum3A_1460 = tpu.scan <sum>, %exp3A_1222 masked %reduce_sum3A_1459 : vector<16xf32>, vector<16xi1> -> vector<16xf32>
      %reduce_sum3A_1461 = vector.extract %reduce_sum3A_1460[15] : f32 from vector<16xf32>
      %reduce_sum3A_1462 = arith.constant true
      %reduce_sum3A_1463 = vector.broadcast %reduce_sum3A_1462 : i1 to vector<16xi1>
      %reduce_sum3A_1464 = tpu.scan <sum>, %mul3A_1225 masked %reduce_sum3A_1463 : vector<16xf32>, vector<16xi1> -> vector<16xf32>
      %reduce_sum3A_1465 = vector.extract %reduce_sum3A_1464[15] : f32 from vector<16xf32>
      %eq3A_1466 = vector.broadcast %squeeze3A_1229 : i32 to vector<16xi32>
      %eq3A_1467 = arith.cmpi eq, %iota3A, %eq3A_1466 : vector<16xi32>
      %get3A_1468 = arith.constant 0 : index
      %get3A_1469 = tpu.vector_load %arg13[%get3A_1468] {strides = array<i32>} : memref<16xf32, #tpu.memory_space<vmem>>, vector<16xf32>,
      %jit3A = arith.constant 0.000000e+00 : f32
      %broadcast_in_dim3A_1470 = vector.broadcast %reduce_sum3A_1461 : f32 to vector<16xf32>
      %broadcast_in_dim3A_1471 = vector.broadcast %jit3A : f32 to vector<16xf32>
      %select_n3A = arith.select %eq3A_1467, %broadcast_in_dim3A_1470, %broadcast_in_dim3A_1471 : vector<16xi1>, vector<16xf32>
      %add3A_1472 = arith.addf %get3A_1469, %select_n3A : vector<16xf32>
      %swap3A_1473 = arith.constant 0 : index
      %swap3A_1474 = tpu.vector_load %arg13[%swap3A_1473] {strides = array<i32>} : memref<16xf32, #tpu.memory_space<vmem>>, vector<16xf32>,
      tpu.vector_store %arg13[%swap3A_1473], %add3A_1472 {strides = array<i32>} : memref<16xf32, #tpu.memory_space<vmem>>, vector<16xf32>,
      %get3A_1475 = arith.constant 0 : index
      %get3A_1476 = tpu.vector_load %arg14[%get3A_1475] {strides = array<i32>} : memref<16xf32, #tpu.memory_space<vmem>>, vector<16xf32>,
      %jit3A_1477 = arith.constant 0.000000e+00 : f32
      %broadcast_in_dim3A_1478 = vector.broadcast %reduce_sum3A_1465 : f32 to vector<16xf32>
      %broadcast_in_dim3A_1479 = vector.broadcast %jit3A_1477 : f32 to vector<16xf32>
      %select_n3A_1480 = arith.select %eq3A_1467, %broadcast_in_dim3A_1478, %broadcast_in_dim3A_1479 : vector<16xi1>, vector<16xf32>
      %add3A_1481 = arith.addf %get3A_1476, %select_n3A_1480 : vector<16xf32>
      %swap3A_1482 = arith.constant 0 : index
      %swap3A_1483 = tpu.vector_load %arg14[%swap3A_1482] {strides = array<i32>} : memref<16xf32, #tpu.memory_space<vmem>>, vector<16xf32>,
      tpu.vector_store %arg14[%swap3A_1482], %add3A_1481 {strides = array<i32>} : memref<16xf32, #tpu.memory_space<vmem>>, vector<16xf32>,
    } else {
    }
    %not3A_1236 = arith.constant true
    %not3A_1237 = arith.xori %eq3A_1232, %not3A_1236 : i1
    %convert_element_type3A_1238 = arith.extui %not3A_1237 : i1 to i32
    %cond3A_1239 = arith.constant 0 : i32
    %cond3A_1240 = arith.cmpi ne, %convert_element_type3A_1238, %cond3A_1239 : i32
    scf.if %cond3A_1240 {
      tpu.vector_store_idx %arg13[%get3A_1227], %exp3A_1222 {add = true} : memref<16xf32, #tpu.memory_space<vmem>>[vector<16xi32>], vector<16xf32>,
      tpu.vector_store_idx %arg14[%get3A_1227], %mul3A_1225 {add = true} : memref<16xf32, #tpu.memory_space<vmem>>[vector<16xi32>], vector<16xf32>,
    } else {
    }
    %get3A_1241 = arith.constant 864 : index
    %get3A_1242 = tpu.vector_load %arg11[%get3A_1241] {strides = array<i32>} : memref<1024xf32, #tpu.memory_space<vmem>>, vector<16xf32>,
    %exp3A_1243 = math.exp %get3A_1242 : vector<16xf32>
    %get3A_1244 = arith.constant 864 : index
    %get3A_1245 = tpu.vector_load %arg12[%get3A_1244] {strides = array<i32>} : memref<1024xf32, #tpu.memory_space<vmem>>, vector<16xf32>,
    %mul3A_1246 = arith.mulf %exp3A_1243, %get3A_1245 : vector<16xf32>
    %get3A_1247 = arith.constant 864 : index
    %get3A_1248 = tpu.vector_load %arg10[%get3A_1247] {strides = array<i32>} : memref<1024xi32, #tpu.memory_space<vmem>>, vector<16xi32>,
    %slice3A_1249 = vector.extract_strided_slice %get3A_1248 {offsets = [0], sizes = [1], strides = [1]} : vector<16xi32> to vector<1xi32>
    %squeeze3A_1250 = vector.extract %slice3A_1249[0] : i32 from vector<1xi32>
    %slice3A_1251 = vector.extract_strided_slice %get3A_1248 {offsets = [15], sizes = [1], strides = [1]} : vector<16xi32> to vector<1xi32>
    %squeeze3A_1252 = vector.extract %slice3A_1251[0] : i32 from vector<1xi32>
    %eq3A_1253 = arith.cmpi eq, %squeeze3A_1250, %squeeze3A_1252 : i32
    %convert_element_type3A_1254 = arith.extui %eq3A_1253 : i1 to i32
    %cond3A_1255 = arith.constant 0 : i32
    %cond3A_1256 = arith.cmpi ne, %convert_element_type3A_1254, %cond3A_1255 : i32
    scf.if %cond3A_1256 {
      %reduce_sum3A = arith.constant true
      %reduce_sum3A_1459 = vector.broadcast %reduce_sum3A : i1 to vector<16xi1>
      %reduce_sum3A_1460 = tpu.scan <sum>, %exp3A_1243 masked %reduce_sum3A_1459 : vector<16xf32>, vector<16xi1> -> vector<16xf32>
      %reduce_sum3A_1461 = vector.extract %reduce_sum3A_1460[15] : f32 from vector<16xf32>
      %reduce_sum3A_1462 = arith.constant true
      %reduce_sum3A_1463 = vector.broadcast %reduce_sum3A_1462 : i1 to vector<16xi1>
      %reduce_sum3A_1464 = tpu.scan <sum>, %mul3A_1246 masked %reduce_sum3A_1463 : vector<16xf32>, vector<16xi1> -> vector<16xf32>
      %reduce_sum3A_1465 = vector.extract %reduce_sum3A_1464[15] : f32 from vector<16xf32>
      %eq3A_1466 = vector.broadcast %squeeze3A_1250 : i32 to vector<16xi32>
      %eq3A_1467 = arith.cmpi eq, %iota3A, %eq3A_1466 : vector<16xi32>
      %get3A_1468 = arith.constant 0 : index
      %get3A_1469 = tpu.vector_load %arg13[%get3A_1468] {strides = array<i32>} : memref<16xf32, #tpu.memory_space<vmem>>, vector<16xf32>,
      %jit3A = arith.constant 0.000000e+00 : f32
      %broadcast_in_dim3A_1470 = vector.broadcast %reduce_sum3A_1461 : f32 to vector<16xf32>
      %broadcast_in_dim3A_1471 = vector.broadcast %jit3A : f32 to vector<16xf32>
      %select_n3A = arith.select %eq3A_1467, %broadcast_in_dim3A_1470, %broadcast_in_dim3A_1471 : vector<16xi1>, vector<16xf32>
      %add3A_1472 = arith.addf %get3A_1469, %select_n3A : vector<16xf32>
      %swap3A_1473 = arith.constant 0 : index
      %swap3A_1474 = tpu.vector_load %arg13[%swap3A_1473] {strides = array<i32>} : memref<16xf32, #tpu.memory_space<vmem>>, vector<16xf32>,
      tpu.vector_store %arg13[%swap3A_1473], %add3A_1472 {strides = array<i32>} : memref<16xf32, #tpu.memory_space<vmem>>, vector<16xf32>,
      %get3A_1475 = arith.constant 0 : index
      %get3A_1476 = tpu.vector_load %arg14[%get3A_1475] {strides = array<i32>} : memref<16xf32, #tpu.memory_space<vmem>>, vector<16xf32>,
      %jit3A_1477 = arith.constant 0.000000e+00 : f32
      %broadcast_in_dim3A_1478 = vector.broadcast %reduce_sum3A_1465 : f32 to vector<16xf32>
      %broadcast_in_dim3A_1479 = vector.broadcast %jit3A_1477 : f32 to vector<16xf32>
      %select_n3A_1480 = arith.select %eq3A_1467, %broadcast_in_dim3A_1478, %broadcast_in_dim3A_1479 : vector<16xi1>, vector<16xf32>
      %add3A_1481 = arith.addf %get3A_1476, %select_n3A_1480 : vector<16xf32>
      %swap3A_1482 = arith.constant 0 : index
      %swap3A_1483 = tpu.vector_load %arg14[%swap3A_1482] {strides = array<i32>} : memref<16xf32, #tpu.memory_space<vmem>>, vector<16xf32>,
      tpu.vector_store %arg14[%swap3A_1482], %add3A_1481 {strides = array<i32>} : memref<16xf32, #tpu.memory_space<vmem>>, vector<16xf32>,
    } else {
    }
    %not3A_1257 = arith.constant true
    %not3A_1258 = arith.xori %eq3A_1253, %not3A_1257 : i1
    %convert_element_type3A_1259 = arith.extui %not3A_1258 : i1 to i32
    %cond3A_1260 = arith.constant 0 : i32
    %cond3A_1261 = arith.cmpi ne, %convert_element_type3A_1259, %cond3A_1260 : i32
    scf.if %cond3A_1261 {
      tpu.vector_store_idx %arg13[%get3A_1248], %exp3A_1243 {add = true} : memref<16xf32, #tpu.memory_space<vmem>>[vector<16xi32>], vector<16xf32>,
      tpu.vector_store_idx %arg14[%get3A_1248], %mul3A_1246 {add = true} : memref<16xf32, #tpu.memory_space<vmem>>[vector<16xi32>], vector<16xf32>,
    } else {
    }
    %get3A_1262 = arith.constant 880 : index
    %get3A_1263 = tpu.vector_load %arg11[%get3A_1262] {strides = array<i32>} : memref<1024xf32, #tpu.memory_space<vmem>>, vector<16xf32>,
    %exp3A_1264 = math.exp %get3A_1263 : vector<16xf32>
    %get3A_1265 = arith.constant 880 : index
    %get3A_1266 = tpu.vector_load %arg12[%get3A_1265] {strides = array<i32>} : memref<1024xf32, #tpu.memory_space<vmem>>, vector<16xf32>,
    %mul3A_1267 = arith.mulf %exp3A_1264, %get3A_1266 : vector<16xf32>
    %get3A_1268 = arith.constant 880 : index
    %get3A_1269 = tpu.vector_load %arg10[%get3A_1268] {strides = array<i32>} : memref<1024xi32, #tpu.memory_space<vmem>>, vector<16xi32>,
    %slice3A_1270 = vector.extract_strided_slice %get3A_1269 {offsets = [0], sizes = [1], strides = [1]} : vector<16xi32> to vector<1xi32>
    %squeeze3A_1271 = vector.extract %slice3A_1270[0] : i32 from vector<1xi32>
    %slice3A_1272 = vector.extract_strided_slice %get3A_1269 {offsets = [15], sizes = [1], strides = [1]} : vector<16xi32> to vector<1xi32>
    %squeeze3A_1273 = vector.extract %slice3A_1272[0] : i32 from vector<1xi32>
    %eq3A_1274 = arith.cmpi eq, %squeeze3A_1271, %squeeze3A_1273 : i32
    %convert_element_type3A_1275 = arith.extui %eq3A_1274 : i1 to i32
    %cond3A_1276 = arith.constant 0 : i32
    %cond3A_1277 = arith.cmpi ne, %convert_element_type3A_1275, %cond3A_1276 : i32
    scf.if %cond3A_1277 {
      %reduce_sum3A = arith.constant true
      %reduce_sum3A_1459 = vector.broadcast %reduce_sum3A : i1 to vector<16xi1>
      %reduce_sum3A_1460 = tpu.scan <sum>, %exp3A_1264 masked %reduce_sum3A_1459 : vector<16xf32>, vector<16xi1> -> vector<16xf32>
      %reduce_sum3A_1461 = vector.extract %reduce_sum3A_1460[15] : f32 from vector<16xf32>
      %reduce_sum3A_1462 = arith.constant true
      %reduce_sum3A_1463 = vector.broadcast %reduce_sum3A_1462 : i1 to vector<16xi1>
      %reduce_sum3A_1464 = tpu.scan <sum>, %mul3A_1267 masked %reduce_sum3A_1463 : vector<16xf32>, vector<16xi1> -> vector<16xf32>
      %reduce_sum3A_1465 = vector.extract %reduce_sum3A_1464[15] : f32 from vector<16xf32>
      %eq3A_1466 = vector.broadcast %squeeze3A_1271 : i32 to vector<16xi32>
      %eq3A_1467 = arith.cmpi eq, %iota3A, %eq3A_1466 : vector<16xi32>
      %get3A_1468 = arith.constant 0 : index
      %get3A_1469 = tpu.vector_load %arg13[%get3A_1468] {strides = array<i32>} : memref<16xf32, #tpu.memory_space<vmem>>, vector<16xf32>,
      %jit3A = arith.constant 0.000000e+00 : f32
      %broadcast_in_dim3A_1470 = vector.broadcast %reduce_sum3A_1461 : f32 to vector<16xf32>
      %broadcast_in_dim3A_1471 = vector.broadcast %jit3A : f32 to vector<16xf32>
      %select_n3A = arith.select %eq3A_1467, %broadcast_in_dim3A_1470, %broadcast_in_dim3A_1471 : vector<16xi1>, vector<16xf32>
      %add3A_1472 = arith.addf %get3A_1469, %select_n3A : vector<16xf32>
      %swap3A_1473 = arith.constant 0 : index
      %swap3A_1474 = tpu.vector_load %arg13[%swap3A_1473] {strides = array<i32>} : memref<16xf32, #tpu.memory_space<vmem>>, vector<16xf32>,
      tpu.vector_store %arg13[%swap3A_1473], %add3A_1472 {strides = array<i32>} : memref<16xf32, #tpu.memory_space<vmem>>, vector<16xf32>,
      %get3A_1475 = arith.constant 0 : index
      %get3A_1476 = tpu.vector_load %arg14[%get3A_1475] {strides = array<i32>} : memref<16xf32, #tpu.memory_space<vmem>>, vector<16xf32>,
      %jit3A_1477 = arith.constant 0.000000e+00 : f32
      %broadcast_in_dim3A_1478 = vector.broadcast %reduce_sum3A_1465 : f32 to vector<16xf32>
      %broadcast_in_dim3A_1479 = vector.broadcast %jit3A_1477 : f32 to vector<16xf32>
      %select_n3A_1480 = arith.select %eq3A_1467, %broadcast_in_dim3A_1478, %broadcast_in_dim3A_1479 : vector<16xi1>, vector<16xf32>
      %add3A_1481 = arith.addf %get3A_1476, %select_n3A_1480 : vector<16xf32>
      %swap3A_1482 = arith.constant 0 : index
      %swap3A_1483 = tpu.vector_load %arg14[%swap3A_1482] {strides = array<i32>} : memref<16xf32, #tpu.memory_space<vmem>>, vector<16xf32>,
      tpu.vector_store %arg14[%swap3A_1482], %add3A_1481 {strides = array<i32>} : memref<16xf32, #tpu.memory_space<vmem>>, vector<16xf32>,
    } else {
    }
    %not3A_1278 = arith.constant true
    %not3A_1279 = arith.xori %eq3A_1274, %not3A_1278 : i1
    %convert_element_type3A_1280 = arith.extui %not3A_1279 : i1 to i32
    %cond3A_1281 = arith.constant 0 : i32
    %cond3A_1282 = arith.cmpi ne, %convert_element_type3A_1280, %cond3A_1281 : i32
    scf.if %cond3A_1282 {
      tpu.vector_store_idx %arg13[%get3A_1269], %exp3A_1264 {add = true} : memref<16xf32, #tpu.memory_space<vmem>>[vector<16xi32>], vector<16xf32>,
      tpu.vector_store_idx %arg14[%get3A_1269], %mul3A_1267 {add = true} : memref<16xf32, #tpu.memory_space<vmem>>[vector<16xi32>], vector<16xf32>,
    } else {
    }
    %get3A_1283 = arith.constant 896 : index
    %get3A_1284 = tpu.vector_load %arg11[%get3A_1283] {strides = array<i32>} : memref<1024xf32, #tpu.memory_space<vmem>>, vector<16xf32>,
    %exp3A_1285 = math.exp %get3A_1284 : vector<16xf32>
    %get3A_1286 = arith.constant 896 : index
    %get3A_1287 = tpu.vector_load %arg12[%get3A_1286] {strides = array<i32>} : memref<1024xf32, #tpu.memory_space<vmem>>, vector<16xf32>,
    %mul3A_1288 = arith.mulf %exp3A_1285, %get3A_1287 : vector<16xf32>
    %get3A_1289 = arith.constant 896 : index
    %get3A_1290 = tpu.vector_load %arg10[%get3A_1289] {strides = array<i32>} : memref<1024xi32, #tpu.memory_space<vmem>>, vector<16xi32>,
    %slice3A_1291 = vector.extract_strided_slice %get3A_1290 {offsets = [0], sizes = [1], strides = [1]} : vector<16xi32> to vector<1xi32>
    %squeeze3A_1292 = vector.extract %slice3A_1291[0] : i32 from vector<1xi32>
    %slice3A_1293 = vector.extract_strided_slice %get3A_1290 {offsets = [15], sizes = [1], strides = [1]} : vector<16xi32> to vector<1xi32>
    %squeeze3A_1294 = vector.extract %slice3A_1293[0] : i32 from vector<1xi32>
    %eq3A_1295 = arith.cmpi eq, %squeeze3A_1292, %squeeze3A_1294 : i32
    %convert_element_type3A_1296 = arith.extui %eq3A_1295 : i1 to i32
    %cond3A_1297 = arith.constant 0 : i32
    %cond3A_1298 = arith.cmpi ne, %convert_element_type3A_1296, %cond3A_1297 : i32
    scf.if %cond3A_1298 {
      %reduce_sum3A = arith.constant true
      %reduce_sum3A_1459 = vector.broadcast %reduce_sum3A : i1 to vector<16xi1>
      %reduce_sum3A_1460 = tpu.scan <sum>, %exp3A_1285 masked %reduce_sum3A_1459 : vector<16xf32>, vector<16xi1> -> vector<16xf32>
      %reduce_sum3A_1461 = vector.extract %reduce_sum3A_1460[15] : f32 from vector<16xf32>
      %reduce_sum3A_1462 = arith.constant true
      %reduce_sum3A_1463 = vector.broadcast %reduce_sum3A_1462 : i1 to vector<16xi1>
      %reduce_sum3A_1464 = tpu.scan <sum>, %mul3A_1288 masked %reduce_sum3A_1463 : vector<16xf32>, vector<16xi1> -> vector<16xf32>
      %reduce_sum3A_1465 = vector.extract %reduce_sum3A_1464[15] : f32 from vector<16xf32>
      %eq3A_1466 = vector.broadcast %squeeze3A_1292 : i32 to vector<16xi32>
      %eq3A_1467 = arith.cmpi eq, %iota3A, %eq3A_1466 : vector<16xi32>
      %get3A_1468 = arith.constant 0 : index
      %get3A_1469 = tpu.vector_load %arg13[%get3A_1468] {strides = array<i32>} : memref<16xf32, #tpu.memory_space<vmem>>, vector<16xf32>,
      %jit3A = arith.constant 0.000000e+00 : f32
      %broadcast_in_dim3A_1470 = vector.broadcast %reduce_sum3A_1461 : f32 to vector<16xf32>
      %broadcast_in_dim3A_1471 = vector.broadcast %jit3A : f32 to vector<16xf32>
      %select_n3A = arith.select %eq3A_1467, %broadcast_in_dim3A_1470, %broadcast_in_dim3A_1471 : vector<16xi1>, vector<16xf32>
      %add3A_1472 = arith.addf %get3A_1469, %select_n3A : vector<16xf32>
      %swap3A_1473 = arith.constant 0 : index
      %swap3A_1474 = tpu.vector_load %arg13[%swap3A_1473] {strides = array<i32>} : memref<16xf32, #tpu.memory_space<vmem>>, vector<16xf32>,
      tpu.vector_store %arg13[%swap3A_1473], %add3A_1472 {strides = array<i32>} : memref<16xf32, #tpu.memory_space<vmem>>, vector<16xf32>,
      %get3A_1475 = arith.constant 0 : index
      %get3A_1476 = tpu.vector_load %arg14[%get3A_1475] {strides = array<i32>} : memref<16xf32, #tpu.memory_space<vmem>>, vector<16xf32>,
      %jit3A_1477 = arith.constant 0.000000e+00 : f32
      %broadcast_in_dim3A_1478 = vector.broadcast %reduce_sum3A_1465 : f32 to vector<16xf32>
      %broadcast_in_dim3A_1479 = vector.broadcast %jit3A_1477 : f32 to vector<16xf32>
      %select_n3A_1480 = arith.select %eq3A_1467, %broadcast_in_dim3A_1478, %broadcast_in_dim3A_1479 : vector<16xi1>, vector<16xf32>
      %add3A_1481 = arith.addf %get3A_1476, %select_n3A_1480 : vector<16xf32>
      %swap3A_1482 = arith.constant 0 : index
      %swap3A_1483 = tpu.vector_load %arg14[%swap3A_1482] {strides = array<i32>} : memref<16xf32, #tpu.memory_space<vmem>>, vector<16xf32>,
      tpu.vector_store %arg14[%swap3A_1482], %add3A_1481 {strides = array<i32>} : memref<16xf32, #tpu.memory_space<vmem>>, vector<16xf32>,
    } else {
    }
    %not3A_1299 = arith.constant true
    %not3A_1300 = arith.xori %eq3A_1295, %not3A_1299 : i1
    %convert_element_type3A_1301 = arith.extui %not3A_1300 : i1 to i32
    %cond3A_1302 = arith.constant 0 : i32
    %cond3A_1303 = arith.cmpi ne, %convert_element_type3A_1301, %cond3A_1302 : i32
    scf.if %cond3A_1303 {
      tpu.vector_store_idx %arg13[%get3A_1290], %exp3A_1285 {add = true} : memref<16xf32, #tpu.memory_space<vmem>>[vector<16xi32>], vector<16xf32>,
      tpu.vector_store_idx %arg14[%get3A_1290], %mul3A_1288 {add = true} : memref<16xf32, #tpu.memory_space<vmem>>[vector<16xi32>], vector<16xf32>,
    } else {
    }
    %get3A_1304 = arith.constant 912 : index
    %get3A_1305 = tpu.vector_load %arg11[%get3A_1304] {strides = array<i32>} : memref<1024xf32, #tpu.memory_space<vmem>>, vector<16xf32>,
    %exp3A_1306 = math.exp %get3A_1305 : vector<16xf32>
    %get3A_1307 = arith.constant 912 : index
    %get3A_1308 = tpu.vector_load %arg12[%get3A_1307] {strides = array<i32>} : memref<1024xf32, #tpu.memory_space<vmem>>, vector<16xf32>,
    %mul3A_1309 = arith.mulf %exp3A_1306, %get3A_1308 : vector<16xf32>
    %get3A_1310 = arith.constant 912 : index
    %get3A_1311 = tpu.vector_load %arg10[%get3A_1310] {strides = array<i32>} : memref<1024xi32, #tpu.memory_space<vmem>>, vector<16xi32>,
    %slice3A_1312 = vector.extract_strided_slice %get3A_1311 {offsets = [0], sizes = [1], strides = [1]} : vector<16xi32> to vector<1xi32>
    %squeeze3A_1313 = vector.extract %slice3A_1312[0] : i32 from vector<1xi32>
    %slice3A_1314 = vector.extract_strided_slice %get3A_1311 {offsets = [15], sizes = [1], strides = [1]} : vector<16xi32> to vector<1xi32>
    %squeeze3A_1315 = vector.extract %slice3A_1314[0] : i32 from vector<1xi32>
    %eq3A_1316 = arith.cmpi eq, %squeeze3A_1313, %squeeze3A_1315 : i32
    %convert_element_type3A_1317 = arith.extui %eq3A_1316 : i1 to i32
    %cond3A_1318 = arith.constant 0 : i32
    %cond3A_1319 = arith.cmpi ne, %convert_element_type3A_1317, %cond3A_1318 : i32
    scf.if %cond3A_1319 {
      %reduce_sum3A = arith.constant true
      %reduce_sum3A_1459 = vector.broadcast %reduce_sum3A : i1 to vector<16xi1>
      %reduce_sum3A_1460 = tpu.scan <sum>, %exp3A_1306 masked %reduce_sum3A_1459 : vector<16xf32>, vector<16xi1> -> vector<16xf32>
      %reduce_sum3A_1461 = vector.extract %reduce_sum3A_1460[15] : f32 from vector<16xf32>
      %reduce_sum3A_1462 = arith.constant true
      %reduce_sum3A_1463 = vector.broadcast %reduce_sum3A_1462 : i1 to vector<16xi1>
      %reduce_sum3A_1464 = tpu.scan <sum>, %mul3A_1309 masked %reduce_sum3A_1463 : vector<16xf32>, vector<16xi1> -> vector<16xf32>
      %reduce_sum3A_1465 = vector.extract %reduce_sum3A_1464[15] : f32 from vector<16xf32>
      %eq3A_1466 = vector.broadcast %squeeze3A_1313 : i32 to vector<16xi32>
      %eq3A_1467 = arith.cmpi eq, %iota3A, %eq3A_1466 : vector<16xi32>
      %get3A_1468 = arith.constant 0 : index
      %get3A_1469 = tpu.vector_load %arg13[%get3A_1468] {strides = array<i32>} : memref<16xf32, #tpu.memory_space<vmem>>, vector<16xf32>,
      %jit3A = arith.constant 0.000000e+00 : f32
      %broadcast_in_dim3A_1470 = vector.broadcast %reduce_sum3A_1461 : f32 to vector<16xf32>
      %broadcast_in_dim3A_1471 = vector.broadcast %jit3A : f32 to vector<16xf32>
      %select_n3A = arith.select %eq3A_1467, %broadcast_in_dim3A_1470, %broadcast_in_dim3A_1471 : vector<16xi1>, vector<16xf32>
      %add3A_1472 = arith.addf %get3A_1469, %select_n3A : vector<16xf32>
      %swap3A_1473 = arith.constant 0 : index
      %swap3A_1474 = tpu.vector_load %arg13[%swap3A_1473] {strides = array<i32>} : memref<16xf32, #tpu.memory_space<vmem>>, vector<16xf32>,
      tpu.vector_store %arg13[%swap3A_1473], %add3A_1472 {strides = array<i32>} : memref<16xf32, #tpu.memory_space<vmem>>, vector<16xf32>,
      %get3A_1475 = arith.constant 0 : index
      %get3A_1476 = tpu.vector_load %arg14[%get3A_1475] {strides = array<i32>} : memref<16xf32, #tpu.memory_space<vmem>>, vector<16xf32>,
      %jit3A_1477 = arith.constant 0.000000e+00 : f32
      %broadcast_in_dim3A_1478 = vector.broadcast %reduce_sum3A_1465 : f32 to vector<16xf32>
      %broadcast_in_dim3A_1479 = vector.broadcast %jit3A_1477 : f32 to vector<16xf32>
      %select_n3A_1480 = arith.select %eq3A_1467, %broadcast_in_dim3A_1478, %broadcast_in_dim3A_1479 : vector<16xi1>, vector<16xf32>
      %add3A_1481 = arith.addf %get3A_1476, %select_n3A_1480 : vector<16xf32>
      %swap3A_1482 = arith.constant 0 : index
      %swap3A_1483 = tpu.vector_load %arg14[%swap3A_1482] {strides = array<i32>} : memref<16xf32, #tpu.memory_space<vmem>>, vector<16xf32>,
      tpu.vector_store %arg14[%swap3A_1482], %add3A_1481 {strides = array<i32>} : memref<16xf32, #tpu.memory_space<vmem>>, vector<16xf32>,
    } else {
    }
    %not3A_1320 = arith.constant true
    %not3A_1321 = arith.xori %eq3A_1316, %not3A_1320 : i1
    %convert_element_type3A_1322 = arith.extui %not3A_1321 : i1 to i32
    %cond3A_1323 = arith.constant 0 : i32
    %cond3A_1324 = arith.cmpi ne, %convert_element_type3A_1322, %cond3A_1323 : i32
    scf.if %cond3A_1324 {
      tpu.vector_store_idx %arg13[%get3A_1311], %exp3A_1306 {add = true} : memref<16xf32, #tpu.memory_space<vmem>>[vector<16xi32>], vector<16xf32>,
      tpu.vector_store_idx %arg14[%get3A_1311], %mul3A_1309 {add = true} : memref<16xf32, #tpu.memory_space<vmem>>[vector<16xi32>], vector<16xf32>,
    } else {
    }
    %get3A_1325 = arith.constant 928 : index
    %get3A_1326 = tpu.vector_load %arg11[%get3A_1325] {strides = array<i32>} : memref<1024xf32, #tpu.memory_space<vmem>>, vector<16xf32>,
    %exp3A_1327 = math.exp %get3A_1326 : vector<16xf32>
    %get3A_1328 = arith.constant 928 : index
    %get3A_1329 = tpu.vector_load %arg12[%get3A_1328] {strides = array<i32>} : memref<1024xf32, #tpu.memory_space<vmem>>, vector<16xf32>,
    %mul3A_1330 = arith.mulf %exp3A_1327, %get3A_1329 : vector<16xf32>
    %get3A_1331 = arith.constant 928 : index
    %get3A_1332 = tpu.vector_load %arg10[%get3A_1331] {strides = array<i32>} : memref<1024xi32, #tpu.memory_space<vmem>>, vector<16xi32>,
    %slice3A_1333 = vector.extract_strided_slice %get3A_1332 {offsets = [0], sizes = [1], strides = [1]} : vector<16xi32> to vector<1xi32>
    %squeeze3A_1334 = vector.extract %slice3A_1333[0] : i32 from vector<1xi32>
    %slice3A_1335 = vector.extract_strided_slice %get3A_1332 {offsets = [15], sizes = [1], strides = [1]} : vector<16xi32> to vector<1xi32>
    %squeeze3A_1336 = vector.extract %slice3A_1335[0] : i32 from vector<1xi32>
    %eq3A_1337 = arith.cmpi eq, %squeeze3A_1334, %squeeze3A_1336 : i32
    %convert_element_type3A_1338 = arith.extui %eq3A_1337 : i1 to i32
    %cond3A_1339 = arith.constant 0 : i32
    %cond3A_1340 = arith.cmpi ne, %convert_element_type3A_1338, %cond3A_1339 : i32
    scf.if %cond3A_1340 {
      %reduce_sum3A = arith.constant true
      %reduce_sum3A_1459 = vector.broadcast %reduce_sum3A : i1 to vector<16xi1>
      %reduce_sum3A_1460 = tpu.scan <sum>, %exp3A_1327 masked %reduce_sum3A_1459 : vector<16xf32>, vector<16xi1> -> vector<16xf32>
      %reduce_sum3A_1461 = vector.extract %reduce_sum3A_1460[15] : f32 from vector<16xf32>
      %reduce_sum3A_1462 = arith.constant true
      %reduce_sum3A_1463 = vector.broadcast %reduce_sum3A_1462 : i1 to vector<16xi1>
      %reduce_sum3A_1464 = tpu.scan <sum>, %mul3A_1330 masked %reduce_sum3A_1463 : vector<16xf32>, vector<16xi1> -> vector<16xf32>
      %reduce_sum3A_1465 = vector.extract %reduce_sum3A_1464[15] : f32 from vector<16xf32>
      %eq3A_1466 = vector.broadcast %squeeze3A_1334 : i32 to vector<16xi32>
      %eq3A_1467 = arith.cmpi eq, %iota3A, %eq3A_1466 : vector<16xi32>
      %get3A_1468 = arith.constant 0 : index
      %get3A_1469 = tpu.vector_load %arg13[%get3A_1468] {strides = array<i32>} : memref<16xf32, #tpu.memory_space<vmem>>, vector<16xf32>,
      %jit3A = arith.constant 0.000000e+00 : f32
      %broadcast_in_dim3A_1470 = vector.broadcast %reduce_sum3A_1461 : f32 to vector<16xf32>
      %broadcast_in_dim3A_1471 = vector.broadcast %jit3A : f32 to vector<16xf32>
      %select_n3A = arith.select %eq3A_1467, %broadcast_in_dim3A_1470, %broadcast_in_dim3A_1471 : vector<16xi1>, vector<16xf32>
      %add3A_1472 = arith.addf %get3A_1469, %select_n3A : vector<16xf32>
      %swap3A_1473 = arith.constant 0 : index
      %swap3A_1474 = tpu.vector_load %arg13[%swap3A_1473] {strides = array<i32>} : memref<16xf32, #tpu.memory_space<vmem>>, vector<16xf32>,
      tpu.vector_store %arg13[%swap3A_1473], %add3A_1472 {strides = array<i32>} : memref<16xf32, #tpu.memory_space<vmem>>, vector<16xf32>,
      %get3A_1475 = arith.constant 0 : index
      %get3A_1476 = tpu.vector_load %arg14[%get3A_1475] {strides = array<i32>} : memref<16xf32, #tpu.memory_space<vmem>>, vector<16xf32>,
      %jit3A_1477 = arith.constant 0.000000e+00 : f32
      %broadcast_in_dim3A_1478 = vector.broadcast %reduce_sum3A_1465 : f32 to vector<16xf32>
      %broadcast_in_dim3A_1479 = vector.broadcast %jit3A_1477 : f32 to vector<16xf32>
      %select_n3A_1480 = arith.select %eq3A_1467, %broadcast_in_dim3A_1478, %broadcast_in_dim3A_1479 : vector<16xi1>, vector<16xf32>
      %add3A_1481 = arith.addf %get3A_1476, %select_n3A_1480 : vector<16xf32>
      %swap3A_1482 = arith.constant 0 : index
      %swap3A_1483 = tpu.vector_load %arg14[%swap3A_1482] {strides = array<i32>} : memref<16xf32, #tpu.memory_space<vmem>>, vector<16xf32>,
      tpu.vector_store %arg14[%swap3A_1482], %add3A_1481 {strides = array<i32>} : memref<16xf32, #tpu.memory_space<vmem>>, vector<16xf32>,
    } else {
    }
    %not3A_1341 = arith.constant true
    %not3A_1342 = arith.xori %eq3A_1337, %not3A_1341 : i1
    %convert_element_type3A_1343 = arith.extui %not3A_1342 : i1 to i32
    %cond3A_1344 = arith.constant 0 : i32
    %cond3A_1345 = arith.cmpi ne, %convert_element_type3A_1343, %cond3A_1344 : i32
    scf.if %cond3A_1345 {
      tpu.vector_store_idx %arg13[%get3A_1332], %exp3A_1327 {add = true} : memref<16xf32, #tpu.memory_space<vmem>>[vector<16xi32>], vector<16xf32>,
      tpu.vector_store_idx %arg14[%get3A_1332], %mul3A_1330 {add = true} : memref<16xf32, #tpu.memory_space<vmem>>[vector<16xi32>], vector<16xf32>,
    } else {
    }
    %get3A_1346 = arith.constant 944 : index
    %get3A_1347 = tpu.vector_load %arg11[%get3A_1346] {strides = array<i32>} : memref<1024xf32, #tpu.memory_space<vmem>>, vector<16xf32>,
    %exp3A_1348 = math.exp %get3A_1347 : vector<16xf32>
    %get3A_1349 = arith.constant 944 : index
    %get3A_1350 = tpu.vector_load %arg12[%get3A_1349] {strides = array<i32>} : memref<1024xf32, #tpu.memory_space<vmem>>, vector<16xf32>,
    %mul3A_1351 = arith.mulf %exp3A_1348, %get3A_1350 : vector<16xf32>
    %get3A_1352 = arith.constant 944 : index
    %get3A_1353 = tpu.vector_load %arg10[%get3A_1352] {strides = array<i32>} : memref<1024xi32, #tpu.memory_space<vmem>>, vector<16xi32>,
    %slice3A_1354 = vector.extract_strided_slice %get3A_1353 {offsets = [0], sizes = [1], strides = [1]} : vector<16xi32> to vector<1xi32>
    %squeeze3A_1355 = vector.extract %slice3A_1354[0] : i32 from vector<1xi32>
    %slice3A_1356 = vector.extract_strided_slice %get3A_1353 {offsets = [15], sizes = [1], strides = [1]} : vector<16xi32> to vector<1xi32>
    %squeeze3A_1357 = vector.extract %slice3A_1356[0] : i32 from vector<1xi32>
    %eq3A_1358 = arith.cmpi eq, %squeeze3A_1355, %squeeze3A_1357 : i32
    %convert_element_type3A_1359 = arith.extui %eq3A_1358 : i1 to i32
    %cond3A_1360 = arith.constant 0 : i32
    %cond3A_1361 = arith.cmpi ne, %convert_element_type3A_1359, %cond3A_1360 : i32
    scf.if %cond3A_1361 {
      %reduce_sum3A = arith.constant true
      %reduce_sum3A_1459 = vector.broadcast %reduce_sum3A : i1 to vector<16xi1>
      %reduce_sum3A_1460 = tpu.scan <sum>, %exp3A_1348 masked %reduce_sum3A_1459 : vector<16xf32>, vector<16xi1> -> vector<16xf32>
      %reduce_sum3A_1461 = vector.extract %reduce_sum3A_1460[15] : f32 from vector<16xf32>
      %reduce_sum3A_1462 = arith.constant true
      %reduce_sum3A_1463 = vector.broadcast %reduce_sum3A_1462 : i1 to vector<16xi1>
      %reduce_sum3A_1464 = tpu.scan <sum>, %mul3A_1351 masked %reduce_sum3A_1463 : vector<16xf32>, vector<16xi1> -> vector<16xf32>
      %reduce_sum3A_1465 = vector.extract %reduce_sum3A_1464[15] : f32 from vector<16xf32>
      %eq3A_1466 = vector.broadcast %squeeze3A_1355 : i32 to vector<16xi32>
      %eq3A_1467 = arith.cmpi eq, %iota3A, %eq3A_1466 : vector<16xi32>
      %get3A_1468 = arith.constant 0 : index
      %get3A_1469 = tpu.vector_load %arg13[%get3A_1468] {strides = array<i32>} : memref<16xf32, #tpu.memory_space<vmem>>, vector<16xf32>,
      %jit3A = arith.constant 0.000000e+00 : f32
      %broadcast_in_dim3A_1470 = vector.broadcast %reduce_sum3A_1461 : f32 to vector<16xf32>
      %broadcast_in_dim3A_1471 = vector.broadcast %jit3A : f32 to vector<16xf32>
      %select_n3A = arith.select %eq3A_1467, %broadcast_in_dim3A_1470, %broadcast_in_dim3A_1471 : vector<16xi1>, vector<16xf32>
      %add3A_1472 = arith.addf %get3A_1469, %select_n3A : vector<16xf32>
      %swap3A_1473 = arith.constant 0 : index
      %swap3A_1474 = tpu.vector_load %arg13[%swap3A_1473] {strides = array<i32>} : memref<16xf32, #tpu.memory_space<vmem>>, vector<16xf32>,
      tpu.vector_store %arg13[%swap3A_1473], %add3A_1472 {strides = array<i32>} : memref<16xf32, #tpu.memory_space<vmem>>, vector<16xf32>,
      %get3A_1475 = arith.constant 0 : index
      %get3A_1476 = tpu.vector_load %arg14[%get3A_1475] {strides = array<i32>} : memref<16xf32, #tpu.memory_space<vmem>>, vector<16xf32>,
      %jit3A_1477 = arith.constant 0.000000e+00 : f32
      %broadcast_in_dim3A_1478 = vector.broadcast %reduce_sum3A_1465 : f32 to vector<16xf32>
      %broadcast_in_dim3A_1479 = vector.broadcast %jit3A_1477 : f32 to vector<16xf32>
      %select_n3A_1480 = arith.select %eq3A_1467, %broadcast_in_dim3A_1478, %broadcast_in_dim3A_1479 : vector<16xi1>, vector<16xf32>
      %add3A_1481 = arith.addf %get3A_1476, %select_n3A_1480 : vector<16xf32>
      %swap3A_1482 = arith.constant 0 : index
      %swap3A_1483 = tpu.vector_load %arg14[%swap3A_1482] {strides = array<i32>} : memref<16xf32, #tpu.memory_space<vmem>>, vector<16xf32>,
      tpu.vector_store %arg14[%swap3A_1482], %add3A_1481 {strides = array<i32>} : memref<16xf32, #tpu.memory_space<vmem>>, vector<16xf32>,
    } else {
    }
    %not3A_1362 = arith.constant true
    %not3A_1363 = arith.xori %eq3A_1358, %not3A_1362 : i1
    %convert_element_type3A_1364 = arith.extui %not3A_1363 : i1 to i32
    %cond3A_1365 = arith.constant 0 : i32
    %cond3A_1366 = arith.cmpi ne, %convert_element_type3A_1364, %cond3A_1365 : i32
    scf.if %cond3A_1366 {
      tpu.vector_store_idx %arg13[%get3A_1353], %exp3A_1348 {add = true} : memref<16xf32, #tpu.memory_space<vmem>>[vector<16xi32>], vector<16xf32>,
      tpu.vector_store_idx %arg14[%get3A_1353], %mul3A_1351 {add = true} : memref<16xf32, #tpu.memory_space<vmem>>[vector<16xi32>], vector<16xf32>,
    } else {
    }
    %get3A_1367 = arith.constant 960 : index
    %get3A_1368 = tpu.vector_load %arg11[%get3A_1367] {strides = array<i32>} : memref<1024xf32, #tpu.memory_space<vmem>>, vector<16xf32>,
    %exp3A_1369 = math.exp %get3A_1368 : vector<16xf32>
    %get3A_1370 = arith.constant 960 : index
    %get3A_1371 = tpu.vector_load %arg12[%get3A_1370] {strides = array<i32>} : memref<1024xf32, #tpu.memory_space<vmem>>, vector<16xf32>,
    %mul3A_1372 = arith.mulf %exp3A_1369, %get3A_1371 : vector<16xf32>
    %get3A_1373 = arith.constant 960 : index
    %get3A_1374 = tpu.vector_load %arg10[%get3A_1373] {strides = array<i32>} : memref<1024xi32, #tpu.memory_space<vmem>>, vector<16xi32>,
    %slice3A_1375 = vector.extract_strided_slice %get3A_1374 {offsets = [0], sizes = [1], strides = [1]} : vector<16xi32> to vector<1xi32>
    %squeeze3A_1376 = vector.extract %slice3A_1375[0] : i32 from vector<1xi32>
    %slice3A_1377 = vector.extract_strided_slice %get3A_1374 {offsets = [15], sizes = [1], strides = [1]} : vector<16xi32> to vector<1xi32>
    %squeeze3A_1378 = vector.extract %slice3A_1377[0] : i32 from vector<1xi32>
    %eq3A_1379 = arith.cmpi eq, %squeeze3A_1376, %squeeze3A_1378 : i32
    %convert_element_type3A_1380 = arith.extui %eq3A_1379 : i1 to i32
    %cond3A_1381 = arith.constant 0 : i32
    %cond3A_1382 = arith.cmpi ne, %convert_element_type3A_1380, %cond3A_1381 : i32
    scf.if %cond3A_1382 {
      %reduce_sum3A = arith.constant true
      %reduce_sum3A_1459 = vector.broadcast %reduce_sum3A : i1 to vector<16xi1>
      %reduce_sum3A_1460 = tpu.scan <sum>, %exp3A_1369 masked %reduce_sum3A_1459 : vector<16xf32>, vector<16xi1> -> vector<16xf32>
      %reduce_sum3A_1461 = vector.extract %reduce_sum3A_1460[15] : f32 from vector<16xf32>
      %reduce_sum3A_1462 = arith.constant true
      %reduce_sum3A_1463 = vector.broadcast %reduce_sum3A_1462 : i1 to vector<16xi1>
      %reduce_sum3A_1464 = tpu.scan <sum>, %mul3A_1372 masked %reduce_sum3A_1463 : vector<16xf32>, vector<16xi1> -> vector<16xf32>
      %reduce_sum3A_1465 = vector.extract %reduce_sum3A_1464[15] : f32 from vector<16xf32>
      %eq3A_1466 = vector.broadcast %squeeze3A_1376 : i32 to vector<16xi32>
      %eq3A_1467 = arith.cmpi eq, %iota3A, %eq3A_1466 : vector<16xi32>
      %get3A_1468 = arith.constant 0 : index
      %get3A_1469 = tpu.vector_load %arg13[%get3A_1468] {strides = array<i32>} : memref<16xf32, #tpu.memory_space<vmem>>, vector<16xf32>,
      %jit3A = arith.constant 0.000000e+00 : f32
      %broadcast_in_dim3A_1470 = vector.broadcast %reduce_sum3A_1461 : f32 to vector<16xf32>
      %broadcast_in_dim3A_1471 = vector.broadcast %jit3A : f32 to vector<16xf32>
      %select_n3A = arith.select %eq3A_1467, %broadcast_in_dim3A_1470, %broadcast_in_dim3A_1471 : vector<16xi1>, vector<16xf32>
      %add3A_1472 = arith.addf %get3A_1469, %select_n3A : vector<16xf32>
      %swap3A_1473 = arith.constant 0 : index
      %swap3A_1474 = tpu.vector_load %arg13[%swap3A_1473] {strides = array<i32>} : memref<16xf32, #tpu.memory_space<vmem>>, vector<16xf32>,
      tpu.vector_store %arg13[%swap3A_1473], %add3A_1472 {strides = array<i32>} : memref<16xf32, #tpu.memory_space<vmem>>, vector<16xf32>,
      %get3A_1475 = arith.constant 0 : index
      %get3A_1476 = tpu.vector_load %arg14[%get3A_1475] {strides = array<i32>} : memref<16xf32, #tpu.memory_space<vmem>>, vector<16xf32>,
      %jit3A_1477 = arith.constant 0.000000e+00 : f32
      %broadcast_in_dim3A_1478 = vector.broadcast %reduce_sum3A_1465 : f32 to vector<16xf32>
      %broadcast_in_dim3A_1479 = vector.broadcast %jit3A_1477 : f32 to vector<16xf32>
      %select_n3A_1480 = arith.select %eq3A_1467, %broadcast_in_dim3A_1478, %broadcast_in_dim3A_1479 : vector<16xi1>, vector<16xf32>
      %add3A_1481 = arith.addf %get3A_1476, %select_n3A_1480 : vector<16xf32>
      %swap3A_1482 = arith.constant 0 : index
      %swap3A_1483 = tpu.vector_load %arg14[%swap3A_1482] {strides = array<i32>} : memref<16xf32, #tpu.memory_space<vmem>>, vector<16xf32>,
      tpu.vector_store %arg14[%swap3A_1482], %add3A_1481 {strides = array<i32>} : memref<16xf32, #tpu.memory_space<vmem>>, vector<16xf32>,
    } else {
    }
    %not3A_1383 = arith.constant true
    %not3A_1384 = arith.xori %eq3A_1379, %not3A_1383 : i1
    %convert_element_type3A_1385 = arith.extui %not3A_1384 : i1 to i32
    %cond3A_1386 = arith.constant 0 : i32
    %cond3A_1387 = arith.cmpi ne, %convert_element_type3A_1385, %cond3A_1386 : i32
    scf.if %cond3A_1387 {
      tpu.vector_store_idx %arg13[%get3A_1374], %exp3A_1369 {add = true} : memref<16xf32, #tpu.memory_space<vmem>>[vector<16xi32>], vector<16xf32>,
      tpu.vector_store_idx %arg14[%get3A_1374], %mul3A_1372 {add = true} : memref<16xf32, #tpu.memory_space<vmem>>[vector<16xi32>], vector<16xf32>,
    } else {
    }
    %get3A_1388 = arith.constant 976 : index
    %get3A_1389 = tpu.vector_load %arg11[%get3A_1388] {strides = array<i32>} : memref<1024xf32, #tpu.memory_space<vmem>>, vector<16xf32>,
    %exp3A_1390 = math.exp %get3A_1389 : vector<16xf32>
    %get3A_1391 = arith.constant 976 : index
    %get3A_1392 = tpu.vector_load %arg12[%get3A_1391] {strides = array<i32>} : memref<1024xf32, #tpu.memory_space<vmem>>, vector<16xf32>,
    %mul3A_1393 = arith.mulf %exp3A_1390, %get3A_1392 : vector<16xf32>
    %get3A_1394 = arith.constant 976 : index
    %get3A_1395 = tpu.vector_load %arg10[%get3A_1394] {strides = array<i32>} : memref<1024xi32, #tpu.memory_space<vmem>>, vector<16xi32>,
    %slice3A_1396 = vector.extract_strided_slice %get3A_1395 {offsets = [0], sizes = [1], strides = [1]} : vector<16xi32> to vector<1xi32>
    %squeeze3A_1397 = vector.extract %slice3A_1396[0] : i32 from vector<1xi32>
    %slice3A_1398 = vector.extract_strided_slice %get3A_1395 {offsets = [15], sizes = [1], strides = [1]} : vector<16xi32> to vector<1xi32>
    %squeeze3A_1399 = vector.extract %slice3A_1398[0] : i32 from vector<1xi32>
    %eq3A_1400 = arith.cmpi eq, %squeeze3A_1397, %squeeze3A_1399 : i32
    %convert_element_type3A_1401 = arith.extui %eq3A_1400 : i1 to i32
    %cond3A_1402 = arith.constant 0 : i32
    %cond3A_1403 = arith.cmpi ne, %convert_element_type3A_1401, %cond3A_1402 : i32
    scf.if %cond3A_1403 {
      %reduce_sum3A = arith.constant true
      %reduce_sum3A_1459 = vector.broadcast %reduce_sum3A : i1 to vector<16xi1>
      %reduce_sum3A_1460 = tpu.scan <sum>, %exp3A_1390 masked %reduce_sum3A_1459 : vector<16xf32>, vector<16xi1> -> vector<16xf32>
      %reduce_sum3A_1461 = vector.extract %reduce_sum3A_1460[15] : f32 from vector<16xf32>
      %reduce_sum3A_1462 = arith.constant true
      %reduce_sum3A_1463 = vector.broadcast %reduce_sum3A_1462 : i1 to vector<16xi1>
      %reduce_sum3A_1464 = tpu.scan <sum>, %mul3A_1393 masked %reduce_sum3A_1463 : vector<16xf32>, vector<16xi1> -> vector<16xf32>
      %reduce_sum3A_1465 = vector.extract %reduce_sum3A_1464[15] : f32 from vector<16xf32>
      %eq3A_1466 = vector.broadcast %squeeze3A_1397 : i32 to vector<16xi32>
      %eq3A_1467 = arith.cmpi eq, %iota3A, %eq3A_1466 : vector<16xi32>
      %get3A_1468 = arith.constant 0 : index
      %get3A_1469 = tpu.vector_load %arg13[%get3A_1468] {strides = array<i32>} : memref<16xf32, #tpu.memory_space<vmem>>, vector<16xf32>,
      %jit3A = arith.constant 0.000000e+00 : f32
      %broadcast_in_dim3A_1470 = vector.broadcast %reduce_sum3A_1461 : f32 to vector<16xf32>
      %broadcast_in_dim3A_1471 = vector.broadcast %jit3A : f32 to vector<16xf32>
      %select_n3A = arith.select %eq3A_1467, %broadcast_in_dim3A_1470, %broadcast_in_dim3A_1471 : vector<16xi1>, vector<16xf32>
      %add3A_1472 = arith.addf %get3A_1469, %select_n3A : vector<16xf32>
      %swap3A_1473 = arith.constant 0 : index
      %swap3A_1474 = tpu.vector_load %arg13[%swap3A_1473] {strides = array<i32>} : memref<16xf32, #tpu.memory_space<vmem>>, vector<16xf32>,
      tpu.vector_store %arg13[%swap3A_1473], %add3A_1472 {strides = array<i32>} : memref<16xf32, #tpu.memory_space<vmem>>, vector<16xf32>,
      %get3A_1475 = arith.constant 0 : index
      %get3A_1476 = tpu.vector_load %arg14[%get3A_1475] {strides = array<i32>} : memref<16xf32, #tpu.memory_space<vmem>>, vector<16xf32>,
      %jit3A_1477 = arith.constant 0.000000e+00 : f32
      %broadcast_in_dim3A_1478 = vector.broadcast %reduce_sum3A_1465 : f32 to vector<16xf32>
      %broadcast_in_dim3A_1479 = vector.broadcast %jit3A_1477 : f32 to vector<16xf32>
      %select_n3A_1480 = arith.select %eq3A_1467, %broadcast_in_dim3A_1478, %broadcast_in_dim3A_1479 : vector<16xi1>, vector<16xf32>
      %add3A_1481 = arith.addf %get3A_1476, %select_n3A_1480 : vector<16xf32>
      %swap3A_1482 = arith.constant 0 : index
      %swap3A_1483 = tpu.vector_load %arg14[%swap3A_1482] {strides = array<i32>} : memref<16xf32, #tpu.memory_space<vmem>>, vector<16xf32>,
      tpu.vector_store %arg14[%swap3A_1482], %add3A_1481 {strides = array<i32>} : memref<16xf32, #tpu.memory_space<vmem>>, vector<16xf32>,
    } else {
    }
    %not3A_1404 = arith.constant true
    %not3A_1405 = arith.xori %eq3A_1400, %not3A_1404 : i1
    %convert_element_type3A_1406 = arith.extui %not3A_1405 : i1 to i32
    %cond3A_1407 = arith.constant 0 : i32
    %cond3A_1408 = arith.cmpi ne, %convert_element_type3A_1406, %cond3A_1407 : i32
    scf.if %cond3A_1408 {
      tpu.vector_store_idx %arg13[%get3A_1395], %exp3A_1390 {add = true} : memref<16xf32, #tpu.memory_space<vmem>>[vector<16xi32>], vector<16xf32>,
      tpu.vector_store_idx %arg14[%get3A_1395], %mul3A_1393 {add = true} : memref<16xf32, #tpu.memory_space<vmem>>[vector<16xi32>], vector<16xf32>,
    } else {
    }
    %get3A_1409 = arith.constant 992 : index
    %get3A_1410 = tpu.vector_load %arg11[%get3A_1409] {strides = array<i32>} : memref<1024xf32, #tpu.memory_space<vmem>>, vector<16xf32>,
    %exp3A_1411 = math.exp %get3A_1410 : vector<16xf32>
    %get3A_1412 = arith.constant 992 : index
    %get3A_1413 = tpu.vector_load %arg12[%get3A_1412] {strides = array<i32>} : memref<1024xf32, #tpu.memory_space<vmem>>, vector<16xf32>,
    %mul3A_1414 = arith.mulf %exp3A_1411, %get3A_1413 : vector<16xf32>
    %get3A_1415 = arith.constant 992 : index
    %get3A_1416 = tpu.vector_load %arg10[%get3A_1415] {strides = array<i32>} : memref<1024xi32, #tpu.memory_space<vmem>>, vector<16xi32>,
    %slice3A_1417 = vector.extract_strided_slice %get3A_1416 {offsets = [0], sizes = [1], strides = [1]} : vector<16xi32> to vector<1xi32>
    %squeeze3A_1418 = vector.extract %slice3A_1417[0] : i32 from vector<1xi32>
    %slice3A_1419 = vector.extract_strided_slice %get3A_1416 {offsets = [15], sizes = [1], strides = [1]} : vector<16xi32> to vector<1xi32>
    %squeeze3A_1420 = vector.extract %slice3A_1419[0] : i32 from vector<1xi32>
    %eq3A_1421 = arith.cmpi eq, %squeeze3A_1418, %squeeze3A_1420 : i32
    %convert_element_type3A_1422 = arith.extui %eq3A_1421 : i1 to i32
    %cond3A_1423 = arith.constant 0 : i32
    %cond3A_1424 = arith.cmpi ne, %convert_element_type3A_1422, %cond3A_1423 : i32
    scf.if %cond3A_1424 {
      %reduce_sum3A = arith.constant true
      %reduce_sum3A_1459 = vector.broadcast %reduce_sum3A : i1 to vector<16xi1>
      %reduce_sum3A_1460 = tpu.scan <sum>, %exp3A_1411 masked %reduce_sum3A_1459 : vector<16xf32>, vector<16xi1> -> vector<16xf32>
      %reduce_sum3A_1461 = vector.extract %reduce_sum3A_1460[15] : f32 from vector<16xf32>
      %reduce_sum3A_1462 = arith.constant true
      %reduce_sum3A_1463 = vector.broadcast %reduce_sum3A_1462 : i1 to vector<16xi1>
      %reduce_sum3A_1464 = tpu.scan <sum>, %mul3A_1414 masked %reduce_sum3A_1463 : vector<16xf32>, vector<16xi1> -> vector<16xf32>
      %reduce_sum3A_1465 = vector.extract %reduce_sum3A_1464[15] : f32 from vector<16xf32>
      %eq3A_1466 = vector.broadcast %squeeze3A_1418 : i32 to vector<16xi32>
      %eq3A_1467 = arith.cmpi eq, %iota3A, %eq3A_1466 : vector<16xi32>
      %get3A_1468 = arith.constant 0 : index
      %get3A_1469 = tpu.vector_load %arg13[%get3A_1468] {strides = array<i32>} : memref<16xf32, #tpu.memory_space<vmem>>, vector<16xf32>,
      %jit3A = arith.constant 0.000000e+00 : f32
      %broadcast_in_dim3A_1470 = vector.broadcast %reduce_sum3A_1461 : f32 to vector<16xf32>
      %broadcast_in_dim3A_1471 = vector.broadcast %jit3A : f32 to vector<16xf32>
      %select_n3A = arith.select %eq3A_1467, %broadcast_in_dim3A_1470, %broadcast_in_dim3A_1471 : vector<16xi1>, vector<16xf32>
      %add3A_1472 = arith.addf %get3A_1469, %select_n3A : vector<16xf32>
      %swap3A_1473 = arith.constant 0 : index
      %swap3A_1474 = tpu.vector_load %arg13[%swap3A_1473] {strides = array<i32>} : memref<16xf32, #tpu.memory_space<vmem>>, vector<16xf32>,
      tpu.vector_store %arg13[%swap3A_1473], %add3A_1472 {strides = array<i32>} : memref<16xf32, #tpu.memory_space<vmem>>, vector<16xf32>,
      %get3A_1475 = arith.constant 0 : index
      %get3A_1476 = tpu.vector_load %arg14[%get3A_1475] {strides = array<i32>} : memref<16xf32, #tpu.memory_space<vmem>>, vector<16xf32>,
      %jit3A_1477 = arith.constant 0.000000e+00 : f32
      %broadcast_in_dim3A_1478 = vector.broadcast %reduce_sum3A_1465 : f32 to vector<16xf32>
      %broadcast_in_dim3A_1479 = vector.broadcast %jit3A_1477 : f32 to vector<16xf32>
      %select_n3A_1480 = arith.select %eq3A_1467, %broadcast_in_dim3A_1478, %broadcast_in_dim3A_1479 : vector<16xi1>, vector<16xf32>
      %add3A_1481 = arith.addf %get3A_1476, %select_n3A_1480 : vector<16xf32>
      %swap3A_1482 = arith.constant 0 : index
      %swap3A_1483 = tpu.vector_load %arg14[%swap3A_1482] {strides = array<i32>} : memref<16xf32, #tpu.memory_space<vmem>>, vector<16xf32>,
      tpu.vector_store %arg14[%swap3A_1482], %add3A_1481 {strides = array<i32>} : memref<16xf32, #tpu.memory_space<vmem>>, vector<16xf32>,
    } else {
    }
    %not3A_1425 = arith.constant true
    %not3A_1426 = arith.xori %eq3A_1421, %not3A_1425 : i1
    %convert_element_type3A_1427 = arith.extui %not3A_1426 : i1 to i32
    %cond3A_1428 = arith.constant 0 : i32
    %cond3A_1429 = arith.cmpi ne, %convert_element_type3A_1427, %cond3A_1428 : i32
    scf.if %cond3A_1429 {
      tpu.vector_store_idx %arg13[%get3A_1416], %exp3A_1411 {add = true} : memref<16xf32, #tpu.memory_space<vmem>>[vector<16xi32>], vector<16xf32>,
      tpu.vector_store_idx %arg14[%get3A_1416], %mul3A_1414 {add = true} : memref<16xf32, #tpu.memory_space<vmem>>[vector<16xi32>], vector<16xf32>,
    } else {
    }
    %get3A_1430 = arith.constant 1008 : index
    %get3A_1431 = tpu.vector_load %arg11[%get3A_1430] {strides = array<i32>} : memref<1024xf32, #tpu.memory_space<vmem>>, vector<16xf32>,
    %exp3A_1432 = math.exp %get3A_1431 : vector<16xf32>
    %get3A_1433 = arith.constant 1008 : index
    %get3A_1434 = tpu.vector_load %arg12[%get3A_1433] {strides = array<i32>} : memref<1024xf32, #tpu.memory_space<vmem>>, vector<16xf32>,
    %mul3A_1435 = arith.mulf %exp3A_1432, %get3A_1434 : vector<16xf32>
    %get3A_1436 = arith.constant 1008 : index
    %get3A_1437 = tpu.vector_load %arg10[%get3A_1436] {strides = array<i32>} : memref<1024xi32, #tpu.memory_space<vmem>>, vector<16xi32>,
    %slice3A_1438 = vector.extract_strided_slice %get3A_1437 {offsets = [0], sizes = [1], strides = [1]} : vector<16xi32> to vector<1xi32>
    %squeeze3A_1439 = vector.extract %slice3A_1438[0] : i32 from vector<1xi32>
    %slice3A_1440 = vector.extract_strided_slice %get3A_1437 {offsets = [15], sizes = [1], strides = [1]} : vector<16xi32> to vector<1xi32>
    %squeeze3A_1441 = vector.extract %slice3A_1440[0] : i32 from vector<1xi32>
    %eq3A_1442 = arith.cmpi eq, %squeeze3A_1439, %squeeze3A_1441 : i32
    %convert_element_type3A_1443 = arith.extui %eq3A_1442 : i1 to i32
    %cond3A_1444 = arith.constant 0 : i32
    %cond3A_1445 = arith.cmpi ne, %convert_element_type3A_1443, %cond3A_1444 : i32
    scf.if %cond3A_1445 {
      %reduce_sum3A = arith.constant true
      %reduce_sum3A_1459 = vector.broadcast %reduce_sum3A : i1 to vector<16xi1>
      %reduce_sum3A_1460 = tpu.scan <sum>, %exp3A_1432 masked %reduce_sum3A_1459 : vector<16xf32>, vector<16xi1> -> vector<16xf32>
      %reduce_sum3A_1461 = vector.extract %reduce_sum3A_1460[15] : f32 from vector<16xf32>
      %reduce_sum3A_1462 = arith.constant true
      %reduce_sum3A_1463 = vector.broadcast %reduce_sum3A_1462 : i1 to vector<16xi1>
      %reduce_sum3A_1464 = tpu.scan <sum>, %mul3A_1435 masked %reduce_sum3A_1463 : vector<16xf32>, vector<16xi1> -> vector<16xf32>
      %reduce_sum3A_1465 = vector.extract %reduce_sum3A_1464[15] : f32 from vector<16xf32>
      %eq3A_1466 = vector.broadcast %squeeze3A_1439 : i32 to vector<16xi32>
      %eq3A_1467 = arith.cmpi eq, %iota3A, %eq3A_1466 : vector<16xi32>
      %get3A_1468 = arith.constant 0 : index
      %get3A_1469 = tpu.vector_load %arg13[%get3A_1468] {strides = array<i32>} : memref<16xf32, #tpu.memory_space<vmem>>, vector<16xf32>,
      %jit3A = arith.constant 0.000000e+00 : f32
      %broadcast_in_dim3A_1470 = vector.broadcast %reduce_sum3A_1461 : f32 to vector<16xf32>
      %broadcast_in_dim3A_1471 = vector.broadcast %jit3A : f32 to vector<16xf32>
      %select_n3A = arith.select %eq3A_1467, %broadcast_in_dim3A_1470, %broadcast_in_dim3A_1471 : vector<16xi1>, vector<16xf32>
      %add3A_1472 = arith.addf %get3A_1469, %select_n3A : vector<16xf32>
      %swap3A_1473 = arith.constant 0 : index
      %swap3A_1474 = tpu.vector_load %arg13[%swap3A_1473] {strides = array<i32>} : memref<16xf32, #tpu.memory_space<vmem>>, vector<16xf32>,
      tpu.vector_store %arg13[%swap3A_1473], %add3A_1472 {strides = array<i32>} : memref<16xf32, #tpu.memory_space<vmem>>, vector<16xf32>,
      %get3A_1475 = arith.constant 0 : index
      %get3A_1476 = tpu.vector_load %arg14[%get3A_1475] {strides = array<i32>} : memref<16xf32, #tpu.memory_space<vmem>>, vector<16xf32>,
      %jit3A_1477 = arith.constant 0.000000e+00 : f32
      %broadcast_in_dim3A_1478 = vector.broadcast %reduce_sum3A_1465 : f32 to vector<16xf32>
      %broadcast_in_dim3A_1479 = vector.broadcast %jit3A_1477 : f32 to vector<16xf32>
      %select_n3A_1480 = arith.select %eq3A_1467, %broadcast_in_dim3A_1478, %broadcast_in_dim3A_1479 : vector<16xi1>, vector<16xf32>
      %add3A_1481 = arith.addf %get3A_1476, %select_n3A_1480 : vector<16xf32>
      %swap3A_1482 = arith.constant 0 : index
      %swap3A_1483 = tpu.vector_load %arg14[%swap3A_1482] {strides = array<i32>} : memref<16xf32, #tpu.memory_space<vmem>>, vector<16xf32>,
      tpu.vector_store %arg14[%swap3A_1482], %add3A_1481 {strides = array<i32>} : memref<16xf32, #tpu.memory_space<vmem>>, vector<16xf32>,
    } else {
    }
    %not3A_1446 = arith.constant true
    %not3A_1447 = arith.xori %eq3A_1442, %not3A_1446 : i1
    %convert_element_type3A_1448 = arith.extui %not3A_1447 : i1 to i32
    %cond3A_1449 = arith.constant 0 : i32
    %cond3A_1450 = arith.cmpi ne, %convert_element_type3A_1448, %cond3A_1449 : i32
    scf.if %cond3A_1450 {
      tpu.vector_store_idx %arg13[%get3A_1437], %exp3A_1432 {add = true} : memref<16xf32, #tpu.memory_space<vmem>>[vector<16xi32>], vector<16xf32>,
      tpu.vector_store_idx %arg14[%get3A_1437], %mul3A_1435 {add = true} : memref<16xf32, #tpu.memory_space<vmem>>[vector<16xi32>], vector<16xf32>,
    } else {
    }
    %get3A_1451 = arith.constant 0 : index
    %get3A_1452 = tpu.vector_load %arg13[%get3A_1451] {strides = array<i32>} : memref<16xf32, #tpu.memory_space<vmem>>, vector<16xf32>,
    %swap3A_1453 = arith.constant 0 : index
    %swap3A_1454 = tpu.vector_load %arg15[%swap3A_1453] {strides = array<i32>} : memref<128xf32, #tpu.memory_space<vmem>>, vector<16xf32>,
    tpu.vector_store %arg15[%swap3A_1453], %get3A_1452 {strides = array<i32>} : memref<128xf32, #tpu.memory_space<vmem>>, vector<16xf32>,
    %get3A_1455 = arith.constant 0 : index
    %get3A_1456 = tpu.vector_load %arg14[%get3A_1455] {strides = array<i32>} : memref<16xf32, #tpu.memory_space<vmem>>, vector<16xf32>,
    %swap3A_1457 = arith.constant 16 : index
    %swap3A_1458 = tpu.vector_load %arg15[%swap3A_1457] {strides = array<i32>} : memref<128xf32, #tpu.memory_space<vmem>>, vector<16xf32>,
    tpu.vector_store %arg15[%swap3A_1457], %get3A_1456 {strides = array<i32>} : memref<128xf32, #tpu.memory_space<vmem>>, vector<16xf32>,
    "tpu.region"() ({
      %run_scoped3A = tpu.sem_alloc : memref<!tpu.dma_semaphore, #tpu.memory_space<semaphore_mem>>
      %dma_start3A_1459 = arith.constant 0 : i32
      %dma_start3A_1460 = tpu.memref_slice %arg7[%add3A, %dma_start3A_1459] : memref<32x128xf32, #tpu.memory_space<hbm>> -> memref<1x128xf32, #tpu.memory_space<hbm>>
      %dma_start3A_1461 = tpu.memref_squeeze %dma_start3A_1460 : memref<1x128xf32, #tpu.memory_space<hbm>> -> memref<128xf32, #tpu.memory_space<hbm>>
      %dma_start3A_1462 = arith.constant 0 : i32
      %dma_start3A_1463 = tpu.memref_slice %arg7[%add3A, %dma_start3A_1462] : memref<32x128xf32, #tpu.memory_space<hbm>> -> memref<1x128xf32, #tpu.memory_space<hbm>>
      %dma_start3A_1464 = tpu.memref_squeeze %dma_start3A_1463 : memref<1x128xf32, #tpu.memory_space<hbm>> -> memref<128xf32, #tpu.memory_space<hbm>>
      tpu.enqueue_dma source(%arg15 : memref<128xf32, #tpu.memory_space<vmem>>) target(%dma_start3A_1464 : memref<128xf32, #tpu.memory_space<hbm>>) target_semaphore(%run_scoped3A : memref<!tpu.dma_semaphore, #tpu.memory_space<semaphore_mem>>)
      %dma_wait3A_1465 = arith.constant 0 : i32
      %dma_wait3A_1466 = tpu.memref_slice %arg7[%add3A, %dma_wait3A_1465] : memref<32x128xf32, #tpu.memory_space<hbm>> -> memref<1x128xf32, #tpu.memory_space<hbm>>
      %dma_wait3A_1467 = tpu.memref_squeeze %dma_wait3A_1466 : memref<1x128xf32, #tpu.memory_space<hbm>> -> memref<128xf32, #tpu.memory_space<hbm>>
      %dma_wait3A_1468 = arith.constant 0 : i32
      %dma_wait3A_1469 = tpu.memref_slice %arg7[%add3A, %dma_wait3A_1468] : memref<32x128xf32, #tpu.memory_space<hbm>> -> memref<1x128xf32, #tpu.memory_space<hbm>>
      %dma_wait3A_1470 = tpu.memref_squeeze %dma_wait3A_1469 : memref<1x128xf32, #tpu.memory_space<hbm>> -> memref<128xf32, #tpu.memory_space<hbm>>
      tpu.wait_dma2 semaphore(%run_scoped3A : memref<!tpu.dma_semaphore, #tpu.memory_space<semaphore_mem>>) src(%arg15 : memref<128xf32, #tpu.memory_space<vmem>>) dst(%dma_wait3A_1470 : memref<128xf32, #tpu.memory_space<hbm>>)
      tpu.yield
    }) : () -> ()
    return
  }
}

module attributes {stable_mosaic.version = 14 : i64} {
  func.func @_combine_body(%arg0: memref<32x128xf32, #tpu.memory_space<vmem>>, %arg1: memref<1xf32, #tpu.memory_space<vmem>>, %arg2: memref<16xf32, #tpu.memory_space<vmem>>) attributes {dimension_semantics = [], scalar_prefetch = 0 : i64, scratch_operands = 0 : i64, tpu.core_type = #tpu.core_type<tc>} {
    %get3A = arith.constant 0 : index
    %get3A_0 = arith.constant 0 : index
    %get3A_1 = vector.load %arg0[%get3A, %get3A_0] : memref<32x128xf32, #tpu.memory_space<vmem>>, vector<32x16xf32>
    %reduce_sum3A = arith.constant dense<0.000000e+00> : vector<16xf32>
    %reduce_sum3A_2 = vector.multi_reduction <add>, %get3A_1, %reduce_sum3A [0] : vector<32x16xf32> to vector<16xf32>
    %get3A_3 = arith.constant 0 : index
    %get3A_4 = arith.constant 16 : index
    %get3A_5 = vector.load %arg0[%get3A_3, %get3A_4] : memref<32x128xf32, #tpu.memory_space<vmem>>, vector<32x16xf32>
    %reduce_sum3A_6 = arith.constant dense<0.000000e+00> : vector<16xf32>
    %reduce_sum3A_7 = vector.multi_reduction <add>, %get3A_5, %reduce_sum3A_6 [0] : vector<32x16xf32> to vector<16xf32>
    %add3A = arith.constant 1.000000e-03 : f32
    %add3A_8 = vector.broadcast %add3A : f32 to vector<16xf32>
    %add3A_9 = arith.addf %reduce_sum3A_2, %add3A_8 : vector<16xf32>
    %div3A = arith.divf %reduce_sum3A_7, %add3A_9 : vector<16xf32>
    %get3A_10 = arith.constant 0 : index
    %get3A_11 = vector.load %arg1[%get3A_10] : memref<1xf32, #tpu.memory_space<vmem>>, vector<1xf32>
    %get3A_12 = vector.extract %get3A_11[0] : f32 from vector<1xf32>
    %add3A_13 = vector.broadcast %get3A_12 : f32 to vector<16xf32>
    %add3A_14 = arith.addf %div3A, %add3A_13 : vector<16xf32>
    %swap3A = arith.constant 0 : index
    %swap3A_15 = vector.load %arg2[%swap3A] : memref<16xf32, #tpu.memory_space<vmem>>, vector<16xf32>
    tpu.vector_store %arg2[%swap3A], %add3A_14 {strides = array<i32>} : memref<16xf32, #tpu.memory_space<vmem>>, vector<16xf32>,
    return
  }
}

</mosaic_0001>

<sc_bundles>
// kernel: kernel.4.cloned.1.call-start
scs
__scs_entry_jumppad:
0x0: {  	(pc) =	sbr.rel $0x88, $3  }
0x1: {  	(tag) =	ssettag $0x0;
	lr =	simm.s32 $0x1  }
0x2: {  	[smem:$0x3F9C] =	sst lr;
	_ =	strace $0xD0000000  }
0x3: {  	_ = 	snop  }
0x4: {  	_ = 	snop  }
0x5: {  	_ = 	snop  }
0x6: {  	_ = 	snop  }
0x7: {  	_ = 	snop  }
__scs_overlays_trampoline_lowered:
0x8: {  	[smem:$0x3FAB] =	sst s0  }
0x9: {  	[smem:$0x3FAC] =	sst s1  }
0xa: {  	[smem:$0x3FAD] =	sst s2  }
0xb: {  	[smem:$0x3FAE] =	sst s3  }
0xc: {  	[smem:$0x3FAF] =	sst s4  }
0xd: {  	[smem:$0x3FB0] =	sst s5  }
0xe: {  	[smem:$0x3FB1] =	sst s6  }
0xf: {  	[smem:$0x3FB2] =	sst s7  }
0x10: {  	[smem:$0x3FB3] =	sst s8  }
0x11: {  	[smem:$0x3FB4] =	sst s9;
	s0 =	simm.s32 @!p0 $0x0  }
0x12: {  	s1 =	sld [smem:$0x3F9A];
	s0 =	simm.s32 @p0 $0x1  }
0x13: {  	[smem:$0x3FB5] =	sst s0;
	s0 =	simm.s32 @!p1 $0x0  }
0x14: {  	s2 =	sld [smem:$0x3F99];
	s0 =	simm.s32 @p1 $0x1  }
0x15: {  	[smem:$0x3FB6] =	sst s0;
	s0 =	simm.s32 @!p2 $0x0  }
0x16: {  	s3 =	sld [smem:$0x3FDB];
	s0 =	simm.s32 @p2 $0x1  }
0x17: {  	s4 =	simm.s32 $0x1BF5;
	[smem:$0x3FB8] =	sst s0  }
0x18: {  	s0 =	sld [smem:$0x3F9B];
	_ =	swait.ge [sflag:s4], $0x0  }
0x19: {  	s7 =	sld [smem:$0x3F9C]  }
0x1a: {  	s8 =	sadd.s32 $0xFFFFE003, lr  }
0x1b: {  	s9 =	sadd.s32 $0xFFFFFEF7, lr;
	s5 =	simm.s32 $0xFFFFFFFF;
	p2 =	slt.u32 s8, $0xFFFFF086  }
0x1c: {  	p1 =	slt.u32 s9, $0xF7A;
	s5 =	simm.s32 @!p2 $0x0  }
0x1d: {  	s5 =	simm.s32 @p1 $0x1;
	p0 =	seq.s32 s7, s2  }
0x1e: {  	s7 =	smul.u32 @!p0 $0xF7A, s2;
	p2 =	seq.s32 @!p0 s5, $0x0  }
0x1f: {  	s9 =	smul.u32 $0xF7A, s1;
	s8 =	simm.s32 @!p0 $0x1BF5;
	p2 =	por !p2, p0  }
0x20: {  	[sflag:s8] =	ssyncset.s32 @!p0 $0xFFFFF086;
	s6 =	sadd.s32 @!p0 s3, s7;
	s7 =	simm.s32 @!p0 $0x108  }
0x21: {  	s3 =	sadd.s32 s3, s9;
	s6 =	sadd.s32 @!p0 $0x88, s6;
	s7 =	simm.s32 @p2 $0x1082  }
0x22: {  	[simem:s7], [sflag:s8] =	dma.local @!p0 [hbm:s6], $0xF7A  }
0x23: {  	s9 =	sor.u32 $0xD0000000, s2;
	s6 =	simm.s32 $0x108;
	_ =	swait.ge @!p0 [sflag:s8], $0x0  }
0x24: {  	s3 =	sadd.s32 $0x88, s3;
	s6 =	simm.s32 @!p1 $0x1082;
	[sflag:s4] =	ssyncset.s32 $0xFFFFF086  }
0x25: {  	[simem:s6], [sflag:s4] =	dma.local [hbm:s3], $0xF7A  }
0x26: {  	[smem:$0x3F9C] =	sst s1;
	(tag) =	ssettag s2;
	_ =	strace s9  }
0x27: {  	s1 =	sld [smem:$0x3FAC]  }
0x28: {  	s2 =	sld [smem:$0x3FAD]  }
0x29: {  	s4 =	sld [smem:$0x3FAF]  }
0x2a: {  	p0 =	seq.s32 s5, $0x0;
	s5 =	sld [smem:$0x3FB0]  }
0x2b: {  	s6 =	sld [smem:$0x3FB1]  }
0x2c: {  	s7 =	sld [smem:$0x3FB2]  }
0x2d: {  	s3 =	simm.s32 $0x108;
	s8 =	sld [smem:$0x3FB3]  }
0x2e: {  	s3 =	simm.s32 @!p0 $0x1082;
	s9 =	sld [smem:$0x3FB4]  }
0x2f: {  	lr =	sadd.s32 s0, s3;
	s0 =	sld [smem:$0x3FAB]  }
0x30: {  	s3 =	sld [smem:$0x3FAE]  }
0x31: {  	[smem:$0x3FB7] =	sst s10  }
0x32: {  	s10 =	sld [smem:$0x3FB5];
	_ =	sdelay $0x3  }
0x33: {  	p0 =	seq.s32 s10, $0x1;
	s10 =	sld [smem:$0x3FB7];
	_ =	sdelay $0x3  }
0x34: {  	[smem:$0x3FB7] =	sst s10  }
0x35: {  	s10 =	sld [smem:$0x3FB6];
	_ =	sdelay $0x3  }
0x36: {  	p1 =	seq.s32 s10, $0x1;
	s10 =	sld [smem:$0x3FB7];
	_ =	sdelay $0x3  }
0x37: {  	[smem:$0x3FB7] =	sst s10  }
0x38: {  	s10 =	sld [smem:$0x3FB8]  }
0x39: {  	_ = 	snop;
	(pc) =	sbr.ind lr, $3  }
0x3a: {  	_ = 	snop  }
0x3b: {  	_ = 	snop  }
0x3c: {  	p2 =	seq.s32 s10, $0x1;
	s10 =	sld [smem:$0x3FB7]  }
0x3d: {  	_ =	shalt  }
0x3e: {  	_ =	shalt  }
0x3f: {  	_ =	shalt  }
0x40: {  	_ =	shalt  }
0x41: {  	_ =	shalt  }
0x42: {  	_ =	shalt  }
0x43: {  	_ =	shalt  }
0x44: {  	_ =	shalt  }
0x45: {  	_ =	shalt  }
0x46: {  	_ =	shalt  }
0x47: {  	_ =	shalt  }
0x48: {  	_ =	shalt  }
0x49: {  	_ =	shalt  }
0x4a: {  	_ =	shalt  }
0x4b: {  	_ =	shalt  }
0x4c: {  	_ =	shalt  }
0x4d: {  	_ =	shalt  }
0x4e: {  	_ =	shalt  }
0x4f: {  	_ =	shalt  }
0x50: {  	_ =	shalt  }
0x51: {  	_ =	shalt  }
0x52: {  	_ =	shalt  }
0x53: {  	_ =	shalt  }
0x54: {  	_ =	shalt  }
0x55: {  	_ =	shalt  }
0x56: {  	_ =	shalt  }
0x57: {  	_ =	shalt  }
0x58: {  	_ =	shalt  }
0x59: {  	_ =	shalt  }
0x5a: {  	_ =	shalt  }
0x5b: {  	_ =	shalt  }
0x5c: {  	_ =	shalt  }
0x5d: {  	_ =	shalt  }
0x5e: {  	_ =	shalt  }
0x5f: {  	_ =	shalt  }
0x60: {  	_ =	shalt  }
0x61: {  	_ =	shalt  }
0x62: {  	_ =	shalt  }
0x63: {  	_ =	shalt  }
0x64: {  	_ =	shalt  }
0x65: {  	_ =	shalt  }
0x66: {  	_ =	shalt  }
0x67: {  	_ =	shalt  }
0x68: {  	_ =	shalt  }
0x69: {  	_ =	shalt  }
0x6a: {  	_ =	shalt  }
0x6b: {  	_ =	shalt  }
0x6c: {  	_ =	shalt  }
0x6d: {  	_ =	shalt  }
0x6e: {  	_ =	shalt  }
0x6f: {  	_ =	shalt  }
0x70: {  	_ =	shalt  }
0x71: {  	_ =	shalt  }
0x72: {  	_ =	shalt  }
0x73: {  	_ =	shalt  }
0x74: {  	_ =	shalt  }
0x75: {  	_ =	shalt  }
0x76: {  	_ =	shalt  }
0x77: {  	_ =	shalt  }
0x78: {  	_ =	shalt  }
0x79: {  	_ =	shalt  }
0x7a: {  	_ =	shalt  }
0x7b: {  	_ =	shalt  }
0x7c: {  	_ =	shalt  }
0x7d: {  	_ =	shalt  }
0x7e: {  	_ =	shalt  }
0x7f: {  	_ =	shalt  }
0x80: {  	_ =	shalt  }
0x81: {  	_ =	shalt  }
0x82: {  	_ =	shalt  }
0x83: {  	_ =	shalt  }
0x84: {  	_ =	shalt  }
0x85: {  	_ =	shalt  }
0x86: {  	_ =	shalt  }
0x87: {  	_ =	shalt  }
.Lfunc_end0:
.L_simem_size_0:
called_computation_lowered:
.L_overlay_start_0:
0x88: {  	s2 =	sld [smem:$0x3FD9]  }
0x89: {  	s3 =	sld [smem:$0x3FFE];
	_ =	sdelay $0x1  }
0x8a: {  	s1 =	srdreg.scid  }
0x8b: {  	s0 =	sand.u32 $0x1, s1  }
0x8c: {  	s17 =	sshll.u32 s0, $0xA;
	s2 =	sadd.s32 s3, s2  }
0x8d: {  	s2 =	sadd.s32 s2, s17  }
0x8e: {  	[smem:$0x3FC3] =	sst s2  }
0x8f: {  	_ = 	snop  }
0x90: {  	s2 =	sld [smem:$0x3FC8];
	(tm) =	ssettm $0x1  }
0x91: {  	s18 =	sld [smem:$0x3FFB];
	_ =	sdelay $0x3  }
0x92: {  	_ =	strace s18  }
0x93: {  	s3 =	sld [smem:$0x3FFC];
	_ =	sdelay $0x3  }
0x94: {  	_ =	strace s3  }
0x95: {  	s3 =	sld [smem:$0x3FFD];
	_ =	sdelay $0x3  }
0x96: {  	_ =	strace s3  }
0x97: {  	_ =	strace $0x8FFFFFFF  }
0x98: {  	s19 =	sld [smem:$0x3FDB];
	_ =	sdelay $0x1  }
0x99: {  	s4 =	simm.s32 $_scs_section_size  }
0x9a: {  	s5 =	simm.s32 $_size__tile_overlayer_lowered;
	s6 =	simm.s32 $_tile_overlayer_lowered  }
0x9b: {  	s22 =	simm.s32 $0x1BFF;
	s21 =	sshll.u32 s6, $0x1;
	s3 =	sadd.s32 s4, s19  }
0x9c: {  	s7 =	simm.s32 $0x0;
	s20 =	sshll.u32 s5, $0x1;
	s5 =	sadd.s32 s21, s3  }
0x9d: {  	[timem:s7], [sflag:s22] =	dma.local [hbm:s5], s20  }
0x9e: {  	_ =	swait.ge [sflag:s22], s20  }
0x9f: {  	s4 =	ssub.s32 $0x0, s20;
	[sflag:s22] =	ssyncset.done $0x0  }
0xa0: {  	[sflag:s22] =	ssyncadd.s32 s4;
	_ =	sdelay $0x1  }
0xa1: {  	s23 =	simm.s32 $0x1B8B  }
0xa2: {  	_ =	swait.ge [sflag:s23], $0x1  }
0xa3: {  	[sflag:s23] =	ssyncset.done $0x0  }
0xa4: {  	s25 =	simm.s32 $0x1B8E;
	s24 =	sld [smem:$0x3FFE];
	[sflag:s23] =	ssyncadd.s32 $0xFFFFFFFF  }
0xa5: {  	s26 =	simm.s32 $execute0_lowered;
	[smem:$0x3FD2] =	sst s25  }
0xa6: {  	s5 =	sshll.u32 s26, $0x1;
	_ =	strace $0x80000046;
	[dreg:$0x1] =	wrdreg $0xFFFFFFFF  }
0xa7: {  	s28 =	simm.s32 $_size_execute0_lowered;
	s3 =	sadd.s32 s3, s5;
	[dreg:$0x0] =	wrdreg $0x0  }
0xa8: {  	s5 =	sshll.u32 s28, $0x1;
	[dreg:$0x2] =	wrdreg s3  }
0xa9: {  	[dreg:$0x3] =	wrdreg s5  }
0xaa: {  	[dreg:$0x4] =	wrdreg $0xC0  }
0xab: {  	_ =	task [dreg:s7], $0x5FFFF  }
0xac: {  	[dreg:$0x1] =	wrdreg $0xFFFFFFFF  }
0xad: {  	[dreg:$0x0] =	wrdreg $0x60  }
0xae: {  	[dreg:$0x2] =	wrdreg s24  }
0xaf: {  	[dreg:$0x3] =	wrdreg s2  }
0xb0: {  	[dreg:$0x4] =	wrdreg $0x9  }
0xb1: {  	_ =	task.clear_ibuf [dreg:s7], $0x5FFFF;
	_ =	strace $0x90000046  }
0xb2: {  	s29 =	simm.s32 $0x9;
	_ =	strace $0x80000048  }
0xb3: {  	_ =	swait.ge [sflag:s29], $0x1  }
0xb4: {  	[sflag:s29] =	ssyncadd.s32 $0xFFFFFFFF  }
0xb5: {  	_ =	strace $0x90000048  }
0xb6: {  	_ =	sfence  }
0xb7: {  	s30 =	sld [smem:$0x0];
	_ =	sdelay $0x2  }
0xb8: {  	s31 =	sshll.u32 s1, $0xD;
	s1 =	sshrl.u32 s1, $0x2  }
0xb9: {  	s3 =	sand.u32 $0x4000, s31;
	s1 =	sadd.s32 s1, s30  }
0xba: {  	s0 =	sor.u32 s3, s0;
	s1 =	sshll.u32 s1, $0x11  }
0xbb: {  	s0 =	sor.u32 s1, s0  }
0xbc: {  	s0 =	sadd.s32 $0x8F2B, s0  }
0xbd: {  	[sflag:s0] =	ssyncadd.remote.s32 $0x1  }
0xbe: {  	_ =	sfence.sel $0xFFFF  }
0xbf: {  	[dreg:$0x0] =	wrdreg $0xFFFFFFFF;
	(pc) =	sbr.abs _section_cstart, $3  }
0xc0: {  	[dreg:$0x1] =	wrdreg $0xFFFFFFFF  }
0xc1: {  	_ =	task.clear_ibuf [dreg:s7], $0x2FFFF;
	_ =	strace $0x9FFFFFFF  }
0xc2: {  	(tm) =	ssettm $0x7FFFFFFF  }
0xc3: {  	_ =	shalt  }
tec
execute0_lowered:
.L_overlay_start_1:
0x0: {  	(tag) =	ssettag $0x1  }
0x1: {  	s4 =	rddreg [dreg:$0x0]  }
0x2: {  	s1 =	srdreg.scid;
	s3 =	rddreg [dreg:$0x1]  }
0x3: {  	s2 =	simm.s32 $0x0;
	s5 =	sand.u32 $0x1, s1;
	s1 =	rddreg [dreg:$0x2]  }
0x4: {  	s16 =	simm.s32 $0x800;
	[smem:$0x7FF] =	sst s2  }
0x5: {  	s17 =	simm.s32 $0xC00;
	_ =	strace $0x80000047;
	[dreg:$0x7] =	wrdreg s16  }
0x6: {  	s18 =	simm.s32 $0xD00;
	[dreg:$0x8] =	wrdreg s17  }
0x7: {  	s19 =	simm.s32 $0x200;
	[dreg:$0x9] =	wrdreg s18  }
0x8: {  	s20 =	simm.s32 $0xE00;
	[dreg:$0xa] =	wrdreg s19  }
0x9: {  	s21 =	simm.s32 $0x300;
	[dreg:$0xb] =	wrdreg s20  }
0xa: {  	s22 =	simm.s32 $0xF00;
	[dreg:$0xc] =	wrdreg s21  }
0xb: {  	s23 =	simm.s32 $0x1000;
	[dreg:$0xd] =	wrdreg s22  }
0xc: {  	s0 =	stileid.u32;
	s25 =	simm.s32 $0x500;
	[dreg:$0xe] =	wrdreg s23  }
0xd: {  	s26 =	simm.s32 $0x1100;
	s28 =	simm.s32 $0x600;
	[dreg:$0xf] =	wrdreg s25  }
0xe: {  	s29 =	simm.s32 $0x1200;
	s30 =	simm.s32 $0x700;
	[dreg:$0x10] =	wrdreg s26  }
0xf: {  	s31 =	simm.s32 $0x1300;
	s10 =	simm.s32 $0x3;
	[dreg:$0x11] =	wrdreg s28  }
0x10: {  	s11 =	simm.s32 $0x4;
	s12 =	simm.s32 $0x5;
	[dreg:$0x12] =	wrdreg s29  }
0x11: {  	s13 =	simm.s32 $0x6;
	s7 =	sshll.u32 s0, $0x7;
	[dreg:$0x13] =	wrdreg s30  }
0x12: {  	s6 =	sshll.u32 s5, $0xB;
	s5 =	ssub.s32 $0x2, s5;
	[dreg:$0x14] =	wrdreg s31  }
0x13: {  	s17 =	simm.s32 $0x1500;
	s16 =	simm.s32 $0x9;
	s6 =	sor.u32 s7, s6  }
0x14: {  	s24 =	sshrl.u32 s5, $0x1;
	[dreg:$0x15] =	wrdreg s17;
	s17 =	simm.s32 $0xA  }
0x15: {  	s7 =	sadd.s32 s6, s4;
	s9 =	sshrl.u32 s6, $0x3;
	s3 =	sadd.s32 s3, s6  }
0x16: {  	s5 =	ssub.s32 s5, s24;
	s6 =	simm.s32 $0x400;
	s8 =	sadd.s32 $0x1200, s7  }
0x17: {  	s7 =	sadd.s32 $0x200, s7;
	s14 =	sadd.s32 s9, s4;
	[dreg:$0x5] =	wrdreg s3  }
0x18: {  	s3 =	sadd.s32 $0x2200, s4;
	s4 =	sadd.s32 $0x5400, s4;
	[dreg:$0x3] =	wrdreg s8  }
0x19: {  	s5 =	smax.u32 s5, $0x1;
	s9 =	simm.s32 $0x2;
	[dreg:$0x4] =	wrdreg s7  }
0x1a: {  	s15 =	sadd.s32 $0x8600, s14;
	s7 =	simm.s32 $0x1;
	s8 =	simm.s32 $0x100  }
0x1b: {  	v0 =	vimm.f32 $0.0e+00;
	s14 =	simm.s32 $0x7;
	[dreg:$0x6] =	wrdreg s15;
	s15 =	simm.s32 $0x8  }
.LBB2_1:
0x1c: {  	s18 =	rddreg [dreg:$0x3]  }
0x1d: {  	s29 =	rddreg [dreg:$0x4]  }
0x1e: {  	[tilespmem:s2], [sflag:$0x1] =	stream.linear.gather [hbm4b:s18+s2], $0x400, $0x38;
	[tilespmem:$0x1580] =	vst v63  }
0x1f: {  	s19 =	rddreg [dreg:$0x5]  }
0x20: {  	[tilespmem:s6], [sflag:$0x1] =	stream.linear.gather [hbm4b:s29+s2], $0x400, $0x38;
	[tilespmem:$0x1580] =	vst v63  }
0x21: {  	s20 =	rddreg [dreg:$0x7]  }
0x22: {  	[tilespmem:s20], [sflag:$0x1] =	stream.linear.gather [hbm4b:s19+s2], $0x400, $0x38;
	[tilespmem:$0x1580] =	vst v63  }
0x23: {  	_ =	swait.ge [sflag:s7], $0x400  }
0x24: {  	s30 =	rddreg [dreg:$0x8]  }
0x25: {  	[sflag:s7] =	ssyncset.done $0x0;
	s31 =	rddreg [dreg:$0x9]  }
0x26: {  	s20 =	rddreg [dreg:$0xa];
	[sflag:s7] =	ssyncadd.s32 $0xFFFFFC00  }
0x27: {  	[tilespmem:s30], [sflag:$0x2] =	stream.indirect.gather [hbm4b:s3+s8], $0x1, s2, s8, $0xb8;
	[tilespmem:$0x1580] =	vst v63  }
0x28: {  	s22 =	rddreg [dreg:$0xb]  }
0x29: {  	[tilespmem:s31], [sflag:$0x4] =	stream.indirect.gather [hbm4b:s3+s8], $0x1, s8, s8, $0xb8;
	[tilespmem:$0x1580] =	vst v63  }
0x2a: {  	s23 =	rddreg [dreg:$0xc]  }
0x2b: {  	[tilespmem:s22], [sflag:$0x6] =	stream.indirect.gather [hbm4b:s3+s8], $0x1, s20, s8, $0xb8;
	[tilespmem:$0x1580] =	vst v63  }
0x2c: {  	s21 =	rddreg [dreg:$0xd]  }
0x2d: {  	[tilespmem:s21], [sflag:$0x8] =	stream.indirect.gather [hbm4b:s3+s8], $0x1, s23, s8, $0xb8;
	[tilespmem:$0x1580] =	vst v63  }
0x2e: {  	_ =	swait.ge [sflag:s7], $0x400  }
0x2f: {  	s24 =	rddreg [dreg:$0xe]  }
0x30: {  	s25 =	rddreg [dreg:$0xf]  }
0x31: {  	[sflag:s7] =	ssyncset.done $0x0;
	s26 =	rddreg [dreg:$0x10]  }
0x32: {  	s28 =	rddreg [dreg:$0x11];
	[sflag:s7] =	ssyncadd.s32 $0xFFFFFC00  }
0x33: {  	[tilespmem:s24], [sflag:$0x3] =	stream.indirect.gather [hbm4b:s4+s8], $0x1, s6, s8, $0xb8;
	[tilespmem:$0x1580] =	vst v63  }
0x34: {  	s29 =	rddreg [dreg:$0x12]  }
0x35: {  	[tilespmem:s26], [sflag:$0x5] =	stream.indirect.gather [hbm4b:s4+s8], $0x1, s25, s8, $0xb8;
	[tilespmem:$0x1580] =	vst v63  }
0x36: {  	s30 =	rddreg [dreg:$0x13]  }
0x37: {  	[tilespmem:s29], [sflag:$0x7] =	stream.indirect.gather [hbm4b:s4+s8], $0x1, s28, s8, $0xb8;
	[tilespmem:$0x1580] =	vst v63  }
0x38: {  	s31 =	rddreg [dreg:$0x14]  }
0x39: {  	[tilespmem:s31], [sflag:$0x9] =	stream.indirect.gather [hbm4b:s4+s8], $0x1, s30, s8, $0xb8;
	[tilespmem:$0x1580] =	vst v63  }
0x3a: {  	[tilespmem:$0x1400] =	vst v0  }
0x3b: {  	[tilespmem:$0x1480] =	vst v0  }
0x3c: {  	_ =	swait.ge [sflag:s7], $0x400  }
0x3d: {  	[sflag:s7] =	ssyncset.done $0x0  }
0x3e: {  	[sflag:s7] =	ssyncadd.s32 $0xFFFFFC00  }
0x3f: {  	_ =	swait.ge [sflag:s9], $0x100  }
0x40: {  	[sflag:s9] =	ssyncset.done $0x0  }
0x41: {  	[sflag:s9] =	ssyncadd.s32 $0xFFFFFF00  }
0x42: {  	_ =	swait.ge [sflag:s10], $0x100  }
0x43: {  	[sflag:s10] =	ssyncset.done $0x0  }
0x44: {  	[sflag:s10] =	ssyncadd.s32 $0xFFFFFF00  }
0x45: {  	v1 =	vld [tilespmem:$0x800];
	_ =	sdelay $0x4  }
0x46: {  	(v2sf) =	vpush v1, $0x0  }
0x47: {  	v2 =	vld [tilespmem:$0xC00];
	(v2sf) =	vpush v1, $0xF;
	_ =	sdelay $0x4  }
0x48: {  	v2 =	vmul.f32 $1.442695020e+00, v2;
	_ =	sdelay $0x1  }
0x49: {  	(erf) = vpow2.f32 v2;
	_ =	sdelay $0x4  }
0x4a: {  	v2 =	vld [tilespmem:$0x1000];
	_ =	sdelay $0x1  }
0x4b: {  	s21 =	spop (v2sf)  }
0x4c: {  	s22 =	spop (v2sf)  }
0x4d: {  	v3 =	vpop (erf);
	p1 =	sne.s32 s21, s22  }
0x4e: {  	v2 =	vmul.f32 v3, v2;
	s18 =	simm.s32 @p1 $0x1400  }
0x4f: {  	[tilespmem:v1+s18+$0x0] =	vst.idx.add.f32.msk @p1 $0xffff, v3;
	s18 =	simm.s32 @p1 $0x1480  }
0x50: {  	[tilespmem:v1+s18+$0x0] =	vst.idx.add.f32.msk @p1 $0xffff, v2  }
0x51: {  	v4 =	vld [tilespmem:$0x810];
	_ =	sdelay $0x3  }
0x52: {  	(xrf2) =	vadd.scan.msk.f32 @!p1 $0xffff, v3  }
0x53: {  	(v2sf) =	vpush v4, $0x0  }
0x54: {  	v3 =	vld [tilespmem:$0xC10];
	(v2sf) =	vpush v4, $0xF  }
0x55: {  	(xrf2) =	vadd.scan.msk.f32 @!p1 $0xffff, v2;
	_ =	sdelay $0x3  }
0x56: {  	v2 =	vmul.f32 $1.442695020e+00, v3;
	_ =	sdelay $0x1  }
0x57: {  	(erf) = vpow2.f32 v2;
	v2 =	vld @!p1 [tilespmem:$0x1400]  }
0x58: {  	v1 =	vbroadcast @!p1 v1, $0x0;
	v3, _, _ =	vpop @!p1 (xrf2)  }
0x59: {  	v7 =	vlaneseq.u32 @!p1;
	v3 =	vbroadcast @!p1 v3, $0xF  }
0x5a: {  	v5 =	vld @!p1 [tilespmem:$0x1480];
	vm0 =	veq.s32 @!p1 v1, v7  }
0x5b: {  	v6, _, _ =	vpop @!p1 (xrf2);
	v3 =	vnsel @!p1 vm0, $0x0, v3  }
0x5c: {  	v60 =	vld [tilespmem:$0x1010];
	v1 =	vbroadcast @!p1 v6, $0xF;
	v2 =	vadd.f32 @!p1 v2, v3;
	_ =	sdelay $0x1  }
0x5d: {  	v1 =	vnsel @!p1 vm0, $0x0, v1;
	s23 =	spop (v2sf)  }
0x5e: {  	v1 =	vadd.f32 @!p1 v5, v1;
	s24 =	spop (v2sf)  }
0x5f: {  	[tilespmem:$0x1400] =	vst @!p1 v2;
	v2 =	vpop (erf);
	p0 =	sne.s32 s23, s24  }
0x60: {  	[tilespmem:$0x1480] =	vst @!p1 v1;
	v1 =	vmul.f32 v2, v60;
	s18 =	simm.s32 @p0 $0x1400  }
0x61: {  	[tilespmem:v4+s18+$0x0] =	vst.idx.add.f32.msk @p0 $0xffff, v2;
	s18 =	simm.s32 @p0 $0x1480  }
0x62: {  	[tilespmem:v4+s18+$0x0] =	vst.idx.add.f32.msk @p0 $0xffff, v1  }
0x63: {  	v3 =	vld [tilespmem:$0x820];
	_ =	sdelay $0x3  }
0x64: {  	(xrf2) =	vadd.scan.msk.f32 @!p0 $0xffff, v2  }
0x65: {  	(v2sf) =	vpush v3, $0x0  }
0x66: {  	v2 =	vld [tilespmem:$0xC20];
	(v2sf) =	vpush v3, $0xF  }
0x67: {  	(xrf2) =	vadd.scan.msk.f32 @!p0 $0xffff, v1;
	_ =	sdelay $0x3  }
0x68: {  	v1 =	vmul.f32 $1.442695020e+00, v2;
	_ =	sdelay $0x1  }
0x69: {  	(erf) = vpow2.f32 v1;
	v1 =	vld @!p0 [tilespmem:$0x1400]  }
0x6a: {  	v4 =	vbroadcast @!p0 v4, $0x0;
	v2, _, _ =	vpop @!p0 (xrf2)  }
0x6b: {  	v7 =	vlaneseq.u32 @!p0;
	v2 =	vbroadcast @!p0 v2, $0xF  }
0x6c: {  	v5 =	vld @!p0 [tilespmem:$0x1480];
	vm0 =	veq.s32 @!p0 v4, v7  }
0x6d: {  	v6, _, _ =	vpop @!p0 (xrf2);
	v2 =	vnsel @!p0 vm0, $0x0, v2  }
0x6e: {  	v61 =	vld [tilespmem:$0x1020];
	v4 =	vbroadcast @!p0 v6, $0xF;
	v1 =	vadd.f32 @!p0 v1, v2;
	_ =	sdelay $0x1  }
0x6f: {  	v2 =	vnsel @!p0 vm0, $0x0, v4;
	s25 =	spop (v2sf)  }
0x70: {  	v2 =	vadd.f32 @!p0 v5, v2;
	s26 =	spop (v2sf)  }
0x71: {  	[tilespmem:$0x1400] =	vst @!p0 v1;
	v1 =	vpop (erf);
	p1 =	sne.s32 s25, s26  }
0x72: {  	[tilespmem:$0x1480] =	vst @!p0 v2;
	v2 =	vmul.f32 v1, v61;
	s18 =	simm.s32 @p1 $0x1400  }
0x73: {  	[tilespmem:v3+s18+$0x0] =	vst.idx.add.f32.msk @p1 $0xffff, v1;
	s18 =	simm.s32 @p1 $0x1480  }
0x74: {  	[tilespmem:v3+s18+$0x0] =	vst.idx.add.f32.msk @p1 $0xffff, v2  }
0x75: {  	v4 =	vld [tilespmem:$0x830];
	_ =	sdelay $0x3  }
0x76: {  	(xrf2) =	vadd.scan.msk.f32 @!p1 $0xffff, v1  }
0x77: {  	(v2sf) =	vpush v4, $0x0  }
0x78: {  	v1 =	vld [tilespmem:$0xC30];
	(v2sf) =	vpush v4, $0xF  }
0x79: {  	(xrf2) =	vadd.scan.msk.f32 @!p1 $0xffff, v2;
	_ =	sdelay $0x3  }
0x7a: {  	v1 =	vmul.f32 $1.442695020e+00, v1;
	_ =	sdelay $0x1  }
0x7b: {  	(erf) = vpow2.f32 v1;
	v1 =	vld @!p1 [tilespmem:$0x1400]  }
0x7c: {  	v3 =	vbroadcast @!p1 v3, $0x0;
	v2, _, _ =	vpop @!p1 (xrf2)  }
0x7d: {  	v7 =	vlaneseq.u32 @!p1;
	v2 =	vbroadcast @!p1 v2, $0xF  }
0x7e: {  	v5 =	vld @!p1 [tilespmem:$0x1480];
	vm0 =	veq.s32 @!p1 v3, v7  }
0x7f: {  	v6, _, _ =	vpop @!p1 (xrf2);
	v2 =	vnsel @!p1 vm0, $0x0, v2  }
0x80: {  	v62 =	vld [tilespmem:$0x1030];
	v3 =	vbroadcast @!p1 v6, $0xF;
	v1 =	vadd.f32 @!p1 v1, v2;
	_ =	sdelay $0x1  }
0x81: {  	v2 =	vnsel @!p1 vm0, $0x0, v3;
	s28 =	spop (v2sf)  }
0x82: {  	v2 =	vadd.f32 @!p1 v5, v2;
	s29 =	spop (v2sf)  }
0x83: {  	[tilespmem:$0x1400] =	vst @!p1 v1;
	v1 =	vpop (erf);
	p0 =	sne.s32 s28, s29  }
0x84: {  	[tilespmem:$0x1480] =	vst @!p1 v2;
	v2 =	vmul.f32 v1, v62;
	s18 =	simm.s32 @p0 $0x1400  }
0x85: {  	[tilespmem:v4+s18+$0x0] =	vst.idx.add.f32.msk @p0 $0xffff, v1;
	s18 =	simm.s32 @p0 $0x1480  }
0x86: {  	[tilespmem:v4+s18+$0x0] =	vst.idx.add.f32.msk @p0 $0xffff, v2  }
0x87: {  	v3 =	vld [tilespmem:$0x840];
	_ =	sdelay $0x3  }
0x88: {  	(xrf2) =	vadd.scan.msk.f32 @!p0 $0xffff, v1  }
0x89: {  	(v2sf) =	vpush v3, $0x0  }
0x8a: {  	v1 =	vld [tilespmem:$0xC40];
	(v2sf) =	vpush v3, $0xF  }
0x8b: {  	(xrf2) =	vadd.scan.msk.f32 @!p0 $0xffff, v2;
	_ =	sdelay $0x3  }
0x8c: {  	v1 =	vmul.f32 $1.442695020e+00, v1;
	_ =	sdelay $0x1  }
0x8d: {  	(erf) = vpow2.f32 v1;
	v1 =	vld @!p0 [tilespmem:$0x1400]  }
0x8e: {  	v4 =	vbroadcast @!p0 v4, $0x0;
	v2, _, _ =	vpop @!p0 (xrf2)  }
0x8f: {  	v7 =	vlaneseq.u32 @!p0;
	v2 =	vbroadcast @!p0 v2, $0xF  }
0x90: {  	v5 =	vld @!p0 [tilespmem:$0x1480];
	vm0 =	veq.s32 @!p0 v4, v7  }
0x91: {  	v6, _, _ =	vpop @!p0 (xrf2);
	v2 =	vnsel @!p0 vm0, $0x0, v2  }
0x92: {  	v63 =	vld [tilespmem:$0x1040];
	v4 =	vbroadcast @!p0 v6, $0xF;
	v1 =	vadd.f32 @!p0 v1, v2;
	_ =	sdelay $0x1  }
0x93: {  	v2 =	vnsel @!p0 vm0, $0x0, v4;
	s30 =	spop (v2sf)  }
0x94: {  	v2 =	vadd.f32 @!p0 v5, v2;
	s31 =	spop (v2sf)  }
0x95: {  	[tilespmem:$0x1400] =	vst @!p0 v1;
	v1 =	vpop (erf);
	p1 =	sne.s32 s30, s31  }
0x96: {  	[tilespmem:$0x1480] =	vst @!p0 v2;
	v2 =	vmul.f32 v1, v63;
	s18 =	simm.s32 @p1 $0x1400  }
0x97: {  	[tilespmem:v3+s18+$0x0] =	vst.idx.add.f32.msk @p1 $0xffff, v1;
	s18 =	simm.s32 @p1 $0x1480  }
0x98: {  	[tilespmem:v3+s18+$0x0] =	vst.idx.add.f32.msk @p1 $0xffff, v2  }
0x99: {  	v4 =	vld [tilespmem:$0x850];
	_ =	sdelay $0x3  }
0x9a: {  	(xrf2) =	vadd.scan.msk.f32 @!p1 $0xffff, v1  }
0x9b: {  	(v2sf) =	vpush v4, $0x0  }
0x9c: {  	v1 =	vld [tilespmem:$0xC50];
	(v2sf) =	vpush v4, $0xF  }
0x9d: {  	(xrf2) =	vadd.scan.msk.f32 @!p1 $0xffff, v2;
	_ =	sdelay $0x3  }
0x9e: {  	v1 =	vmul.f32 $1.442695020e+00, v1;
	_ =	sdelay $0x1  }
0x9f: {  	(erf) = vpow2.f32 v1;
	v1 =	vld @!p1 [tilespmem:$0x1400]  }
0xa0: {  	v3 =	vbroadcast @!p1 v3, $0x0;
	v2, _, _ =	vpop @!p1 (xrf2)  }
0xa1: {  	v7 =	vlaneseq.u32 @!p1;
	v2 =	vbroadcast @!p1 v2, $0xF  }
0xa2: {  	v5 =	vld @!p1 [tilespmem:$0x1480];
	vm0 =	veq.s32 @!p1 v3, v7  }
0xa3: {  	v6, _, _ =	vpop @!p1 (xrf2);
	v2 =	vnsel @!p1 vm0, $0x0, v2  }
0xa4: {  	v9 =	vld [tilespmem:$0x1050];
	v3 =	vbroadcast @!p1 v6, $0xF;
	v1 =	vadd.f32 @!p1 v1, v2;
	_ =	sdelay $0x1  }
0xa5: {  	v2 =	vnsel @!p1 vm0, $0x0, v3;
	s19 =	spop (v2sf)  }
0xa6: {  	v2 =	vadd.f32 @!p1 v5, v2;
	s20 =	spop (v2sf)  }
0xa7: {  	[tilespmem:$0x1400] =	vst @!p1 v1;
	v1 =	vpop (erf);
	p0 =	sne.s32 s19, s20  }
0xa8: {  	[tilespmem:$0x1480] =	vst @!p1 v2;
	v2 =	vmul.f32 v1, v9;
	s18 =	simm.s32 @p0 $0x1400  }
0xa9: {  	[tilespmem:v4+s18+$0x0] =	vst.idx.add.f32.msk @p0 $0xffff, v1;
	s18 =	simm.s32 @p0 $0x1480  }
0xaa: {  	[tilespmem:v4+s18+$0x0] =	vst.idx.add.f32.msk @p0 $0xffff, v2  }
0xab: {  	v3 =	vld [tilespmem:$0x860];
	_ =	sdelay $0x3  }
0xac: {  	(xrf2) =	vadd.scan.msk.f32 @!p0 $0xffff, v1  }
0xad: {  	(v2sf) =	vpush v3, $0x0  }
0xae: {  	v1 =	vld [tilespmem:$0xC60];
	(v2sf) =	vpush v3, $0xF  }
0xaf: {  	(xrf2) =	vadd.scan.msk.f32 @!p0 $0xffff, v2;
	_ =	sdelay $0x3  }
0xb0: {  	v1 =	vmul.f32 $1.442695020e+00, v1;
	_ =	sdelay $0x1  }
0xb1: {  	(erf) = vpow2.f32 v1;
	v1 =	vld @!p0 [tilespmem:$0x1400]  }
0xb2: {  	v4 =	vbroadcast @!p0 v4, $0x0;
	v2, _, _ =	vpop @!p0 (xrf2)  }
0xb3: {  	v7 =	vlaneseq.u32 @!p0;
	v2 =	vbroadcast @!p0 v2, $0xF  }
0xb4: {  	v5 =	vld @!p0 [tilespmem:$0x1480];
	vm0 =	veq.s32 @!p0 v4, v7  }
0xb5: {  	v6, _, _ =	vpop @!p0 (xrf2);
	v2 =	vnsel @!p0 vm0, $0x0, v2  }
0xb6: {  	v10 =	vld [tilespmem:$0x1060];
	v4 =	vbroadcast @!p0 v6, $0xF;
	v1 =	vadd.f32 @!p0 v1, v2;
	_ =	sdelay $0x1  }
0xb7: {  	v2 =	vnsel @!p0 vm0, $0x0, v4;
	s21 =	spop (v2sf)  }
0xb8: {  	v2 =	vadd.f32 @!p0 v5, v2;
	s22 =	spop (v2sf)  }
0xb9: {  	[tilespmem:$0x1400] =	vst @!p0 v1;
	v1 =	vpop (erf);
	p1 =	sne.s32 s21, s22  }
0xba: {  	[tilespmem:$0x1480] =	vst @!p0 v2;
	v2 =	vmul.f32 v1, v10;
	s18 =	simm.s32 @p1 $0x1400  }
0xbb: {  	[tilespmem:v3+s18+$0x0] =	vst.idx.add.f32.msk @p1 $0xffff, v1;
	s18 =	simm.s32 @p1 $0x1480  }
0xbc: {  	[tilespmem:v3+s18+$0x0] =	vst.idx.add.f32.msk @p1 $0xffff, v2  }
0xbd: {  	v4 =	vld [tilespmem:$0x870];
	_ =	sdelay $0x3  }
0xbe: {  	(xrf2) =	vadd.scan.msk.f32 @!p1 $0xffff, v1  }
0xbf: {  	(v2sf) =	vpush v4, $0x0  }
0xc0: {  	v1 =	vld [tilespmem:$0xC70];
	(v2sf) =	vpush v4, $0xF  }
0xc1: {  	(xrf2) =	vadd.scan.msk.f32 @!p1 $0xffff, v2;
	_ =	sdelay $0x3  }
0xc2: {  	v1 =	vmul.f32 $1.442695020e+00, v1;
	_ =	sdelay $0x1  }
0xc3: {  	(erf) = vpow2.f32 v1;
	v1 =	vld @!p1 [tilespmem:$0x1400]  }
0xc4: {  	v3 =	vbroadcast @!p1 v3, $0x0;
	v2, _, _ =	vpop @!p1 (xrf2)  }
0xc5: {  	v7 =	vlaneseq.u32 @!p1;
	v2 =	vbroadcast @!p1 v2, $0xF  }
0xc6: {  	v5 =	vld @!p1 [tilespmem:$0x1480];
	vm0 =	veq.s32 @!p1 v3, v7  }
0xc7: {  	v6, _, _ =	vpop @!p1 (xrf2);
	v2 =	vnsel @!p1 vm0, $0x0, v2  }
0xc8: {  	v11 =	vld [tilespmem:$0x1070];
	v3 =	vbroadcast @!p1 v6, $0xF;
	v1 =	vadd.f32 @!p1 v1, v2;
	_ =	sdelay $0x1  }
0xc9: {  	v2 =	vnsel @!p1 vm0, $0x0, v3;
	s23 =	spop (v2sf)  }
0xca: {  	v2 =	vadd.f32 @!p1 v5, v2;
	s24 =	spop (v2sf)  }
0xcb: {  	[tilespmem:$0x1400] =	vst @!p1 v1;
	v1 =	vpop (erf);
	p0 =	sne.s32 s23, s24  }
0xcc: {  	[tilespmem:$0x1480] =	vst @!p1 v2;
	v2 =	vmul.f32 v1, v11;
	s18 =	simm.s32 @p0 $0x1400  }
0xcd: {  	[tilespmem:v4+s18+$0x0] =	vst.idx.add.f32.msk @p0 $0xffff, v1;
	s18 =	simm.s32 @p0 $0x1480  }
0xce: {  	[tilespmem:v4+s18+$0x0] =	vst.idx.add.f32.msk @p0 $0xffff, v2  }
0xcf: {  	v3 =	vld [tilespmem:$0x880];
	_ =	sdelay $0x3  }
0xd0: {  	(xrf2) =	vadd.scan.msk.f32 @!p0 $0xffff, v1  }
0xd1: {  	(v2sf) =	vpush v3, $0x0  }
0xd2: {  	v1 =	vld [tilespmem:$0xC80];
	(v2sf) =	vpush v3, $0xF  }
0xd3: {  	(xrf2) =	vadd.scan.msk.f32 @!p0 $0xffff, v2;
	_ =	sdelay $0x3  }
0xd4: {  	v1 =	vmul.f32 $1.442695020e+00, v1;
	_ =	sdelay $0x1  }
0xd5: {  	(erf) = vpow2.f32 v1;
	v1 =	vld @!p0 [tilespmem:$0x1400]  }
0xd6: {  	v4 =	vbroadcast @!p0 v4, $0x0;
	v2, _, _ =	vpop @!p0 (xrf2)  }
0xd7: {  	v7 =	vlaneseq.u32 @!p0;
	v2 =	vbroadcast @!p0 v2, $0xF  }
0xd8: {  	v5 =	vld @!p0 [tilespmem:$0x1480];
	vm0 =	veq.s32 @!p0 v4, v7  }
0xd9: {  	v6, _, _ =	vpop @!p0 (xrf2);
	v2 =	vnsel @!p0 vm0, $0x0, v2  }
0xda: {  	v12 =	vld [tilespmem:$0x1080];
	v4 =	vbroadcast @!p0 v6, $0xF;
	v1 =	vadd.f32 @!p0 v1, v2;
	_ =	sdelay $0x1  }
0xdb: {  	v2 =	vnsel @!p0 vm0, $0x0, v4;
	s25 =	spop (v2sf)  }
0xdc: {  	v2 =	vadd.f32 @!p0 v5, v2;
	s26 =	spop (v2sf)  }
0xdd: {  	[tilespmem:$0x1400] =	vst @!p0 v1;
	v1 =	vpop (erf);
	p1 =	sne.s32 s25, s26  }
0xde: {  	[tilespmem:$0x1480] =	vst @!p0 v2;
	v2 =	vmul.f32 v1, v12;
	s18 =	simm.s32 @p1 $0x1400  }
0xdf: {  	[tilespmem:v3+s18+$0x0] =	vst.idx.add.f32.msk @p1 $0xffff, v1;
	s18 =	simm.s32 @p1 $0x1480  }
0xe0: {  	[tilespmem:v3+s18+$0x0] =	vst.idx.add.f32.msk @p1 $0xffff, v2  }
0xe1: {  	v4 =	vld [tilespmem:$0x890];
	_ =	sdelay $0x3  }
0xe2: {  	(xrf2) =	vadd.scan.msk.f32 @!p1 $0xffff, v1  }
0xe3: {  	(v2sf) =	vpush v4, $0x0  }
0xe4: {  	v1 =	vld [tilespmem:$0xC90];
	(v2sf) =	vpush v4, $0xF  }
0xe5: {  	(xrf2) =	vadd.scan.msk.f32 @!p1 $0xffff, v2;
	_ =	sdelay $0x3  }
0xe6: {  	v1 =	vmul.f32 $1.442695020e+00, v1;
	_ =	sdelay $0x1  }
0xe7: {  	(erf) = vpow2.f32 v1;
	v1 =	vld @!p1 [tilespmem:$0x1400]  }
0xe8: {  	v3 =	vbroadcast @!p1 v3, $0x0;
	v2, _, _ =	vpop @!p1 (xrf2)  }
0xe9: {  	v7 =	vlaneseq.u32 @!p1;
	v2 =	vbroadcast @!p1 v2, $0xF  }
0xea: {  	v5 =	vld @!p1 [tilespmem:$0x1480];
	vm0 =	veq.s32 @!p1 v3, v7  }
0xeb: {  	v6, _, _ =	vpop @!p1 (xrf2);
	v2 =	vnsel @!p1 vm0, $0x0, v2  }
0xec: {  	v13 =	vld [tilespmem:$0x1090];
	v3 =	vbroadcast @!p1 v6, $0xF;
	v1 =	vadd.f32 @!p1 v1, v2;
	_ =	sdelay $0x1  }
0xed: {  	v2 =	vnsel @!p1 vm0, $0x0, v3;
	s28 =	spop (v2sf)  }
0xee: {  	v2 =	vadd.f32 @!p1 v5, v2;
	s29 =	spop (v2sf)  }
0xef: {  	[tilespmem:$0x1400] =	vst @!p1 v1;
	v1 =	vpop (erf);
	p0 =	sne.s32 s28, s29  }
0xf0: {  	[tilespmem:$0x1480] =	vst @!p1 v2;
	v2 =	vmul.f32 v1, v13;
	s18 =	simm.s32 @p0 $0x1400  }
0xf1: {  	[tilespmem:v4+s18+$0x0] =	vst.idx.add.f32.msk @p0 $0xffff, v1;
	s18 =	simm.s32 @p0 $0x1480  }
0xf2: {  	[tilespmem:v4+s18+$0x0] =	vst.idx.add.f32.msk @p0 $0xffff, v2  }
0xf3: {  	v3 =	vld [tilespmem:$0x8A0];
	_ =	sdelay $0x3  }
0xf4: {  	(xrf2) =	vadd.scan.msk.f32 @!p0 $0xffff, v1  }
0xf5: {  	(v2sf) =	vpush v3, $0x0  }
0xf6: {  	v1 =	vld [tilespmem:$0xCA0];
	(v2sf) =	vpush v3, $0xF  }
0xf7: {  	(xrf2) =	vadd.scan.msk.f32 @!p0 $0xffff, v2;
	_ =	sdelay $0x3  }
0xf8: {  	v1 =	vmul.f32 $1.442695020e+00, v1;
	_ =	sdelay $0x1  }
0xf9: {  	(erf) = vpow2.f32 v1;
	v1 =	vld @!p0 [tilespmem:$0x1400]  }
0xfa: {  	v4 =	vbroadcast @!p0 v4, $0x0;
	v2, _, _ =	vpop @!p0 (xrf2)  }
0xfb: {  	v7 =	vlaneseq.u32 @!p0;
	v2 =	vbroadcast @!p0 v2, $0xF  }
0xfc: {  	v5 =	vld @!p0 [tilespmem:$0x1480];
	vm0 =	veq.s32 @!p0 v4, v7  }
0xfd: {  	v6, _, _ =	vpop @!p0 (xrf2);
	v2 =	vnsel @!p0 vm0, $0x0, v2  }
0xfe: {  	v14 =	vld [tilespmem:$0x10A0];
	v4 =	vbroadcast @!p0 v6, $0xF;
	v1 =	vadd.f32 @!p0 v1, v2;
	_ =	sdelay $0x1  }
0xff: {  	v2 =	vnsel @!p0 vm0, $0x0, v4;
	s30 =	spop (v2sf)  }
0x100: {  	v2 =	vadd.f32 @!p0 v5, v2;
	s31 =	spop (v2sf)  }
0x101: {  	[tilespmem:$0x1400] =	vst @!p0 v1;
	v1 =	vpop (erf);
	p1 =	sne.s32 s30, s31  }
0x102: {  	[tilespmem:$0x1480] =	vst @!p0 v2;
	v2 =	vmul.f32 v1, v14;
	s18 =	simm.s32 @p1 $0x1400  }
0x103: {  	[tilespmem:v3+s18+$0x0] =	vst.idx.add.f32.msk @p1 $0xffff, v1;
	s18 =	simm.s32 @p1 $0x1480  }
0x104: {  	[tilespmem:v3+s18+$0x0] =	vst.idx.add.f32.msk @p1 $0xffff, v2  }
0x105: {  	v4 =	vld [tilespmem:$0x8B0];
	_ =	sdelay $0x3  }
0x106: {  	(xrf2) =	vadd.scan.msk.f32 @!p1 $0xffff, v1  }
0x107: {  	(v2sf) =	vpush v4, $0x0  }
0x108: {  	v1 =	vld [tilespmem:$0xCB0];
	(v2sf) =	vpush v4, $0xF  }
0x109: {  	(xrf2) =	vadd.scan.msk.f32 @!p1 $0xffff, v2;
	_ =	sdelay $0x3  }
0x10a: {  	v1 =	vmul.f32 $1.442695020e+00, v1;
	_ =	sdelay $0x1  }
0x10b: {  	(erf) = vpow2.f32 v1;
	v1 =	vld @!p1 [tilespmem:$0x1400]  }
0x10c: {  	v3 =	vbroadcast @!p1 v3, $0x0;
	v2, _, _ =	vpop @!p1 (xrf2)  }
0x10d: {  	v7 =	vlaneseq.u32 @!p1;
	v2 =	vbroadcast @!p1 v2, $0xF  }
0x10e: {  	v5 =	vld @!p1 [tilespmem:$0x1480];
	vm0 =	veq.s32 @!p1 v3, v7  }
0x10f: {  	v6, _, _ =	vpop @!p1 (xrf2);
	v2 =	vnsel @!p1 vm0, $0x0, v2  }
0x110: {  	v15 =	vld [tilespmem:$0x10B0];
	v3 =	vbroadcast @!p1 v6, $0xF;
	v1 =	vadd.f32 @!p1 v1, v2;
	_ =	sdelay $0x1  }
0x111: {  	v2 =	vnsel @!p1 vm0, $0x0, v3;
	s19 =	spop (v2sf)  }
0x112: {  	v2 =	vadd.f32 @!p1 v5, v2;
	s20 =	spop (v2sf)  }
0x113: {  	[tilespmem:$0x1400] =	vst @!p1 v1;
	v1 =	vpop (erf);
	p0 =	sne.s32 s19, s20  }
0x114: {  	[tilespmem:$0x1480] =	vst @!p1 v2;
	v2 =	vmul.f32 v1, v15;
	s18 =	simm.s32 @p0 $0x1400  }
0x115: {  	[tilespmem:v4+s18+$0x0] =	vst.idx.add.f32.msk @p0 $0xffff, v1;
	s18 =	simm.s32 @p0 $0x1480  }
0x116: {  	[tilespmem:v4+s18+$0x0] =	vst.idx.add.f32.msk @p0 $0xffff, v2  }
0x117: {  	v3 =	vld [tilespmem:$0x8C0];
	_ =	sdelay $0x3  }
0x118: {  	(xrf2) =	vadd.scan.msk.f32 @!p0 $0xffff, v1  }
0x119: {  	(v2sf) =	vpush v3, $0x0  }
0x11a: {  	v1 =	vld [tilespmem:$0xCC0];
	(v2sf) =	vpush v3, $0xF  }
0x11b: {  	(xrf2) =	vadd.scan.msk.f32 @!p0 $0xffff, v2;
	_ =	sdelay $0x3  }
0x11c: {  	v1 =	vmul.f32 $1.442695020e+00, v1;
	_ =	sdelay $0x1  }
0x11d: {  	(erf) = vpow2.f32 v1;
	v1 =	vld @!p0 [tilespmem:$0x1400]  }
0x11e: {  	v4 =	vbroadcast @!p0 v4, $0x0;
	v2, _, _ =	vpop @!p0 (xrf2)  }
0x11f: {  	v7 =	vlaneseq.u32 @!p0;
	v2 =	vbroadcast @!p0 v2, $0xF  }
0x120: {  	v5 =	vld @!p0 [tilespmem:$0x1480];
	vm0 =	veq.s32 @!p0 v4, v7  }
0x121: {  	v6, _, _ =	vpop @!p0 (xrf2);
	v2 =	vnsel @!p0 vm0, $0x0, v2  }
0x122: {  	v16 =	vld [tilespmem:$0x10C0];
	v4 =	vbroadcast @!p0 v6, $0xF;
	v1 =	vadd.f32 @!p0 v1, v2;
	_ =	sdelay $0x1  }
0x123: {  	v2 =	vnsel @!p0 vm0, $0x0, v4;
	s21 =	spop (v2sf)  }
0x124: {  	v2 =	vadd.f32 @!p0 v5, v2;
	s22 =	spop (v2sf)  }
0x125: {  	[tilespmem:$0x1400] =	vst @!p0 v1;
	v1 =	vpop (erf);
	p1 =	sne.s32 s21, s22  }
0x126: {  	[tilespmem:$0x1480] =	vst @!p0 v2;
	v2 =	vmul.f32 v1, v16;
	s18 =	simm.s32 @p1 $0x1400  }
0x127: {  	[tilespmem:v3+s18+$0x0] =	vst.idx.add.f32.msk @p1 $0xffff, v1;
	s18 =	simm.s32 @p1 $0x1480  }
0x128: {  	[tilespmem:v3+s18+$0x0] =	vst.idx.add.f32.msk @p1 $0xffff, v2  }
0x129: {  	v4 =	vld [tilespmem:$0x8D0];
	_ =	sdelay $0x3  }
0x12a: {  	(xrf2) =	vadd.scan.msk.f32 @!p1 $0xffff, v1  }
0x12b: {  	(v2sf) =	vpush v4, $0x0  }
0x12c: {  	v1 =	vld [tilespmem:$0xCD0];
	(v2sf) =	vpush v4, $0xF  }
0x12d: {  	(xrf2) =	vadd.scan.msk.f32 @!p1 $0xffff, v2;
	_ =	sdelay $0x3  }
0x12e: {  	v1 =	vmul.f32 $1.442695020e+00, v1;
	_ =	sdelay $0x1  }
0x12f: {  	(erf) = vpow2.f32 v1;
	v1 =	vld @!p1 [tilespmem:$0x1400]  }
0x130: {  	v3 =	vbroadcast @!p1 v3, $0x0;
	v2, _, _ =	vpop @!p1 (xrf2)  }
0x131: {  	v7 =	vlaneseq.u32 @!p1;
	v2 =	vbroadcast @!p1 v2, $0xF  }
0x132: {  	v5 =	vld @!p1 [tilespmem:$0x1480];
	vm0 =	veq.s32 @!p1 v3, v7  }
0x133: {  	v6, _, _ =	vpop @!p1 (xrf2);
	v2 =	vnsel @!p1 vm0, $0x0, v2  }
0x134: {  	v17 =	vld [tilespmem:$0x10D0];
	v3 =	vbroadcast @!p1 v6, $0xF;
	v1 =	vadd.f32 @!p1 v1, v2;
	_ =	sdelay $0x1  }
0x135: {  	v2 =	vnsel @!p1 vm0, $0x0, v3;
	s23 =	spop (v2sf)  }
0x136: {  	v2 =	vadd.f32 @!p1 v5, v2;
	s24 =	spop (v2sf)  }
0x137: {  	[tilespmem:$0x1400] =	vst @!p1 v1;
	v1 =	vpop (erf);
	p2 =	sne.s32 s23, s24  }
0x138: {  	[tilespmem:$0x1480] =	vst @!p1 v2;
	v2 =	vmul.f32 v1, v17;
	s18 =	simm.s32 @p2 $0x1400  }
0x139: {  	[tilespmem:v4+s18+$0x0] =	vst.idx.add.f32.msk @p2 $0xffff, v1;
	s18 =	simm.s32 @p2 $0x1480  }
0x13a: {  	[tilespmem:v4+s18+$0x0] =	vst.idx.add.f32.msk @p2 $0xffff, v2  }
0x13b: {  	v3 =	vld [tilespmem:$0x8E0];
	_ =	sdelay $0x3  }
0x13c: {  	(xrf2) =	vadd.scan.msk.f32 @!p2 $0xffff, v1  }
0x13d: {  	(v2sf) =	vpush v3, $0x0  }
0x13e: {  	v1 =	vld [tilespmem:$0xCE0];
	(v2sf) =	vpush v3, $0xF  }
0x13f: {  	(xrf2) =	vadd.scan.msk.f32 @!p2 $0xffff, v2;
	_ =	sdelay $0x3  }
0x140: {  	v1 =	vmul.f32 $1.442695020e+00, v1;
	_ =	sdelay $0x1  }
0x141: {  	(erf) = vpow2.f32 v1;
	v1 =	vld @!p2 [tilespmem:$0x1400]  }
0x142: {  	v4 =	vbroadcast @!p2 v4, $0x0;
	v2, _, _ =	vpop @!p2 (xrf2)  }
0x143: {  	v7 =	vlaneseq.u32 @!p2;
	v2 =	vbroadcast @!p2 v2, $0xF  }
0x144: {  	v5 =	vld @!p2 [tilespmem:$0x1480];
	vm0 =	veq.s32 @!p2 v4, v7  }
0x145: {  	v6, _, _ =	vpop @!p2 (xrf2);
	v2 =	vnsel @!p2 vm0, $0x0, v2  }
0x146: {  	v18 =	vld [tilespmem:$0x10E0];
	v4 =	vbroadcast @!p2 v6, $0xF;
	v1 =	vadd.f32 @!p2 v1, v2;
	_ =	sdelay $0x1  }
0x147: {  	v2 =	vnsel @!p2 vm0, $0x0, v4;
	s25 =	spop (v2sf)  }
0x148: {  	v2 =	vadd.f32 @!p2 v5, v2;
	s26 =	spop (v2sf)  }
0x149: {  	[tilespmem:$0x1400] =	vst @!p2 v1;
	v1 =	vpop (erf);
	p0 =	sne.s32 s25, s26  }
0x14a: {  	[tilespmem:$0x1480] =	vst @!p2 v2;
	v2 =	vmul.f32 v1, v18;
	s18 =	simm.s32 @p0 $0x1400  }
0x14b: {  	[tilespmem:v3+s18+$0x0] =	vst.idx.add.f32.msk @p0 $0xffff, v1;
	s18 =	simm.s32 @p0 $0x1480  }
0x14c: {  	[tilespmem:v3+s18+$0x0] =	vst.idx.add.f32.msk @p0 $0xffff, v2  }
0x14d: {  	v4 =	vld [tilespmem:$0x8F0];
	_ =	sdelay $0x4  }
0x14e: {  	v19 =	vld [tilespmem:$0xCF0];
	(v2sf) =	vpush v4, $0x0  }
0x14f: {  	(v2sf) =	vpush v4, $0xF;
	_ =	sdelay $0x3  }
0x150: {  	v5 =	vmul.f32 $1.442695020e+00, v19;
	_ =	sdelay $0x1  }
0x151: {  	(xrf2) =	vadd.scan.msk.f32 @!p0 $0xffff, v1;
	(erf) = vpow2.f32 v5  }
0x152: {  	(xrf2) =	vadd.scan.msk.f32 @!p0 $0xffff, v2;
	_ =	sdelay $0x3  }
0x153: {  	v1 =	vld [tilespmem:$0x10F0];
	_ =	sdelay $0x2  }
0x154: {  	s28 =	spop (v2sf)  }
0x155: {  	v2 =	vld @!p0 [tilespmem:$0x1400];
	v5 =	vpop (erf);
	s29 =	spop (v2sf)  }
0x156: {  	v3 =	vbroadcast @!p0 v3, $0x0;
	v7 =	vld @!p0 [tilespmem:$0x1480];
	v6, _, _ =	vpop @!p0 (xrf2);
	v1 =	vmul.f32 v5, v1;
	p1 =	sne.s32 s28, s29  }
0x157: {  	v9 =	vlaneseq.u32 @!p0;
	v8, _, _ =	vpop @!p0 (xrf2);
	v6 =	vbroadcast @!p0 v6, $0xF;
	(xrf2) =	vadd.scan.msk.f32 @!p1 $0xffff, v5  }
0x158: {  	vm0 =	veq.s32 @!p0 v3, v9;
	v3 =	vbroadcast @!p0 v8, $0xF;
	(xrf2) =	vadd.scan.msk.f32 @!p1 $0xffff, v1  }
0x159: {  	v6 =	vnsel @!p0 vm0, $0x0, v6  }
0x15a: {  	v2 =	vadd.f32 @!p0 v2, v6;
	v3 =	vnsel @!p0 vm0, $0x0, v3  }
0x15b: {  	v3 =	vadd.f32 @!p0 v7, v3  }
0x15c: {  	[tilespmem:$0x1400] =	vst @!p0 v2  }
0x15d: {  	[tilespmem:$0x1480] =	vst @!p0 v3;
	s18 =	simm.s32 @p1 $0x1400  }
0x15e: {  	[tilespmem:v4+s18+$0x0] =	vst.idx.add.f32.msk @p1 $0xffff, v5;
	s18 =	simm.s32 @p1 $0x1480  }
0x15f: {  	[tilespmem:v4+s18+$0x0] =	vst.idx.add.f32.msk @p1 $0xffff, v1  }
0x160: {  	v1 =	vld @!p1 [tilespmem:$0x1400]  }
0x161: {  	v3 =	vbroadcast @!p1 v4, $0x0;
	v4 =	vld @!p1 [tilespmem:$0x1480];
	v2, _, _ =	vpop @!p1 (xrf2)  }
0x162: {  	v6 =	vlaneseq.u32 @!p1;
	v5, _, _ =	vpop @!p1 (xrf2);
	v2 =	vbroadcast @!p1 v2, $0xF  }
0x163: {  	vm0 =	veq.s32 @!p1 v3, v6;
	v3 =	vbroadcast @!p1 v5, $0xF  }
0x164: {  	v2 =	vnsel @!p1 vm0, $0x0, v2  }
0x165: {  	v1 =	vadd.f32 @!p1 v1, v2;
	v2 =	vnsel @!p1 vm0, $0x0, v3  }
0x166: {  	v2 =	vadd.f32 @!p1 v4, v2  }
0x167: {  	[tilespmem:$0x1400] =	vst @!p1 v1  }
0x168: {  	[tilespmem:$0x1480] =	vst @!p1 v2  }
0x169: {  	_ =	swait.ge [sflag:s11], $0x100  }
0x16a: {  	[sflag:s11] =	ssyncset.done $0x0  }
0x16b: {  	[sflag:s11] =	ssyncadd.s32 $0xFFFFFF00  }
0x16c: {  	_ =	swait.ge [sflag:s12], $0x100  }
0x16d: {  	[sflag:s12] =	ssyncset.done $0x0  }
0x16e: {  	[sflag:s12] =	ssyncadd.s32 $0xFFFFFF00  }
0x16f: {  	v1 =	vld [tilespmem:$0x900];
	_ =	sdelay $0x4  }
0x170: {  	(v2sf) =	vpush v1, $0x0  }
0x171: {  	v2 =	vld [tilespmem:$0xD00];
	(v2sf) =	vpush v1, $0xF;
	_ =	sdelay $0x4  }
0x172: {  	v2 =	vmul.f32 $1.442695020e+00, v2;
	_ =	sdelay $0x1  }
0x173: {  	(erf) = vpow2.f32 v2;
	_ =	sdelay $0x4  }
0x174: {  	v2 =	vld [tilespmem:$0x1100];
	_ =	sdelay $0x1  }
0x175: {  	s30 =	spop (v2sf)  }
0x176: {  	s31 =	spop (v2sf)  }
0x177: {  	v3 =	vpop (erf);
	p1 =	sne.s32 s30, s31  }
0x178: {  	v2 =	vmul.f32 v3, v2;
	s18 =	simm.s32 @p1 $0x1400  }
0x179: {  	[tilespmem:v1+s18+$0x0] =	vst.idx.add.f32.msk @p1 $0xffff, v3;
	s18 =	simm.s32 @p1 $0x1480  }
0x17a: {  	[tilespmem:v1+s18+$0x0] =	vst.idx.add.f32.msk @p1 $0xffff, v2  }
0x17b: {  	v4 =	vld [tilespmem:$0x910];
	_ =	sdelay $0x3  }
0x17c: {  	(xrf2) =	vadd.scan.msk.f32 @!p1 $0xffff, v3  }
0x17d: {  	(v2sf) =	vpush v4, $0x0  }
0x17e: {  	v3 =	vld [tilespmem:$0xD10];
	(v2sf) =	vpush v4, $0xF  }
0x17f: {  	(xrf2) =	vadd.scan.msk.f32 @!p1 $0xffff, v2;
	_ =	sdelay $0x3  }
0x180: {  	v2 =	vmul.f32 $1.442695020e+00, v3;
	_ =	sdelay $0x1  }
0x181: {  	(erf) = vpow2.f32 v2;
	v2 =	vld @!p1 [tilespmem:$0x1400]  }
0x182: {  	v1 =	vbroadcast @!p1 v1, $0x0;
	v3, _, _ =	vpop @!p1 (xrf2)  }
0x183: {  	v7 =	vlaneseq.u32 @!p1;
	v3 =	vbroadcast @!p1 v3, $0xF  }
0x184: {  	v5 =	vld @!p1 [tilespmem:$0x1480];
	vm0 =	veq.s32 @!p1 v1, v7  }
0x185: {  	v6, _, _ =	vpop @!p1 (xrf2);
	v3 =	vnsel @!p1 vm0, $0x0, v3  }
0x186: {  	v20 =	vld [tilespmem:$0x1110];
	v1 =	vbroadcast @!p1 v6, $0xF;
	v2 =	vadd.f32 @!p1 v2, v3;
	_ =	sdelay $0x1  }
0x187: {  	v1 =	vnsel @!p1 vm0, $0x0, v1;
	s19 =	spop (v2sf)  }
0x188: {  	v1 =	vadd.f32 @!p1 v5, v1;
	s20 =	spop (v2sf)  }
0x189: {  	[tilespmem:$0x1400] =	vst @!p1 v2;
	v2 =	vpop (erf);
	p0 =	sne.s32 s19, s20  }
0x18a: {  	[tilespmem:$0x1480] =	vst @!p1 v1;
	v1 =	vmul.f32 v2, v20;
	s18 =	simm.s32 @p0 $0x1400  }
0x18b: {  	[tilespmem:v4+s18+$0x0] =	vst.idx.add.f32.msk @p0 $0xffff, v2;
	s18 =	simm.s32 @p0 $0x1480  }
0x18c: {  	[tilespmem:v4+s18+$0x0] =	vst.idx.add.f32.msk @p0 $0xffff, v1  }
0x18d: {  	v3 =	vld [tilespmem:$0x920];
	_ =	sdelay $0x3  }
0x18e: {  	(xrf2) =	vadd.scan.msk.f32 @!p0 $0xffff, v2  }
0x18f: {  	(v2sf) =	vpush v3, $0x0  }
0x190: {  	v2 =	vld [tilespmem:$0xD20];
	(v2sf) =	vpush v3, $0xF  }
0x191: {  	(xrf2) =	vadd.scan.msk.f32 @!p0 $0xffff, v1;
	_ =	sdelay $0x3  }
0x192: {  	v1 =	vmul.f32 $1.442695020e+00, v2;
	_ =	sdelay $0x1  }
0x193: {  	(erf) = vpow2.f32 v1;
	v1 =	vld @!p0 [tilespmem:$0x1400]  }
0x194: {  	v4 =	vbroadcast @!p0 v4, $0x0;
	v2, _, _ =	vpop @!p0 (xrf2)  }
0x195: {  	v7 =	vlaneseq.u32 @!p0;
	v2 =	vbroadcast @!p0 v2, $0xF  }
0x196: {  	v5 =	vld @!p0 [tilespmem:$0x1480];
	vm0 =	veq.s32 @!p0 v4, v7  }
0x197: {  	v6, _, _ =	vpop @!p0 (xrf2);
	v2 =	vnsel @!p0 vm0, $0x0, v2  }
0x198: {  	v21 =	vld [tilespmem:$0x1120];
	v4 =	vbroadcast @!p0 v6, $0xF;
	v1 =	vadd.f32 @!p0 v1, v2;
	_ =	sdelay $0x1  }
0x199: {  	v2 =	vnsel @!p0 vm0, $0x0, v4;
	s21 =	spop (v2sf)  }
0x19a: {  	v2 =	vadd.f32 @!p0 v5, v2;
	s22 =	spop (v2sf)  }
0x19b: {  	[tilespmem:$0x1400] =	vst @!p0 v1;
	v1 =	vpop (erf);
	p1 =	sne.s32 s21, s22  }
0x19c: {  	[tilespmem:$0x1480] =	vst @!p0 v2;
	v2 =	vmul.f32 v1, v21;
	s18 =	simm.s32 @p1 $0x1400  }
0x19d: {  	[tilespmem:v3+s18+$0x0] =	vst.idx.add.f32.msk @p1 $0xffff, v1;
	s18 =	simm.s32 @p1 $0x1480  }
0x19e: {  	[tilespmem:v3+s18+$0x0] =	vst.idx.add.f32.msk @p1 $0xffff, v2  }
0x19f: {  	v4 =	vld [tilespmem:$0x930];
	_ =	sdelay $0x3  }
0x1a0: {  	(xrf2) =	vadd.scan.msk.f32 @!p1 $0xffff, v1  }
0x1a1: {  	(v2sf) =	vpush v4, $0x0  }
0x1a2: {  	v1 =	vld [tilespmem:$0xD30];
	(v2sf) =	vpush v4, $0xF  }
0x1a3: {  	(xrf2) =	vadd.scan.msk.f32 @!p1 $0xffff, v2;
	_ =	sdelay $0x3  }
0x1a4: {  	v1 =	vmul.f32 $1.442695020e+00, v1;
	_ =	sdelay $0x1  }
0x1a5: {  	(erf) = vpow2.f32 v1;
	v1 =	vld @!p1 [tilespmem:$0x1400]  }
0x1a6: {  	v3 =	vbroadcast @!p1 v3, $0x0;
	v2, _, _ =	vpop @!p1 (xrf2)  }
0x1a7: {  	v7 =	vlaneseq.u32 @!p1;
	v2 =	vbroadcast @!p1 v2, $0xF  }
0x1a8: {  	v5 =	vld @!p1 [tilespmem:$0x1480];
	vm0 =	veq.s32 @!p1 v3, v7  }
0x1a9: {  	v6, _, _ =	vpop @!p1 (xrf2);
	v2 =	vnsel @!p1 vm0, $0x0, v2  }
0x1aa: {  	v22 =	vld [tilespmem:$0x1130];
	v3 =	vbroadcast @!p1 v6, $0xF;
	v1 =	vadd.f32 @!p1 v1, v2;
	_ =	sdelay $0x1  }
0x1ab: {  	v2 =	vnsel @!p1 vm0, $0x0, v3;
	s23 =	spop (v2sf)  }
0x1ac: {  	v2 =	vadd.f32 @!p1 v5, v2;
	s24 =	spop (v2sf)  }
0x1ad: {  	[tilespmem:$0x1400] =	vst @!p1 v1;
	v1 =	vpop (erf);
	p0 =	sne.s32 s23, s24  }
0x1ae: {  	[tilespmem:$0x1480] =	vst @!p1 v2;
	v2 =	vmul.f32 v1, v22;
	s18 =	simm.s32 @p0 $0x1400  }
0x1af: {  	[tilespmem:v4+s18+$0x0] =	vst.idx.add.f32.msk @p0 $0xffff, v1;
	s18 =	simm.s32 @p0 $0x1480  }
0x1b0: {  	[tilespmem:v4+s18+$0x0] =	vst.idx.add.f32.msk @p0 $0xffff, v2  }
0x1b1: {  	v3 =	vld [tilespmem:$0x940];
	_ =	sdelay $0x3  }
0x1b2: {  	(xrf2) =	vadd.scan.msk.f32 @!p0 $0xffff, v1  }
0x1b3: {  	(v2sf) =	vpush v3, $0x0  }
0x1b4: {  	v1 =	vld [tilespmem:$0xD40];
	(v2sf) =	vpush v3, $0xF  }
0x1b5: {  	(xrf2) =	vadd.scan.msk.f32 @!p0 $0xffff, v2;
	_ =	sdelay $0x3  }
0x1b6: {  	v1 =	vmul.f32 $1.442695020e+00, v1;
	_ =	sdelay $0x1  }
0x1b7: {  	(erf) = vpow2.f32 v1;
	v1 =	vld @!p0 [tilespmem:$0x1400]  }
0x1b8: {  	v4 =	vbroadcast @!p0 v4, $0x0;
	v2, _, _ =	vpop @!p0 (xrf2)  }
0x1b9: {  	v7 =	vlaneseq.u32 @!p0;
	v2 =	vbroadcast @!p0 v2, $0xF  }
0x1ba: {  	v5 =	vld @!p0 [tilespmem:$0x1480];
	vm0 =	veq.s32 @!p0 v4, v7  }
0x1bb: {  	v6, _, _ =	vpop @!p0 (xrf2);
	v2 =	vnsel @!p0 vm0, $0x0, v2  }
0x1bc: {  	v23 =	vld [tilespmem:$0x1140];
	v4 =	vbroadcast @!p0 v6, $0xF;
	v1 =	vadd.f32 @!p0 v1, v2;
	_ =	sdelay $0x1  }
0x1bd: {  	v2 =	vnsel @!p0 vm0, $0x0, v4;
	s25 =	spop (v2sf)  }
0x1be: {  	v2 =	vadd.f32 @!p0 v5, v2;
	s26 =	spop (v2sf)  }
0x1bf: {  	[tilespmem:$0x1400] =	vst @!p0 v1;
	v1 =	vpop (erf);
	p1 =	sne.s32 s25, s26  }
0x1c0: {  	[tilespmem:$0x1480] =	vst @!p0 v2;
	v2 =	vmul.f32 v1, v23;
	s18 =	simm.s32 @p1 $0x1400  }
0x1c1: {  	[tilespmem:v3+s18+$0x0] =	vst.idx.add.f32.msk @p1 $0xffff, v1;
	s18 =	simm.s32 @p1 $0x1480  }
0x1c2: {  	[tilespmem:v3+s18+$0x0] =	vst.idx.add.f32.msk @p1 $0xffff, v2  }
0x1c3: {  	v4 =	vld [tilespmem:$0x950];
	_ =	sdelay $0x3  }
0x1c4: {  	(xrf2) =	vadd.scan.msk.f32 @!p1 $0xffff, v1  }
0x1c5: {  	(v2sf) =	vpush v4, $0x0  }
0x1c6: {  	v1 =	vld [tilespmem:$0xD50];
	(v2sf) =	vpush v4, $0xF  }
0x1c7: {  	(xrf2) =	vadd.scan.msk.f32 @!p1 $0xffff, v2;
	_ =	sdelay $0x3  }
0x1c8: {  	v1 =	vmul.f32 $1.442695020e+00, v1;
	_ =	sdelay $0x1  }
0x1c9: {  	(erf) = vpow2.f32 v1;
	v1 =	vld @!p1 [tilespmem:$0x1400]  }
0x1ca: {  	v3 =	vbroadcast @!p1 v3, $0x0;
	v2, _, _ =	vpop @!p1 (xrf2)  }
0x1cb: {  	v7 =	vlaneseq.u32 @!p1;
	v2 =	vbroadcast @!p1 v2, $0xF  }
0x1cc: {  	v5 =	vld @!p1 [tilespmem:$0x1480];
	vm0 =	veq.s32 @!p1 v3, v7  }
0x1cd: {  	v6, _, _ =	vpop @!p1 (xrf2);
	v2 =	vnsel @!p1 vm0, $0x0, v2  }
0x1ce: {  	v24 =	vld [tilespmem:$0x1150];
	v3 =	vbroadcast @!p1 v6, $0xF;
	v1 =	vadd.f32 @!p1 v1, v2;
	_ =	sdelay $0x1  }
0x1cf: {  	v2 =	vnsel @!p1 vm0, $0x0, v3;
	s28 =	spop (v2sf)  }
0x1d0: {  	v2 =	vadd.f32 @!p1 v5, v2;
	s29 =	spop (v2sf)  }
0x1d1: {  	[tilespmem:$0x1400] =	vst @!p1 v1;
	v1 =	vpop (erf);
	p0 =	sne.s32 s28, s29  }
0x1d2: {  	[tilespmem:$0x1480] =	vst @!p1 v2;
	v2 =	vmul.f32 v1, v24;
	s18 =	simm.s32 @p0 $0x1400  }
0x1d3: {  	[tilespmem:v4+s18+$0x0] =	vst.idx.add.f32.msk @p0 $0xffff, v1;
	s18 =	simm.s32 @p0 $0x1480  }
0x1d4: {  	[tilespmem:v4+s18+$0x0] =	vst.idx.add.f32.msk @p0 $0xffff, v2  }
0x1d5: {  	v3 =	vld [tilespmem:$0x960];
	_ =	sdelay $0x3  }
0x1d6: {  	(xrf2) =	vadd.scan.msk.f32 @!p0 $0xffff, v1  }
0x1d7: {  	(v2sf) =	vpush v3, $0x0  }
0x1d8: {  	v1 =	vld [tilespmem:$0xD60];
	(v2sf) =	vpush v3, $0xF  }
0x1d9: {  	(xrf2) =	vadd.scan.msk.f32 @!p0 $0xffff, v2;
	_ =	sdelay $0x3  }
0x1da: {  	v1 =	vmul.f32 $1.442695020e+00, v1;
	_ =	sdelay $0x1  }
0x1db: {  	(erf) = vpow2.f32 v1;
	v1 =	vld @!p0 [tilespmem:$0x1400]  }
0x1dc: {  	v4 =	vbroadcast @!p0 v4, $0x0;
	v2, _, _ =	vpop @!p0 (xrf2)  }
0x1dd: {  	v7 =	vlaneseq.u32 @!p0;
	v2 =	vbroadcast @!p0 v2, $0xF  }
0x1de: {  	v5 =	vld @!p0 [tilespmem:$0x1480];
	vm0 =	veq.s32 @!p0 v4, v7  }
0x1df: {  	v6, _, _ =	vpop @!p0 (xrf2);
	v2 =	vnsel @!p0 vm0, $0x0, v2  }
0x1e0: {  	v25 =	vld [tilespmem:$0x1160];
	v4 =	vbroadcast @!p0 v6, $0xF;
	v1 =	vadd.f32 @!p0 v1, v2;
	_ =	sdelay $0x1  }
0x1e1: {  	v2 =	vnsel @!p0 vm0, $0x0, v4;
	s30 =	spop (v2sf)  }
0x1e2: {  	v2 =	vadd.f32 @!p0 v5, v2;
	s31 =	spop (v2sf)  }
0x1e3: {  	[tilespmem:$0x1400] =	vst @!p0 v1;
	v1 =	vpop (erf);
	p1 =	sne.s32 s30, s31  }
0x1e4: {  	[tilespmem:$0x1480] =	vst @!p0 v2;
	v2 =	vmul.f32 v1, v25;
	s18 =	simm.s32 @p1 $0x1400  }
0x1e5: {  	[tilespmem:v3+s18+$0x0] =	vst.idx.add.f32.msk @p1 $0xffff, v1;
	s18 =	simm.s32 @p1 $0x1480  }
0x1e6: {  	[tilespmem:v3+s18+$0x0] =	vst.idx.add.f32.msk @p1 $0xffff, v2  }
0x1e7: {  	v4 =	vld [tilespmem:$0x970];
	_ =	sdelay $0x3  }
0x1e8: {  	(xrf2) =	vadd.scan.msk.f32 @!p1 $0xffff, v1  }
0x1e9: {  	(v2sf) =	vpush v4, $0x0  }
0x1ea: {  	v1 =	vld [tilespmem:$0xD70];
	(v2sf) =	vpush v4, $0xF  }
0x1eb: {  	(xrf2) =	vadd.scan.msk.f32 @!p1 $0xffff, v2;
	_ =	sdelay $0x3  }
0x1ec: {  	v1 =	vmul.f32 $1.442695020e+00, v1;
	_ =	sdelay $0x1  }
0x1ed: {  	(erf) = vpow2.f32 v1;
	v1 =	vld @!p1 [tilespmem:$0x1400]  }
0x1ee: {  	v3 =	vbroadcast @!p1 v3, $0x0;
	v2, _, _ =	vpop @!p1 (xrf2)  }
0x1ef: {  	v7 =	vlaneseq.u32 @!p1;
	v2 =	vbroadcast @!p1 v2, $0xF  }
0x1f0: {  	v5 =	vld @!p1 [tilespmem:$0x1480];
	vm0 =	veq.s32 @!p1 v3, v7  }
0x1f1: {  	v6, _, _ =	vpop @!p1 (xrf2);
	v2 =	vnsel @!p1 vm0, $0x0, v2  }
0x1f2: {  	v26 =	vld [tilespmem:$0x1170];
	v3 =	vbroadcast @!p1 v6, $0xF;
	v1 =	vadd.f32 @!p1 v1, v2;
	_ =	sdelay $0x1  }
0x1f3: {  	v2 =	vnsel @!p1 vm0, $0x0, v3;
	s19 =	spop (v2sf)  }
0x1f4: {  	v2 =	vadd.f32 @!p1 v5, v2;
	s20 =	spop (v2sf)  }
0x1f5: {  	[tilespmem:$0x1400] =	vst @!p1 v1;
	v1 =	vpop (erf);
	p0 =	sne.s32 s19, s20  }
0x1f6: {  	[tilespmem:$0x1480] =	vst @!p1 v2;
	v2 =	vmul.f32 v1, v26;
	s18 =	simm.s32 @p0 $0x1400  }
0x1f7: {  	[tilespmem:v4+s18+$0x0] =	vst.idx.add.f32.msk @p0 $0xffff, v1;
	s18 =	simm.s32 @p0 $0x1480  }
0x1f8: {  	[tilespmem:v4+s18+$0x0] =	vst.idx.add.f32.msk @p0 $0xffff, v2  }
0x1f9: {  	v3 =	vld [tilespmem:$0x980];
	_ =	sdelay $0x3  }
0x1fa: {  	(xrf2) =	vadd.scan.msk.f32 @!p0 $0xffff, v1  }
0x1fb: {  	(v2sf) =	vpush v3, $0x0  }
0x1fc: {  	v1 =	vld [tilespmem:$0xD80];
	(v2sf) =	vpush v3, $0xF  }
0x1fd: {  	(xrf2) =	vadd.scan.msk.f32 @!p0 $0xffff, v2;
	_ =	sdelay $0x3  }
0x1fe: {  	v1 =	vmul.f32 $1.442695020e+00, v1;
	_ =	sdelay $0x1  }
0x1ff: {  	(erf) = vpow2.f32 v1;
	v1 =	vld @!p0 [tilespmem:$0x1400]  }
0x200: {  	v4 =	vbroadcast @!p0 v4, $0x0;
	v2, _, _ =	vpop @!p0 (xrf2)  }
0x201: {  	v7 =	vlaneseq.u32 @!p0;
	v2 =	vbroadcast @!p0 v2, $0xF  }
0x202: {  	v5 =	vld @!p0 [tilespmem:$0x1480];
	vm0 =	veq.s32 @!p0 v4, v7  }
0x203: {  	v6, _, _ =	vpop @!p0 (xrf2);
	v2 =	vnsel @!p0 vm0, $0x0, v2  }
0x204: {  	v27 =	vld [tilespmem:$0x1180];
	v4 =	vbroadcast @!p0 v6, $0xF;
	v1 =	vadd.f32 @!p0 v1, v2;
	_ =	sdelay $0x1  }
0x205: {  	v2 =	vnsel @!p0 vm0, $0x0, v4;
	s21 =	spop (v2sf)  }
0x206: {  	v2 =	vadd.f32 @!p0 v5, v2;
	s22 =	spop (v2sf)  }
0x207: {  	[tilespmem:$0x1400] =	vst @!p0 v1;
	v1 =	vpop (erf);
	p1 =	sne.s32 s21, s22  }
0x208: {  	[tilespmem:$0x1480] =	vst @!p0 v2;
	v2 =	vmul.f32 v1, v27;
	s18 =	simm.s32 @p1 $0x1400  }
0x209: {  	[tilespmem:v3+s18+$0x0] =	vst.idx.add.f32.msk @p1 $0xffff, v1;
	s18 =	simm.s32 @p1 $0x1480  }
0x20a: {  	[tilespmem:v3+s18+$0x0] =	vst.idx.add.f32.msk @p1 $0xffff, v2  }
0x20b: {  	v4 =	vld [tilespmem:$0x990];
	_ =	sdelay $0x3  }
0x20c: {  	(xrf2) =	vadd.scan.msk.f32 @!p1 $0xffff, v1  }
0x20d: {  	(v2sf) =	vpush v4, $0x0  }
0x20e: {  	v1 =	vld [tilespmem:$0xD90];
	(v2sf) =	vpush v4, $0xF  }
0x20f: {  	(xrf2) =	vadd.scan.msk.f32 @!p1 $0xffff, v2;
	_ =	sdelay $0x3  }
0x210: {  	v1 =	vmul.f32 $1.442695020e+00, v1;
	_ =	sdelay $0x1  }
0x211: {  	(erf) = vpow2.f32 v1;
	v1 =	vld @!p1 [tilespmem:$0x1400]  }
0x212: {  	v3 =	vbroadcast @!p1 v3, $0x0;
	v2, _, _ =	vpop @!p1 (xrf2)  }
0x213: {  	v7 =	vlaneseq.u32 @!p1;
	v2 =	vbroadcast @!p1 v2, $0xF  }
0x214: {  	v5 =	vld @!p1 [tilespmem:$0x1480];
	vm0 =	veq.s32 @!p1 v3, v7  }
0x215: {  	v6, _, _ =	vpop @!p1 (xrf2);
	v2 =	vnsel @!p1 vm0, $0x0, v2  }
0x216: {  	v28 =	vld [tilespmem:$0x1190];
	v3 =	vbroadcast @!p1 v6, $0xF;
	v1 =	vadd.f32 @!p1 v1, v2;
	_ =	sdelay $0x1  }
0x217: {  	v2 =	vnsel @!p1 vm0, $0x0, v3;
	s23 =	spop (v2sf)  }
0x218: {  	v2 =	vadd.f32 @!p1 v5, v2;
	s24 =	spop (v2sf)  }
0x219: {  	[tilespmem:$0x1400] =	vst @!p1 v1;
	v1 =	vpop (erf);
	p0 =	sne.s32 s23, s24  }
0x21a: {  	[tilespmem:$0x1480] =	vst @!p1 v2;
	v2 =	vmul.f32 v1, v28;
	s18 =	simm.s32 @p0 $0x1400  }
0x21b: {  	[tilespmem:v4+s18+$0x0] =	vst.idx.add.f32.msk @p0 $0xffff, v1;
	s18 =	simm.s32 @p0 $0x1480  }
0x21c: {  	[tilespmem:v4+s18+$0x0] =	vst.idx.add.f32.msk @p0 $0xffff, v2  }
0x21d: {  	v3 =	vld [tilespmem:$0x9A0];
	_ =	sdelay $0x3  }
0x21e: {  	(xrf2) =	vadd.scan.msk.f32 @!p0 $0xffff, v1  }
0x21f: {  	(v2sf) =	vpush v3, $0x0  }
0x220: {  	v1 =	vld [tilespmem:$0xDA0];
	(v2sf) =	vpush v3, $0xF  }
0x221: {  	(xrf2) =	vadd.scan.msk.f32 @!p0 $0xffff, v2;
	_ =	sdelay $0x3  }
0x222: {  	v1 =	vmul.f32 $1.442695020e+00, v1;
	_ =	sdelay $0x1  }
0x223: {  	(erf) = vpow2.f32 v1;
	v1 =	vld @!p0 [tilespmem:$0x1400]  }
0x224: {  	v4 =	vbroadcast @!p0 v4, $0x0;
	v2, _, _ =	vpop @!p0 (xrf2)  }
0x225: {  	v7 =	vlaneseq.u32 @!p0;
	v2 =	vbroadcast @!p0 v2, $0xF  }
0x226: {  	v5 =	vld @!p0 [tilespmem:$0x1480];
	vm0 =	veq.s32 @!p0 v4, v7  }
0x227: {  	v6, _, _ =	vpop @!p0 (xrf2);
	v2 =	vnsel @!p0 vm0, $0x0, v2  }
0x228: {  	v29 =	vld [tilespmem:$0x11A0];
	v4 =	vbroadcast @!p0 v6, $0xF;
	v1 =	vadd.f32 @!p0 v1, v2;
	_ =	sdelay $0x1  }
0x229: {  	v2 =	vnsel @!p0 vm0, $0x0, v4;
	s25 =	spop (v2sf)  }
0x22a: {  	v2 =	vadd.f32 @!p0 v5, v2;
	s26 =	spop (v2sf)  }
0x22b: {  	[tilespmem:$0x1400] =	vst @!p0 v1;
	v1 =	vpop (erf);
	p1 =	sne.s32 s25, s26  }
0x22c: {  	[tilespmem:$0x1480] =	vst @!p0 v2;
	v2 =	vmul.f32 v1, v29;
	s18 =	simm.s32 @p1 $0x1400  }
0x22d: {  	[tilespmem:v3+s18+$0x0] =	vst.idx.add.f32.msk @p1 $0xffff, v1;
	s18 =	simm.s32 @p1 $0x1480  }
0x22e: {  	[tilespmem:v3+s18+$0x0] =	vst.idx.add.f32.msk @p1 $0xffff, v2  }
0x22f: {  	v4 =	vld [tilespmem:$0x9B0];
	_ =	sdelay $0x3  }
0x230: {  	(xrf2) =	vadd.scan.msk.f32 @!p1 $0xffff, v1  }
0x231: {  	(v2sf) =	vpush v4, $0x0  }
0x232: {  	v1 =	vld [tilespmem:$0xDB0];
	(v2sf) =	vpush v4, $0xF  }
0x233: {  	(xrf2) =	vadd.scan.msk.f32 @!p1 $0xffff, v2;
	_ =	sdelay $0x3  }
0x234: {  	v1 =	vmul.f32 $1.442695020e+00, v1;
	_ =	sdelay $0x1  }
0x235: {  	(erf) = vpow2.f32 v1;
	v1 =	vld @!p1 [tilespmem:$0x1400]  }
0x236: {  	v3 =	vbroadcast @!p1 v3, $0x0;
	v2, _, _ =	vpop @!p1 (xrf2)  }
0x237: {  	v7 =	vlaneseq.u32 @!p1;
	v2 =	vbroadcast @!p1 v2, $0xF  }
0x238: {  	v5 =	vld @!p1 [tilespmem:$0x1480];
	vm0 =	veq.s32 @!p1 v3, v7  }
0x239: {  	v6, _, _ =	vpop @!p1 (xrf2);
	v2 =	vnsel @!p1 vm0, $0x0, v2  }
0x23a: {  	v30 =	vld [tilespmem:$0x11B0];
	v3 =	vbroadcast @!p1 v6, $0xF;
	v1 =	vadd.f32 @!p1 v1, v2;
	_ =	sdelay $0x1  }
0x23b: {  	v2 =	vnsel @!p1 vm0, $0x0, v3;
	s28 =	spop (v2sf)  }
0x23c: {  	v2 =	vadd.f32 @!p1 v5, v2;
	s29 =	spop (v2sf)  }
0x23d: {  	[tilespmem:$0x1400] =	vst @!p1 v1;
	v1 =	vpop (erf);
	p0 =	sne.s32 s28, s29  }
0x23e: {  	[tilespmem:$0x1480] =	vst @!p1 v2;
	v2 =	vmul.f32 v1, v30;
	s18 =	simm.s32 @p0 $0x1400  }
0x23f: {  	[tilespmem:v4+s18+$0x0] =	vst.idx.add.f32.msk @p0 $0xffff, v1;
	s18 =	simm.s32 @p0 $0x1480  }
0x240: {  	[tilespmem:v4+s18+$0x0] =	vst.idx.add.f32.msk @p0 $0xffff, v2  }
0x241: {  	v3 =	vld [tilespmem:$0x9C0];
	_ =	sdelay $0x3  }
0x242: {  	(xrf2) =	vadd.scan.msk.f32 @!p0 $0xffff, v1  }
0x243: {  	(v2sf) =	vpush v3, $0x0  }
0x244: {  	v1 =	vld [tilespmem:$0xDC0];
	(v2sf) =	vpush v3, $0xF  }
0x245: {  	(xrf2) =	vadd.scan.msk.f32 @!p0 $0xffff, v2;
	_ =	sdelay $0x3  }
0x246: {  	v1 =	vmul.f32 $1.442695020e+00, v1;
	_ =	sdelay $0x1  }
0x247: {  	(erf) = vpow2.f32 v1;
	v1 =	vld @!p0 [tilespmem:$0x1400]  }
0x248: {  	v4 =	vbroadcast @!p0 v4, $0x0;
	v2, _, _ =	vpop @!p0 (xrf2)  }
0x249: {  	v7 =	vlaneseq.u32 @!p0;
	v2 =	vbroadcast @!p0 v2, $0xF  }
0x24a: {  	v5 =	vld @!p0 [tilespmem:$0x1480];
	vm0 =	veq.s32 @!p0 v4, v7  }
0x24b: {  	v6, _, _ =	vpop @!p0 (xrf2);
	v2 =	vnsel @!p0 vm0, $0x0, v2  }
0x24c: {  	v31 =	vld [tilespmem:$0x11C0];
	v4 =	vbroadcast @!p0 v6, $0xF;
	v1 =	vadd.f32 @!p0 v1, v2;
	_ =	sdelay $0x1  }
0x24d: {  	v2 =	vnsel @!p0 vm0, $0x0, v4;
	s30 =	spop (v2sf)  }
0x24e: {  	v2 =	vadd.f32 @!p0 v5, v2;
	s31 =	spop (v2sf)  }
0x24f: {  	[tilespmem:$0x1400] =	vst @!p0 v1;
	v1 =	vpop (erf);
	p1 =	sne.s32 s30, s31  }
0x250: {  	[tilespmem:$0x1480] =	vst @!p0 v2;
	v2 =	vmul.f32 v1, v31;
	s18 =	simm.s32 @p1 $0x1400  }
0x251: {  	[tilespmem:v3+s18+$0x0] =	vst.idx.add.f32.msk @p1 $0xffff, v1;
	s18 =	simm.s32 @p1 $0x1480  }
0x252: {  	[tilespmem:v3+s18+$0x0] =	vst.idx.add.f32.msk @p1 $0xffff, v2  }
0x253: {  	v4 =	vld [tilespmem:$0x9D0];
	_ =	sdelay $0x3  }
0x254: {  	(xrf2) =	vadd.scan.msk.f32 @!p1 $0xffff, v1  }
0x255: {  	(v2sf) =	vpush v4, $0x0  }
0x256: {  	v1 =	vld [tilespmem:$0xDD0];
	(v2sf) =	vpush v4, $0xF  }
0x257: {  	(xrf2) =	vadd.scan.msk.f32 @!p1 $0xffff, v2;
	_ =	sdelay $0x3  }
0x258: {  	v1 =	vmul.f32 $1.442695020e+00, v1;
	_ =	sdelay $0x1  }
0x259: {  	(erf) = vpow2.f32 v1;
	v1 =	vld @!p1 [tilespmem:$0x1400]  }
0x25a: {  	v3 =	vbroadcast @!p1 v3, $0x0;
	v2, _, _ =	vpop @!p1 (xrf2)  }
0x25b: {  	v7 =	vlaneseq.u32 @!p1;
	v2 =	vbroadcast @!p1 v2, $0xF  }
0x25c: {  	v5 =	vld @!p1 [tilespmem:$0x1480];
	vm0 =	veq.s32 @!p1 v3, v7  }
0x25d: {  	v6, _, _ =	vpop @!p1 (xrf2);
	v2 =	vnsel @!p1 vm0, $0x0, v2  }
0x25e: {  	v32 =	vld [tilespmem:$0x11D0];
	v3 =	vbroadcast @!p1 v6, $0xF;
	v1 =	vadd.f32 @!p1 v1, v2;
	_ =	sdelay $0x1  }
0x25f: {  	v2 =	vnsel @!p1 vm0, $0x0, v3;
	s19 =	spop (v2sf)  }
0x260: {  	v2 =	vadd.f32 @!p1 v5, v2;
	s20 =	spop (v2sf)  }
0x261: {  	[tilespmem:$0x1400] =	vst @!p1 v1;
	v1 =	vpop (erf);
	p2 =	sne.s32 s19, s20  }
0x262: {  	[tilespmem:$0x1480] =	vst @!p1 v2;
	v2 =	vmul.f32 v1, v32;
	s18 =	simm.s32 @p2 $0x1400  }
0x263: {  	[tilespmem:v4+s18+$0x0] =	vst.idx.add.f32.msk @p2 $0xffff, v1;
	s18 =	simm.s32 @p2 $0x1480  }
0x264: {  	[tilespmem:v4+s18+$0x0] =	vst.idx.add.f32.msk @p2 $0xffff, v2  }
0x265: {  	v3 =	vld [tilespmem:$0x9E0];
	_ =	sdelay $0x3  }
0x266: {  	(xrf2) =	vadd.scan.msk.f32 @!p2 $0xffff, v1  }
0x267: {  	(v2sf) =	vpush v3, $0x0  }
0x268: {  	v1 =	vld [tilespmem:$0xDE0];
	(v2sf) =	vpush v3, $0xF  }
0x269: {  	(xrf2) =	vadd.scan.msk.f32 @!p2 $0xffff, v2;
	_ =	sdelay $0x3  }
0x26a: {  	v1 =	vmul.f32 $1.442695020e+00, v1;
	_ =	sdelay $0x1  }
0x26b: {  	(erf) = vpow2.f32 v1;
	v1 =	vld @!p2 [tilespmem:$0x1400]  }
0x26c: {  	v4 =	vbroadcast @!p2 v4, $0x0;
	v2, _, _ =	vpop @!p2 (xrf2)  }
0x26d: {  	v7 =	vlaneseq.u32 @!p2;
	v2 =	vbroadcast @!p2 v2, $0xF  }
0x26e: {  	v5 =	vld @!p2 [tilespmem:$0x1480];
	vm0 =	veq.s32 @!p2 v4, v7  }
0x26f: {  	v6, _, _ =	vpop @!p2 (xrf2);
	v2 =	vnsel @!p2 vm0, $0x0, v2  }
0x270: {  	v33 =	vld [tilespmem:$0x11E0];
	v4 =	vbroadcast @!p2 v6, $0xF;
	v1 =	vadd.f32 @!p2 v1, v2;
	_ =	sdelay $0x1  }
0x271: {  	v2 =	vnsel @!p2 vm0, $0x0, v4;
	s21 =	spop (v2sf)  }
0x272: {  	v2 =	vadd.f32 @!p2 v5, v2;
	s22 =	spop (v2sf)  }
0x273: {  	[tilespmem:$0x1400] =	vst @!p2 v1;
	v1 =	vpop (erf);
	p0 =	sne.s32 s21, s22  }
0x274: {  	[tilespmem:$0x1480] =	vst @!p2 v2;
	v2 =	vmul.f32 v1, v33;
	s18 =	simm.s32 @p0 $0x1400  }
0x275: {  	[tilespmem:v3+s18+$0x0] =	vst.idx.add.f32.msk @p0 $0xffff, v1;
	s18 =	simm.s32 @p0 $0x1480  }
0x276: {  	[tilespmem:v3+s18+$0x0] =	vst.idx.add.f32.msk @p0 $0xffff, v2  }
0x277: {  	v4 =	vld [tilespmem:$0x9F0];
	_ =	sdelay $0x4  }
0x278: {  	v34 =	vld [tilespmem:$0xDF0];
	(v2sf) =	vpush v4, $0x0  }
0x279: {  	(v2sf) =	vpush v4, $0xF;
	_ =	sdelay $0x3  }
0x27a: {  	v5 =	vmul.f32 $1.442695020e+00, v34;
	_ =	sdelay $0x1  }
0x27b: {  	(xrf2) =	vadd.scan.msk.f32 @!p0 $0xffff, v1;
	(erf) = vpow2.f32 v5  }
0x27c: {  	(xrf2) =	vadd.scan.msk.f32 @!p0 $0xffff, v2;
	_ =	sdelay $0x3  }
0x27d: {  	v1 =	vld [tilespmem:$0x11F0];
	_ =	sdelay $0x2  }
0x27e: {  	s23 =	spop (v2sf)  }
0x27f: {  	v2 =	vld @!p0 [tilespmem:$0x1400];
	v5 =	vpop (erf);
	s24 =	spop (v2sf)  }
0x280: {  	v3 =	vbroadcast @!p0 v3, $0x0;
	v7 =	vld @!p0 [tilespmem:$0x1480];
	v6, _, _ =	vpop @!p0 (xrf2);
	v1 =	vmul.f32 v5, v1;
	p1 =	sne.s32 s23, s24  }
0x281: {  	v9 =	vlaneseq.u32 @!p0;
	v8, _, _ =	vpop @!p0 (xrf2);
	v6 =	vbroadcast @!p0 v6, $0xF;
	(xrf2) =	vadd.scan.msk.f32 @!p1 $0xffff, v5  }
0x282: {  	vm0 =	veq.s32 @!p0 v3, v9;
	v3 =	vbroadcast @!p0 v8, $0xF;
	(xrf2) =	vadd.scan.msk.f32 @!p1 $0xffff, v1  }
0x283: {  	v6 =	vnsel @!p0 vm0, $0x0, v6  }
0x284: {  	v2 =	vadd.f32 @!p0 v2, v6;
	v3 =	vnsel @!p0 vm0, $0x0, v3  }
0x285: {  	v3 =	vadd.f32 @!p0 v7, v3  }
0x286: {  	[tilespmem:$0x1400] =	vst @!p0 v2  }
0x287: {  	[tilespmem:$0x1480] =	vst @!p0 v3;
	s18 =	simm.s32 @p1 $0x1400  }
0x288: {  	[tilespmem:v4+s18+$0x0] =	vst.idx.add.f32.msk @p1 $0xffff, v5;
	s18 =	simm.s32 @p1 $0x1480  }
0x289: {  	[tilespmem:v4+s18+$0x0] =	vst.idx.add.f32.msk @p1 $0xffff, v1  }
0x28a: {  	v1 =	vld @!p1 [tilespmem:$0x1400]  }
0x28b: {  	v3 =	vbroadcast @!p1 v4, $0x0;
	v4 =	vld @!p1 [tilespmem:$0x1480];
	v2, _, _ =	vpop @!p1 (xrf2)  }
0x28c: {  	v6 =	vlaneseq.u32 @!p1;
	v5, _, _ =	vpop @!p1 (xrf2);
	v2 =	vbroadcast @!p1 v2, $0xF  }
0x28d: {  	vm0 =	veq.s32 @!p1 v3, v6;
	v3 =	vbroadcast @!p1 v5, $0xF  }
0x28e: {  	v2 =	vnsel @!p1 vm0, $0x0, v2  }
0x28f: {  	v1 =	vadd.f32 @!p1 v1, v2;
	v2 =	vnsel @!p1 vm0, $0x0, v3  }
0x290: {  	v2 =	vadd.f32 @!p1 v4, v2  }
0x291: {  	[tilespmem:$0x1400] =	vst @!p1 v1  }
0x292: {  	[tilespmem:$0x1480] =	vst @!p1 v2  }
0x293: {  	_ =	swait.ge [sflag:s13], $0x100  }
0x294: {  	[sflag:s13] =	ssyncset.done $0x0  }
0x295: {  	[sflag:s13] =	ssyncadd.s32 $0xFFFFFF00  }
0x296: {  	_ =	swait.ge [sflag:s14], $0x100  }
0x297: {  	[sflag:s14] =	ssyncset.done $0x0  }
0x298: {  	[sflag:s14] =	ssyncadd.s32 $0xFFFFFF00  }
0x299: {  	v1 =	vld [tilespmem:$0xA00];
	_ =	sdelay $0x4  }
0x29a: {  	(v2sf) =	vpush v1, $0x0  }
0x29b: {  	v2 =	vld [tilespmem:$0xE00];
	(v2sf) =	vpush v1, $0xF;
	_ =	sdelay $0x4  }
0x29c: {  	v2 =	vmul.f32 $1.442695020e+00, v2;
	_ =	sdelay $0x1  }
0x29d: {  	(erf) = vpow2.f32 v2;
	_ =	sdelay $0x4  }
0x29e: {  	v2 =	vld [tilespmem:$0x1200];
	_ =	sdelay $0x1  }
0x29f: {  	s25 =	spop (v2sf)  }
0x2a0: {  	s26 =	spop (v2sf)  }
0x2a1: {  	v3 =	vpop (erf);
	p1 =	sne.s32 s25, s26  }
0x2a2: {  	v2 =	vmul.f32 v3, v2;
	s18 =	simm.s32 @p1 $0x1400  }
0x2a3: {  	[tilespmem:v1+s18+$0x0] =	vst.idx.add.f32.msk @p1 $0xffff, v3;
	s18 =	simm.s32 @p1 $0x1480  }
0x2a4: {  	[tilespmem:v1+s18+$0x0] =	vst.idx.add.f32.msk @p1 $0xffff, v2  }
0x2a5: {  	v4 =	vld [tilespmem:$0xA10];
	_ =	sdelay $0x3  }
0x2a6: {  	(xrf2) =	vadd.scan.msk.f32 @!p1 $0xffff, v3  }
0x2a7: {  	(v2sf) =	vpush v4, $0x0  }
0x2a8: {  	v3 =	vld [tilespmem:$0xE10];
	(v2sf) =	vpush v4, $0xF  }
0x2a9: {  	(xrf2) =	vadd.scan.msk.f32 @!p1 $0xffff, v2;
	_ =	sdelay $0x3  }
0x2aa: {  	v2 =	vmul.f32 $1.442695020e+00, v3;
	_ =	sdelay $0x1  }
0x2ab: {  	(erf) = vpow2.f32 v2;
	v2 =	vld @!p1 [tilespmem:$0x1400]  }
0x2ac: {  	v1 =	vbroadcast @!p1 v1, $0x0;
	v3, _, _ =	vpop @!p1 (xrf2)  }
0x2ad: {  	v7 =	vlaneseq.u32 @!p1;
	v3 =	vbroadcast @!p1 v3, $0xF  }
0x2ae: {  	v5 =	vld @!p1 [tilespmem:$0x1480];
	vm0 =	veq.s32 @!p1 v1, v7  }
0x2af: {  	v6, _, _ =	vpop @!p1 (xrf2);
	v3 =	vnsel @!p1 vm0, $0x0, v3  }
0x2b0: {  	v35 =	vld [tilespmem:$0x1210];
	v1 =	vbroadcast @!p1 v6, $0xF;
	v2 =	vadd.f32 @!p1 v2, v3;
	_ =	sdelay $0x1  }
0x2b1: {  	v1 =	vnsel @!p1 vm0, $0x0, v1;
	s28 =	spop (v2sf)  }
0x2b2: {  	v1 =	vadd.f32 @!p1 v5, v1;
	s29 =	spop (v2sf)  }
0x2b3: {  	[tilespmem:$0x1400] =	vst @!p1 v2;
	v2 =	vpop (erf);
	p0 =	sne.s32 s28, s29  }
0x2b4: {  	[tilespmem:$0x1480] =	vst @!p1 v1;
	v1 =	vmul.f32 v2, v35;
	s18 =	simm.s32 @p0 $0x1400  }
0x2b5: {  	[tilespmem:v4+s18+$0x0] =	vst.idx.add.f32.msk @p0 $0xffff, v2;
	s18 =	simm.s32 @p0 $0x1480  }
0x2b6: {  	[tilespmem:v4+s18+$0x0] =	vst.idx.add.f32.msk @p0 $0xffff, v1  }
0x2b7: {  	v3 =	vld [tilespmem:$0xA20];
	_ =	sdelay $0x3  }
0x2b8: {  	(xrf2) =	vadd.scan.msk.f32 @!p0 $0xffff, v2  }
0x2b9: {  	(v2sf) =	vpush v3, $0x0  }
0x2ba: {  	v2 =	vld [tilespmem:$0xE20];
	(v2sf) =	vpush v3, $0xF  }
0x2bb: {  	(xrf2) =	vadd.scan.msk.f32 @!p0 $0xffff, v1;
	_ =	sdelay $0x3  }
0x2bc: {  	v1 =	vmul.f32 $1.442695020e+00, v2;
	_ =	sdelay $0x1  }
0x2bd: {  	(erf) = vpow2.f32 v1;
	v1 =	vld @!p0 [tilespmem:$0x1400]  }
0x2be: {  	v4 =	vbroadcast @!p0 v4, $0x0;
	v2, _, _ =	vpop @!p0 (xrf2)  }
0x2bf: {  	v7 =	vlaneseq.u32 @!p0;
	v2 =	vbroadcast @!p0 v2, $0xF  }
0x2c0: {  	v5 =	vld @!p0 [tilespmem:$0x1480];
	vm0 =	veq.s32 @!p0 v4, v7  }
0x2c1: {  	v6, _, _ =	vpop @!p0 (xrf2);
	v2 =	vnsel @!p0 vm0, $0x0, v2  }
0x2c2: {  	v36 =	vld [tilespmem:$0x1220];
	v4 =	vbroadcast @!p0 v6, $0xF;
	v1 =	vadd.f32 @!p0 v1, v2;
	_ =	sdelay $0x1  }
0x2c3: {  	v2 =	vnsel @!p0 vm0, $0x0, v4;
	s30 =	spop (v2sf)  }
0x2c4: {  	v2 =	vadd.f32 @!p0 v5, v2;
	s31 =	spop (v2sf)  }
0x2c5: {  	[tilespmem:$0x1400] =	vst @!p0 v1;
	v1 =	vpop (erf);
	p1 =	sne.s32 s30, s31  }
0x2c6: {  	[tilespmem:$0x1480] =	vst @!p0 v2;
	v2 =	vmul.f32 v1, v36;
	s18 =	simm.s32 @p1 $0x1400  }
0x2c7: {  	[tilespmem:v3+s18+$0x0] =	vst.idx.add.f32.msk @p1 $0xffff, v1;
	s18 =	simm.s32 @p1 $0x1480  }
0x2c8: {  	[tilespmem:v3+s18+$0x0] =	vst.idx.add.f32.msk @p1 $0xffff, v2  }
0x2c9: {  	v4 =	vld [tilespmem:$0xA30];
	_ =	sdelay $0x3  }
0x2ca: {  	(xrf2) =	vadd.scan.msk.f32 @!p1 $0xffff, v1  }
0x2cb: {  	(v2sf) =	vpush v4, $0x0  }
0x2cc: {  	v1 =	vld [tilespmem:$0xE30];
	(v2sf) =	vpush v4, $0xF  }
0x2cd: {  	(xrf2) =	vadd.scan.msk.f32 @!p1 $0xffff, v2;
	_ =	sdelay $0x3  }
0x2ce: {  	v1 =	vmul.f32 $1.442695020e+00, v1;
	_ =	sdelay $0x1  }
0x2cf: {  	(erf) = vpow2.f32 v1;
	v1 =	vld @!p1 [tilespmem:$0x1400]  }
0x2d0: {  	v3 =	vbroadcast @!p1 v3, $0x0;
	v2, _, _ =	vpop @!p1 (xrf2)  }
0x2d1: {  	v7 =	vlaneseq.u32 @!p1;
	v2 =	vbroadcast @!p1 v2, $0xF  }
0x2d2: {  	v5 =	vld @!p1 [tilespmem:$0x1480];
	vm0 =	veq.s32 @!p1 v3, v7  }
0x2d3: {  	v6, _, _ =	vpop @!p1 (xrf2);
	v2 =	vnsel @!p1 vm0, $0x0, v2  }
0x2d4: {  	v37 =	vld [tilespmem:$0x1230];
	v3 =	vbroadcast @!p1 v6, $0xF;
	v1 =	vadd.f32 @!p1 v1, v2;
	_ =	sdelay $0x1  }
0x2d5: {  	v2 =	vnsel @!p1 vm0, $0x0, v3;
	s19 =	spop (v2sf)  }
0x2d6: {  	v2 =	vadd.f32 @!p1 v5, v2;
	s20 =	spop (v2sf)  }
0x2d7: {  	[tilespmem:$0x1400] =	vst @!p1 v1;
	v1 =	vpop (erf);
	p0 =	sne.s32 s19, s20  }
0x2d8: {  	[tilespmem:$0x1480] =	vst @!p1 v2;
	v2 =	vmul.f32 v1, v37;
	s18 =	simm.s32 @p0 $0x1400  }
0x2d9: {  	[tilespmem:v4+s18+$0x0] =	vst.idx.add.f32.msk @p0 $0xffff, v1;
	s18 =	simm.s32 @p0 $0x1480  }
0x2da: {  	[tilespmem:v4+s18+$0x0] =	vst.idx.add.f32.msk @p0 $0xffff, v2  }
0x2db: {  	v3 =	vld [tilespmem:$0xA40];
	_ =	sdelay $0x3  }
0x2dc: {  	(xrf2) =	vadd.scan.msk.f32 @!p0 $0xffff, v1  }
0x2dd: {  	(v2sf) =	vpush v3, $0x0  }
0x2de: {  	v1 =	vld [tilespmem:$0xE40];
	(v2sf) =	vpush v3, $0xF  }
0x2df: {  	(xrf2) =	vadd.scan.msk.f32 @!p0 $0xffff, v2;
	_ =	sdelay $0x3  }
0x2e0: {  	v1 =	vmul.f32 $1.442695020e+00, v1;
	_ =	sdelay $0x1  }
0x2e1: {  	(erf) = vpow2.f32 v1;
	v1 =	vld @!p0 [tilespmem:$0x1400]  }
0x2e2: {  	v4 =	vbroadcast @!p0 v4, $0x0;
	v2, _, _ =	vpop @!p0 (xrf2)  }
0x2e3: {  	v7 =	vlaneseq.u32 @!p0;
	v2 =	vbroadcast @!p0 v2, $0xF  }
0x2e4: {  	v5 =	vld @!p0 [tilespmem:$0x1480];
	vm0 =	veq.s32 @!p0 v4, v7  }
0x2e5: {  	v6, _, _ =	vpop @!p0 (xrf2);
	v2 =	vnsel @!p0 vm0, $0x0, v2  }
0x2e6: {  	v38 =	vld [tilespmem:$0x1240];
	v4 =	vbroadcast @!p0 v6, $0xF;
	v1 =	vadd.f32 @!p0 v1, v2;
	_ =	sdelay $0x1  }
0x2e7: {  	v2 =	vnsel @!p0 vm0, $0x0, v4;
	s21 =	spop (v2sf)  }
0x2e8: {  	v2 =	vadd.f32 @!p0 v5, v2;
	s22 =	spop (v2sf)  }
0x2e9: {  	[tilespmem:$0x1400] =	vst @!p0 v1;
	v1 =	vpop (erf);
	p1 =	sne.s32 s21, s22  }
0x2ea: {  	[tilespmem:$0x1480] =	vst @!p0 v2;
	v2 =	vmul.f32 v1, v38;
	s18 =	simm.s32 @p1 $0x1400  }
0x2eb: {  	[tilespmem:v3+s18+$0x0] =	vst.idx.add.f32.msk @p1 $0xffff, v1;
	s18 =	simm.s32 @p1 $0x1480  }
0x2ec: {  	[tilespmem:v3+s18+$0x0] =	vst.idx.add.f32.msk @p1 $0xffff, v2  }
0x2ed: {  	v4 =	vld [tilespmem:$0xA50];
	_ =	sdelay $0x3  }
0x2ee: {  	(xrf2) =	vadd.scan.msk.f32 @!p1 $0xffff, v1  }
0x2ef: {  	(v2sf) =	vpush v4, $0x0  }
0x2f0: {  	v1 =	vld [tilespmem:$0xE50];
	(v2sf) =	vpush v4, $0xF  }
0x2f1: {  	(xrf2) =	vadd.scan.msk.f32 @!p1 $0xffff, v2;
	_ =	sdelay $0x3  }
0x2f2: {  	v1 =	vmul.f32 $1.442695020e+00, v1;
	_ =	sdelay $0x1  }
0x2f3: {  	(erf) = vpow2.f32 v1;
	v1 =	vld @!p1 [tilespmem:$0x1400]  }
0x2f4: {  	v3 =	vbroadcast @!p1 v3, $0x0;
	v2, _, _ =	vpop @!p1 (xrf2)  }
0x2f5: {  	v7 =	vlaneseq.u32 @!p1;
	v2 =	vbroadcast @!p1 v2, $0xF  }
0x2f6: {  	v5 =	vld @!p1 [tilespmem:$0x1480];
	vm0 =	veq.s32 @!p1 v3, v7  }
0x2f7: {  	v6, _, _ =	vpop @!p1 (xrf2);
	v2 =	vnsel @!p1 vm0, $0x0, v2  }
0x2f8: {  	v39 =	vld [tilespmem:$0x1250];
	v3 =	vbroadcast @!p1 v6, $0xF;
	v1 =	vadd.f32 @!p1 v1, v2;
	_ =	sdelay $0x1  }
0x2f9: {  	v2 =	vnsel @!p1 vm0, $0x0, v3;
	s23 =	spop (v2sf)  }
0x2fa: {  	v2 =	vadd.f32 @!p1 v5, v2;
	s24 =	spop (v2sf)  }
0x2fb: {  	[tilespmem:$0x1400] =	vst @!p1 v1;
	v1 =	vpop (erf);
	p0 =	sne.s32 s23, s24  }
0x2fc: {  	[tilespmem:$0x1480] =	vst @!p1 v2;
	v2 =	vmul.f32 v1, v39;
	s18 =	simm.s32 @p0 $0x1400  }
0x2fd: {  	[tilespmem:v4+s18+$0x0] =	vst.idx.add.f32.msk @p0 $0xffff, v1;
	s18 =	simm.s32 @p0 $0x1480  }
0x2fe: {  	[tilespmem:v4+s18+$0x0] =	vst.idx.add.f32.msk @p0 $0xffff, v2  }
0x2ff: {  	v3 =	vld [tilespmem:$0xA60];
	_ =	sdelay $0x1  }
0x300: {  	(xrf2) =	vadd.scan.msk.f32 @!p0 $0xffff, v1;
	_ =	sdelay $0x1  }
0x301: {  	(xrf2) =	vadd.scan.msk.f32 @!p0 $0xffff, v2;
	v1 =	vld [tilespmem:$0xE60]  }
0x302: {  	(v2sf) =	vpush v3, $0x0;
	_ =	sdelay $0x3  }
0x303: {  	v1 =	vmul.f32 $1.442695020e+00, v1;
	_ =	sdelay $0x1  }
0x304: {  	(erf) = vpow2.f32 v1;
	v1 =	vld @!p0 [tilespmem:$0x1400]  }
0x305: {  	v4 =	vbroadcast @!p0 v4, $0x0;
	v2, _, _ =	vpop @!p0 (xrf2)  }
0x306: {  	v7 =	vlaneseq.u32 @!p0;
	v5 =	vld @!p0 [tilespmem:$0x1480];
	v2 =	vbroadcast @!p0 v2, $0xF  }
0x307: {  	vm0 =	veq.s32 @!p0 v4, v7;
	v6, _, _ =	vpop @!p0 (xrf2)  }
0x308: {  	v4 =	vbroadcast @!p0 v6, $0xF;
	v2 =	vnsel @!p0 vm0, $0x0, v2  }
0x309: {  	v1 =	vadd.f32 @!p0 v1, v2  }
0x30a: {  	v2 =	vnsel @!p0 vm0, $0x0, v4  }
0x30b: {  	v2 =	vadd.f32 @!p0 v5, v2  }
0x30c: {  	[tilespmem:$0x1400] =	vst @!p0 v1  }
0x30d: {  	[tilespmem:$0x1480] =	vst @!p0 v2;
	v1 =	vpop (erf);
	s25 =	spop (v2sf)  }
0x30e: {  	v2 =	vld [tilespmem:$0x1260];
	(v2sf) =	vpush v3, $0xF;
	_ =	sdelay $0xe  }
0x30f: {  	s26 =	spop (v2sf)  }
0x310: {  	p1 =	sne.s32 s25, s26  }
0x311: {  	v2 =	vmul.f32 v1, v2;
	s18 =	simm.s32 @p1 $0x1400  }
0x312: {  	[tilespmem:v3+s18+$0x0] =	vst.idx.add.f32.msk @p1 $0xffff, v1;
	s18 =	simm.s32 @p1 $0x1480  }
0x313: {  	[tilespmem:v3+s18+$0x0] =	vst.idx.add.f32.msk @p1 $0xffff, v2  }
0x314: {  	v4 =	vld [tilespmem:$0xA70];
	_ =	sdelay $0x3  }
0x315: {  	(xrf2) =	vadd.scan.msk.f32 @!p1 $0xffff, v1  }
0x316: {  	(v2sf) =	vpush v4, $0x0  }
0x317: {  	v1 =	vld [tilespmem:$0xE70];
	(v2sf) =	vpush v4, $0xF  }
0x318: {  	(xrf2) =	vadd.scan.msk.f32 @!p1 $0xffff, v2;
	_ =	sdelay $0x3  }
0x319: {  	v1 =	vmul.f32 $1.442695020e+00, v1;
	_ =	sdelay $0x1  }
0x31a: {  	(erf) = vpow2.f32 v1;
	v1 =	vld @!p1 [tilespmem:$0x1400]  }
0x31b: {  	v3 =	vbroadcast @!p1 v3, $0x0;
	v2, _, _ =	vpop @!p1 (xrf2)  }
0x31c: {  	v7 =	vlaneseq.u32 @!p1;
	v2 =	vbroadcast @!p1 v2, $0xF  }
0x31d: {  	v5 =	vld @!p1 [tilespmem:$0x1480];
	vm0 =	veq.s32 @!p1 v3, v7  }
0x31e: {  	v6, _, _ =	vpop @!p1 (xrf2);
	v2 =	vnsel @!p1 vm0, $0x0, v2  }
0x31f: {  	v40 =	vld [tilespmem:$0x1270];
	v3 =	vbroadcast @!p1 v6, $0xF;
	v1 =	vadd.f32 @!p1 v1, v2;
	_ =	sdelay $0x1  }
0x320: {  	v2 =	vnsel @!p1 vm0, $0x0, v3;
	s28 =	spop (v2sf)  }
0x321: {  	v2 =	vadd.f32 @!p1 v5, v2;
	s29 =	spop (v2sf)  }
0x322: {  	[tilespmem:$0x1400] =	vst @!p1 v1;
	v1 =	vpop (erf);
	p0 =	sne.s32 s28, s29  }
0x323: {  	[tilespmem:$0x1480] =	vst @!p1 v2;
	v2 =	vmul.f32 v1, v40;
	s18 =	simm.s32 @p0 $0x1400  }
0x324: {  	[tilespmem:v4+s18+$0x0] =	vst.idx.add.f32.msk @p0 $0xffff, v1;
	s18 =	simm.s32 @p0 $0x1480  }
0x325: {  	[tilespmem:v4+s18+$0x0] =	vst.idx.add.f32.msk @p0 $0xffff, v2  }
0x326: {  	v3 =	vld [tilespmem:$0xA80];
	_ =	sdelay $0x3  }
0x327: {  	(xrf2) =	vadd.scan.msk.f32 @!p0 $0xffff, v1  }
0x328: {  	(v2sf) =	vpush v3, $0x0  }
0x329: {  	v1 =	vld [tilespmem:$0xE80];
	(v2sf) =	vpush v3, $0xF  }
0x32a: {  	(xrf2) =	vadd.scan.msk.f32 @!p0 $0xffff, v2;
	_ =	sdelay $0x3  }
0x32b: {  	v1 =	vmul.f32 $1.442695020e+00, v1;
	_ =	sdelay $0x1  }
0x32c: {  	(erf) = vpow2.f32 v1;
	v1 =	vld @!p0 [tilespmem:$0x1400]  }
0x32d: {  	v4 =	vbroadcast @!p0 v4, $0x0;
	v2, _, _ =	vpop @!p0 (xrf2)  }
0x32e: {  	v7 =	vlaneseq.u32 @!p0;
	v2 =	vbroadcast @!p0 v2, $0xF  }
0x32f: {  	v5 =	vld @!p0 [tilespmem:$0x1480];
	vm0 =	veq.s32 @!p0 v4, v7  }
0x330: {  	v6, _, _ =	vpop @!p0 (xrf2);
	v2 =	vnsel @!p0 vm0, $0x0, v2  }
0x331: {  	v41 =	vld [tilespmem:$0x1280];
	v4 =	vbroadcast @!p0 v6, $0xF;
	v1 =	vadd.f32 @!p0 v1, v2;
	_ =	sdelay $0x1  }
0x332: {  	v2 =	vnsel @!p0 vm0, $0x0, v4;
	s30 =	spop (v2sf)  }
0x333: {  	v2 =	vadd.f32 @!p0 v5, v2;
	s31 =	spop (v2sf)  }
0x334: {  	[tilespmem:$0x1400] =	vst @!p0 v1;
	v1 =	vpop (erf);
	p1 =	sne.s32 s30, s31  }
0x335: {  	[tilespmem:$0x1480] =	vst @!p0 v2;
	v2 =	vmul.f32 v1, v41;
	s18 =	simm.s32 @p1 $0x1400  }
0x336: {  	[tilespmem:v3+s18+$0x0] =	vst.idx.add.f32.msk @p1 $0xffff, v1;
	s18 =	simm.s32 @p1 $0x1480  }
0x337: {  	[tilespmem:v3+s18+$0x0] =	vst.idx.add.f32.msk @p1 $0xffff, v2  }
0x338: {  	v4 =	vld [tilespmem:$0xA90];
	_ =	sdelay $0x3  }
0x339: {  	(xrf2) =	vadd.scan.msk.f32 @!p1 $0xffff, v1  }
0x33a: {  	(v2sf) =	vpush v4, $0x0  }
0x33b: {  	v1 =	vld [tilespmem:$0xE90];
	(v2sf) =	vpush v4, $0xF  }
0x33c: {  	(xrf2) =	vadd.scan.msk.f32 @!p1 $0xffff, v2;
	_ =	sdelay $0x3  }
0x33d: {  	v1 =	vmul.f32 $1.442695020e+00, v1;
	_ =	sdelay $0x1  }
0x33e: {  	(erf) = vpow2.f32 v1;
	v1 =	vld @!p1 [tilespmem:$0x1400]  }
0x33f: {  	v3 =	vbroadcast @!p1 v3, $0x0;
	v2, _, _ =	vpop @!p1 (xrf2)  }
0x340: {  	v7 =	vlaneseq.u32 @!p1;
	v2 =	vbroadcast @!p1 v2, $0xF  }
0x341: {  	v5 =	vld @!p1 [tilespmem:$0x1480];
	vm0 =	veq.s32 @!p1 v3, v7  }
0x342: {  	v6, _, _ =	vpop @!p1 (xrf2);
	v2 =	vnsel @!p1 vm0, $0x0, v2  }
0x343: {  	v42 =	vld [tilespmem:$0x1290];
	v3 =	vbroadcast @!p1 v6, $0xF;
	v1 =	vadd.f32 @!p1 v1, v2;
	_ =	sdelay $0x1  }
0x344: {  	v2 =	vnsel @!p1 vm0, $0x0, v3;
	s19 =	spop (v2sf)  }
0x345: {  	v2 =	vadd.f32 @!p1 v5, v2;
	s20 =	spop (v2sf)  }
0x346: {  	[tilespmem:$0x1400] =	vst @!p1 v1;
	v1 =	vpop (erf);
	p0 =	sne.s32 s19, s20  }
0x347: {  	[tilespmem:$0x1480] =	vst @!p1 v2;
	v2 =	vmul.f32 v1, v42;
	s18 =	simm.s32 @p0 $0x1400  }
0x348: {  	[tilespmem:v4+s18+$0x0] =	vst.idx.add.f32.msk @p0 $0xffff, v1;
	s18 =	simm.s32 @p0 $0x1480  }
0x349: {  	[tilespmem:v4+s18+$0x0] =	vst.idx.add.f32.msk @p0 $0xffff, v2  }
0x34a: {  	v3 =	vld [tilespmem:$0xAA0];
	_ =	sdelay $0x3  }
0x34b: {  	(xrf2) =	vadd.scan.msk.f32 @!p0 $0xffff, v1  }
0x34c: {  	(v2sf) =	vpush v3, $0x0  }
0x34d: {  	v1 =	vld [tilespmem:$0xEA0];
	(v2sf) =	vpush v3, $0xF  }
0x34e: {  	(xrf2) =	vadd.scan.msk.f32 @!p0 $0xffff, v2;
	_ =	sdelay $0x3  }
0x34f: {  	v1 =	vmul.f32 $1.442695020e+00, v1;
	_ =	sdelay $0x1  }
0x350: {  	(erf) = vpow2.f32 v1;
	v1 =	vld @!p0 [tilespmem:$0x1400]  }
0x351: {  	v4 =	vbroadcast @!p0 v4, $0x0;
	v2, _, _ =	vpop @!p0 (xrf2)  }
0x352: {  	v7 =	vlaneseq.u32 @!p0;
	v2 =	vbroadcast @!p0 v2, $0xF  }
0x353: {  	v5 =	vld @!p0 [tilespmem:$0x1480];
	vm0 =	veq.s32 @!p0 v4, v7  }
0x354: {  	v6, _, _ =	vpop @!p0 (xrf2);
	v2 =	vnsel @!p0 vm0, $0x0, v2  }
0x355: {  	v43 =	vld [tilespmem:$0x12A0];
	v4 =	vbroadcast @!p0 v6, $0xF;
	v1 =	vadd.f32 @!p0 v1, v2;
	_ =	sdelay $0x1  }
0x356: {  	v2 =	vnsel @!p0 vm0, $0x0, v4;
	s21 =	spop (v2sf)  }
0x357: {  	v2 =	vadd.f32 @!p0 v5, v2;
	s22 =	spop (v2sf)  }
0x358: {  	[tilespmem:$0x1400] =	vst @!p0 v1;
	v1 =	vpop (erf);
	p1 =	sne.s32 s21, s22  }
0x359: {  	[tilespmem:$0x1480] =	vst @!p0 v2;
	v2 =	vmul.f32 v1, v43;
	s18 =	simm.s32 @p1 $0x1400  }
0x35a: {  	[tilespmem:v3+s18+$0x0] =	vst.idx.add.f32.msk @p1 $0xffff, v1;
	s18 =	simm.s32 @p1 $0x1480  }
0x35b: {  	[tilespmem:v3+s18+$0x0] =	vst.idx.add.f32.msk @p1 $0xffff, v2  }
0x35c: {  	v4 =	vld [tilespmem:$0xAB0];
	_ =	sdelay $0x3  }
0x35d: {  	(xrf2) =	vadd.scan.msk.f32 @!p1 $0xffff, v1  }
0x35e: {  	(v2sf) =	vpush v4, $0x0  }
0x35f: {  	v1 =	vld [tilespmem:$0xEB0];
	(v2sf) =	vpush v4, $0xF  }
0x360: {  	(xrf2) =	vadd.scan.msk.f32 @!p1 $0xffff, v2;
	_ =	sdelay $0x3  }
0x361: {  	v1 =	vmul.f32 $1.442695020e+00, v1;
	_ =	sdelay $0x1  }
0x362: {  	(erf) = vpow2.f32 v1;
	v1 =	vld @!p1 [tilespmem:$0x1400]  }
0x363: {  	v3 =	vbroadcast @!p1 v3, $0x0;
	v2, _, _ =	vpop @!p1 (xrf2)  }
0x364: {  	v7 =	vlaneseq.u32 @!p1;
	v2 =	vbroadcast @!p1 v2, $0xF  }
0x365: {  	v5 =	vld @!p1 [tilespmem:$0x1480];
	vm0 =	veq.s32 @!p1 v3, v7  }
0x366: {  	v6, _, _ =	vpop @!p1 (xrf2);
	v2 =	vnsel @!p1 vm0, $0x0, v2  }
0x367: {  	v44 =	vld [tilespmem:$0x12B0];
	v3 =	vbroadcast @!p1 v6, $0xF;
	v1 =	vadd.f32 @!p1 v1, v2;
	_ =	sdelay $0x1  }
0x368: {  	v2 =	vnsel @!p1 vm0, $0x0, v3;
	s23 =	spop (v2sf)  }
0x369: {  	v2 =	vadd.f32 @!p1 v5, v2;
	s24 =	spop (v2sf)  }
0x36a: {  	[tilespmem:$0x1400] =	vst @!p1 v1;
	v1 =	vpop (erf);
	p0 =	sne.s32 s23, s24  }
0x36b: {  	[tilespmem:$0x1480] =	vst @!p1 v2;
	v2 =	vmul.f32 v1, v44;
	s18 =	simm.s32 @p0 $0x1400  }
0x36c: {  	[tilespmem:v4+s18+$0x0] =	vst.idx.add.f32.msk @p0 $0xffff, v1;
	s18 =	simm.s32 @p0 $0x1480  }
0x36d: {  	[tilespmem:v4+s18+$0x0] =	vst.idx.add.f32.msk @p0 $0xffff, v2  }
0x36e: {  	v3 =	vld [tilespmem:$0xAC0];
	_ =	sdelay $0x3  }
0x36f: {  	(xrf2) =	vadd.scan.msk.f32 @!p0 $0xffff, v1  }
0x370: {  	(v2sf) =	vpush v3, $0x0  }
0x371: {  	v1 =	vld [tilespmem:$0xEC0];
	(v2sf) =	vpush v3, $0xF  }
0x372: {  	(xrf2) =	vadd.scan.msk.f32 @!p0 $0xffff, v2;
	_ =	sdelay $0x3  }
0x373: {  	v1 =	vmul.f32 $1.442695020e+00, v1;
	_ =	sdelay $0x1  }
0x374: {  	(erf) = vpow2.f32 v1;
	v1 =	vld @!p0 [tilespmem:$0x1400]  }
0x375: {  	v4 =	vbroadcast @!p0 v4, $0x0;
	v2, _, _ =	vpop @!p0 (xrf2)  }
0x376: {  	v7 =	vlaneseq.u32 @!p0;
	v2 =	vbroadcast @!p0 v2, $0xF  }
0x377: {  	v5 =	vld @!p0 [tilespmem:$0x1480];
	vm0 =	veq.s32 @!p0 v4, v7  }
0x378: {  	v6, _, _ =	vpop @!p0 (xrf2);
	v2 =	vnsel @!p0 vm0, $0x0, v2  }
0x379: {  	v45 =	vld [tilespmem:$0x12C0];
	v4 =	vbroadcast @!p0 v6, $0xF;
	v1 =	vadd.f32 @!p0 v1, v2;
	_ =	sdelay $0x1  }
0x37a: {  	v2 =	vnsel @!p0 vm0, $0x0, v4;
	s25 =	spop (v2sf)  }
0x37b: {  	v2 =	vadd.f32 @!p0 v5, v2;
	s26 =	spop (v2sf)  }
0x37c: {  	[tilespmem:$0x1400] =	vst @!p0 v1;
	v1 =	vpop (erf);
	p1 =	sne.s32 s25, s26  }
0x37d: {  	[tilespmem:$0x1480] =	vst @!p0 v2;
	v2 =	vmul.f32 v1, v45;
	s18 =	simm.s32 @p1 $0x1400  }
0x37e: {  	[tilespmem:v3+s18+$0x0] =	vst.idx.add.f32.msk @p1 $0xffff, v1;
	s18 =	simm.s32 @p1 $0x1480  }
0x37f: {  	[tilespmem:v3+s18+$0x0] =	vst.idx.add.f32.msk @p1 $0xffff, v2  }
0x380: {  	v4 =	vld [tilespmem:$0xAD0];
	_ =	sdelay $0x3  }
0x381: {  	(xrf2) =	vadd.scan.msk.f32 @!p1 $0xffff, v1  }
0x382: {  	(v2sf) =	vpush v4, $0x0  }
0x383: {  	v1 =	vld [tilespmem:$0xED0];
	(v2sf) =	vpush v4, $0xF  }
0x384: {  	(xrf2) =	vadd.scan.msk.f32 @!p1 $0xffff, v2;
	_ =	sdelay $0x3  }
0x385: {  	v1 =	vmul.f32 $1.442695020e+00, v1;
	_ =	sdelay $0x1  }
0x386: {  	(erf) = vpow2.f32 v1;
	v1 =	vld @!p1 [tilespmem:$0x1400]  }
0x387: {  	v3 =	vbroadcast @!p1 v3, $0x0;
	v2, _, _ =	vpop @!p1 (xrf2)  }
0x388: {  	v7 =	vlaneseq.u32 @!p1;
	v2 =	vbroadcast @!p1 v2, $0xF  }
0x389: {  	v5 =	vld @!p1 [tilespmem:$0x1480];
	vm0 =	veq.s32 @!p1 v3, v7  }
0x38a: {  	v6, _, _ =	vpop @!p1 (xrf2);
	v2 =	vnsel @!p1 vm0, $0x0, v2  }
0x38b: {  	v46 =	vld [tilespmem:$0x12D0];
	v3 =	vbroadcast @!p1 v6, $0xF;
	v1 =	vadd.f32 @!p1 v1, v2;
	_ =	sdelay $0x1  }
0x38c: {  	v2 =	vnsel @!p1 vm0, $0x0, v3;
	s28 =	spop (v2sf)  }
0x38d: {  	v2 =	vadd.f32 @!p1 v5, v2;
	s29 =	spop (v2sf)  }
0x38e: {  	[tilespmem:$0x1400] =	vst @!p1 v1;
	v1 =	vpop (erf);
	p2 =	sne.s32 s28, s29  }
0x38f: {  	[tilespmem:$0x1480] =	vst @!p1 v2;
	v2 =	vmul.f32 v1, v46;
	s18 =	simm.s32 @p2 $0x1400  }
0x390: {  	[tilespmem:v4+s18+$0x0] =	vst.idx.add.f32.msk @p2 $0xffff, v1;
	s18 =	simm.s32 @p2 $0x1480  }
0x391: {  	[tilespmem:v4+s18+$0x0] =	vst.idx.add.f32.msk @p2 $0xffff, v2  }
0x392: {  	v3 =	vld [tilespmem:$0xAE0];
	_ =	sdelay $0x3  }
0x393: {  	(xrf2) =	vadd.scan.msk.f32 @!p2 $0xffff, v1  }
0x394: {  	(v2sf) =	vpush v3, $0x0  }
0x395: {  	v1 =	vld [tilespmem:$0xEE0];
	(v2sf) =	vpush v3, $0xF  }
0x396: {  	(xrf2) =	vadd.scan.msk.f32 @!p2 $0xffff, v2;
	_ =	sdelay $0x3  }
0x397: {  	v1 =	vmul.f32 $1.442695020e+00, v1;
	_ =	sdelay $0x1  }
0x398: {  	(erf) = vpow2.f32 v1;
	v1 =	vld @!p2 [tilespmem:$0x1400]  }
0x399: {  	v4 =	vbroadcast @!p2 v4, $0x0;
	v2, _, _ =	vpop @!p2 (xrf2)  }
0x39a: {  	v7 =	vlaneseq.u32 @!p2;
	v2 =	vbroadcast @!p2 v2, $0xF  }
0x39b: {  	v5 =	vld @!p2 [tilespmem:$0x1480];
	vm0 =	veq.s32 @!p2 v4, v7  }
0x39c: {  	v6, _, _ =	vpop @!p2 (xrf2);
	v2 =	vnsel @!p2 vm0, $0x0, v2  }
0x39d: {  	v47 =	vld [tilespmem:$0x12E0];
	v4 =	vbroadcast @!p2 v6, $0xF;
	v1 =	vadd.f32 @!p2 v1, v2;
	_ =	sdelay $0x1  }
0x39e: {  	v2 =	vnsel @!p2 vm0, $0x0, v4;
	s30 =	spop (v2sf)  }
0x39f: {  	v2 =	vadd.f32 @!p2 v5, v2;
	s31 =	spop (v2sf)  }
0x3a0: {  	[tilespmem:$0x1400] =	vst @!p2 v1;
	v1 =	vpop (erf);
	p0 =	sne.s32 s30, s31  }
0x3a1: {  	[tilespmem:$0x1480] =	vst @!p2 v2;
	v2 =	vmul.f32 v1, v47;
	s18 =	simm.s32 @p0 $0x1400  }
0x3a2: {  	[tilespmem:v3+s18+$0x0] =	vst.idx.add.f32.msk @p0 $0xffff, v1;
	s18 =	simm.s32 @p0 $0x1480  }
0x3a3: {  	[tilespmem:v3+s18+$0x0] =	vst.idx.add.f32.msk @p0 $0xffff, v2  }
0x3a4: {  	v4 =	vld [tilespmem:$0xAF0];
	_ =	sdelay $0x4  }
0x3a5: {  	v48 =	vld [tilespmem:$0xEF0];
	(v2sf) =	vpush v4, $0x0  }
0x3a6: {  	(v2sf) =	vpush v4, $0xF;
	_ =	sdelay $0x3  }
0x3a7: {  	v5 =	vmul.f32 $1.442695020e+00, v48;
	_ =	sdelay $0x1  }
0x3a8: {  	(xrf2) =	vadd.scan.msk.f32 @!p0 $0xffff, v1;
	(erf) = vpow2.f32 v5  }
0x3a9: {  	(xrf2) =	vadd.scan.msk.f32 @!p0 $0xffff, v2;
	_ =	sdelay $0x3  }
0x3aa: {  	v1 =	vld [tilespmem:$0x12F0];
	_ =	sdelay $0x2  }
0x3ab: {  	s19 =	spop (v2sf)  }
0x3ac: {  	v2 =	vld @!p0 [tilespmem:$0x1400];
	v5 =	vpop (erf);
	s20 =	spop (v2sf)  }
0x3ad: {  	v3 =	vbroadcast @!p0 v3, $0x0;
	v7 =	vld @!p0 [tilespmem:$0x1480];
	v6, _, _ =	vpop @!p0 (xrf2);
	v1 =	vmul.f32 v5, v1;
	p1 =	sne.s32 s19, s20  }
0x3ae: {  	v9 =	vlaneseq.u32 @!p0;
	v8, _, _ =	vpop @!p0 (xrf2);
	v6 =	vbroadcast @!p0 v6, $0xF;
	(xrf2) =	vadd.scan.msk.f32 @!p1 $0xffff, v5  }
0x3af: {  	vm0 =	veq.s32 @!p0 v3, v9;
	v3 =	vbroadcast @!p0 v8, $0xF;
	(xrf2) =	vadd.scan.msk.f32 @!p1 $0xffff, v1  }
0x3b0: {  	v6 =	vnsel @!p0 vm0, $0x0, v6  }
0x3b1: {  	v2 =	vadd.f32 @!p0 v2, v6;
	v3 =	vnsel @!p0 vm0, $0x0, v3  }
0x3b2: {  	v3 =	vadd.f32 @!p0 v7, v3  }
0x3b3: {  	[tilespmem:$0x1400] =	vst @!p0 v2  }
0x3b4: {  	[tilespmem:$0x1480] =	vst @!p0 v3;
	s18 =	simm.s32 @p1 $0x1400  }
0x3b5: {  	[tilespmem:v4+s18+$0x0] =	vst.idx.add.f32.msk @p1 $0xffff, v5;
	s18 =	simm.s32 @p1 $0x1480  }
0x3b6: {  	[tilespmem:v4+s18+$0x0] =	vst.idx.add.f32.msk @p1 $0xffff, v1  }
0x3b7: {  	v1 =	vld @!p1 [tilespmem:$0x1400]  }
0x3b8: {  	v3 =	vbroadcast @!p1 v4, $0x0;
	v4 =	vld @!p1 [tilespmem:$0x1480];
	v2, _, _ =	vpop @!p1 (xrf2)  }
0x3b9: {  	v6 =	vlaneseq.u32 @!p1;
	v5, _, _ =	vpop @!p1 (xrf2);
	v2 =	vbroadcast @!p1 v2, $0xF  }
0x3ba: {  	vm0 =	veq.s32 @!p1 v3, v6;
	v3 =	vbroadcast @!p1 v5, $0xF  }
0x3bb: {  	v2 =	vnsel @!p1 vm0, $0x0, v2  }
0x3bc: {  	v1 =	vadd.f32 @!p1 v1, v2;
	v2 =	vnsel @!p1 vm0, $0x0, v3  }
0x3bd: {  	v2 =	vadd.f32 @!p1 v4, v2  }
0x3be: {  	[tilespmem:$0x1400] =	vst @!p1 v1  }
0x3bf: {  	[tilespmem:$0x1480] =	vst @!p1 v2  }
0x3c0: {  	_ =	swait.ge [sflag:s15], $0x100  }
0x3c1: {  	[sflag:s15] =	ssyncset.done $0x0  }
0x3c2: {  	[sflag:s15] =	ssyncadd.s32 $0xFFFFFF00  }
0x3c3: {  	_ =	swait.ge [sflag:s16], $0x100  }
0x3c4: {  	[sflag:s16] =	ssyncset.done $0x0  }
0x3c5: {  	[sflag:s16] =	ssyncadd.s32 $0xFFFFFF00  }
0x3c6: {  	v1 =	vld [tilespmem:$0xB00];
	_ =	sdelay $0x4  }
0x3c7: {  	(v2sf) =	vpush v1, $0x0  }
0x3c8: {  	v2 =	vld [tilespmem:$0xF00];
	(v2sf) =	vpush v1, $0xF;
	_ =	sdelay $0x4  }
0x3c9: {  	v2 =	vmul.f32 $1.442695020e+00, v2;
	_ =	sdelay $0x1  }
0x3ca: {  	(erf) = vpow2.f32 v2;
	_ =	sdelay $0x4  }
0x3cb: {  	v2 =	vld [tilespmem:$0x1300];
	_ =	sdelay $0x1  }
0x3cc: {  	s21 =	spop (v2sf)  }
0x3cd: {  	s22 =	spop (v2sf)  }
0x3ce: {  	v3 =	vpop (erf);
	p1 =	sne.s32 s21, s22  }
0x3cf: {  	v2 =	vmul.f32 v3, v2;
	s18 =	simm.s32 @p1 $0x1400  }
0x3d0: {  	[tilespmem:v1+s18+$0x0] =	vst.idx.add.f32.msk @p1 $0xffff, v3;
	s18 =	simm.s32 @p1 $0x1480  }
0x3d1: {  	[tilespmem:v1+s18+$0x0] =	vst.idx.add.f32.msk @p1 $0xffff, v2  }
0x3d2: {  	v4 =	vld [tilespmem:$0xB10];
	_ =	sdelay $0x3  }
0x3d3: {  	(xrf2) =	vadd.scan.msk.f32 @!p1 $0xffff, v3  }
0x3d4: {  	(v2sf) =	vpush v4, $0x0  }
0x3d5: {  	v3 =	vld [tilespmem:$0xF10];
	(v2sf) =	vpush v4, $0xF  }
0x3d6: {  	(xrf2) =	vadd.scan.msk.f32 @!p1 $0xffff, v2;
	_ =	sdelay $0x3  }
0x3d7: {  	v2 =	vmul.f32 $1.442695020e+00, v3;
	_ =	sdelay $0x1  }
0x3d8: {  	(erf) = vpow2.f32 v2;
	v2 =	vld @!p1 [tilespmem:$0x1400]  }
0x3d9: {  	v1 =	vbroadcast @!p1 v1, $0x0;
	v3, _, _ =	vpop @!p1 (xrf2)  }
0x3da: {  	v7 =	vlaneseq.u32 @!p1;
	v3 =	vbroadcast @!p1 v3, $0xF  }
0x3db: {  	v5 =	vld @!p1 [tilespmem:$0x1480];
	vm0 =	veq.s32 @!p1 v1, v7  }
0x3dc: {  	v6, _, _ =	vpop @!p1 (xrf2);
	v3 =	vnsel @!p1 vm0, $0x0, v3  }
0x3dd: {  	v49 =	vld [tilespmem:$0x1310];
	v1 =	vbroadcast @!p1 v6, $0xF;
	v2 =	vadd.f32 @!p1 v2, v3;
	_ =	sdelay $0x1  }
0x3de: {  	v1 =	vnsel @!p1 vm0, $0x0, v1;
	s23 =	spop (v2sf)  }
0x3df: {  	v1 =	vadd.f32 @!p1 v5, v1;
	s24 =	spop (v2sf)  }
0x3e0: {  	[tilespmem:$0x1400] =	vst @!p1 v2;
	v2 =	vpop (erf);
	p0 =	sne.s32 s23, s24  }
0x3e1: {  	[tilespmem:$0x1480] =	vst @!p1 v1;
	v1 =	vmul.f32 v2, v49;
	s18 =	simm.s32 @p0 $0x1400  }
0x3e2: {  	[tilespmem:v4+s18+$0x0] =	vst.idx.add.f32.msk @p0 $0xffff, v2;
	s18 =	simm.s32 @p0 $0x1480  }
0x3e3: {  	[tilespmem:v4+s18+$0x0] =	vst.idx.add.f32.msk @p0 $0xffff, v1  }
0x3e4: {  	v3 =	vld [tilespmem:$0xB20];
	_ =	sdelay $0x3  }
0x3e5: {  	(xrf2) =	vadd.scan.msk.f32 @!p0 $0xffff, v2  }
0x3e6: {  	(v2sf) =	vpush v3, $0x0  }
0x3e7: {  	v2 =	vld [tilespmem:$0xF20];
	(v2sf) =	vpush v3, $0xF  }
0x3e8: {  	(xrf2) =	vadd.scan.msk.f32 @!p0 $0xffff, v1;
	_ =	sdelay $0x3  }
0x3e9: {  	v1 =	vmul.f32 $1.442695020e+00, v2;
	_ =	sdelay $0x1  }
0x3ea: {  	(erf) = vpow2.f32 v1;
	v1 =	vld @!p0 [tilespmem:$0x1400]  }
0x3eb: {  	v4 =	vbroadcast @!p0 v4, $0x0;
	v2, _, _ =	vpop @!p0 (xrf2)  }
0x3ec: {  	v7 =	vlaneseq.u32 @!p0;
	v2 =	vbroadcast @!p0 v2, $0xF  }
0x3ed: {  	v5 =	vld @!p0 [tilespmem:$0x1480];
	vm0 =	veq.s32 @!p0 v4, v7  }
0x3ee: {  	v6, _, _ =	vpop @!p0 (xrf2);
	v2 =	vnsel @!p0 vm0, $0x0, v2  }
0x3ef: {  	v50 =	vld [tilespmem:$0x1320];
	v4 =	vbroadcast @!p0 v6, $0xF;
	v1 =	vadd.f32 @!p0 v1, v2;
	_ =	sdelay $0x1  }
0x3f0: {  	v2 =	vnsel @!p0 vm0, $0x0, v4;
	s25 =	spop (v2sf)  }
0x3f1: {  	v2 =	vadd.f32 @!p0 v5, v2;
	s26 =	spop (v2sf)  }
0x3f2: {  	[tilespmem:$0x1400] =	vst @!p0 v1;
	v1 =	vpop (erf);
	p1 =	sne.s32 s25, s26  }
0x3f3: {  	[tilespmem:$0x1480] =	vst @!p0 v2;
	v2 =	vmul.f32 v1, v50;
	s18 =	simm.s32 @p1 $0x1400  }
0x3f4: {  	[tilespmem:v3+s18+$0x0] =	vst.idx.add.f32.msk @p1 $0xffff, v1;
	s18 =	simm.s32 @p1 $0x1480  }
0x3f5: {  	[tilespmem:v3+s18+$0x0] =	vst.idx.add.f32.msk @p1 $0xffff, v2  }
0x3f6: {  	v4 =	vld [tilespmem:$0xB30];
	_ =	sdelay $0x3  }
0x3f7: {  	(xrf2) =	vadd.scan.msk.f32 @!p1 $0xffff, v1  }
0x3f8: {  	(v2sf) =	vpush v4, $0x0  }
0x3f9: {  	v1 =	vld [tilespmem:$0xF30];
	(v2sf) =	vpush v4, $0xF  }
0x3fa: {  	(xrf2) =	vadd.scan.msk.f32 @!p1 $0xffff, v2;
	_ =	sdelay $0x3  }
0x3fb: {  	v1 =	vmul.f32 $1.442695020e+00, v1;
	_ =	sdelay $0x1  }
0x3fc: {  	(erf) = vpow2.f32 v1;
	v1 =	vld @!p1 [tilespmem:$0x1400]  }
0x3fd: {  	v3 =	vbroadcast @!p1 v3, $0x0;
	v2, _, _ =	vpop @!p1 (xrf2)  }
0x3fe: {  	v7 =	vlaneseq.u32 @!p1;
	v2 =	vbroadcast @!p1 v2, $0xF  }
0x3ff: {  	v5 =	vld @!p1 [tilespmem:$0x1480];
	vm0 =	veq.s32 @!p1 v3, v7  }
0x400: {  	v6, _, _ =	vpop @!p1 (xrf2);
	v2 =	vnsel @!p1 vm0, $0x0, v2  }
0x401: {  	v51 =	vld [tilespmem:$0x1330];
	v3 =	vbroadcast @!p1 v6, $0xF;
	v1 =	vadd.f32 @!p1 v1, v2;
	_ =	sdelay $0x1  }
0x402: {  	v2 =	vnsel @!p1 vm0, $0x0, v3;
	s28 =	spop (v2sf)  }
0x403: {  	v2 =	vadd.f32 @!p1 v5, v2;
	s29 =	spop (v2sf)  }
0x404: {  	[tilespmem:$0x1400] =	vst @!p1 v1;
	v1 =	vpop (erf);
	p0 =	sne.s32 s28, s29  }
0x405: {  	[tilespmem:$0x1480] =	vst @!p1 v2;
	v2 =	vmul.f32 v1, v51;
	s18 =	simm.s32 @p0 $0x1400  }
0x406: {  	[tilespmem:v4+s18+$0x0] =	vst.idx.add.f32.msk @p0 $0xffff, v1;
	s18 =	simm.s32 @p0 $0x1480  }
0x407: {  	[tilespmem:v4+s18+$0x0] =	vst.idx.add.f32.msk @p0 $0xffff, v2  }
0x408: {  	v3 =	vld [tilespmem:$0xB40];
	_ =	sdelay $0x3  }
0x409: {  	(xrf2) =	vadd.scan.msk.f32 @!p0 $0xffff, v1  }
0x40a: {  	(v2sf) =	vpush v3, $0x0  }
0x40b: {  	v1 =	vld [tilespmem:$0xF40];
	(v2sf) =	vpush v3, $0xF  }
0x40c: {  	(xrf2) =	vadd.scan.msk.f32 @!p0 $0xffff, v2;
	_ =	sdelay $0x3  }
0x40d: {  	v1 =	vmul.f32 $1.442695020e+00, v1;
	_ =	sdelay $0x1  }
0x40e: {  	(erf) = vpow2.f32 v1;
	v1 =	vld @!p0 [tilespmem:$0x1400]  }
0x40f: {  	v4 =	vbroadcast @!p0 v4, $0x0;
	v2, _, _ =	vpop @!p0 (xrf2)  }
0x410: {  	v7 =	vlaneseq.u32 @!p0;
	v2 =	vbroadcast @!p0 v2, $0xF  }
0x411: {  	v5 =	vld @!p0 [tilespmem:$0x1480];
	vm0 =	veq.s32 @!p0 v4, v7  }
0x412: {  	v6, _, _ =	vpop @!p0 (xrf2);
	v2 =	vnsel @!p0 vm0, $0x0, v2  }
0x413: {  	v52 =	vld [tilespmem:$0x1340];
	v4 =	vbroadcast @!p0 v6, $0xF;
	v1 =	vadd.f32 @!p0 v1, v2;
	_ =	sdelay $0x1  }
0x414: {  	v2 =	vnsel @!p0 vm0, $0x0, v4;
	s30 =	spop (v2sf)  }
0x415: {  	v2 =	vadd.f32 @!p0 v5, v2;
	s31 =	spop (v2sf)  }
0x416: {  	[tilespmem:$0x1400] =	vst @!p0 v1;
	v1 =	vpop (erf);
	p1 =	sne.s32 s30, s31  }
0x417: {  	[tilespmem:$0x1480] =	vst @!p0 v2;
	v2 =	vmul.f32 v1, v52;
	s18 =	simm.s32 @p1 $0x1400  }
0x418: {  	[tilespmem:v3+s18+$0x0] =	vst.idx.add.f32.msk @p1 $0xffff, v1;
	s18 =	simm.s32 @p1 $0x1480  }
0x419: {  	[tilespmem:v3+s18+$0x0] =	vst.idx.add.f32.msk @p1 $0xffff, v2  }
0x41a: {  	v4 =	vld [tilespmem:$0xB50];
	_ =	sdelay $0x3  }
0x41b: {  	(xrf2) =	vadd.scan.msk.f32 @!p1 $0xffff, v1  }
0x41c: {  	(v2sf) =	vpush v4, $0x0  }
0x41d: {  	v1 =	vld [tilespmem:$0xF50];
	(v2sf) =	vpush v4, $0xF  }
0x41e: {  	(xrf2) =	vadd.scan.msk.f32 @!p1 $0xffff, v2;
	_ =	sdelay $0x3  }
0x41f: {  	v1 =	vmul.f32 $1.442695020e+00, v1;
	_ =	sdelay $0x1  }
0x420: {  	(erf) = vpow2.f32 v1;
	v1 =	vld @!p1 [tilespmem:$0x1400]  }
0x421: {  	v3 =	vbroadcast @!p1 v3, $0x0;
	v2, _, _ =	vpop @!p1 (xrf2)  }
0x422: {  	v7 =	vlaneseq.u32 @!p1;
	v2 =	vbroadcast @!p1 v2, $0xF  }
0x423: {  	v5 =	vld @!p1 [tilespmem:$0x1480];
	vm0 =	veq.s32 @!p1 v3, v7  }
0x424: {  	v6, _, _ =	vpop @!p1 (xrf2);
	v2 =	vnsel @!p1 vm0, $0x0, v2  }
0x425: {  	v53 =	vld [tilespmem:$0x1350];
	v3 =	vbroadcast @!p1 v6, $0xF;
	v1 =	vadd.f32 @!p1 v1, v2;
	_ =	sdelay $0x1  }
0x426: {  	v2 =	vnsel @!p1 vm0, $0x0, v3;
	s19 =	spop (v2sf)  }
0x427: {  	v2 =	vadd.f32 @!p1 v5, v2;
	s20 =	spop (v2sf)  }
0x428: {  	[tilespmem:$0x1400] =	vst @!p1 v1;
	v1 =	vpop (erf);
	p0 =	sne.s32 s19, s20  }
0x429: {  	[tilespmem:$0x1480] =	vst @!p1 v2;
	v2 =	vmul.f32 v1, v53;
	s18 =	simm.s32 @p0 $0x1400  }
0x42a: {  	[tilespmem:v4+s18+$0x0] =	vst.idx.add.f32.msk @p0 $0xffff, v1;
	s18 =	simm.s32 @p0 $0x1480  }
0x42b: {  	[tilespmem:v4+s18+$0x0] =	vst.idx.add.f32.msk @p0 $0xffff, v2  }
0x42c: {  	v3 =	vld [tilespmem:$0xB60];
	_ =	sdelay $0x3  }
0x42d: {  	(xrf2) =	vadd.scan.msk.f32 @!p0 $0xffff, v1  }
0x42e: {  	(v2sf) =	vpush v3, $0x0  }
0x42f: {  	v1 =	vld [tilespmem:$0xF60];
	(v2sf) =	vpush v3, $0xF  }
0x430: {  	(xrf2) =	vadd.scan.msk.f32 @!p0 $0xffff, v2;
	_ =	sdelay $0x3  }
0x431: {  	v1 =	vmul.f32 $1.442695020e+00, v1;
	_ =	sdelay $0x1  }
0x432: {  	(erf) = vpow2.f32 v1;
	v1 =	vld @!p0 [tilespmem:$0x1400]  }
0x433: {  	v4 =	vbroadcast @!p0 v4, $0x0;
	v2, _, _ =	vpop @!p0 (xrf2)  }
0x434: {  	v7 =	vlaneseq.u32 @!p0;
	v2 =	vbroadcast @!p0 v2, $0xF  }
0x435: {  	v5 =	vld @!p0 [tilespmem:$0x1480];
	vm0 =	veq.s32 @!p0 v4, v7  }
0x436: {  	v6, _, _ =	vpop @!p0 (xrf2);
	v2 =	vnsel @!p0 vm0, $0x0, v2  }
0x437: {  	v54 =	vld [tilespmem:$0x1360];
	v4 =	vbroadcast @!p0 v6, $0xF;
	v1 =	vadd.f32 @!p0 v1, v2;
	_ =	sdelay $0x1  }
0x438: {  	v2 =	vnsel @!p0 vm0, $0x0, v4;
	s21 =	spop (v2sf)  }
0x439: {  	v2 =	vadd.f32 @!p0 v5, v2;
	s22 =	spop (v2sf)  }
0x43a: {  	[tilespmem:$0x1400] =	vst @!p0 v1;
	v1 =	vpop (erf);
	p1 =	sne.s32 s21, s22  }
0x43b: {  	[tilespmem:$0x1480] =	vst @!p0 v2;
	v2 =	vmul.f32 v1, v54;
	s18 =	simm.s32 @p1 $0x1400  }
0x43c: {  	[tilespmem:v3+s18+$0x0] =	vst.idx.add.f32.msk @p1 $0xffff, v1;
	s18 =	simm.s32 @p1 $0x1480  }
0x43d: {  	[tilespmem:v3+s18+$0x0] =	vst.idx.add.f32.msk @p1 $0xffff, v2  }
0x43e: {  	v4 =	vld [tilespmem:$0xB70];
	_ =	sdelay $0x3  }
0x43f: {  	(xrf2) =	vadd.scan.msk.f32 @!p1 $0xffff, v1  }
0x440: {  	(v2sf) =	vpush v4, $0x0  }
0x441: {  	v1 =	vld [tilespmem:$0xF70];
	(v2sf) =	vpush v4, $0xF  }
0x442: {  	(xrf2) =	vadd.scan.msk.f32 @!p1 $0xffff, v2;
	_ =	sdelay $0x3  }
0x443: {  	v1 =	vmul.f32 $1.442695020e+00, v1;
	_ =	sdelay $0x1  }
0x444: {  	(erf) = vpow2.f32 v1;
	v1 =	vld @!p1 [tilespmem:$0x1400]  }
0x445: {  	v3 =	vbroadcast @!p1 v3, $0x0;
	v2, _, _ =	vpop @!p1 (xrf2)  }
0x446: {  	v7 =	vlaneseq.u32 @!p1;
	v2 =	vbroadcast @!p1 v2, $0xF  }
0x447: {  	v5 =	vld @!p1 [tilespmem:$0x1480];
	vm0 =	veq.s32 @!p1 v3, v7  }
0x448: {  	v6, _, _ =	vpop @!p1 (xrf2);
	v2 =	vnsel @!p1 vm0, $0x0, v2  }
0x449: {  	v55 =	vld [tilespmem:$0x1370];
	v3 =	vbroadcast @!p1 v6, $0xF;
	v1 =	vadd.f32 @!p1 v1, v2;
	_ =	sdelay $0x1  }
0x44a: {  	v2 =	vnsel @!p1 vm0, $0x0, v3;
	s23 =	spop (v2sf)  }
0x44b: {  	v2 =	vadd.f32 @!p1 v5, v2;
	s24 =	spop (v2sf)  }
0x44c: {  	[tilespmem:$0x1400] =	vst @!p1 v1;
	v1 =	vpop (erf);
	p0 =	sne.s32 s23, s24  }
0x44d: {  	[tilespmem:$0x1480] =	vst @!p1 v2;
	v2 =	vmul.f32 v1, v55;
	s18 =	simm.s32 @p0 $0x1400  }
0x44e: {  	[tilespmem:v4+s18+$0x0] =	vst.idx.add.f32.msk @p0 $0xffff, v1;
	s18 =	simm.s32 @p0 $0x1480  }
0x44f: {  	[tilespmem:v4+s18+$0x0] =	vst.idx.add.f32.msk @p0 $0xffff, v2  }
0x450: {  	v3 =	vld [tilespmem:$0xB80];
	_ =	sdelay $0x3  }
0x451: {  	(xrf2) =	vadd.scan.msk.f32 @!p0 $0xffff, v1  }
0x452: {  	(v2sf) =	vpush v3, $0x0  }
0x453: {  	v1 =	vld [tilespmem:$0xF80];
	(v2sf) =	vpush v3, $0xF  }
0x454: {  	(xrf2) =	vadd.scan.msk.f32 @!p0 $0xffff, v2;
	_ =	sdelay $0x3  }
0x455: {  	v1 =	vmul.f32 $1.442695020e+00, v1;
	_ =	sdelay $0x1  }
0x456: {  	(erf) = vpow2.f32 v1;
	v1 =	vld @!p0 [tilespmem:$0x1400]  }
0x457: {  	v4 =	vbroadcast @!p0 v4, $0x0;
	v2, _, _ =	vpop @!p0 (xrf2)  }
0x458: {  	v7 =	vlaneseq.u32 @!p0;
	v2 =	vbroadcast @!p0 v2, $0xF  }
0x459: {  	v5 =	vld @!p0 [tilespmem:$0x1480];
	vm0 =	veq.s32 @!p0 v4, v7  }
0x45a: {  	v6, _, _ =	vpop @!p0 (xrf2);
	v2 =	vnsel @!p0 vm0, $0x0, v2  }
0x45b: {  	v56 =	vld [tilespmem:$0x1380];
	v4 =	vbroadcast @!p0 v6, $0xF;
	v1 =	vadd.f32 @!p0 v1, v2;
	_ =	sdelay $0x1  }
0x45c: {  	v2 =	vnsel @!p0 vm0, $0x0, v4;
	s25 =	spop (v2sf)  }
0x45d: {  	v2 =	vadd.f32 @!p0 v5, v2;
	s26 =	spop (v2sf)  }
0x45e: {  	[tilespmem:$0x1400] =	vst @!p0 v1;
	v1 =	vpop (erf);
	p1 =	sne.s32 s25, s26  }
0x45f: {  	[tilespmem:$0x1480] =	vst @!p0 v2;
	v2 =	vmul.f32 v1, v56;
	s18 =	simm.s32 @p1 $0x1400  }
0x460: {  	[tilespmem:v3+s18+$0x0] =	vst.idx.add.f32.msk @p1 $0xffff, v1;
	s18 =	simm.s32 @p1 $0x1480  }
0x461: {  	[tilespmem:v3+s18+$0x0] =	vst.idx.add.f32.msk @p1 $0xffff, v2  }
0x462: {  	v4 =	vld [tilespmem:$0xB90];
	_ =	sdelay $0x3  }
0x463: {  	(xrf2) =	vadd.scan.msk.f32 @!p1 $0xffff, v1  }
0x464: {  	(v2sf) =	vpush v4, $0x0  }
0x465: {  	v1 =	vld [tilespmem:$0xF90];
	(v2sf) =	vpush v4, $0xF  }
0x466: {  	(xrf2) =	vadd.scan.msk.f32 @!p1 $0xffff, v2;
	_ =	sdelay $0x3  }
0x467: {  	v1 =	vmul.f32 $1.442695020e+00, v1;
	_ =	sdelay $0x1  }
0x468: {  	(erf) = vpow2.f32 v1;
	v1 =	vld @!p1 [tilespmem:$0x1400]  }
0x469: {  	v3 =	vbroadcast @!p1 v3, $0x0;
	v2, _, _ =	vpop @!p1 (xrf2)  }
0x46a: {  	v7 =	vlaneseq.u32 @!p1;
	v2 =	vbroadcast @!p1 v2, $0xF  }
0x46b: {  	v5 =	vld @!p1 [tilespmem:$0x1480];
	vm0 =	veq.s32 @!p1 v3, v7  }
0x46c: {  	v6, _, _ =	vpop @!p1 (xrf2);
	v2 =	vnsel @!p1 vm0, $0x0, v2  }
0x46d: {  	v57 =	vld [tilespmem:$0x1390];
	v3 =	vbroadcast @!p1 v6, $0xF;
	v1 =	vadd.f32 @!p1 v1, v2;
	_ =	sdelay $0x1  }
0x46e: {  	v2 =	vnsel @!p1 vm0, $0x0, v3;
	s28 =	spop (v2sf)  }
0x46f: {  	v2 =	vadd.f32 @!p1 v5, v2;
	s29 =	spop (v2sf)  }
0x470: {  	[tilespmem:$0x1400] =	vst @!p1 v1;
	v1 =	vpop (erf);
	p0 =	sne.s32 s28, s29  }
0x471: {  	[tilespmem:$0x1480] =	vst @!p1 v2;
	v2 =	vmul.f32 v1, v57;
	s18 =	simm.s32 @p0 $0x1400  }
0x472: {  	[tilespmem:v4+s18+$0x0] =	vst.idx.add.f32.msk @p0 $0xffff, v1;
	s18 =	simm.s32 @p0 $0x1480  }
0x473: {  	[tilespmem:v4+s18+$0x0] =	vst.idx.add.f32.msk @p0 $0xffff, v2  }
0x474: {  	v3 =	vld [tilespmem:$0xBA0];
	_ =	sdelay $0x3  }
0x475: {  	(xrf2) =	vadd.scan.msk.f32 @!p0 $0xffff, v1  }
0x476: {  	(v2sf) =	vpush v3, $0x0  }
0x477: {  	v1 =	vld [tilespmem:$0xFA0];
	(v2sf) =	vpush v3, $0xF  }
0x478: {  	(xrf2) =	vadd.scan.msk.f32 @!p0 $0xffff, v2;
	_ =	sdelay $0x3  }
0x479: {  	v1 =	vmul.f32 $1.442695020e+00, v1;
	_ =	sdelay $0x1  }
0x47a: {  	(erf) = vpow2.f32 v1;
	v1 =	vld @!p0 [tilespmem:$0x1400]  }
0x47b: {  	v4 =	vbroadcast @!p0 v4, $0x0;
	v2, _, _ =	vpop @!p0 (xrf2)  }
0x47c: {  	v7 =	vlaneseq.u32 @!p0;
	v2 =	vbroadcast @!p0 v2, $0xF  }
0x47d: {  	v5 =	vld @!p0 [tilespmem:$0x1480];
	vm0 =	veq.s32 @!p0 v4, v7  }
0x47e: {  	v6, _, _ =	vpop @!p0 (xrf2);
	v2 =	vnsel @!p0 vm0, $0x0, v2  }
0x47f: {  	v58 =	vld [tilespmem:$0x13A0];
	v4 =	vbroadcast @!p0 v6, $0xF;
	v1 =	vadd.f32 @!p0 v1, v2;
	_ =	sdelay $0x1  }
0x480: {  	v2 =	vnsel @!p0 vm0, $0x0, v4;
	s30 =	spop (v2sf)  }
0x481: {  	v2 =	vadd.f32 @!p0 v5, v2;
	s31 =	spop (v2sf)  }
0x482: {  	[tilespmem:$0x1400] =	vst @!p0 v1;
	v1 =	vpop (erf);
	p1 =	sne.s32 s30, s31  }
0x483: {  	[tilespmem:$0x1480] =	vst @!p0 v2;
	v2 =	vmul.f32 v1, v58;
	s18 =	simm.s32 @p1 $0x1400  }
0x484: {  	[tilespmem:v3+s18+$0x0] =	vst.idx.add.f32.msk @p1 $0xffff, v1;
	s18 =	simm.s32 @p1 $0x1480  }
0x485: {  	[tilespmem:v3+s18+$0x0] =	vst.idx.add.f32.msk @p1 $0xffff, v2  }
0x486: {  	v4 =	vld [tilespmem:$0xBB0];
	_ =	sdelay $0x3  }
0x487: {  	(xrf2) =	vadd.scan.msk.f32 @!p1 $0xffff, v1  }
0x488: {  	(v2sf) =	vpush v4, $0x0  }
0x489: {  	v1 =	vld [tilespmem:$0xFB0];
	(v2sf) =	vpush v4, $0xF  }
0x48a: {  	(xrf2) =	vadd.scan.msk.f32 @!p1 $0xffff, v2;
	_ =	sdelay $0x3  }
0x48b: {  	v1 =	vmul.f32 $1.442695020e+00, v1;
	_ =	sdelay $0x1  }
0x48c: {  	(erf) = vpow2.f32 v1;
	v1 =	vld @!p1 [tilespmem:$0x1400]  }
0x48d: {  	v3 =	vbroadcast @!p1 v3, $0x0;
	v2, _, _ =	vpop @!p1 (xrf2)  }
0x48e: {  	v7 =	vlaneseq.u32 @!p1;
	v2 =	vbroadcast @!p1 v2, $0xF  }
0x48f: {  	v5 =	vld @!p1 [tilespmem:$0x1480];
	vm0 =	veq.s32 @!p1 v3, v7  }
0x490: {  	v6, _, _ =	vpop @!p1 (xrf2);
	v2 =	vnsel @!p1 vm0, $0x0, v2  }
0x491: {  	v59 =	vld [tilespmem:$0x13B0];
	v3 =	vbroadcast @!p1 v6, $0xF;
	v1 =	vadd.f32 @!p1 v1, v2;
	_ =	sdelay $0x1  }
0x492: {  	v2 =	vnsel @!p1 vm0, $0x0, v3;
	s19 =	spop (v2sf)  }
0x493: {  	v2 =	vadd.f32 @!p1 v5, v2;
	s20 =	spop (v2sf)  }
0x494: {  	[tilespmem:$0x1400] =	vst @!p1 v1;
	v1 =	vpop (erf);
	p0 =	sne.s32 s19, s20  }
0x495: {  	[tilespmem:$0x1480] =	vst @!p1 v2;
	v2 =	vmul.f32 v1, v59;
	s18 =	simm.s32 @p0 $0x1400  }
0x496: {  	[tilespmem:v4+s18+$0x0] =	vst.idx.add.f32.msk @p0 $0xffff, v1;
	s18 =	simm.s32 @p0 $0x1480  }
0x497: {  	[tilespmem:v4+s18+$0x0] =	vst.idx.add.f32.msk @p0 $0xffff, v2  }
0x498: {  	v3 =	vld [tilespmem:$0xBC0];
	_ =	sdelay $0x3  }
0x499: {  	(xrf2) =	vadd.scan.msk.f32 @!p0 $0xffff, v1  }
0x49a: {  	(v2sf) =	vpush v3, $0x0  }
0x49b: {  	v1 =	vld [tilespmem:$0xFC0];
	(v2sf) =	vpush v3, $0xF  }
0x49c: {  	(xrf2) =	vadd.scan.msk.f32 @!p0 $0xffff, v2;
	_ =	sdelay $0x3  }
0x49d: {  	v1 =	vmul.f32 $1.442695020e+00, v1;
	_ =	sdelay $0x1  }
0x49e: {  	(erf) = vpow2.f32 v1;
	v1 =	vld @!p0 [tilespmem:$0x1400]  }
0x49f: {  	v4 =	vbroadcast @!p0 v4, $0x0;
	v2, _, _ =	vpop @!p0 (xrf2)  }
0x4a0: {  	v7 =	vlaneseq.u32 @!p0;
	v2 =	vbroadcast @!p0 v2, $0xF  }
0x4a1: {  	v5 =	vld @!p0 [tilespmem:$0x1480];
	vm0 =	veq.s32 @!p0 v4, v7  }
0x4a2: {  	v6, _, _ =	vpop @!p0 (xrf2);
	v2 =	vnsel @!p0 vm0, $0x0, v2  }
0x4a3: {  	v60 =	vld [tilespmem:$0x13C0];
	v4 =	vbroadcast @!p0 v6, $0xF;
	v1 =	vadd.f32 @!p0 v1, v2;
	_ =	sdelay $0x1  }
0x4a4: {  	v2 =	vnsel @!p0 vm0, $0x0, v4;
	s21 =	spop (v2sf)  }
0x4a5: {  	v2 =	vadd.f32 @!p0 v5, v2;
	s22 =	spop (v2sf)  }
0x4a6: {  	[tilespmem:$0x1400] =	vst @!p0 v1;
	v1 =	vpop (erf);
	p1 =	sne.s32 s21, s22  }
0x4a7: {  	[tilespmem:$0x1480] =	vst @!p0 v2;
	v2 =	vmul.f32 v1, v60;
	s18 =	simm.s32 @p1 $0x1400  }
0x4a8: {  	[tilespmem:v3+s18+$0x0] =	vst.idx.add.f32.msk @p1 $0xffff, v1;
	s18 =	simm.s32 @p1 $0x1480  }
0x4a9: {  	[tilespmem:v3+s18+$0x0] =	vst.idx.add.f32.msk @p1 $0xffff, v2  }
0x4aa: {  	v4 =	vld [tilespmem:$0xBD0];
	_ =	sdelay $0x3  }
0x4ab: {  	(xrf2) =	vadd.scan.msk.f32 @!p1 $0xffff, v1  }
0x4ac: {  	(v2sf) =	vpush v4, $0x0  }
0x4ad: {  	v1 =	vld [tilespmem:$0xFD0];
	(v2sf) =	vpush v4, $0xF  }
0x4ae: {  	(xrf2) =	vadd.scan.msk.f32 @!p1 $0xffff, v2;
	_ =	sdelay $0x3  }
0x4af: {  	v1 =	vmul.f32 $1.442695020e+00, v1;
	_ =	sdelay $0x1  }
0x4b0: {  	(erf) = vpow2.f32 v1;
	v1 =	vld @!p1 [tilespmem:$0x1400]  }
0x4b1: {  	v3 =	vbroadcast @!p1 v3, $0x0;
	v2, _, _ =	vpop @!p1 (xrf2)  }
0x4b2: {  	v7 =	vlaneseq.u32 @!p1;
	v2 =	vbroadcast @!p1 v2, $0xF  }
0x4b3: {  	v5 =	vld @!p1 [tilespmem:$0x1480];
	vm0 =	veq.s32 @!p1 v3, v7  }
0x4b4: {  	v6, _, _ =	vpop @!p1 (xrf2);
	v2 =	vnsel @!p1 vm0, $0x0, v2  }
0x4b5: {  	v61 =	vld [tilespmem:$0x13D0];
	v3 =	vbroadcast @!p1 v6, $0xF;
	v1 =	vadd.f32 @!p1 v1, v2;
	_ =	sdelay $0x1  }
0x4b6: {  	v2 =	vnsel @!p1 vm0, $0x0, v3;
	s23 =	spop (v2sf)  }
0x4b7: {  	v2 =	vadd.f32 @!p1 v5, v2;
	s24 =	spop (v2sf)  }
0x4b8: {  	[tilespmem:$0x1400] =	vst @!p1 v1;
	v1 =	vpop (erf);
	p2 =	sne.s32 s23, s24  }
0x4b9: {  	[tilespmem:$0x1480] =	vst @!p1 v2;
	v2 =	vmul.f32 v1, v61;
	s18 =	simm.s32 @p2 $0x1400  }
0x4ba: {  	[tilespmem:v4+s18+$0x0] =	vst.idx.add.f32.msk @p2 $0xffff, v1;
	s18 =	simm.s32 @p2 $0x1480  }
0x4bb: {  	[tilespmem:v4+s18+$0x0] =	vst.idx.add.f32.msk @p2 $0xffff, v2  }
0x4bc: {  	v3 =	vld [tilespmem:$0xBE0];
	_ =	sdelay $0x3  }
0x4bd: {  	(xrf2) =	vadd.scan.msk.f32 @!p2 $0xffff, v1  }
0x4be: {  	(v2sf) =	vpush v3, $0x0  }
0x4bf: {  	v1 =	vld [tilespmem:$0xFE0];
	(v2sf) =	vpush v3, $0xF  }
0x4c0: {  	(xrf2) =	vadd.scan.msk.f32 @!p2 $0xffff, v2;
	_ =	sdelay $0x3  }
0x4c1: {  	v1 =	vmul.f32 $1.442695020e+00, v1;
	_ =	sdelay $0x1  }
0x4c2: {  	(erf) = vpow2.f32 v1;
	v1 =	vld @!p2 [tilespmem:$0x1400]  }
0x4c3: {  	v4 =	vbroadcast @!p2 v4, $0x0;
	v2, _, _ =	vpop @!p2 (xrf2)  }
0x4c4: {  	v7 =	vlaneseq.u32 @!p2;
	v2 =	vbroadcast @!p2 v2, $0xF  }
0x4c5: {  	v5 =	vld @!p2 [tilespmem:$0x1480];
	vm0 =	veq.s32 @!p2 v4, v7  }
0x4c6: {  	v6, _, _ =	vpop @!p2 (xrf2);
	v2 =	vnsel @!p2 vm0, $0x0, v2  }
0x4c7: {  	v62 =	vld [tilespmem:$0x13E0];
	v4 =	vbroadcast @!p2 v6, $0xF;
	v1 =	vadd.f32 @!p2 v1, v2;
	_ =	sdelay $0x1  }
0x4c8: {  	v2 =	vnsel @!p2 vm0, $0x0, v4;
	s25 =	spop (v2sf)  }
0x4c9: {  	v2 =	vadd.f32 @!p2 v5, v2;
	s26 =	spop (v2sf)  }
0x4ca: {  	[tilespmem:$0x1400] =	vst @!p2 v1;
	v1 =	vpop (erf);
	p0 =	sne.s32 s25, s26  }
0x4cb: {  	[tilespmem:$0x1480] =	vst @!p2 v2;
	v2 =	vmul.f32 v1, v62;
	s18 =	simm.s32 @p0 $0x1400  }
0x4cc: {  	[tilespmem:v3+s18+$0x0] =	vst.idx.add.f32.msk @p0 $0xffff, v1;
	s18 =	simm.s32 @p0 $0x1480  }
0x4cd: {  	[tilespmem:v3+s18+$0x0] =	vst.idx.add.f32.msk @p0 $0xffff, v2  }
0x4ce: {  	v4 =	vld [tilespmem:$0xBF0];
	_ =	sdelay $0x4  }
0x4cf: {  	v63 =	vld [tilespmem:$0xFF0];
	(v2sf) =	vpush v4, $0x0  }
0x4d0: {  	(v2sf) =	vpush v4, $0xF;
	_ =	sdelay $0x3  }
0x4d1: {  	v5 =	vmul.f32 $1.442695020e+00, v63;
	_ =	sdelay $0x1  }
0x4d2: {  	(xrf2) =	vadd.scan.msk.f32 @!p0 $0xffff, v1;
	(erf) = vpow2.f32 v5  }
0x4d3: {  	(xrf2) =	vadd.scan.msk.f32 @!p0 $0xffff, v2;
	_ =	sdelay $0x3  }
0x4d4: {  	v1 =	vld [tilespmem:$0x13F0];
	_ =	sdelay $0x2  }
0x4d5: {  	s28 =	spop (v2sf)  }
0x4d6: {  	v2 =	vld @!p0 [tilespmem:$0x1400];
	v5 =	vpop (erf);
	s29 =	spop (v2sf)  }
0x4d7: {  	v3 =	vbroadcast @!p0 v3, $0x0;
	v7 =	vld @!p0 [tilespmem:$0x1480];
	v6, _, _ =	vpop @!p0 (xrf2);
	v1 =	vmul.f32 v5, v1;
	p1 =	sne.s32 s28, s29  }
0x4d8: {  	v9 =	vlaneseq.u32 @!p0;
	v8, _, _ =	vpop @!p0 (xrf2);
	v6 =	vbroadcast @!p0 v6, $0xF;
	(xrf2) =	vadd.scan.msk.f32 @!p1 $0xffff, v5  }
0x4d9: {  	vm0 =	veq.s32 @!p0 v3, v9;
	v3 =	vbroadcast @!p0 v8, $0xF;
	(xrf2) =	vadd.scan.msk.f32 @!p1 $0xffff, v1  }
0x4da: {  	v6 =	vnsel @!p0 vm0, $0x0, v6  }
0x4db: {  	v2 =	vadd.f32 @!p0 v2, v6;
	v3 =	vnsel @!p0 vm0, $0x0, v3  }
0x4dc: {  	v3 =	vadd.f32 @!p0 v7, v3  }
0x4dd: {  	[tilespmem:$0x1400] =	vst @!p0 v2  }
0x4de: {  	[tilespmem:$0x1480] =	vst @!p0 v3;
	s18 =	simm.s32 @p1 $0x1400  }
0x4df: {  	[tilespmem:v4+s18+$0x0] =	vst.idx.add.f32.msk @p1 $0xffff, v5;
	s18 =	simm.s32 @p1 $0x1480  }
0x4e0: {  	[tilespmem:v4+s18+$0x0] =	vst.idx.add.f32.msk @p1 $0xffff, v1  }
0x4e1: {  	v1 =	vld @!p1 [tilespmem:$0x1400]  }
0x4e2: {  	v3 =	vbroadcast @!p1 v4, $0x0;
	v4 =	vld @!p1 [tilespmem:$0x1480];
	v2, _, _ =	vpop @!p1 (xrf2)  }
0x4e3: {  	v6 =	vlaneseq.u32 @!p1;
	v5, _, _ =	vpop @!p1 (xrf2);
	v2 =	vbroadcast @!p1 v2, $0xF  }
0x4e4: {  	vm0 =	veq.s32 @!p1 v3, v6;
	v3 =	vbroadcast @!p1 v5, $0xF  }
0x4e5: {  	v2 =	vnsel @!p1 vm0, $0x0, v2  }
0x4e6: {  	v1 =	vadd.f32 @!p1 v1, v2;
	v2 =	vnsel @!p1 vm0, $0x0, v3  }
0x4e7: {  	v2 =	vadd.f32 @!p1 v4, v2  }
0x4e8: {  	[tilespmem:$0x1400] =	vst @!p1 v1  }
0x4e9: {  	[tilespmem:$0x1480] =	vst @!p1 v2;
	v1 =	vld [tilespmem:$0x1400]  }
0x4ea: {  	v2 =	vld [tilespmem:$0x1480];
	_ =	sdelay $0x2  }
0x4eb: {  	s5 =	sadd.s32 $0xFFFFFFFF, s5  }
0x4ec: {  	s30 =	rddreg [dreg:$0x6];
	p0 =	sne.s32 s5, $0x0;
	[tilespmem:$0x1500] =	vst v1  }
.Ltmp0:
0x4ed: {  	s31 =	rddreg [dreg:$0x15];
	[tilespmem:$0x1510] =	vst v2;
	(pc) =	sbr.rel @p0 .LBB2_1-.Ltmp0, $4  }
0x4ee: {  	[hbm4b:s30+s2] =	stream.linear.scatter [tilespmem:s31], [sflag:$0xA], $0x80, $0x38;
	[tilespmem:$0x1580] =	vst v63  }
0x4ef: {  	_ =	swait.ge [sflag:s17], $0x80  }
0x4f0: {  	[sflag:s17] =	ssyncset.done $0x0  }
0x4f1: {  	[sflag:s17] =	ssyncadd.s32 $0xFFFFFF80  }
0x4f2: {  	_ =	sfence.sel $0x180000  }
0x4f3: {  	[bflag:$0x0] =	sbarrier.arrive $0xFFFF  }
0x4f4: {  	p0 =	sne.s32 s0, $0x0;
	_ =	strace $0x90000047  }
0x4f5: {  	s0 =	sadd.s32 @!p0 $0x100000, s1;
	[bflag:$0x2] =	sbarrier.arrive $0xFFFF  }
0x4f6: {  	[sflag:s0] =	ssyncadd.tile.s32 @!p0 $0x1;
	_ =	shalt  }
.Lfunc_end2:
_tile_overlayer_lowered:
.L_overlay_start_2:
0x4f7: {  	(tag) =	ssettag $0x2  }
0x4f8: {  	s0 =	rddreg [dreg:$0x0];
	s2 =	stileid.u32  }
0x4f9: {  	s1 =	rddreg [dreg:$0x1];
	p0 =	sne.s32 s2, $0x0  }
0x4fa: {  	s3 =	rddreg [dreg:$0x2];
	[bflag:$0x3] =	sbarrier.arrive $0xFFFF;
	s2 =	simm.s32 @!p0 $0x1C0A  }
0x4fb: {  	[timem:s3], [sflag:s2] =	dma.local @!p0 [hbm:s0], s1  }
0x4fc: {  	s0 =	simm.s32 @!p0 $0xA  }
0x4fd: {  	_ =	swait.ge @!p0 [sflag:s0], s1  }
0x4fe: {  	s1 =	ssub.s32 @!p0 $0x0, s1;
	[sflag:s0] =	ssyncset.done @!p0 $0x0  }
0x4ff: {  	[sflag:s0] =	ssyncadd.s32 @!p0 s1  }
0x500: {  	[bflag:$0x3] =	sbarrier.arrive $0xFFFF  }
0x501: {  	_ =	shalt  }

</sc_bundles>
